<compile_context>
chip_gen: v7x
topology: tpu7x:2x2x1
jax: 0.10.2.dev20260603
libtpu: 0.0.44.dev20260713+nightly
codegen_flags: <defaults>
</compile_context>

<pallas_src>
import functools

import jax
import jax.numpy as jnp
from jax import lax
from jax.experimental import pallas as pl
from jax.experimental.pallas import tpu as pltpu
from jax.experimental.pallas import tpu_sc as plsc

N = 10000
E = 320000
D = 128

NC = 2
NS = 16
NW = NC * NS

CHUNK = 64
EDGES_PER_TILE = E // NW
FULL_CHUNKS = EDGES_PER_TILE // CHUNK
TAIL = EDGES_PER_TILE - FULL_CHUNKS * CHUNK
TAILB = max(TAIL, 8)
R = 5
S = 2 * R
NSEM = 2 * R + S + 4
ZTILES = 10
ZROWS = N // ZTILES

FULL_PAIRS = (FULL_CHUNKS - S - R) // S


def _sc_aggregate(ei_hbm, x_hbm, z_hbm, out_hbm,
                  acc, sidx, didx, rows, tsidx, tdidx, trows, sems):
    gsems = [sems.at[i] for i in range(R)]
    ssems = [sems.at[R + i] for i in range(R)]
    isems = [sems.at[2 * R + i] for i in range(S)]
    tis = sems.at[2 * R + S]
    tgs = sems.at[2 * R + S + 1]
    tss = sems.at[2 * R + S + 2]
    zsem = sems.at[2 * R + S + 3]
    cid = lax.axis_index("c")
    sid = lax.axis_index("s")
    wid = cid * NS + sid
    ebase = wid * EDGES_PER_TILE

    def idx_start(j, s):
        off = pl.multiple_of(ebase + j * CHUNK, 8)
        doff = pl.multiple_of(E + ebase + j * CHUNK, 8)
        pltpu.async_copy(ei_hbm.at[pl.ds(off, CHUNK)], sidx.at[s], isems[s])
        pltpu.async_copy(ei_hbm.at[pl.ds(doff, CHUNK)], didx.at[s], isems[s])

    def idx_wait(s):
        pltpu.make_async_copy(ei_hbm.at[pl.ds(0, CHUNK)], sidx.at[s],
                              isems[s]).wait()
        pltpu.make_async_copy(ei_hbm.at[pl.ds(0, CHUNK)], didx.at[s],
                              isems[s]).wait()

    def gather_start(b, s):
        pltpu.async_copy(x_hbm.at[sidx.at[s]], rows.at[b], gsems[b])

    def gather_wait(b):
        pltpu.make_async_copy(x_hbm.at[sidx.at[0]], rows.at[b],
                              gsems[b]).wait()

    def scatter_start(b, s):
        pltpu.async_copy(rows.at[b], acc.at[didx.at[s]], ssems[b], add=True)

    def scatter_wait(b):
        pltpu.make_async_copy(rows.at[b], acc.at[didx.at[0]],
                              ssems[b]).wait()

    def rblock(jb):
        for r in range(R):
            j = jb + r
            if j < FULL_CHUNKS:
                gather_wait(j % R)
                scatter_start(j % R, j % S)
        for r in range(R):
            j = jb + r
            if j < FULL_CHUNKS:
                scatter_wait(j % R)
                if j + S < FULL_CHUNKS:
                    idx_start(j + S, (j + S) % S)
                if j + R < FULL_CHUNKS:
                    idx_wait((j + R) % S)
                    gather_start((j + R) % R, (j + R) % S)

    def group(g, carry):
        t = g * S
        for k in range(S):
            if k % R == 0:
                for r in range(R):
                    gather_wait((k + r) % R)
                    scatter_start((k + r) % R, (k + r) % S)
            if k % R == R - 1:
                for r in range(R):
                    scatter_wait((k - R + 1 + r) % R)
                    idx_start(t + k - R + 1 + r + S, (k - R + 1 + r) % S)
                    idx_wait((k + 1 + r) % S)
                    gather_start((k + 1 + r) % R, (k + 1 + r) % S)
        return carry

    for s in range(S):
        idx_start(s, s)

    @pl.when(sid < ZTILES)
    def _zero():
        pltpu.async_copy(z_hbm, acc.at[pl.ds(sid * ZROWS, ZROWS)], zsem)

    for r in range(R):
        idx_wait(r)
        gather_start(r, r)

    @pl.when(sid < ZTILES)
    def _zero_wait():
        pltpu.make_async_copy(z_hbm, acc.at[pl.ds(0, ZROWS)], zsem).wait()

    plsc.subcore_barrier()

    lax.fori_loop(0, FULL_PAIRS, group, 0)

    for jb in range(FULL_PAIRS * S, FULL_CHUNKS + R - 1, R):
        rblock(jb)

    if TAIL:
        toff = pl.multiple_of(ebase + FULL_CHUNKS * CHUNK, 8)
        tdoff = pl.multiple_of(E + ebase + FULL_CHUNKS * CHUNK, 8)
        pltpu.async_copy(ei_hbm.at[pl.ds(toff, TAIL)], tsidx, tis)
        pltpu.async_copy(ei_hbm.at[pl.ds(tdoff, TAIL)], tdidx, tis)
        pltpu.make_async_copy(ei_hbm.at[pl.ds(0, TAIL)], tsidx, tis).wait()
        pltpu.make_async_copy(ei_hbm.at[pl.ds(0, TAIL)], tdidx, tis).wait()
        pltpu.async_copy(x_hbm.at[tsidx], trows, tgs).wait()
        pltpu.async_copy(trows, acc.at[tdidx], tss, add=True)
        pltpu.make_async_copy(trows, acc.at[tdidx], tss).wait()

    plsc.subcore_barrier()

    @pl.when(sid < ZTILES)
    def _writeout():
        row0 = sid * ZROWS
        out_off = pl.multiple_of(cid * N + row0, 8)
        pltpu.sync_copy(acc.at[pl.ds(row0, ZROWS)],
                        out_hbm.at[pl.ds(out_off, ZROWS)])


_sc_call = functools.partial(
    pl.kernel,
    out_type=jax.ShapeDtypeStruct((NC * N, D), jnp.float32),
    mesh=plsc.VectorSubcoreMesh(core_axis_name="c", subcore_axis_name="s",
                                num_cores=NC, num_subcores=NS),
    scratch_types=[
        pltpu.VMEM_SHARED((N, D), jnp.float32),
        pltpu.VMEM((S, CHUNK), jnp.int32),
        pltpu.VMEM((S, CHUNK), jnp.int32),
        pltpu.VMEM((R, CHUNK, D), jnp.float32),
        pltpu.VMEM((TAILB,), jnp.int32),
        pltpu.VMEM((TAILB,), jnp.int32),
        pltpu.VMEM((TAILB, D), jnp.float32),
        pltpu.SemaphoreType.DMA((NSEM,)),
    ],
)(_sc_aggregate)


def _tc_mlp(eps_ref, x_ref, p_ref, w1_ref, b1_ref, w2_ref, b2_ref, o_ref):
    h = x_ref[...] * (1.0 + eps_ref[0]) + p_ref[0] + p_ref[1]
    h = jnp.dot(h, w1_ref[...], preferred_element_type=jnp.float32)
    h = jnp.maximum(h + b1_ref[...], 0.0)
    h = jnp.dot(h, w2_ref[...], preferred_element_type=jnp.float32)
    h = jnp.maximum(h + b2_ref[...], 0.0)
    m = jnp.max(h, axis=-1, keepdims=True)
    lse = jnp.log(jnp.sum(jnp.exp(h - m), axis=-1, keepdims=True)) + m
    o_ref[...] = h - lse


BLK = 2000


def kernel(x, edge_index, eps, W1, b1, W2, b2):
    ei = edge_index.reshape(2 * E)
    zrows = jnp.zeros((ZROWS, D), jnp.float32)

    partials = _sc_call(ei, x, zrows)
    partials = partials.reshape(NC, N, D)

    grid = N // BLK
    out = pl.pallas_call(
        _tc_mlp,
        grid=(grid,),
        in_specs=[
            pl.BlockSpec(memory_space=pltpu.SMEM),
            pl.BlockSpec((BLK, D), lambda i: (i, 0)),
            pl.BlockSpec((NC, BLK, D), lambda i: (0, i, 0)),
            pl.BlockSpec((D, D), lambda i: (0, 0)),
            pl.BlockSpec((1, D), lambda i: (0, 0)),
            pl.BlockSpec((D, D), lambda i: (0, 0)),
            pl.BlockSpec((1, D), lambda i: (0, 0)),
        ],
        out_specs=pl.BlockSpec((BLK, D), lambda i: (i, 0)),
        out_shape=jax.ShapeDtypeStruct((N, D), jnp.float32),
    )(eps.reshape(1), x, partials, W1, b1.reshape(1, D), W2,
      b2.reshape(1, D))
    return out

# --- scband reference (transcript-rebuilt; emitter-appended) ---
"""Pipeline reference for scband-gin-75797582840349 (READ-ONLY COPY).

The authoritative reference and input builder live on the scoring server;
editing this copy changes nothing except your own understanding.
"""

import jax, jax.numpy as jnp
import numpy as np

N = 10000
E = 320000
D_IN = 128
D_HID = 128
D_OUT = 128


def setup_inputs(seed: int = 0) -> dict:
    key = jax.random.key(seed)
    k1, k2, k3, k4, k5, k6 = jax.random.split(key, 6)
    x = jax.random.normal(k1, (N, D_IN), dtype=jnp.float32)
    edge_index = jax.random.randint(k2, (2, E), 0, N, dtype=jnp.int32)
    # GINConv learned parameters: eps (train_eps=True, init 0) and the MLP weights
    eps = jnp.zeros((), dtype=jnp.float32)
    W1 = jax.random.normal(k3, (D_IN, D_HID), dtype=jnp.float32) * (1.0 / np.sqrt(D_IN))
    b1 = jnp.zeros((D_HID,), dtype=jnp.float32)
    W2 = jax.random.normal(k4, (D_HID, D_OUT), dtype=jnp.float32) * (1.0 / np.sqrt(D_HID))
    b2 = jnp.zeros((D_OUT,), dtype=jnp.float32)
    return {"x": x, "edge_index": edge_index, "eps": eps, "W1": W1, "b1": b1, "W2": W2, "b2": b2}


def reference(x, edge_index, eps, W1, b1, W2, b2):
    # GINConv: out = MLP((1 + eps) * x + sum_{j in N(i)} x_j)
    src = edge_index[0]
    dst = edge_index[1]
    msgs = jnp.take(x, src, axis=0)                      # gather (SparseCore-friendly)
    agg = jax.ops.segment_sum(msgs, dst, num_segments=N)  # scatter-add
    h = (1.0 + eps) * x + agg
    # MLP: Linear -> ReLU -> Linear
    h = jnp.maximum(h @ W1 + b1, 0.0)
    h = h @ W2 + b2
    # outer forward: relu, dropout (identity in eval), log_softmax
    h = jnp.maximum(h, 0.0)
    return jax.nn.log_softmax(h, axis=-1)

if __name__ == "__main__":
    import jax
    _d = setup_inputs()
    print(jax.jit(kernel)(*tuple(_d.values())))

</pallas_src>

<mosaic_0001>
#map = affine_map<(d0, d1) -> (0)>
#map1 = affine_map<(d0, d1) -> (0, 0)>
module attributes {stable_mosaic.version = 14 : i64} {
  func.func @_sc_aggregate(%arg0: i32, %arg1: i32, %arg2: memref<640000xi32, #tpu.memory_space<hbm>>, %arg3: memref<10000x128xf32, #tpu.memory_space<hbm>>, %arg4: memref<1000x128xf32, #tpu.memory_space<hbm>>, %arg5: memref<20000x128xf32, #tpu.memory_space<hbm>>, %arg6: memref<10000x128xf32, #tpu.memory_space<vmem_shared>>, %arg7: memref<10x64xi32, #tpu.memory_space<vmem>>, %arg8: memref<10x64xi32, #tpu.memory_space<vmem>>, %arg9: memref<5x64x128xf32, #tpu.memory_space<vmem>>, %arg10: memref<16xi32, #tpu.memory_space<vmem>>, %arg11: memref<16xi32, #tpu.memory_space<vmem>>, %arg12: memref<16x128xf32, #tpu.memory_space<vmem>>, %arg13: memref<24x!tpu.dma_semaphore, #tpu.memory_space<semaphore_mem>>) attributes {dimension_semantics = [#tpu.dimension_semantics<core_parallel>, #tpu.dimension_semantics<subcore_parallel>], iteration_bounds = array<i64: 2, 16>, scalar_prefetch = 0 : i64, scratch_operands = 8 : i64, tpu.core_type = #tpu.core_type<sc_vector_subcore>, window_params = [{transform_indices = #map}, {transform_indices = #map1}, {transform_indices = #map1}, {transform_indices = #map1}]} {
    %mul3A = arith.constant 16 : i32
    %mul3A_0 = arith.muli %arg0, %mul3A : i32
    %add3A = arith.addi %mul3A_0, %arg1 : i32
    %mul3A_1 = arith.constant 10000 : i32
    %mul3A_2 = arith.muli %add3A, %mul3A_1 : i32
    %add3A_3 = arith.constant 0 : i32
    %add3A_4 = arith.addi %mul3A_2, %add3A_3 : i32
    %multiple_of3A = tpu.assume_multiple %add3A_4, 8 : i32
    %add3A_5 = arith.constant 320000 : i32
    %add3A_6 = arith.addi %add3A_5, %mul3A_2 : i32
    %add3A_7 = arith.constant 0 : i32
    %add3A_8 = arith.addi %add3A_6, %add3A_7 : i32
    %multiple_of3A_9 = tpu.assume_multiple %add3A_8, 8 : i32
    %dma_start3A = arith.constant 0 : i32
    %dma_start3A_10 = arith.constant 10 : i32
    %dma_start3A_11 = arith.constant 0 : i32
    %dma_start3A_12 = tpu.memref_slice %arg7[%dma_start3A, %dma_start3A_11] : memref<10x64xi32, #tpu.memory_space<vmem>> -> memref<1x64xi32, #tpu.memory_space<vmem>>
    %dma_start3A_13 = tpu.memref_squeeze %dma_start3A_12 : memref<1x64xi32, #tpu.memory_space<vmem>> -> memref<64xi32, #tpu.memory_space<vmem>>
    %dma_start3A_14 = tpu.memref_slice %arg2[%multiple_of3A] : memref<640000xi32, #tpu.memory_space<hbm>> -> memref<64xi32, #tpu.memory_space<hbm>>
    %dma_start3A_15 = tpu.memref_slice %arg13[%dma_start3A_10] : memref<24x!tpu.dma_semaphore, #tpu.memory_space<semaphore_mem>> -> memref<1x!tpu.dma_semaphore, #tpu.memory_space<semaphore_mem>>
    %dma_start3A_16 = tpu.memref_squeeze %dma_start3A_15 : memref<1x!tpu.dma_semaphore, #tpu.memory_space<semaphore_mem>> -> memref<!tpu.dma_semaphore, #tpu.memory_space<semaphore_mem>>
    %dma_start3A_17 = arith.constant 0 : i32
    %dma_start3A_18 = tpu.memref_slice %arg7[%dma_start3A, %dma_start3A_17] : memref<10x64xi32, #tpu.memory_space<vmem>> -> memref<1x64xi32, #tpu.memory_space<vmem>>
    %dma_start3A_19 = tpu.memref_squeeze %dma_start3A_18 : memref<1x64xi32, #tpu.memory_space<vmem>> -> memref<64xi32, #tpu.memory_space<vmem>>
    %dma_start3A_20 = tpu.memref_slice %arg2[%multiple_of3A] : memref<640000xi32, #tpu.memory_space<hbm>> -> memref<64xi32, #tpu.memory_space<hbm>>
    tpu.enqueue_dma source(%dma_start3A_20 : memref<64xi32, #tpu.memory_space<hbm>>) target(%dma_start3A_19 : memref<64xi32, #tpu.memory_space<vmem>>) target_semaphore(%dma_start3A_16 : memref<!tpu.dma_semaphore, #tpu.memory_space<semaphore_mem>>)
    %dma_start3A_21 = arith.constant 0 : i32
    %dma_start3A_22 = arith.constant 10 : i32
    %dma_start3A_23 = arith.constant 0 : i32
    %dma_start3A_24 = tpu.memref_slice %arg8[%dma_start3A_21, %dma_start3A_23] : memref<10x64xi32, #tpu.memory_space<vmem>> -> memref<1x64xi32, #tpu.memory_space<vmem>>
    %dma_start3A_25 = tpu.memref_squeeze %dma_start3A_24 : memref<1x64xi32, #tpu.memory_space<vmem>> -> memref<64xi32, #tpu.memory_space<vmem>>
    %dma_start3A_26 = tpu.memref_slice %arg2[%multiple_of3A_9] : memref<640000xi32, #tpu.memory_space<hbm>> -> memref<64xi32, #tpu.memory_space<hbm>>
    %dma_start3A_27 = tpu.memref_slice %arg13[%dma_start3A_22] : memref<24x!tpu.dma_semaphore, #tpu.memory_space<semaphore_mem>> -> memref<1x!tpu.dma_semaphore, #tpu.memory_space<semaphore_mem>>
    %dma_start3A_28 = tpu.memref_squeeze %dma_start3A_27 : memref<1x!tpu.dma_semaphore, #tpu.memory_space<semaphore_mem>> -> memref<!tpu.dma_semaphore, #tpu.memory_space<semaphore_mem>>
    %dma_start3A_29 = arith.constant 0 : i32
    %dma_start3A_30 = tpu.memref_slice %arg8[%dma_start3A_21, %dma_start3A_29] : memref<10x64xi32, #tpu.memory_space<vmem>> -> memref<1x64xi32, #tpu.memory_space<vmem>>
    %dma_start3A_31 = tpu.memref_squeeze %dma_start3A_30 : memref<1x64xi32, #tpu.memory_space<vmem>> -> memref<64xi32, #tpu.memory_space<vmem>>
    %dma_start3A_32 = tpu.memref_slice %arg2[%multiple_of3A_9] : memref<640000xi32, #tpu.memory_space<hbm>> -> memref<64xi32, #tpu.memory_space<hbm>>
    tpu.enqueue_dma source(%dma_start3A_32 : memref<64xi32, #tpu.memory_space<hbm>>) target(%dma_start3A_31 : memref<64xi32, #tpu.memory_space<vmem>>) target_semaphore(%dma_start3A_28 : memref<!tpu.dma_semaphore, #tpu.memory_space<semaphore_mem>>)
    %add3A_33 = arith.constant 64 : i32
    %add3A_34 = arith.addi %mul3A_2, %add3A_33 : i32
    %multiple_of3A_35 = tpu.assume_multiple %add3A_34, 8 : i32
    %add3A_36 = arith.constant 320000 : i32
    %add3A_37 = arith.addi %add3A_36, %mul3A_2 : i32
    %add3A_38 = arith.constant 64 : i32
    %add3A_39 = arith.addi %add3A_37, %add3A_38 : i32
    %multiple_of3A_40 = tpu.assume_multiple %add3A_39, 8 : i32
    %dma_start3A_41 = arith.constant 1 : i32
    %dma_start3A_42 = arith.constant 11 : i32
    %dma_start3A_43 = arith.constant 0 : i32
    %dma_start3A_44 = tpu.memref_slice %arg7[%dma_start3A_41, %dma_start3A_43] : memref<10x64xi32, #tpu.memory_space<vmem>> -> memref<1x64xi32, #tpu.memory_space<vmem>>
    %dma_start3A_45 = tpu.memref_squeeze %dma_start3A_44 : memref<1x64xi32, #tpu.memory_space<vmem>> -> memref<64xi32, #tpu.memory_space<vmem>>
    %dma_start3A_46 = tpu.memref_slice %arg2[%multiple_of3A_35] : memref<640000xi32, #tpu.memory_space<hbm>> -> memref<64xi32, #tpu.memory_space<hbm>>
    %dma_start3A_47 = tpu.memref_slice %arg13[%dma_start3A_42] : memref<24x!tpu.dma_semaphore, #tpu.memory_space<semaphore_mem>> -> memref<1x!tpu.dma_semaphore, #tpu.memory_space<semaphore_mem>>
    %dma_start3A_48 = tpu.memref_squeeze %dma_start3A_47 : memref<1x!tpu.dma_semaphore, #tpu.memory_space<semaphore_mem>> -> memref<!tpu.dma_semaphore, #tpu.memory_space<semaphore_mem>>
    %dma_start3A_49 = arith.constant 0 : i32
    %dma_start3A_50 = tpu.memref_slice %arg7[%dma_start3A_41, %dma_start3A_49] : memref<10x64xi32, #tpu.memory_space<vmem>> -> memref<1x64xi32, #tpu.memory_space<vmem>>
    %dma_start3A_51 = tpu.memref_squeeze %dma_start3A_50 : memref<1x64xi32, #tpu.memory_space<vmem>> -> memref<64xi32, #tpu.memory_space<vmem>>
    %dma_start3A_52 = tpu.memref_slice %arg2[%multiple_of3A_35] : memref<640000xi32, #tpu.memory_space<hbm>> -> memref<64xi32, #tpu.memory_space<hbm>>
    tpu.enqueue_dma source(%dma_start3A_52 : memref<64xi32, #tpu.memory_space<hbm>>) target(%dma_start3A_51 : memref<64xi32, #tpu.memory_space<vmem>>) target_semaphore(%dma_start3A_48 : memref<!tpu.dma_semaphore, #tpu.memory_space<semaphore_mem>>)
    %dma_start3A_53 = arith.constant 1 : i32
    %dma_start3A_54 = arith.constant 11 : i32
    %dma_start3A_55 = arith.constant 0 : i32
    %dma_start3A_56 = tpu.memref_slice %arg8[%dma_start3A_53, %dma_start3A_55] : memref<10x64xi32, #tpu.memory_space<vmem>> -> memref<1x64xi32, #tpu.memory_space<vmem>>
    %dma_start3A_57 = tpu.memref_squeeze %dma_start3A_56 : memref<1x64xi32, #tpu.memory_space<vmem>> -> memref<64xi32, #tpu.memory_space<vmem>>
    %dma_start3A_58 = tpu.memref_slice %arg2[%multiple_of3A_40] : memref<640000xi32, #tpu.memory_space<hbm>> -> memref<64xi32, #tpu.memory_space<hbm>>
    %dma_start3A_59 = tpu.memref_slice %arg13[%dma_start3A_54] : memref<24x!tpu.dma_semaphore, #tpu.memory_space<semaphore_mem>> -> memref<1x!tpu.dma_semaphore, #tpu.memory_space<semaphore_mem>>
    %dma_start3A_60 = tpu.memref_squeeze %dma_start3A_59 : memref<1x!tpu.dma_semaphore, #tpu.memory_space<semaphore_mem>> -> memref<!tpu.dma_semaphore, #tpu.memory_space<semaphore_mem>>
    %dma_start3A_61 = arith.constant 0 : i32
    %dma_start3A_62 = tpu.memref_slice %arg8[%dma_start3A_53, %dma_start3A_61] : memref<10x64xi32, #tpu.memory_space<vmem>> -> memref<1x64xi32, #tpu.memory_space<vmem>>
    %dma_start3A_63 = tpu.memref_squeeze %dma_start3A_62 : memref<1x64xi32, #tpu.memory_space<vmem>> -> memref<64xi32, #tpu.memory_space<vmem>>
    %dma_start3A_64 = tpu.memref_slice %arg2[%multiple_of3A_40] : memref<640000xi32, #tpu.memory_space<hbm>> -> memref<64xi32, #tpu.memory_space<hbm>>
    tpu.enqueue_dma source(%dma_start3A_64 : memref<64xi32, #tpu.memory_space<hbm>>) target(%dma_start3A_63 : memref<64xi32, #tpu.memory_space<vmem>>) target_semaphore(%dma_start3A_60 : memref<!tpu.dma_semaphore, #tpu.memory_space<semaphore_mem>>)
    %add3A_65 = arith.constant 128 : i32
    %add3A_66 = arith.addi %mul3A_2, %add3A_65 : i32
    %multiple_of3A_67 = tpu.assume_multiple %add3A_66, 8 : i32
    %add3A_68 = arith.constant 320000 : i32
    %add3A_69 = arith.addi %add3A_68, %mul3A_2 : i32
    %add3A_70 = arith.constant 128 : i32
    %add3A_71 = arith.addi %add3A_69, %add3A_70 : i32
    %multiple_of3A_72 = tpu.assume_multiple %add3A_71, 8 : i32
    %dma_start3A_73 = arith.constant 2 : i32
    %dma_start3A_74 = arith.constant 12 : i32
    %dma_start3A_75 = arith.constant 0 : i32
    %dma_start3A_76 = tpu.memref_slice %arg7[%dma_start3A_73, %dma_start3A_75] : memref<10x64xi32, #tpu.memory_space<vmem>> -> memref<1x64xi32, #tpu.memory_space<vmem>>
    %dma_start3A_77 = tpu.memref_squeeze %dma_start3A_76 : memref<1x64xi32, #tpu.memory_space<vmem>> -> memref<64xi32, #tpu.memory_space<vmem>>
    %dma_start3A_78 = tpu.memref_slice %arg2[%multiple_of3A_67] : memref<640000xi32, #tpu.memory_space<hbm>> -> memref<64xi32, #tpu.memory_space<hbm>>
    %dma_start3A_79 = tpu.memref_slice %arg13[%dma_start3A_74] : memref<24x!tpu.dma_semaphore, #tpu.memory_space<semaphore_mem>> -> memref<1x!tpu.dma_semaphore, #tpu.memory_space<semaphore_mem>>
    %dma_start3A_80 = tpu.memref_squeeze %dma_start3A_79 : memref<1x!tpu.dma_semaphore, #tpu.memory_space<semaphore_mem>> -> memref<!tpu.dma_semaphore, #tpu.memory_space<semaphore_mem>>
    %dma_start3A_81 = arith.constant 0 : i32
    %dma_start3A_82 = tpu.memref_slice %arg7[%dma_start3A_73, %dma_start3A_81] : memref<10x64xi32, #tpu.memory_space<vmem>> -> memref<1x64xi32, #tpu.memory_space<vmem>>
    %dma_start3A_83 = tpu.memref_squeeze %dma_start3A_82 : memref<1x64xi32, #tpu.memory_space<vmem>> -> memref<64xi32, #tpu.memory_space<vmem>>
    %dma_start3A_84 = tpu.memref_slice %arg2[%multiple_of3A_67] : memref<640000xi32, #tpu.memory_space<hbm>> -> memref<64xi32, #tpu.memory_space<hbm>>
    tpu.enqueue_dma source(%dma_start3A_84 : memref<64xi32, #tpu.memory_space<hbm>>) target(%dma_start3A_83 : memref<64xi32, #tpu.memory_space<vmem>>) target_semaphore(%dma_start3A_80 : memref<!tpu.dma_semaphore, #tpu.memory_space<semaphore_mem>>)
    %dma_start3A_85 = arith.constant 2 : i32
    %dma_start3A_86 = arith.constant 12 : i32
    %dma_start3A_87 = arith.constant 0 : i32
    %dma_start3A_88 = tpu.memref_slice %arg8[%dma_start3A_85, %dma_start3A_87] : memref<10x64xi32, #tpu.memory_space<vmem>> -> memref<1x64xi32, #tpu.memory_space<vmem>>
    %dma_start3A_89 = tpu.memref_squeeze %dma_start3A_88 : memref<1x64xi32, #tpu.memory_space<vmem>> -> memref<64xi32, #tpu.memory_space<vmem>>
    %dma_start3A_90 = tpu.memref_slice %arg2[%multiple_of3A_72] : memref<640000xi32, #tpu.memory_space<hbm>> -> memref<64xi32, #tpu.memory_space<hbm>>
    %dma_start3A_91 = tpu.memref_slice %arg13[%dma_start3A_86] : memref<24x!tpu.dma_semaphore, #tpu.memory_space<semaphore_mem>> -> memref<1x!tpu.dma_semaphore, #tpu.memory_space<semaphore_mem>>
    %dma_start3A_92 = tpu.memref_squeeze %dma_start3A_91 : memref<1x!tpu.dma_semaphore, #tpu.memory_space<semaphore_mem>> -> memref<!tpu.dma_semaphore, #tpu.memory_space<semaphore_mem>>
    %dma_start3A_93 = arith.constant 0 : i32
    %dma_start3A_94 = tpu.memref_slice %arg8[%dma_start3A_85, %dma_start3A_93] : memref<10x64xi32, #tpu.memory_space<vmem>> -> memref<1x64xi32, #tpu.memory_space<vmem>>
    %dma_start3A_95 = tpu.memref_squeeze %dma_start3A_94 : memref<1x64xi32, #tpu.memory_space<vmem>> -> memref<64xi32, #tpu.memory_space<vmem>>
    %dma_start3A_96 = tpu.memref_slice %arg2[%multiple_of3A_72] : memref<640000xi32, #tpu.memory_space<hbm>> -> memref<64xi32, #tpu.memory_space<hbm>>
    tpu.enqueue_dma source(%dma_start3A_96 : memref<64xi32, #tpu.memory_space<hbm>>) target(%dma_start3A_95 : memref<64xi32, #tpu.memory_space<vmem>>) target_semaphore(%dma_start3A_92 : memref<!tpu.dma_semaphore, #tpu.memory_space<semaphore_mem>>)
    %add3A_97 = arith.constant 192 : i32
    %add3A_98 = arith.addi %mul3A_2, %add3A_97 : i32
    %multiple_of3A_99 = tpu.assume_multiple %add3A_98, 8 : i32
    %add3A_100 = arith.constant 320000 : i32
    %add3A_101 = arith.addi %add3A_100, %mul3A_2 : i32
    %add3A_102 = arith.constant 192 : i32
    %add3A_103 = arith.addi %add3A_101, %add3A_102 : i32
    %multiple_of3A_104 = tpu.assume_multiple %add3A_103, 8 : i32
    %dma_start3A_105 = arith.constant 3 : i32
    %dma_start3A_106 = arith.constant 13 : i32
    %dma_start3A_107 = arith.constant 0 : i32
    %dma_start3A_108 = tpu.memref_slice %arg7[%dma_start3A_105, %dma_start3A_107] : memref<10x64xi32, #tpu.memory_space<vmem>> -> memref<1x64xi32, #tpu.memory_space<vmem>>
    %dma_start3A_109 = tpu.memref_squeeze %dma_start3A_108 : memref<1x64xi32, #tpu.memory_space<vmem>> -> memref<64xi32, #tpu.memory_space<vmem>>
    %dma_start3A_110 = tpu.memref_slice %arg2[%multiple_of3A_99] : memref<640000xi32, #tpu.memory_space<hbm>> -> memref<64xi32, #tpu.memory_space<hbm>>
    %dma_start3A_111 = tpu.memref_slice %arg13[%dma_start3A_106] : memref<24x!tpu.dma_semaphore, #tpu.memory_space<semaphore_mem>> -> memref<1x!tpu.dma_semaphore, #tpu.memory_space<semaphore_mem>>
    %dma_start3A_112 = tpu.memref_squeeze %dma_start3A_111 : memref<1x!tpu.dma_semaphore, #tpu.memory_space<semaphore_mem>> -> memref<!tpu.dma_semaphore, #tpu.memory_space<semaphore_mem>>
    %dma_start3A_113 = arith.constant 0 : i32
    %dma_start3A_114 = tpu.memref_slice %arg7[%dma_start3A_105, %dma_start3A_113] : memref<10x64xi32, #tpu.memory_space<vmem>> -> memref<1x64xi32, #tpu.memory_space<vmem>>
    %dma_start3A_115 = tpu.memref_squeeze %dma_start3A_114 : memref<1x64xi32, #tpu.memory_space<vmem>> -> memref<64xi32, #tpu.memory_space<vmem>>
    %dma_start3A_116 = tpu.memref_slice %arg2[%multiple_of3A_99] : memref<640000xi32, #tpu.memory_space<hbm>> -> memref<64xi32, #tpu.memory_space<hbm>>
    tpu.enqueue_dma source(%dma_start3A_116 : memref<64xi32, #tpu.memory_space<hbm>>) target(%dma_start3A_115 : memref<64xi32, #tpu.memory_space<vmem>>) target_semaphore(%dma_start3A_112 : memref<!tpu.dma_semaphore, #tpu.memory_space<semaphore_mem>>)
    %dma_start3A_117 = arith.constant 3 : i32
    %dma_start3A_118 = arith.constant 13 : i32
    %dma_start3A_119 = arith.constant 0 : i32
    %dma_start3A_120 = tpu.memref_slice %arg8[%dma_start3A_117, %dma_start3A_119] : memref<10x64xi32, #tpu.memory_space<vmem>> -> memref<1x64xi32, #tpu.memory_space<vmem>>
    %dma_start3A_121 = tpu.memref_squeeze %dma_start3A_120 : memref<1x64xi32, #tpu.memory_space<vmem>> -> memref<64xi32, #tpu.memory_space<vmem>>
    %dma_start3A_122 = tpu.memref_slice %arg2[%multiple_of3A_104] : memref<640000xi32, #tpu.memory_space<hbm>> -> memref<64xi32, #tpu.memory_space<hbm>>
    %dma_start3A_123 = tpu.memref_slice %arg13[%dma_start3A_118] : memref<24x!tpu.dma_semaphore, #tpu.memory_space<semaphore_mem>> -> memref<1x!tpu.dma_semaphore, #tpu.memory_space<semaphore_mem>>
    %dma_start3A_124 = tpu.memref_squeeze %dma_start3A_123 : memref<1x!tpu.dma_semaphore, #tpu.memory_space<semaphore_mem>> -> memref<!tpu.dma_semaphore, #tpu.memory_space<semaphore_mem>>
    %dma_start3A_125 = arith.constant 0 : i32
    %dma_start3A_126 = tpu.memref_slice %arg8[%dma_start3A_117, %dma_start3A_125] : memref<10x64xi32, #tpu.memory_space<vmem>> -> memref<1x64xi32, #tpu.memory_space<vmem>>
    %dma_start3A_127 = tpu.memref_squeeze %dma_start3A_126 : memref<1x64xi32, #tpu.memory_space<vmem>> -> memref<64xi32, #tpu.memory_space<vmem>>
    %dma_start3A_128 = tpu.memref_slice %arg2[%multiple_of3A_104] : memref<640000xi32, #tpu.memory_space<hbm>> -> memref<64xi32, #tpu.memory_space<hbm>>
    tpu.enqueue_dma source(%dma_start3A_128 : memref<64xi32, #tpu.memory_space<hbm>>) target(%dma_start3A_127 : memref<64xi32, #tpu.memory_space<vmem>>) target_semaphore(%dma_start3A_124 : memref<!tpu.dma_semaphore, #tpu.memory_space<semaphore_mem>>)
    %add3A_129 = arith.constant 256 : i32
    %add3A_130 = arith.addi %mul3A_2, %add3A_129 : i32
    %multiple_of3A_131 = tpu.assume_multiple %add3A_130, 8 : i32
    %add3A_132 = arith.constant 320000 : i32
    %add3A_133 = arith.addi %add3A_132, %mul3A_2 : i32
    %add3A_134 = arith.constant 256 : i32
    %add3A_135 = arith.addi %add3A_133, %add3A_134 : i32
    %multiple_of3A_136 = tpu.assume_multiple %add3A_135, 8 : i32
    %dma_start3A_137 = arith.constant 4 : i32
    %dma_start3A_138 = arith.constant 14 : i32
    %dma_start3A_139 = arith.constant 0 : i32
    %dma_start3A_140 = tpu.memref_slice %arg7[%dma_start3A_137, %dma_start3A_139] : memref<10x64xi32, #tpu.memory_space<vmem>> -> memref<1x64xi32, #tpu.memory_space<vmem>>
    %dma_start3A_141 = tpu.memref_squeeze %dma_start3A_140 : memref<1x64xi32, #tpu.memory_space<vmem>> -> memref<64xi32, #tpu.memory_space<vmem>>
    %dma_start3A_142 = tpu.memref_slice %arg2[%multiple_of3A_131] : memref<640000xi32, #tpu.memory_space<hbm>> -> memref<64xi32, #tpu.memory_space<hbm>>
    %dma_start3A_143 = tpu.memref_slice %arg13[%dma_start3A_138] : memref<24x!tpu.dma_semaphore, #tpu.memory_space<semaphore_mem>> -> memref<1x!tpu.dma_semaphore, #tpu.memory_space<semaphore_mem>>
    %dma_start3A_144 = tpu.memref_squeeze %dma_start3A_143 : memref<1x!tpu.dma_semaphore, #tpu.memory_space<semaphore_mem>> -> memref<!tpu.dma_semaphore, #tpu.memory_space<semaphore_mem>>
    %dma_start3A_145 = arith.constant 0 : i32
    %dma_start3A_146 = tpu.memref_slice %arg7[%dma_start3A_137, %dma_start3A_145] : memref<10x64xi32, #tpu.memory_space<vmem>> -> memref<1x64xi32, #tpu.memory_space<vmem>>
    %dma_start3A_147 = tpu.memref_squeeze %dma_start3A_146 : memref<1x64xi32, #tpu.memory_space<vmem>> -> memref<64xi32, #tpu.memory_space<vmem>>
    %dma_start3A_148 = tpu.memref_slice %arg2[%multiple_of3A_131] : memref<640000xi32, #tpu.memory_space<hbm>> -> memref<64xi32, #tpu.memory_space<hbm>>
    tpu.enqueue_dma source(%dma_start3A_148 : memref<64xi32, #tpu.memory_space<hbm>>) target(%dma_start3A_147 : memref<64xi32, #tpu.memory_space<vmem>>) target_semaphore(%dma_start3A_144 : memref<!tpu.dma_semaphore, #tpu.memory_space<semaphore_mem>>)
    %dma_start3A_149 = arith.constant 4 : i32
    %dma_start3A_150 = arith.constant 14 : i32
    %dma_start3A_151 = arith.constant 0 : i32
    %dma_start3A_152 = tpu.memref_slice %arg8[%dma_start3A_149, %dma_start3A_151] : memref<10x64xi32, #tpu.memory_space<vmem>> -> memref<1x64xi32, #tpu.memory_space<vmem>>
    %dma_start3A_153 = tpu.memref_squeeze %dma_start3A_152 : memref<1x64xi32, #tpu.memory_space<vmem>> -> memref<64xi32, #tpu.memory_space<vmem>>
    %dma_start3A_154 = tpu.memref_slice %arg2[%multiple_of3A_136] : memref<640000xi32, #tpu.memory_space<hbm>> -> memref<64xi32, #tpu.memory_space<hbm>>
    %dma_start3A_155 = tpu.memref_slice %arg13[%dma_start3A_150] : memref<24x!tpu.dma_semaphore, #tpu.memory_space<semaphore_mem>> -> memref<1x!tpu.dma_semaphore, #tpu.memory_space<semaphore_mem>>
    %dma_start3A_156 = tpu.memref_squeeze %dma_start3A_155 : memref<1x!tpu.dma_semaphore, #tpu.memory_space<semaphore_mem>> -> memref<!tpu.dma_semaphore, #tpu.memory_space<semaphore_mem>>
    %dma_start3A_157 = arith.constant 0 : i32
    %dma_start3A_158 = tpu.memref_slice %arg8[%dma_start3A_149, %dma_start3A_157] : memref<10x64xi32, #tpu.memory_space<vmem>> -> memref<1x64xi32, #tpu.memory_space<vmem>>
    %dma_start3A_159 = tpu.memref_squeeze %dma_start3A_158 : memref<1x64xi32, #tpu.memory_space<vmem>> -> memref<64xi32, #tpu.memory_space<vmem>>
    %dma_start3A_160 = tpu.memref_slice %arg2[%multiple_of3A_136] : memref<640000xi32, #tpu.memory_space<hbm>> -> memref<64xi32, #tpu.memory_space<hbm>>
    tpu.enqueue_dma source(%dma_start3A_160 : memref<64xi32, #tpu.memory_space<hbm>>) target(%dma_start3A_159 : memref<64xi32, #tpu.memory_space<vmem>>) target_semaphore(%dma_start3A_156 : memref<!tpu.dma_semaphore, #tpu.memory_space<semaphore_mem>>)
    %add3A_161 = arith.constant 320 : i32
    %add3A_162 = arith.addi %mul3A_2, %add3A_161 : i32
    %multiple_of3A_163 = tpu.assume_multiple %add3A_162, 8 : i32
    %add3A_164 = arith.constant 320000 : i32
    %add3A_165 = arith.addi %add3A_164, %mul3A_2 : i32
    %add3A_166 = arith.constant 320 : i32
    %add3A_167 = arith.addi %add3A_165, %add3A_166 : i32
    %multiple_of3A_168 = tpu.assume_multiple %add3A_167, 8 : i32
    %dma_start3A_169 = arith.constant 5 : i32
    %dma_start3A_170 = arith.constant 15 : i32
    %dma_start3A_171 = arith.constant 0 : i32
    %dma_start3A_172 = tpu.memref_slice %arg7[%dma_start3A_169, %dma_start3A_171] : memref<10x64xi32, #tpu.memory_space<vmem>> -> memref<1x64xi32, #tpu.memory_space<vmem>>
    %dma_start3A_173 = tpu.memref_squeeze %dma_start3A_172 : memref<1x64xi32, #tpu.memory_space<vmem>> -> memref<64xi32, #tpu.memory_space<vmem>>
    %dma_start3A_174 = tpu.memref_slice %arg2[%multiple_of3A_163] : memref<640000xi32, #tpu.memory_space<hbm>> -> memref<64xi32, #tpu.memory_space<hbm>>
    %dma_start3A_175 = tpu.memref_slice %arg13[%dma_start3A_170] : memref<24x!tpu.dma_semaphore, #tpu.memory_space<semaphore_mem>> -> memref<1x!tpu.dma_semaphore, #tpu.memory_space<semaphore_mem>>
    %dma_start3A_176 = tpu.memref_squeeze %dma_start3A_175 : memref<1x!tpu.dma_semaphore, #tpu.memory_space<semaphore_mem>> -> memref<!tpu.dma_semaphore, #tpu.memory_space<semaphore_mem>>
    %dma_start3A_177 = arith.constant 0 : i32
    %dma_start3A_178 = tpu.memref_slice %arg7[%dma_start3A_169, %dma_start3A_177] : memref<10x64xi32, #tpu.memory_space<vmem>> -> memref<1x64xi32, #tpu.memory_space<vmem>>
    %dma_start3A_179 = tpu.memref_squeeze %dma_start3A_178 : memref<1x64xi32, #tpu.memory_space<vmem>> -> memref<64xi32, #tpu.memory_space<vmem>>
    %dma_start3A_180 = tpu.memref_slice %arg2[%multiple_of3A_163] : memref<640000xi32, #tpu.memory_space<hbm>> -> memref<64xi32, #tpu.memory_space<hbm>>
    tpu.enqueue_dma source(%dma_start3A_180 : memref<64xi32, #tpu.memory_space<hbm>>) target(%dma_start3A_179 : memref<64xi32, #tpu.memory_space<vmem>>) target_semaphore(%dma_start3A_176 : memref<!tpu.dma_semaphore, #tpu.memory_space<semaphore_mem>>)
    %dma_start3A_181 = arith.constant 5 : i32
    %dma_start3A_182 = arith.constant 15 : i32
    %dma_start3A_183 = arith.constant 0 : i32
    %dma_start3A_184 = tpu.memref_slice %arg8[%dma_start3A_181, %dma_start3A_183] : memref<10x64xi32, #tpu.memory_space<vmem>> -> memref<1x64xi32, #tpu.memory_space<vmem>>
    %dma_start3A_185 = tpu.memref_squeeze %dma_start3A_184 : memref<1x64xi32, #tpu.memory_space<vmem>> -> memref<64xi32, #tpu.memory_space<vmem>>
    %dma_start3A_186 = tpu.memref_slice %arg2[%multiple_of3A_168] : memref<640000xi32, #tpu.memory_space<hbm>> -> memref<64xi32, #tpu.memory_space<hbm>>
    %dma_start3A_187 = tpu.memref_slice %arg13[%dma_start3A_182] : memref<24x!tpu.dma_semaphore, #tpu.memory_space<semaphore_mem>> -> memref<1x!tpu.dma_semaphore, #tpu.memory_space<semaphore_mem>>
    %dma_start3A_188 = tpu.memref_squeeze %dma_start3A_187 : memref<1x!tpu.dma_semaphore, #tpu.memory_space<semaphore_mem>> -> memref<!tpu.dma_semaphore, #tpu.memory_space<semaphore_mem>>
    %dma_start3A_189 = arith.constant 0 : i32
    %dma_start3A_190 = tpu.memref_slice %arg8[%dma_start3A_181, %dma_start3A_189] : memref<10x64xi32, #tpu.memory_space<vmem>> -> memref<1x64xi32, #tpu.memory_space<vmem>>
    %dma_start3A_191 = tpu.memref_squeeze %dma_start3A_190 : memref<1x64xi32, #tpu.memory_space<vmem>> -> memref<64xi32, #tpu.memory_space<vmem>>
    %dma_start3A_192 = tpu.memref_slice %arg2[%multiple_of3A_168] : memref<640000xi32, #tpu.memory_space<hbm>> -> memref<64xi32, #tpu.memory_space<hbm>>
    tpu.enqueue_dma source(%dma_start3A_192 : memref<64xi32, #tpu.memory_space<hbm>>) target(%dma_start3A_191 : memref<64xi32, #tpu.memory_space<vmem>>) target_semaphore(%dma_start3A_188 : memref<!tpu.dma_semaphore, #tpu.memory_space<semaphore_mem>>)
    %add3A_193 = arith.constant 384 : i32
    %add3A_194 = arith.addi %mul3A_2, %add3A_193 : i32
    %multiple_of3A_195 = tpu.assume_multiple %add3A_194, 8 : i32
    %add3A_196 = arith.constant 320000 : i32
    %add3A_197 = arith.addi %add3A_196, %mul3A_2 : i32
    %add3A_198 = arith.constant 384 : i32
    %add3A_199 = arith.addi %add3A_197, %add3A_198 : i32
    %multiple_of3A_200 = tpu.assume_multiple %add3A_199, 8 : i32
    %dma_start3A_201 = arith.constant 6 : i32
    %dma_start3A_202 = arith.constant 16 : i32
    %dma_start3A_203 = arith.constant 0 : i32
    %dma_start3A_204 = tpu.memref_slice %arg7[%dma_start3A_201, %dma_start3A_203] : memref<10x64xi32, #tpu.memory_space<vmem>> -> memref<1x64xi32, #tpu.memory_space<vmem>>
    %dma_start3A_205 = tpu.memref_squeeze %dma_start3A_204 : memref<1x64xi32, #tpu.memory_space<vmem>> -> memref<64xi32, #tpu.memory_space<vmem>>
    %dma_start3A_206 = tpu.memref_slice %arg2[%multiple_of3A_195] : memref<640000xi32, #tpu.memory_space<hbm>> -> memref<64xi32, #tpu.memory_space<hbm>>
    %dma_start3A_207 = tpu.memref_slice %arg13[%dma_start3A_202] : memref<24x!tpu.dma_semaphore, #tpu.memory_space<semaphore_mem>> -> memref<1x!tpu.dma_semaphore, #tpu.memory_space<semaphore_mem>>
    %dma_start3A_208 = tpu.memref_squeeze %dma_start3A_207 : memref<1x!tpu.dma_semaphore, #tpu.memory_space<semaphore_mem>> -> memref<!tpu.dma_semaphore, #tpu.memory_space<semaphore_mem>>
    %dma_start3A_209 = arith.constant 0 : i32
    %dma_start3A_210 = tpu.memref_slice %arg7[%dma_start3A_201, %dma_start3A_209] : memref<10x64xi32, #tpu.memory_space<vmem>> -> memref<1x64xi32, #tpu.memory_space<vmem>>
    %dma_start3A_211 = tpu.memref_squeeze %dma_start3A_210 : memref<1x64xi32, #tpu.memory_space<vmem>> -> memref<64xi32, #tpu.memory_space<vmem>>
    %dma_start3A_212 = tpu.memref_slice %arg2[%multiple_of3A_195] : memref<640000xi32, #tpu.memory_space<hbm>> -> memref<64xi32, #tpu.memory_space<hbm>>
    tpu.enqueue_dma source(%dma_start3A_212 : memref<64xi32, #tpu.memory_space<hbm>>) target(%dma_start3A_211 : memref<64xi32, #tpu.memory_space<vmem>>) target_semaphore(%dma_start3A_208 : memref<!tpu.dma_semaphore, #tpu.memory_space<semaphore_mem>>)
    %dma_start3A_213 = arith.constant 6 : i32
    %dma_start3A_214 = arith.constant 16 : i32
    %dma_start3A_215 = arith.constant 0 : i32
    %dma_start3A_216 = tpu.memref_slice %arg8[%dma_start3A_213, %dma_start3A_215] : memref<10x64xi32, #tpu.memory_space<vmem>> -> memref<1x64xi32, #tpu.memory_space<vmem>>
    %dma_start3A_217 = tpu.memref_squeeze %dma_start3A_216 : memref<1x64xi32, #tpu.memory_space<vmem>> -> memref<64xi32, #tpu.memory_space<vmem>>
    %dma_start3A_218 = tpu.memref_slice %arg2[%multiple_of3A_200] : memref<640000xi32, #tpu.memory_space<hbm>> -> memref<64xi32, #tpu.memory_space<hbm>>
    %dma_start3A_219 = tpu.memref_slice %arg13[%dma_start3A_214] : memref<24x!tpu.dma_semaphore, #tpu.memory_space<semaphore_mem>> -> memref<1x!tpu.dma_semaphore, #tpu.memory_space<semaphore_mem>>
    %dma_start3A_220 = tpu.memref_squeeze %dma_start3A_219 : memref<1x!tpu.dma_semaphore, #tpu.memory_space<semaphore_mem>> -> memref<!tpu.dma_semaphore, #tpu.memory_space<semaphore_mem>>
    %dma_start3A_221 = arith.constant 0 : i32
    %dma_start3A_222 = tpu.memref_slice %arg8[%dma_start3A_213, %dma_start3A_221] : memref<10x64xi32, #tpu.memory_space<vmem>> -> memref<1x64xi32, #tpu.memory_space<vmem>>
    %dma_start3A_223 = tpu.memref_squeeze %dma_start3A_222 : memref<1x64xi32, #tpu.memory_space<vmem>> -> memref<64xi32, #tpu.memory_space<vmem>>
    %dma_start3A_224 = tpu.memref_slice %arg2[%multiple_of3A_200] : memref<640000xi32, #tpu.memory_space<hbm>> -> memref<64xi32, #tpu.memory_space<hbm>>
    tpu.enqueue_dma source(%dma_start3A_224 : memref<64xi32, #tpu.memory_space<hbm>>) target(%dma_start3A_223 : memref<64xi32, #tpu.memory_space<vmem>>) target_semaphore(%dma_start3A_220 : memref<!tpu.dma_semaphore, #tpu.memory_space<semaphore_mem>>)
    %add3A_225 = arith.constant 448 : i32
    %add3A_226 = arith.addi %mul3A_2, %add3A_225 : i32
    %multiple_of3A_227 = tpu.assume_multiple %add3A_226, 8 : i32
    %add3A_228 = arith.constant 320000 : i32
    %add3A_229 = arith.addi %add3A_228, %mul3A_2 : i32
    %add3A_230 = arith.constant 448 : i32
    %add3A_231 = arith.addi %add3A_229, %add3A_230 : i32
    %multiple_of3A_232 = tpu.assume_multiple %add3A_231, 8 : i32
    %dma_start3A_233 = arith.constant 7 : i32
    %dma_start3A_234 = arith.constant 17 : i32
    %dma_start3A_235 = arith.constant 0 : i32
    %dma_start3A_236 = tpu.memref_slice %arg7[%dma_start3A_233, %dma_start3A_235] : memref<10x64xi32, #tpu.memory_space<vmem>> -> memref<1x64xi32, #tpu.memory_space<vmem>>
    %dma_start3A_237 = tpu.memref_squeeze %dma_start3A_236 : memref<1x64xi32, #tpu.memory_space<vmem>> -> memref<64xi32, #tpu.memory_space<vmem>>
    %dma_start3A_238 = tpu.memref_slice %arg2[%multiple_of3A_227] : memref<640000xi32, #tpu.memory_space<hbm>> -> memref<64xi32, #tpu.memory_space<hbm>>
    %dma_start3A_239 = tpu.memref_slice %arg13[%dma_start3A_234] : memref<24x!tpu.dma_semaphore, #tpu.memory_space<semaphore_mem>> -> memref<1x!tpu.dma_semaphore, #tpu.memory_space<semaphore_mem>>
    %dma_start3A_240 = tpu.memref_squeeze %dma_start3A_239 : memref<1x!tpu.dma_semaphore, #tpu.memory_space<semaphore_mem>> -> memref<!tpu.dma_semaphore, #tpu.memory_space<semaphore_mem>>
    %dma_start3A_241 = arith.constant 0 : i32
    %dma_start3A_242 = tpu.memref_slice %arg7[%dma_start3A_233, %dma_start3A_241] : memref<10x64xi32, #tpu.memory_space<vmem>> -> memref<1x64xi32, #tpu.memory_space<vmem>>
    %dma_start3A_243 = tpu.memref_squeeze %dma_start3A_242 : memref<1x64xi32, #tpu.memory_space<vmem>> -> memref<64xi32, #tpu.memory_space<vmem>>
    %dma_start3A_244 = tpu.memref_slice %arg2[%multiple_of3A_227] : memref<640000xi32, #tpu.memory_space<hbm>> -> memref<64xi32, #tpu.memory_space<hbm>>
    tpu.enqueue_dma source(%dma_start3A_244 : memref<64xi32, #tpu.memory_space<hbm>>) target(%dma_start3A_243 : memref<64xi32, #tpu.memory_space<vmem>>) target_semaphore(%dma_start3A_240 : memref<!tpu.dma_semaphore, #tpu.memory_space<semaphore_mem>>)
    %dma_start3A_245 = arith.constant 7 : i32
    %dma_start3A_246 = arith.constant 17 : i32
    %dma_start3A_247 = arith.constant 0 : i32
    %dma_start3A_248 = tpu.memref_slice %arg8[%dma_start3A_245, %dma_start3A_247] : memref<10x64xi32, #tpu.memory_space<vmem>> -> memref<1x64xi32, #tpu.memory_space<vmem>>
    %dma_start3A_249 = tpu.memref_squeeze %dma_start3A_248 : memref<1x64xi32, #tpu.memory_space<vmem>> -> memref<64xi32, #tpu.memory_space<vmem>>
    %dma_start3A_250 = tpu.memref_slice %arg2[%multiple_of3A_232] : memref<640000xi32, #tpu.memory_space<hbm>> -> memref<64xi32, #tpu.memory_space<hbm>>
    %dma_start3A_251 = tpu.memref_slice %arg13[%dma_start3A_246] : memref<24x!tpu.dma_semaphore, #tpu.memory_space<semaphore_mem>> -> memref<1x!tpu.dma_semaphore, #tpu.memory_space<semaphore_mem>>
    %dma_start3A_252 = tpu.memref_squeeze %dma_start3A_251 : memref<1x!tpu.dma_semaphore, #tpu.memory_space<semaphore_mem>> -> memref<!tpu.dma_semaphore, #tpu.memory_space<semaphore_mem>>
    %dma_start3A_253 = arith.constant 0 : i32
    %dma_start3A_254 = tpu.memref_slice %arg8[%dma_start3A_245, %dma_start3A_253] : memref<10x64xi32, #tpu.memory_space<vmem>> -> memref<1x64xi32, #tpu.memory_space<vmem>>
    %dma_start3A_255 = tpu.memref_squeeze %dma_start3A_254 : memref<1x64xi32, #tpu.memory_space<vmem>> -> memref<64xi32, #tpu.memory_space<vmem>>
    %dma_start3A_256 = tpu.memref_slice %arg2[%multiple_of3A_232] : memref<640000xi32, #tpu.memory_space<hbm>> -> memref<64xi32, #tpu.memory_space<hbm>>
    tpu.enqueue_dma source(%dma_start3A_256 : memref<64xi32, #tpu.memory_space<hbm>>) target(%dma_start3A_255 : memref<64xi32, #tpu.memory_space<vmem>>) target_semaphore(%dma_start3A_252 : memref<!tpu.dma_semaphore, #tpu.memory_space<semaphore_mem>>)
    %add3A_257 = arith.constant 512 : i32
    %add3A_258 = arith.addi %mul3A_2, %add3A_257 : i32
    %multiple_of3A_259 = tpu.assume_multiple %add3A_258, 8 : i32
    %add3A_260 = arith.constant 320000 : i32
    %add3A_261 = arith.addi %add3A_260, %mul3A_2 : i32
    %add3A_262 = arith.constant 512 : i32
    %add3A_263 = arith.addi %add3A_261, %add3A_262 : i32
    %multiple_of3A_264 = tpu.assume_multiple %add3A_263, 8 : i32
    %dma_start3A_265 = arith.constant 8 : i32
    %dma_start3A_266 = arith.constant 18 : i32
    %dma_start3A_267 = arith.constant 0 : i32
    %dma_start3A_268 = tpu.memref_slice %arg7[%dma_start3A_265, %dma_start3A_267] : memref<10x64xi32, #tpu.memory_space<vmem>> -> memref<1x64xi32, #tpu.memory_space<vmem>>
    %dma_start3A_269 = tpu.memref_squeeze %dma_start3A_268 : memref<1x64xi32, #tpu.memory_space<vmem>> -> memref<64xi32, #tpu.memory_space<vmem>>
    %dma_start3A_270 = tpu.memref_slice %arg2[%multiple_of3A_259] : memref<640000xi32, #tpu.memory_space<hbm>> -> memref<64xi32, #tpu.memory_space<hbm>>
    %dma_start3A_271 = tpu.memref_slice %arg13[%dma_start3A_266] : memref<24x!tpu.dma_semaphore, #tpu.memory_space<semaphore_mem>> -> memref<1x!tpu.dma_semaphore, #tpu.memory_space<semaphore_mem>>
    %dma_start3A_272 = tpu.memref_squeeze %dma_start3A_271 : memref<1x!tpu.dma_semaphore, #tpu.memory_space<semaphore_mem>> -> memref<!tpu.dma_semaphore, #tpu.memory_space<semaphore_mem>>
    %dma_start3A_273 = arith.constant 0 : i32
    %dma_start3A_274 = tpu.memref_slice %arg7[%dma_start3A_265, %dma_start3A_273] : memref<10x64xi32, #tpu.memory_space<vmem>> -> memref<1x64xi32, #tpu.memory_space<vmem>>
    %dma_start3A_275 = tpu.memref_squeeze %dma_start3A_274 : memref<1x64xi32, #tpu.memory_space<vmem>> -> memref<64xi32, #tpu.memory_space<vmem>>
    %dma_start3A_276 = tpu.memref_slice %arg2[%multiple_of3A_259] : memref<640000xi32, #tpu.memory_space<hbm>> -> memref<64xi32, #tpu.memory_space<hbm>>
    tpu.enqueue_dma source(%dma_start3A_276 : memref<64xi32, #tpu.memory_space<hbm>>) target(%dma_start3A_275 : memref<64xi32, #tpu.memory_space<vmem>>) target_semaphore(%dma_start3A_272 : memref<!tpu.dma_semaphore, #tpu.memory_space<semaphore_mem>>)
    %dma_start3A_277 = arith.constant 8 : i32
    %dma_start3A_278 = arith.constant 18 : i32
    %dma_start3A_279 = arith.constant 0 : i32
    %dma_start3A_280 = tpu.memref_slice %arg8[%dma_start3A_277, %dma_start3A_279] : memref<10x64xi32, #tpu.memory_space<vmem>> -> memref<1x64xi32, #tpu.memory_space<vmem>>
    %dma_start3A_281 = tpu.memref_squeeze %dma_start3A_280 : memref<1x64xi32, #tpu.memory_space<vmem>> -> memref<64xi32, #tpu.memory_space<vmem>>
    %dma_start3A_282 = tpu.memref_slice %arg2[%multiple_of3A_264] : memref<640000xi32, #tpu.memory_space<hbm>> -> memref<64xi32, #tpu.memory_space<hbm>>
    %dma_start3A_283 = tpu.memref_slice %arg13[%dma_start3A_278] : memref<24x!tpu.dma_semaphore, #tpu.memory_space<semaphore_mem>> -> memref<1x!tpu.dma_semaphore, #tpu.memory_space<semaphore_mem>>
    %dma_start3A_284 = tpu.memref_squeeze %dma_start3A_283 : memref<1x!tpu.dma_semaphore, #tpu.memory_space<semaphore_mem>> -> memref<!tpu.dma_semaphore, #tpu.memory_space<semaphore_mem>>
    %dma_start3A_285 = arith.constant 0 : i32
    %dma_start3A_286 = tpu.memref_slice %arg8[%dma_start3A_277, %dma_start3A_285] : memref<10x64xi32, #tpu.memory_space<vmem>> -> memref<1x64xi32, #tpu.memory_space<vmem>>
    %dma_start3A_287 = tpu.memref_squeeze %dma_start3A_286 : memref<1x64xi32, #tpu.memory_space<vmem>> -> memref<64xi32, #tpu.memory_space<vmem>>
    %dma_start3A_288 = tpu.memref_slice %arg2[%multiple_of3A_264] : memref<640000xi32, #tpu.memory_space<hbm>> -> memref<64xi32, #tpu.memory_space<hbm>>
    tpu.enqueue_dma source(%dma_start3A_288 : memref<64xi32, #tpu.memory_space<hbm>>) target(%dma_start3A_287 : memref<64xi32, #tpu.memory_space<vmem>>) target_semaphore(%dma_start3A_284 : memref<!tpu.dma_semaphore, #tpu.memory_space<semaphore_mem>>)
    %add3A_289 = arith.constant 576 : i32
    %add3A_290 = arith.addi %mul3A_2, %add3A_289 : i32
    %multiple_of3A_291 = tpu.assume_multiple %add3A_290, 8 : i32
    %add3A_292 = arith.constant 320000 : i32
    %add3A_293 = arith.addi %add3A_292, %mul3A_2 : i32
    %add3A_294 = arith.constant 576 : i32
    %add3A_295 = arith.addi %add3A_293, %add3A_294 : i32
    %multiple_of3A_296 = tpu.assume_multiple %add3A_295, 8 : i32
    %dma_start3A_297 = arith.constant 9 : i32
    %dma_start3A_298 = arith.constant 19 : i32
    %dma_start3A_299 = arith.constant 0 : i32
    %dma_start3A_300 = tpu.memref_slice %arg7[%dma_start3A_297, %dma_start3A_299] : memref<10x64xi32, #tpu.memory_space<vmem>> -> memref<1x64xi32, #tpu.memory_space<vmem>>
    %dma_start3A_301 = tpu.memref_squeeze %dma_start3A_300 : memref<1x64xi32, #tpu.memory_space<vmem>> -> memref<64xi32, #tpu.memory_space<vmem>>
    %dma_start3A_302 = tpu.memref_slice %arg2[%multiple_of3A_291] : memref<640000xi32, #tpu.memory_space<hbm>> -> memref<64xi32, #tpu.memory_space<hbm>>
    %dma_start3A_303 = tpu.memref_slice %arg13[%dma_start3A_298] : memref<24x!tpu.dma_semaphore, #tpu.memory_space<semaphore_mem>> -> memref<1x!tpu.dma_semaphore, #tpu.memory_space<semaphore_mem>>
    %dma_start3A_304 = tpu.memref_squeeze %dma_start3A_303 : memref<1x!tpu.dma_semaphore, #tpu.memory_space<semaphore_mem>> -> memref<!tpu.dma_semaphore, #tpu.memory_space<semaphore_mem>>
    %dma_start3A_305 = arith.constant 0 : i32
    %dma_start3A_306 = tpu.memref_slice %arg7[%dma_start3A_297, %dma_start3A_305] : memref<10x64xi32, #tpu.memory_space<vmem>> -> memref<1x64xi32, #tpu.memory_space<vmem>>
    %dma_start3A_307 = tpu.memref_squeeze %dma_start3A_306 : memref<1x64xi32, #tpu.memory_space<vmem>> -> memref<64xi32, #tpu.memory_space<vmem>>
    %dma_start3A_308 = tpu.memref_slice %arg2[%multiple_of3A_291] : memref<640000xi32, #tpu.memory_space<hbm>> -> memref<64xi32, #tpu.memory_space<hbm>>
    tpu.enqueue_dma source(%dma_start3A_308 : memref<64xi32, #tpu.memory_space<hbm>>) target(%dma_start3A_307 : memref<64xi32, #tpu.memory_space<vmem>>) target_semaphore(%dma_start3A_304 : memref<!tpu.dma_semaphore, #tpu.memory_space<semaphore_mem>>)
    %dma_start3A_309 = arith.constant 9 : i32
    %dma_start3A_310 = arith.constant 19 : i32
    %dma_start3A_311 = arith.constant 0 : i32
    %dma_start3A_312 = tpu.memref_slice %arg8[%dma_start3A_309, %dma_start3A_311] : memref<10x64xi32, #tpu.memory_space<vmem>> -> memref<1x64xi32, #tpu.memory_space<vmem>>
    %dma_start3A_313 = tpu.memref_squeeze %dma_start3A_312 : memref<1x64xi32, #tpu.memory_space<vmem>> -> memref<64xi32, #tpu.memory_space<vmem>>
    %dma_start3A_314 = tpu.memref_slice %arg2[%multiple_of3A_296] : memref<640000xi32, #tpu.memory_space<hbm>> -> memref<64xi32, #tpu.memory_space<hbm>>
    %dma_start3A_315 = tpu.memref_slice %arg13[%dma_start3A_310] : memref<24x!tpu.dma_semaphore, #tpu.memory_space<semaphore_mem>> -> memref<1x!tpu.dma_semaphore, #tpu.memory_space<semaphore_mem>>
    %dma_start3A_316 = tpu.memref_squeeze %dma_start3A_315 : memref<1x!tpu.dma_semaphore, #tpu.memory_space<semaphore_mem>> -> memref<!tpu.dma_semaphore, #tpu.memory_space<semaphore_mem>>
    %dma_start3A_317 = arith.constant 0 : i32
    %dma_start3A_318 = tpu.memref_slice %arg8[%dma_start3A_309, %dma_start3A_317] : memref<10x64xi32, #tpu.memory_space<vmem>> -> memref<1x64xi32, #tpu.memory_space<vmem>>
    %dma_start3A_319 = tpu.memref_squeeze %dma_start3A_318 : memref<1x64xi32, #tpu.memory_space<vmem>> -> memref<64xi32, #tpu.memory_space<vmem>>
    %dma_start3A_320 = tpu.memref_slice %arg2[%multiple_of3A_296] : memref<640000xi32, #tpu.memory_space<hbm>> -> memref<64xi32, #tpu.memory_space<hbm>>
    tpu.enqueue_dma source(%dma_start3A_320 : memref<64xi32, #tpu.memory_space<hbm>>) target(%dma_start3A_319 : memref<64xi32, #tpu.memory_space<vmem>>) target_semaphore(%dma_start3A_316 : memref<!tpu.dma_semaphore, #tpu.memory_space<semaphore_mem>>)
    %lt3A = arith.constant 10 : i32
    %lt3A_321 = arith.cmpi slt, %arg1, %lt3A : i32
    %convert_element_type3A = arith.extui %lt3A_321 : i1 to i32
    %cond3A = arith.constant 23 : i32
    %cond3A_322 = arith.constant 0 : i32
    %cond3A_323 = arith.cmpi ne, %convert_element_type3A, %cond3A_322 : i32
    scf.if %cond3A_323 {
      %mul3A_2016 = arith.constant 1000 : i32
      %mul3A_2017 = arith.muli %arg1, %mul3A_2016 : i32
      %dma_start3A_2018 = tpu.memref_slice %arg13[%cond3A] : memref<24x!tpu.dma_semaphore, #tpu.memory_space<semaphore_mem>> -> memref<1x!tpu.dma_semaphore, #tpu.memory_space<semaphore_mem>>
      %dma_start3A_2019 = tpu.memref_squeeze %dma_start3A_2018 : memref<1x!tpu.dma_semaphore, #tpu.memory_space<semaphore_mem>> -> memref<!tpu.dma_semaphore, #tpu.memory_space<semaphore_mem>>
      %dma_start3A_2020 = arith.constant 0 : i32
      %dma_start3A_2021 = tpu.memref_slice %arg6[%mul3A_2017, %dma_start3A_2020] : memref<10000x128xf32, #tpu.memory_space<vmem_shared>> -> memref<1000x128xf32, #tpu.memory_space<vmem_shared>>
      tpu.enqueue_dma source(%arg4 : memref<1000x128xf32, #tpu.memory_space<hbm>>) target(%dma_start3A_2021 : memref<1000x128xf32, #tpu.memory_space<vmem_shared>>) target_semaphore(%dma_start3A_2019 : memref<!tpu.dma_semaphore, #tpu.memory_space<semaphore_mem>>)
    } else {
    }
    %dma_wait3A = arith.constant 0 : i32
    %dma_wait3A_324 = arith.constant 10 : i32
    %dma_wait3A_325 = arith.constant 0 : i32
    %dma_wait3A_326 = tpu.memref_slice %arg7[%dma_wait3A, %dma_wait3A_325] : memref<10x64xi32, #tpu.memory_space<vmem>> -> memref<1x64xi32, #tpu.memory_space<vmem>>
    %dma_wait3A_327 = tpu.memref_squeeze %dma_wait3A_326 : memref<1x64xi32, #tpu.memory_space<vmem>> -> memref<64xi32, #tpu.memory_space<vmem>>
    %dma_wait3A_328 = arith.constant 0 : i32
    %dma_wait3A_329 = tpu.memref_slice %arg2[%dma_wait3A_328] : memref<640000xi32, #tpu.memory_space<hbm>> -> memref<64xi32, #tpu.memory_space<hbm>>
    %dma_wait3A_330 = tpu.memref_slice %arg13[%dma_wait3A_324] : memref<24x!tpu.dma_semaphore, #tpu.memory_space<semaphore_mem>> -> memref<1x!tpu.dma_semaphore, #tpu.memory_space<semaphore_mem>>
    %dma_wait3A_331 = tpu.memref_squeeze %dma_wait3A_330 : memref<1x!tpu.dma_semaphore, #tpu.memory_space<semaphore_mem>> -> memref<!tpu.dma_semaphore, #tpu.memory_space<semaphore_mem>>
    %dma_wait3A_332 = arith.constant 0 : i32
    %dma_wait3A_333 = tpu.memref_slice %arg7[%dma_wait3A, %dma_wait3A_332] : memref<10x64xi32, #tpu.memory_space<vmem>> -> memref<1x64xi32, #tpu.memory_space<vmem>>
    %dma_wait3A_334 = tpu.memref_squeeze %dma_wait3A_333 : memref<1x64xi32, #tpu.memory_space<vmem>> -> memref<64xi32, #tpu.memory_space<vmem>>
    %dma_wait3A_335 = arith.constant 0 : i32
    %dma_wait3A_336 = tpu.memref_slice %arg2[%dma_wait3A_335] : memref<640000xi32, #tpu.memory_space<hbm>> -> memref<64xi32, #tpu.memory_space<hbm>>
    tpu.wait_dma2 semaphore(%dma_wait3A_331 : memref<!tpu.dma_semaphore, #tpu.memory_space<semaphore_mem>>) src(%dma_wait3A_336 : memref<64xi32, #tpu.memory_space<hbm>>) dst(%dma_wait3A_334 : memref<64xi32, #tpu.memory_space<vmem>>)
    %dma_wait3A_337 = arith.constant 0 : i32
    %dma_wait3A_338 = arith.constant 10 : i32
    %dma_wait3A_339 = arith.constant 0 : i32
    %dma_wait3A_340 = tpu.memref_slice %arg8[%dma_wait3A_337, %dma_wait3A_339] : memref<10x64xi32, #tpu.memory_space<vmem>> -> memref<1x64xi32, #tpu.memory_space<vmem>>
    %dma_wait3A_341 = tpu.memref_squeeze %dma_wait3A_340 : memref<1x64xi32, #tpu.memory_space<vmem>> -> memref<64xi32, #tpu.memory_space<vmem>>
    %dma_wait3A_342 = arith.constant 0 : i32
    %dma_wait3A_343 = tpu.memref_slice %arg2[%dma_wait3A_342] : memref<640000xi32, #tpu.memory_space<hbm>> -> memref<64xi32, #tpu.memory_space<hbm>>
    %dma_wait3A_344 = tpu.memref_slice %arg13[%dma_wait3A_338] : memref<24x!tpu.dma_semaphore, #tpu.memory_space<semaphore_mem>> -> memref<1x!tpu.dma_semaphore, #tpu.memory_space<semaphore_mem>>
    %dma_wait3A_345 = tpu.memref_squeeze %dma_wait3A_344 : memref<1x!tpu.dma_semaphore, #tpu.memory_space<semaphore_mem>> -> memref<!tpu.dma_semaphore, #tpu.memory_space<semaphore_mem>>
    %dma_wait3A_346 = arith.constant 0 : i32
    %dma_wait3A_347 = tpu.memref_slice %arg8[%dma_wait3A_337, %dma_wait3A_346] : memref<10x64xi32, #tpu.memory_space<vmem>> -> memref<1x64xi32, #tpu.memory_space<vmem>>
    %dma_wait3A_348 = tpu.memref_squeeze %dma_wait3A_347 : memref<1x64xi32, #tpu.memory_space<vmem>> -> memref<64xi32, #tpu.memory_space<vmem>>
    %dma_wait3A_349 = arith.constant 0 : i32
    %dma_wait3A_350 = tpu.memref_slice %arg2[%dma_wait3A_349] : memref<640000xi32, #tpu.memory_space<hbm>> -> memref<64xi32, #tpu.memory_space<hbm>>
    tpu.wait_dma2 semaphore(%dma_wait3A_345 : memref<!tpu.dma_semaphore, #tpu.memory_space<semaphore_mem>>) src(%dma_wait3A_350 : memref<64xi32, #tpu.memory_space<hbm>>) dst(%dma_wait3A_348 : memref<64xi32, #tpu.memory_space<vmem>>)
    %dma_start3A_351 = arith.constant 0 : i32
    %dma_start3A_352 = arith.constant 0 : i32
    %dma_start3A_353 = arith.constant 0 : i32
    %dma_start3A_354 = arith.constant 0 : i32
    %dma_start3A_355 = arith.constant 0 : i32
    %dma_start3A_356 = tpu.memref_slice %arg9[%dma_start3A_352, %dma_start3A_354, %dma_start3A_355] : memref<5x64x128xf32, #tpu.memory_space<vmem>> -> memref<1x64x128xf32, #tpu.memory_space<vmem>>
    %dma_start3A_357 = tpu.memref_squeeze %dma_start3A_356 : memref<1x64x128xf32, #tpu.memory_space<vmem>> -> memref<64x128xf32, #tpu.memory_space<vmem>>
    %dma_start3A_358 = arith.constant 0 : i32
    %dma_start3A_359 = tpu.memref_slice %arg7[%dma_start3A_351, %dma_start3A_358] : memref<10x64xi32, #tpu.memory_space<vmem>> -> memref<1x64xi32, #tpu.memory_space<vmem>>
    %dma_start3A_360 = tpu.memref_squeeze %dma_start3A_359 : memref<1x64xi32, #tpu.memory_space<vmem>> -> memref<64xi32, #tpu.memory_space<vmem>>
    %dma_start3A_361 = arith.constant 0 : i32
    %dma_start3A_362 = arith.constant 0 : i32
    %dma_start3A_363 = tpu.memref_slice %arg3[%dma_start3A_361, %dma_start3A_362] : memref<10000x128xf32, #tpu.memory_space<hbm>> -> memref<10000x128xf32, #tpu.memory_space<hbm>>
    %dma_start3A_364 = tpu.memref_slice %arg13[%dma_start3A_353] : memref<24x!tpu.dma_semaphore, #tpu.memory_space<semaphore_mem>> -> memref<1x!tpu.dma_semaphore, #tpu.memory_space<semaphore_mem>>
    %dma_start3A_365 = tpu.memref_squeeze %dma_start3A_364 : memref<1x!tpu.dma_semaphore, #tpu.memory_space<semaphore_mem>> -> memref<!tpu.dma_semaphore, #tpu.memory_space<semaphore_mem>>
    tpu.enqueue_indirect_dma source(%dma_start3A_363 : memref<10000x128xf32, #tpu.memory_space<hbm>>) target(%dma_start3A_357 : memref<64x128xf32, #tpu.memory_space<vmem>>) offsets(%dma_start3A_360 : memref<64xi32, #tpu.memory_space<vmem>>) semaphore(%dma_start3A_365 : memref<!tpu.dma_semaphore, #tpu.memory_space<semaphore_mem>>)
    %dma_wait3A_366 = arith.constant 1 : i32
    %dma_wait3A_367 = arith.constant 11 : i32
    %dma_wait3A_368 = arith.constant 0 : i32
    %dma_wait3A_369 = tpu.memref_slice %arg7[%dma_wait3A_366, %dma_wait3A_368] : memref<10x64xi32, #tpu.memory_space<vmem>> -> memref<1x64xi32, #tpu.memory_space<vmem>>
    %dma_wait3A_370 = tpu.memref_squeeze %dma_wait3A_369 : memref<1x64xi32, #tpu.memory_space<vmem>> -> memref<64xi32, #tpu.memory_space<vmem>>
    %dma_wait3A_371 = arith.constant 0 : i32
    %dma_wait3A_372 = tpu.memref_slice %arg2[%dma_wait3A_371] : memref<640000xi32, #tpu.memory_space<hbm>> -> memref<64xi32, #tpu.memory_space<hbm>>
    %dma_wait3A_373 = tpu.memref_slice %arg13[%dma_wait3A_367] : memref<24x!tpu.dma_semaphore, #tpu.memory_space<semaphore_mem>> -> memref<1x!tpu.dma_semaphore, #tpu.memory_space<semaphore_mem>>
    %dma_wait3A_374 = tpu.memref_squeeze %dma_wait3A_373 : memref<1x!tpu.dma_semaphore, #tpu.memory_space<semaphore_mem>> -> memref<!tpu.dma_semaphore, #tpu.memory_space<semaphore_mem>>
    %dma_wait3A_375 = arith.constant 0 : i32
    %dma_wait3A_376 = tpu.memref_slice %arg7[%dma_wait3A_366, %dma_wait3A_375] : memref<10x64xi32, #tpu.memory_space<vmem>> -> memref<1x64xi32, #tpu.memory_space<vmem>>
    %dma_wait3A_377 = tpu.memref_squeeze %dma_wait3A_376 : memref<1x64xi32, #tpu.memory_space<vmem>> -> memref<64xi32, #tpu.memory_space<vmem>>
    %dma_wait3A_378 = arith.constant 0 : i32
    %dma_wait3A_379 = tpu.memref_slice %arg2[%dma_wait3A_378] : memref<640000xi32, #tpu.memory_space<hbm>> -> memref<64xi32, #tpu.memory_space<hbm>>
    tpu.wait_dma2 semaphore(%dma_wait3A_374 : memref<!tpu.dma_semaphore, #tpu.memory_space<semaphore_mem>>) src(%dma_wait3A_379 : memref<64xi32, #tpu.memory_space<hbm>>) dst(%dma_wait3A_377 : memref<64xi32, #tpu.memory_space<vmem>>)
    %dma_wait3A_380 = arith.constant 1 : i32
    %dma_wait3A_381 = arith.constant 11 : i32
    %dma_wait3A_382 = arith.constant 0 : i32
    %dma_wait3A_383 = tpu.memref_slice %arg8[%dma_wait3A_380, %dma_wait3A_382] : memref<10x64xi32, #tpu.memory_space<vmem>> -> memref<1x64xi32, #tpu.memory_space<vmem>>
    %dma_wait3A_384 = tpu.memref_squeeze %dma_wait3A_383 : memref<1x64xi32, #tpu.memory_space<vmem>> -> memref<64xi32, #tpu.memory_space<vmem>>
    %dma_wait3A_385 = arith.constant 0 : i32
    %dma_wait3A_386 = tpu.memref_slice %arg2[%dma_wait3A_385] : memref<640000xi32, #tpu.memory_space<hbm>> -> memref<64xi32, #tpu.memory_space<hbm>>
    %dma_wait3A_387 = tpu.memref_slice %arg13[%dma_wait3A_381] : memref<24x!tpu.dma_semaphore, #tpu.memory_space<semaphore_mem>> -> memref<1x!tpu.dma_semaphore, #tpu.memory_space<semaphore_mem>>
    %dma_wait3A_388 = tpu.memref_squeeze %dma_wait3A_387 : memref<1x!tpu.dma_semaphore, #tpu.memory_space<semaphore_mem>> -> memref<!tpu.dma_semaphore, #tpu.memory_space<semaphore_mem>>
    %dma_wait3A_389 = arith.constant 0 : i32
    %dma_wait3A_390 = tpu.memref_slice %arg8[%dma_wait3A_380, %dma_wait3A_389] : memref<10x64xi32, #tpu.memory_space<vmem>> -> memref<1x64xi32, #tpu.memory_space<vmem>>
    %dma_wait3A_391 = tpu.memref_squeeze %dma_wait3A_390 : memref<1x64xi32, #tpu.memory_space<vmem>> -> memref<64xi32, #tpu.memory_space<vmem>>
    %dma_wait3A_392 = arith.constant 0 : i32
    %dma_wait3A_393 = tpu.memref_slice %arg2[%dma_wait3A_392] : memref<640000xi32, #tpu.memory_space<hbm>> -> memref<64xi32, #tpu.memory_space<hbm>>
    tpu.wait_dma2 semaphore(%dma_wait3A_388 : memref<!tpu.dma_semaphore, #tpu.memory_space<semaphore_mem>>) src(%dma_wait3A_393 : memref<64xi32, #tpu.memory_space<hbm>>) dst(%dma_wait3A_391 : memref<64xi32, #tpu.memory_space<vmem>>)
    %dma_start3A_394 = arith.constant 1 : i32
    %dma_start3A_395 = arith.constant 1 : i32
    %dma_start3A_396 = arith.constant 1 : i32
    %dma_start3A_397 = arith.constant 0 : i32
    %dma_start3A_398 = arith.constant 0 : i32
    %dma_start3A_399 = tpu.memref_slice %arg9[%dma_start3A_395, %dma_start3A_397, %dma_start3A_398] : memref<5x64x128xf32, #tpu.memory_space<vmem>> -> memref<1x64x128xf32, #tpu.memory_space<vmem>>
    %dma_start3A_400 = tpu.memref_squeeze %dma_start3A_399 : memref<1x64x128xf32, #tpu.memory_space<vmem>> -> memref<64x128xf32, #tpu.memory_space<vmem>>
    %dma_start3A_401 = arith.constant 0 : i32
    %dma_start3A_402 = tpu.memref_slice %arg7[%dma_start3A_394, %dma_start3A_401] : memref<10x64xi32, #tpu.memory_space<vmem>> -> memref<1x64xi32, #tpu.memory_space<vmem>>
    %dma_start3A_403 = tpu.memref_squeeze %dma_start3A_402 : memref<1x64xi32, #tpu.memory_space<vmem>> -> memref<64xi32, #tpu.memory_space<vmem>>
    %dma_start3A_404 = arith.constant 0 : i32
    %dma_start3A_405 = arith.constant 0 : i32
    %dma_start3A_406 = tpu.memref_slice %arg3[%dma_start3A_404, %dma_start3A_405] : memref<10000x128xf32, #tpu.memory_space<hbm>> -> memref<10000x128xf32, #tpu.memory_space<hbm>>
    %dma_start3A_407 = tpu.memref_slice %arg13[%dma_start3A_396] : memref<24x!tpu.dma_semaphore, #tpu.memory_space<semaphore_mem>> -> memref<1x!tpu.dma_semaphore, #tpu.memory_space<semaphore_mem>>
    %dma_start3A_408 = tpu.memref_squeeze %dma_start3A_407 : memref<1x!tpu.dma_semaphore, #tpu.memory_space<semaphore_mem>> -> memref<!tpu.dma_semaphore, #tpu.memory_space<semaphore_mem>>
    tpu.enqueue_indirect_dma source(%dma_start3A_406 : memref<10000x128xf32, #tpu.memory_space<hbm>>) target(%dma_start3A_400 : memref<64x128xf32, #tpu.memory_space<vmem>>) offsets(%dma_start3A_403 : memref<64xi32, #tpu.memory_space<vmem>>) semaphore(%dma_start3A_408 : memref<!tpu.dma_semaphore, #tpu.memory_space<semaphore_mem>>)
    %dma_wait3A_409 = arith.constant 2 : i32
    %dma_wait3A_410 = arith.constant 12 : i32
    %dma_wait3A_411 = arith.constant 0 : i32
    %dma_wait3A_412 = tpu.memref_slice %arg7[%dma_wait3A_409, %dma_wait3A_411] : memref<10x64xi32, #tpu.memory_space<vmem>> -> memref<1x64xi32, #tpu.memory_space<vmem>>
    %dma_wait3A_413 = tpu.memref_squeeze %dma_wait3A_412 : memref<1x64xi32, #tpu.memory_space<vmem>> -> memref<64xi32, #tpu.memory_space<vmem>>
    %dma_wait3A_414 = arith.constant 0 : i32
    %dma_wait3A_415 = tpu.memref_slice %arg2[%dma_wait3A_414] : memref<640000xi32, #tpu.memory_space<hbm>> -> memref<64xi32, #tpu.memory_space<hbm>>
    %dma_wait3A_416 = tpu.memref_slice %arg13[%dma_wait3A_410] : memref<24x!tpu.dma_semaphore, #tpu.memory_space<semaphore_mem>> -> memref<1x!tpu.dma_semaphore, #tpu.memory_space<semaphore_mem>>
    %dma_wait3A_417 = tpu.memref_squeeze %dma_wait3A_416 : memref<1x!tpu.dma_semaphore, #tpu.memory_space<semaphore_mem>> -> memref<!tpu.dma_semaphore, #tpu.memory_space<semaphore_mem>>
    %dma_wait3A_418 = arith.constant 0 : i32
    %dma_wait3A_419 = tpu.memref_slice %arg7[%dma_wait3A_409, %dma_wait3A_418] : memref<10x64xi32, #tpu.memory_space<vmem>> -> memref<1x64xi32, #tpu.memory_space<vmem>>
    %dma_wait3A_420 = tpu.memref_squeeze %dma_wait3A_419 : memref<1x64xi32, #tpu.memory_space<vmem>> -> memref<64xi32, #tpu.memory_space<vmem>>
    %dma_wait3A_421 = arith.constant 0 : i32
    %dma_wait3A_422 = tpu.memref_slice %arg2[%dma_wait3A_421] : memref<640000xi32, #tpu.memory_space<hbm>> -> memref<64xi32, #tpu.memory_space<hbm>>
    tpu.wait_dma2 semaphore(%dma_wait3A_417 : memref<!tpu.dma_semaphore, #tpu.memory_space<semaphore_mem>>) src(%dma_wait3A_422 : memref<64xi32, #tpu.memory_space<hbm>>) dst(%dma_wait3A_420 : memref<64xi32, #tpu.memory_space<vmem>>)
    %dma_wait3A_423 = arith.constant 2 : i32
    %dma_wait3A_424 = arith.constant 12 : i32
    %dma_wait3A_425 = arith.constant 0 : i32
    %dma_wait3A_426 = tpu.memref_slice %arg8[%dma_wait3A_423, %dma_wait3A_425] : memref<10x64xi32, #tpu.memory_space<vmem>> -> memref<1x64xi32, #tpu.memory_space<vmem>>
    %dma_wait3A_427 = tpu.memref_squeeze %dma_wait3A_426 : memref<1x64xi32, #tpu.memory_space<vmem>> -> memref<64xi32, #tpu.memory_space<vmem>>
    %dma_wait3A_428 = arith.constant 0 : i32
    %dma_wait3A_429 = tpu.memref_slice %arg2[%dma_wait3A_428] : memref<640000xi32, #tpu.memory_space<hbm>> -> memref<64xi32, #tpu.memory_space<hbm>>
    %dma_wait3A_430 = tpu.memref_slice %arg13[%dma_wait3A_424] : memref<24x!tpu.dma_semaphore, #tpu.memory_space<semaphore_mem>> -> memref<1x!tpu.dma_semaphore, #tpu.memory_space<semaphore_mem>>
    %dma_wait3A_431 = tpu.memref_squeeze %dma_wait3A_430 : memref<1x!tpu.dma_semaphore, #tpu.memory_space<semaphore_mem>> -> memref<!tpu.dma_semaphore, #tpu.memory_space<semaphore_mem>>
    %dma_wait3A_432 = arith.constant 0 : i32
    %dma_wait3A_433 = tpu.memref_slice %arg8[%dma_wait3A_423, %dma_wait3A_432] : memref<10x64xi32, #tpu.memory_space<vmem>> -> memref<1x64xi32, #tpu.memory_space<vmem>>
    %dma_wait3A_434 = tpu.memref_squeeze %dma_wait3A_433 : memref<1x64xi32, #tpu.memory_space<vmem>> -> memref<64xi32, #tpu.memory_space<vmem>>
    %dma_wait3A_435 = arith.constant 0 : i32
    %dma_wait3A_436 = tpu.memref_slice %arg2[%dma_wait3A_435] : memref<640000xi32, #tpu.memory_space<hbm>> -> memref<64xi32, #tpu.memory_space<hbm>>
    tpu.wait_dma2 semaphore(%dma_wait3A_431 : memref<!tpu.dma_semaphore, #tpu.memory_space<semaphore_mem>>) src(%dma_wait3A_436 : memref<64xi32, #tpu.memory_space<hbm>>) dst(%dma_wait3A_434 : memref<64xi32, #tpu.memory_space<vmem>>)
    %dma_start3A_437 = arith.constant 2 : i32
    %dma_start3A_438 = arith.constant 2 : i32
    %dma_start3A_439 = arith.constant 2 : i32
    %dma_start3A_440 = arith.constant 0 : i32
    %dma_start3A_441 = arith.constant 0 : i32
    %dma_start3A_442 = tpu.memref_slice %arg9[%dma_start3A_438, %dma_start3A_440, %dma_start3A_441] : memref<5x64x128xf32, #tpu.memory_space<vmem>> -> memref<1x64x128xf32, #tpu.memory_space<vmem>>
    %dma_start3A_443 = tpu.memref_squeeze %dma_start3A_442 : memref<1x64x128xf32, #tpu.memory_space<vmem>> -> memref<64x128xf32, #tpu.memory_space<vmem>>
    %dma_start3A_444 = arith.constant 0 : i32
    %dma_start3A_445 = tpu.memref_slice %arg7[%dma_start3A_437, %dma_start3A_444] : memref<10x64xi32, #tpu.memory_space<vmem>> -> memref<1x64xi32, #tpu.memory_space<vmem>>
    %dma_start3A_446 = tpu.memref_squeeze %dma_start3A_445 : memref<1x64xi32, #tpu.memory_space<vmem>> -> memref<64xi32, #tpu.memory_space<vmem>>
    %dma_start3A_447 = arith.constant 0 : i32
    %dma_start3A_448 = arith.constant 0 : i32
    %dma_start3A_449 = tpu.memref_slice %arg3[%dma_start3A_447, %dma_start3A_448] : memref<10000x128xf32, #tpu.memory_space<hbm>> -> memref<10000x128xf32, #tpu.memory_space<hbm>>
    %dma_start3A_450 = tpu.memref_slice %arg13[%dma_start3A_439] : memref<24x!tpu.dma_semaphore, #tpu.memory_space<semaphore_mem>> -> memref<1x!tpu.dma_semaphore, #tpu.memory_space<semaphore_mem>>
    %dma_start3A_451 = tpu.memref_squeeze %dma_start3A_450 : memref<1x!tpu.dma_semaphore, #tpu.memory_space<semaphore_mem>> -> memref<!tpu.dma_semaphore, #tpu.memory_space<semaphore_mem>>
    tpu.enqueue_indirect_dma source(%dma_start3A_449 : memref<10000x128xf32, #tpu.memory_space<hbm>>) target(%dma_start3A_443 : memref<64x128xf32, #tpu.memory_space<vmem>>) offsets(%dma_start3A_446 : memref<64xi32, #tpu.memory_space<vmem>>) semaphore(%dma_start3A_451 : memref<!tpu.dma_semaphore, #tpu.memory_space<semaphore_mem>>)
    %dma_wait3A_452 = arith.constant 3 : i32
    %dma_wait3A_453 = arith.constant 13 : i32
    %dma_wait3A_454 = arith.constant 0 : i32
    %dma_wait3A_455 = tpu.memref_slice %arg7[%dma_wait3A_452, %dma_wait3A_454] : memref<10x64xi32, #tpu.memory_space<vmem>> -> memref<1x64xi32, #tpu.memory_space<vmem>>
    %dma_wait3A_456 = tpu.memref_squeeze %dma_wait3A_455 : memref<1x64xi32, #tpu.memory_space<vmem>> -> memref<64xi32, #tpu.memory_space<vmem>>
    %dma_wait3A_457 = arith.constant 0 : i32
    %dma_wait3A_458 = tpu.memref_slice %arg2[%dma_wait3A_457] : memref<640000xi32, #tpu.memory_space<hbm>> -> memref<64xi32, #tpu.memory_space<hbm>>
    %dma_wait3A_459 = tpu.memref_slice %arg13[%dma_wait3A_453] : memref<24x!tpu.dma_semaphore, #tpu.memory_space<semaphore_mem>> -> memref<1x!tpu.dma_semaphore, #tpu.memory_space<semaphore_mem>>
    %dma_wait3A_460 = tpu.memref_squeeze %dma_wait3A_459 : memref<1x!tpu.dma_semaphore, #tpu.memory_space<semaphore_mem>> -> memref<!tpu.dma_semaphore, #tpu.memory_space<semaphore_mem>>
    %dma_wait3A_461 = arith.constant 0 : i32
    %dma_wait3A_462 = tpu.memref_slice %arg7[%dma_wait3A_452, %dma_wait3A_461] : memref<10x64xi32, #tpu.memory_space<vmem>> -> memref<1x64xi32, #tpu.memory_space<vmem>>
    %dma_wait3A_463 = tpu.memref_squeeze %dma_wait3A_462 : memref<1x64xi32, #tpu.memory_space<vmem>> -> memref<64xi32, #tpu.memory_space<vmem>>
    %dma_wait3A_464 = arith.constant 0 : i32
    %dma_wait3A_465 = tpu.memref_slice %arg2[%dma_wait3A_464] : memref<640000xi32, #tpu.memory_space<hbm>> -> memref<64xi32, #tpu.memory_space<hbm>>
    tpu.wait_dma2 semaphore(%dma_wait3A_460 : memref<!tpu.dma_semaphore, #tpu.memory_space<semaphore_mem>>) src(%dma_wait3A_465 : memref<64xi32, #tpu.memory_space<hbm>>) dst(%dma_wait3A_463 : memref<64xi32, #tpu.memory_space<vmem>>)
    %dma_wait3A_466 = arith.constant 3 : i32
    %dma_wait3A_467 = arith.constant 13 : i32
    %dma_wait3A_468 = arith.constant 0 : i32
    %dma_wait3A_469 = tpu.memref_slice %arg8[%dma_wait3A_466, %dma_wait3A_468] : memref<10x64xi32, #tpu.memory_space<vmem>> -> memref<1x64xi32, #tpu.memory_space<vmem>>
    %dma_wait3A_470 = tpu.memref_squeeze %dma_wait3A_469 : memref<1x64xi32, #tpu.memory_space<vmem>> -> memref<64xi32, #tpu.memory_space<vmem>>
    %dma_wait3A_471 = arith.constant 0 : i32
    %dma_wait3A_472 = tpu.memref_slice %arg2[%dma_wait3A_471] : memref<640000xi32, #tpu.memory_space<hbm>> -> memref<64xi32, #tpu.memory_space<hbm>>
    %dma_wait3A_473 = tpu.memref_slice %arg13[%dma_wait3A_467] : memref<24x!tpu.dma_semaphore, #tpu.memory_space<semaphore_mem>> -> memref<1x!tpu.dma_semaphore, #tpu.memory_space<semaphore_mem>>
    %dma_wait3A_474 = tpu.memref_squeeze %dma_wait3A_473 : memref<1x!tpu.dma_semaphore, #tpu.memory_space<semaphore_mem>> -> memref<!tpu.dma_semaphore, #tpu.memory_space<semaphore_mem>>
    %dma_wait3A_475 = arith.constant 0 : i32
    %dma_wait3A_476 = tpu.memref_slice %arg8[%dma_wait3A_466, %dma_wait3A_475] : memref<10x64xi32, #tpu.memory_space<vmem>> -> memref<1x64xi32, #tpu.memory_space<vmem>>
    %dma_wait3A_477 = tpu.memref_squeeze %dma_wait3A_476 : memref<1x64xi32, #tpu.memory_space<vmem>> -> memref<64xi32, #tpu.memory_space<vmem>>
    %dma_wait3A_478 = arith.constant 0 : i32
    %dma_wait3A_479 = tpu.memref_slice %arg2[%dma_wait3A_478] : memref<640000xi32, #tpu.memory_space<hbm>> -> memref<64xi32, #tpu.memory_space<hbm>>
    tpu.wait_dma2 semaphore(%dma_wait3A_474 : memref<!tpu.dma_semaphore, #tpu.memory_space<semaphore_mem>>) src(%dma_wait3A_479 : memref<64xi32, #tpu.memory_space<hbm>>) dst(%dma_wait3A_477 : memref<64xi32, #tpu.memory_space<vmem>>)
    %dma_start3A_480 = arith.constant 3 : i32
    %dma_start3A_481 = arith.constant 3 : i32
    %dma_start3A_482 = arith.constant 3 : i32
    %dma_start3A_483 = arith.constant 0 : i32
    %dma_start3A_484 = arith.constant 0 : i32
    %dma_start3A_485 = tpu.memref_slice %arg9[%dma_start3A_481, %dma_start3A_483, %dma_start3A_484] : memref<5x64x128xf32, #tpu.memory_space<vmem>> -> memref<1x64x128xf32, #tpu.memory_space<vmem>>
    %dma_start3A_486 = tpu.memref_squeeze %dma_start3A_485 : memref<1x64x128xf32, #tpu.memory_space<vmem>> -> memref<64x128xf32, #tpu.memory_space<vmem>>
    %dma_start3A_487 = arith.constant 0 : i32
    %dma_start3A_488 = tpu.memref_slice %arg7[%dma_start3A_480, %dma_start3A_487] : memref<10x64xi32, #tpu.memory_space<vmem>> -> memref<1x64xi32, #tpu.memory_space<vmem>>
    %dma_start3A_489 = tpu.memref_squeeze %dma_start3A_488 : memref<1x64xi32, #tpu.memory_space<vmem>> -> memref<64xi32, #tpu.memory_space<vmem>>
    %dma_start3A_490 = arith.constant 0 : i32
    %dma_start3A_491 = arith.constant 0 : i32
    %dma_start3A_492 = tpu.memref_slice %arg3[%dma_start3A_490, %dma_start3A_491] : memref<10000x128xf32, #tpu.memory_space<hbm>> -> memref<10000x128xf32, #tpu.memory_space<hbm>>
    %dma_start3A_493 = tpu.memref_slice %arg13[%dma_start3A_482] : memref<24x!tpu.dma_semaphore, #tpu.memory_space<semaphore_mem>> -> memref<1x!tpu.dma_semaphore, #tpu.memory_space<semaphore_mem>>
    %dma_start3A_494 = tpu.memref_squeeze %dma_start3A_493 : memref<1x!tpu.dma_semaphore, #tpu.memory_space<semaphore_mem>> -> memref<!tpu.dma_semaphore, #tpu.memory_space<semaphore_mem>>
    tpu.enqueue_indirect_dma source(%dma_start3A_492 : memref<10000x128xf32, #tpu.memory_space<hbm>>) target(%dma_start3A_486 : memref<64x128xf32, #tpu.memory_space<vmem>>) offsets(%dma_start3A_489 : memref<64xi32, #tpu.memory_space<vmem>>) semaphore(%dma_start3A_494 : memref<!tpu.dma_semaphore, #tpu.memory_space<semaphore_mem>>)
    %dma_wait3A_495 = arith.constant 4 : i32
    %dma_wait3A_496 = arith.constant 14 : i32
    %dma_wait3A_497 = arith.constant 0 : i32
    %dma_wait3A_498 = tpu.memref_slice %arg7[%dma_wait3A_495, %dma_wait3A_497] : memref<10x64xi32, #tpu.memory_space<vmem>> -> memref<1x64xi32, #tpu.memory_space<vmem>>
    %dma_wait3A_499 = tpu.memref_squeeze %dma_wait3A_498 : memref<1x64xi32, #tpu.memory_space<vmem>> -> memref<64xi32, #tpu.memory_space<vmem>>
    %dma_wait3A_500 = arith.constant 0 : i32
    %dma_wait3A_501 = tpu.memref_slice %arg2[%dma_wait3A_500] : memref<640000xi32, #tpu.memory_space<hbm>> -> memref<64xi32, #tpu.memory_space<hbm>>
    %dma_wait3A_502 = tpu.memref_slice %arg13[%dma_wait3A_496] : memref<24x!tpu.dma_semaphore, #tpu.memory_space<semaphore_mem>> -> memref<1x!tpu.dma_semaphore, #tpu.memory_space<semaphore_mem>>
    %dma_wait3A_503 = tpu.memref_squeeze %dma_wait3A_502 : memref<1x!tpu.dma_semaphore, #tpu.memory_space<semaphore_mem>> -> memref<!tpu.dma_semaphore, #tpu.memory_space<semaphore_mem>>
    %dma_wait3A_504 = arith.constant 0 : i32
    %dma_wait3A_505 = tpu.memref_slice %arg7[%dma_wait3A_495, %dma_wait3A_504] : memref<10x64xi32, #tpu.memory_space<vmem>> -> memref<1x64xi32, #tpu.memory_space<vmem>>
    %dma_wait3A_506 = tpu.memref_squeeze %dma_wait3A_505 : memref<1x64xi32, #tpu.memory_space<vmem>> -> memref<64xi32, #tpu.memory_space<vmem>>
    %dma_wait3A_507 = arith.constant 0 : i32
    %dma_wait3A_508 = tpu.memref_slice %arg2[%dma_wait3A_507] : memref<640000xi32, #tpu.memory_space<hbm>> -> memref<64xi32, #tpu.memory_space<hbm>>
    tpu.wait_dma2 semaphore(%dma_wait3A_503 : memref<!tpu.dma_semaphore, #tpu.memory_space<semaphore_mem>>) src(%dma_wait3A_508 : memref<64xi32, #tpu.memory_space<hbm>>) dst(%dma_wait3A_506 : memref<64xi32, #tpu.memory_space<vmem>>)
    %dma_wait3A_509 = arith.constant 4 : i32
    %dma_wait3A_510 = arith.constant 14 : i32
    %dma_wait3A_511 = arith.constant 0 : i32
    %dma_wait3A_512 = tpu.memref_slice %arg8[%dma_wait3A_509, %dma_wait3A_511] : memref<10x64xi32, #tpu.memory_space<vmem>> -> memref<1x64xi32, #tpu.memory_space<vmem>>
    %dma_wait3A_513 = tpu.memref_squeeze %dma_wait3A_512 : memref<1x64xi32, #tpu.memory_space<vmem>> -> memref<64xi32, #tpu.memory_space<vmem>>
    %dma_wait3A_514 = arith.constant 0 : i32
    %dma_wait3A_515 = tpu.memref_slice %arg2[%dma_wait3A_514] : memref<640000xi32, #tpu.memory_space<hbm>> -> memref<64xi32, #tpu.memory_space<hbm>>
    %dma_wait3A_516 = tpu.memref_slice %arg13[%dma_wait3A_510] : memref<24x!tpu.dma_semaphore, #tpu.memory_space<semaphore_mem>> -> memref<1x!tpu.dma_semaphore, #tpu.memory_space<semaphore_mem>>
    %dma_wait3A_517 = tpu.memref_squeeze %dma_wait3A_516 : memref<1x!tpu.dma_semaphore, #tpu.memory_space<semaphore_mem>> -> memref<!tpu.dma_semaphore, #tpu.memory_space<semaphore_mem>>
    %dma_wait3A_518 = arith.constant 0 : i32
    %dma_wait3A_519 = tpu.memref_slice %arg8[%dma_wait3A_509, %dma_wait3A_518] : memref<10x64xi32, #tpu.memory_space<vmem>> -> memref<1x64xi32, #tpu.memory_space<vmem>>
    %dma_wait3A_520 = tpu.memref_squeeze %dma_wait3A_519 : memref<1x64xi32, #tpu.memory_space<vmem>> -> memref<64xi32, #tpu.memory_space<vmem>>
    %dma_wait3A_521 = arith.constant 0 : i32
    %dma_wait3A_522 = tpu.memref_slice %arg2[%dma_wait3A_521] : memref<640000xi32, #tpu.memory_space<hbm>> -> memref<64xi32, #tpu.memory_space<hbm>>
    tpu.wait_dma2 semaphore(%dma_wait3A_517 : memref<!tpu.dma_semaphore, #tpu.memory_space<semaphore_mem>>) src(%dma_wait3A_522 : memref<64xi32, #tpu.memory_space<hbm>>) dst(%dma_wait3A_520 : memref<64xi32, #tpu.memory_space<vmem>>)
    %dma_start3A_523 = arith.constant 4 : i32
    %dma_start3A_524 = arith.constant 4 : i32
    %dma_start3A_525 = arith.constant 4 : i32
    %dma_start3A_526 = arith.constant 0 : i32
    %dma_start3A_527 = arith.constant 0 : i32
    %dma_start3A_528 = tpu.memref_slice %arg9[%dma_start3A_524, %dma_start3A_526, %dma_start3A_527] : memref<5x64x128xf32, #tpu.memory_space<vmem>> -> memref<1x64x128xf32, #tpu.memory_space<vmem>>
    %dma_start3A_529 = tpu.memref_squeeze %dma_start3A_528 : memref<1x64x128xf32, #tpu.memory_space<vmem>> -> memref<64x128xf32, #tpu.memory_space<vmem>>
    %dma_start3A_530 = arith.constant 0 : i32
    %dma_start3A_531 = tpu.memref_slice %arg7[%dma_start3A_523, %dma_start3A_530] : memref<10x64xi32, #tpu.memory_space<vmem>> -> memref<1x64xi32, #tpu.memory_space<vmem>>
    %dma_start3A_532 = tpu.memref_squeeze %dma_start3A_531 : memref<1x64xi32, #tpu.memory_space<vmem>> -> memref<64xi32, #tpu.memory_space<vmem>>
    %dma_start3A_533 = arith.constant 0 : i32
    %dma_start3A_534 = arith.constant 0 : i32
    %dma_start3A_535 = tpu.memref_slice %arg3[%dma_start3A_533, %dma_start3A_534] : memref<10000x128xf32, #tpu.memory_space<hbm>> -> memref<10000x128xf32, #tpu.memory_space<hbm>>
    %dma_start3A_536 = tpu.memref_slice %arg13[%dma_start3A_525] : memref<24x!tpu.dma_semaphore, #tpu.memory_space<semaphore_mem>> -> memref<1x!tpu.dma_semaphore, #tpu.memory_space<semaphore_mem>>
    %dma_start3A_537 = tpu.memref_squeeze %dma_start3A_536 : memref<1x!tpu.dma_semaphore, #tpu.memory_space<semaphore_mem>> -> memref<!tpu.dma_semaphore, #tpu.memory_space<semaphore_mem>>
    tpu.enqueue_indirect_dma source(%dma_start3A_535 : memref<10000x128xf32, #tpu.memory_space<hbm>>) target(%dma_start3A_529 : memref<64x128xf32, #tpu.memory_space<vmem>>) offsets(%dma_start3A_532 : memref<64xi32, #tpu.memory_space<vmem>>) semaphore(%dma_start3A_537 : memref<!tpu.dma_semaphore, #tpu.memory_space<semaphore_mem>>)
    %lt3A_538 = arith.constant 10 : i32
    %lt3A_539 = arith.cmpi slt, %arg1, %lt3A_538 : i32
    %convert_element_type3A_540 = arith.extui %lt3A_539 : i1 to i32
    %cond3A_541 = arith.constant 23 : i32
    %cond3A_542 = arith.constant 0 : i32
    %cond3A_543 = arith.cmpi ne, %convert_element_type3A_540, %cond3A_542 : i32
    scf.if %cond3A_543 {
      %dma_wait3A_2016 = tpu.memref_slice %arg13[%cond3A_541] : memref<24x!tpu.dma_semaphore, #tpu.memory_space<semaphore_mem>> -> memref<1x!tpu.dma_semaphore, #tpu.memory_space<semaphore_mem>>
      %dma_wait3A_2017 = tpu.memref_squeeze %dma_wait3A_2016 : memref<1x!tpu.dma_semaphore, #tpu.memory_space<semaphore_mem>> -> memref<!tpu.dma_semaphore, #tpu.memory_space<semaphore_mem>>
      %dma_wait3A_2018 = arith.constant 0 : i32
      %dma_wait3A_2019 = arith.constant 0 : i32
      %dma_wait3A_2020 = tpu.memref_slice %arg6[%dma_wait3A_2018, %dma_wait3A_2019] : memref<10000x128xf32, #tpu.memory_space<vmem_shared>> -> memref<1000x128xf32, #tpu.memory_space<vmem_shared>>
      tpu.wait_dma2 semaphore(%dma_wait3A_2017 : memref<!tpu.dma_semaphore, #tpu.memory_space<semaphore_mem>>) src(%arg4 : memref<1000x128xf32, #tpu.memory_space<hbm>>) dst(%dma_wait3A_2020 : memref<1000x128xf32, #tpu.memory_space<vmem_shared>>)
    } else {
    }
    %barrier3A = arith.constant 0 : index
    tpu.barrier barrier_id(%barrier3A)
    %scan3A = arith.constant 0 : i32
    %scan3A_544 = arith.constant 0 : i32
    %scan3A_545 = arith.constant 5 : i32
    %scan3A_546 = arith.constant 1 : i32
    %scan3A_547 = arith.constant 6 : i32
    %scan3A_548 = arith.constant 2 : i32
    %scan3A_549 = arith.constant 7 : i32
    %scan3A_550 = arith.constant 3 : i32
    %scan3A_551 = arith.constant 8 : i32
    %scan3A_552 = arith.constant 4 : i32
    %scan3A_553 = arith.constant 9 : i32
    %scan3A_554 = arith.constant 10 : i32
    %scan3A_555 = arith.constant 15 : i32
    %scan3A_556 = arith.constant 11 : i32
    %scan3A_557 = arith.constant 16 : i32
    %scan3A_558 = arith.constant 12 : i32
    %scan3A_559 = arith.constant 17 : i32
    %scan3A_560 = arith.constant 13 : i32
    %scan3A_561 = arith.constant 18 : i32
    %scan3A_562 = arith.constant 14 : i32
    %scan3A_563 = arith.constant 19 : i32
    %scan3A_564 = arith.constant 0 : i32
    %scan3A_565 = arith.constant 14 : i32
    %scan3A_566 = arith.addi %scan3A_564, %scan3A_565 : i32
    %scan3A_567 = arith.constant 1 : i32
    scf.for %scan3A_2016 = %scan3A_564 to %scan3A_566 step %scan3A_567  : i32 {
      %mul3A_2017 = arith.constant 10 : i32
      %mul3A_2018 = arith.muli %scan3A_2016, %mul3A_2017 : i32
      %dma_wait3A_2019 = arith.constant 0 : i32
      %dma_wait3A_2020 = arith.constant 0 : i32
      %dma_wait3A_2021 = arith.constant 0 : i32
      %dma_wait3A_2022 = arith.constant 0 : i32
      %dma_wait3A_2023 = tpu.memref_slice %arg9[%dma_wait3A_2020, %dma_wait3A_2021, %dma_wait3A_2022] : memref<5x64x128xf32, #tpu.memory_space<vmem>> -> memref<1x64x128xf32, #tpu.memory_space<vmem>>
      %dma_wait3A_2024 = tpu.memref_squeeze %dma_wait3A_2023 : memref<1x64x128xf32, #tpu.memory_space<vmem>> -> memref<64x128xf32, #tpu.memory_space<vmem>>
      %dma_wait3A_2025 = arith.constant 0 : i32
      %dma_wait3A_2026 = tpu.memref_slice %arg7[%dma_wait3A_2019, %dma_wait3A_2025] : memref<10x64xi32, #tpu.memory_space<vmem>> -> memref<1x64xi32, #tpu.memory_space<vmem>>
      %dma_wait3A_2027 = tpu.memref_squeeze %dma_wait3A_2026 : memref<1x64xi32, #tpu.memory_space<vmem>> -> memref<64xi32, #tpu.memory_space<vmem>>
      %dma_wait3A_2028 = arith.constant 0 : i32
      %dma_wait3A_2029 = arith.constant 0 : i32
      %dma_wait3A_2030 = tpu.memref_slice %arg3[%dma_wait3A_2028, %dma_wait3A_2029] : memref<10000x128xf32, #tpu.memory_space<hbm>> -> memref<10000x128xf32, #tpu.memory_space<hbm>>
      %dma_wait3A_2031 = tpu.memref_slice %arg13[%scan3A_544] : memref<24x!tpu.dma_semaphore, #tpu.memory_space<semaphore_mem>> -> memref<1x!tpu.dma_semaphore, #tpu.memory_space<semaphore_mem>>
      %dma_wait3A_2032 = tpu.memref_squeeze %dma_wait3A_2031 : memref<1x!tpu.dma_semaphore, #tpu.memory_space<semaphore_mem>> -> memref<!tpu.dma_semaphore, #tpu.memory_space<semaphore_mem>>
      tpu.wait_indirect_dma semaphore(%dma_wait3A_2032 : memref<!tpu.dma_semaphore, #tpu.memory_space<semaphore_mem>>) src(%dma_wait3A_2030 : memref<10000x128xf32, #tpu.memory_space<hbm>>) dst(%dma_wait3A_2024 : memref<64x128xf32, #tpu.memory_space<vmem>>)
      %dma_start3A_2033 = arith.constant 0 : i32
      %dma_start3A_2034 = arith.constant 0 : i32
      %dma_start3A_2035 = arith.constant 0 : i32
      %dma_start3A_2036 = arith.constant 0 : i32
      %dma_start3A_2037 = tpu.memref_slice %arg9[%dma_start3A_2033, %dma_start3A_2035, %dma_start3A_2036] : memref<5x64x128xf32, #tpu.memory_space<vmem>> -> memref<1x64x128xf32, #tpu.memory_space<vmem>>
      %dma_start3A_2038 = tpu.memref_squeeze %dma_start3A_2037 : memref<1x64x128xf32, #tpu.memory_space<vmem>> -> memref<64x128xf32, #tpu.memory_space<vmem>>
      %dma_start3A_2039 = arith.constant 0 : i32
      %dma_start3A_2040 = tpu.memref_slice %arg8[%dma_start3A_2034, %dma_start3A_2039] : memref<10x64xi32, #tpu.memory_space<vmem>> -> memref<1x64xi32, #tpu.memory_space<vmem>>
      %dma_start3A_2041 = tpu.memref_squeeze %dma_start3A_2040 : memref<1x64xi32, #tpu.memory_space<vmem>> -> memref<64xi32, #tpu.memory_space<vmem>>
      %dma_start3A_2042 = arith.constant 0 : i32
      %dma_start3A_2043 = arith.constant 0 : i32
      %dma_start3A_2044 = tpu.memref_slice %arg6[%dma_start3A_2042, %dma_start3A_2043] : memref<10000x128xf32, #tpu.memory_space<vmem_shared>> -> memref<10000x128xf32, #tpu.memory_space<vmem_shared>>
      %dma_start3A_2045 = tpu.memref_slice %arg13[%scan3A_545] : memref<24x!tpu.dma_semaphore, #tpu.memory_space<semaphore_mem>> -> memref<1x!tpu.dma_semaphore, #tpu.memory_space<semaphore_mem>>
      %dma_start3A_2046 = tpu.memref_squeeze %dma_start3A_2045 : memref<1x!tpu.dma_semaphore, #tpu.memory_space<semaphore_mem>> -> memref<!tpu.dma_semaphore, #tpu.memory_space<semaphore_mem>>
      tpu.enqueue_indirect_dma source(%dma_start3A_2038 : memref<64x128xf32, #tpu.memory_space<vmem>>) target(%dma_start3A_2044 : memref<10000x128xf32, #tpu.memory_space<vmem_shared>>) offsets(%dma_start3A_2041 : memref<64xi32, #tpu.memory_space<vmem>>) semaphore(%dma_start3A_2046 : memref<!tpu.dma_semaphore, #tpu.memory_space<semaphore_mem>>) {add = true}
      %dma_wait3A_2047 = arith.constant 0 : i32
      %dma_wait3A_2048 = arith.constant 1 : i32
      %dma_wait3A_2049 = arith.constant 0 : i32
      %dma_wait3A_2050 = arith.constant 0 : i32
      %dma_wait3A_2051 = tpu.memref_slice %arg9[%dma_wait3A_2048, %dma_wait3A_2049, %dma_wait3A_2050] : memref<5x64x128xf32, #tpu.memory_space<vmem>> -> memref<1x64x128xf32, #tpu.memory_space<vmem>>
      %dma_wait3A_2052 = tpu.memref_squeeze %dma_wait3A_2051 : memref<1x64x128xf32, #tpu.memory_space<vmem>> -> memref<64x128xf32, #tpu.memory_space<vmem>>
      %dma_wait3A_2053 = arith.constant 0 : i32
      %dma_wait3A_2054 = tpu.memref_slice %arg7[%dma_wait3A_2047, %dma_wait3A_2053] : memref<10x64xi32, #tpu.memory_space<vmem>> -> memref<1x64xi32, #tpu.memory_space<vmem>>
      %dma_wait3A_2055 = tpu.memref_squeeze %dma_wait3A_2054 : memref<1x64xi32, #tpu.memory_space<vmem>> -> memref<64xi32, #tpu.memory_space<vmem>>
      %dma_wait3A_2056 = arith.constant 0 : i32
      %dma_wait3A_2057 = arith.constant 0 : i32
      %dma_wait3A_2058 = tpu.memref_slice %arg3[%dma_wait3A_2056, %dma_wait3A_2057] : memref<10000x128xf32, #tpu.memory_space<hbm>> -> memref<10000x128xf32, #tpu.memory_space<hbm>>
      %dma_wait3A_2059 = tpu.memref_slice %arg13[%scan3A_546] : memref<24x!tpu.dma_semaphore, #tpu.memory_space<semaphore_mem>> -> memref<1x!tpu.dma_semaphore, #tpu.memory_space<semaphore_mem>>
      %dma_wait3A_2060 = tpu.memref_squeeze %dma_wait3A_2059 : memref<1x!tpu.dma_semaphore, #tpu.memory_space<semaphore_mem>> -> memref<!tpu.dma_semaphore, #tpu.memory_space<semaphore_mem>>
      tpu.wait_indirect_dma semaphore(%dma_wait3A_2060 : memref<!tpu.dma_semaphore, #tpu.memory_space<semaphore_mem>>) src(%dma_wait3A_2058 : memref<10000x128xf32, #tpu.memory_space<hbm>>) dst(%dma_wait3A_2052 : memref<64x128xf32, #tpu.memory_space<vmem>>)
      %dma_start3A_2061 = arith.constant 1 : i32
      %dma_start3A_2062 = arith.constant 1 : i32
      %dma_start3A_2063 = arith.constant 0 : i32
      %dma_start3A_2064 = arith.constant 0 : i32
      %dma_start3A_2065 = tpu.memref_slice %arg9[%dma_start3A_2061, %dma_start3A_2063, %dma_start3A_2064] : memref<5x64x128xf32, #tpu.memory_space<vmem>> -> memref<1x64x128xf32, #tpu.memory_space<vmem>>
      %dma_start3A_2066 = tpu.memref_squeeze %dma_start3A_2065 : memref<1x64x128xf32, #tpu.memory_space<vmem>> -> memref<64x128xf32, #tpu.memory_space<vmem>>
      %dma_start3A_2067 = arith.constant 0 : i32
      %dma_start3A_2068 = tpu.memref_slice %arg8[%dma_start3A_2062, %dma_start3A_2067] : memref<10x64xi32, #tpu.memory_space<vmem>> -> memref<1x64xi32, #tpu.memory_space<vmem>>
      %dma_start3A_2069 = tpu.memref_squeeze %dma_start3A_2068 : memref<1x64xi32, #tpu.memory_space<vmem>> -> memref<64xi32, #tpu.memory_space<vmem>>
      %dma_start3A_2070 = arith.constant 0 : i32
      %dma_start3A_2071 = arith.constant 0 : i32
      %dma_start3A_2072 = tpu.memref_slice %arg6[%dma_start3A_2070, %dma_start3A_2071] : memref<10000x128xf32, #tpu.memory_space<vmem_shared>> -> memref<10000x128xf32, #tpu.memory_space<vmem_shared>>
      %dma_start3A_2073 = tpu.memref_slice %arg13[%scan3A_547] : memref<24x!tpu.dma_semaphore, #tpu.memory_space<semaphore_mem>> -> memref<1x!tpu.dma_semaphore, #tpu.memory_space<semaphore_mem>>
      %dma_start3A_2074 = tpu.memref_squeeze %dma_start3A_2073 : memref<1x!tpu.dma_semaphore, #tpu.memory_space<semaphore_mem>> -> memref<!tpu.dma_semaphore, #tpu.memory_space<semaphore_mem>>
      tpu.enqueue_indirect_dma source(%dma_start3A_2066 : memref<64x128xf32, #tpu.memory_space<vmem>>) target(%dma_start3A_2072 : memref<10000x128xf32, #tpu.memory_space<vmem_shared>>) offsets(%dma_start3A_2069 : memref<64xi32, #tpu.memory_space<vmem>>) semaphore(%dma_start3A_2074 : memref<!tpu.dma_semaphore, #tpu.memory_space<semaphore_mem>>) {add = true}
      %dma_wait3A_2075 = arith.constant 0 : i32
      %dma_wait3A_2076 = arith.constant 2 : i32
      %dma_wait3A_2077 = arith.constant 0 : i32
      %dma_wait3A_2078 = arith.constant 0 : i32
      %dma_wait3A_2079 = tpu.memref_slice %arg9[%dma_wait3A_2076, %dma_wait3A_2077, %dma_wait3A_2078] : memref<5x64x128xf32, #tpu.memory_space<vmem>> -> memref<1x64x128xf32, #tpu.memory_space<vmem>>
      %dma_wait3A_2080 = tpu.memref_squeeze %dma_wait3A_2079 : memref<1x64x128xf32, #tpu.memory_space<vmem>> -> memref<64x128xf32, #tpu.memory_space<vmem>>
      %dma_wait3A_2081 = arith.constant 0 : i32
      %dma_wait3A_2082 = tpu.memref_slice %arg7[%dma_wait3A_2075, %dma_wait3A_2081] : memref<10x64xi32, #tpu.memory_space<vmem>> -> memref<1x64xi32, #tpu.memory_space<vmem>>
      %dma_wait3A_2083 = tpu.memref_squeeze %dma_wait3A_2082 : memref<1x64xi32, #tpu.memory_space<vmem>> -> memref<64xi32, #tpu.memory_space<vmem>>
      %dma_wait3A_2084 = arith.constant 0 : i32
      %dma_wait3A_2085 = arith.constant 0 : i32
      %dma_wait3A_2086 = tpu.memref_slice %arg3[%dma_wait3A_2084, %dma_wait3A_2085] : memref<10000x128xf32, #tpu.memory_space<hbm>> -> memref<10000x128xf32, #tpu.memory_space<hbm>>
      %dma_wait3A_2087 = tpu.memref_slice %arg13[%scan3A_548] : memref<24x!tpu.dma_semaphore, #tpu.memory_space<semaphore_mem>> -> memref<1x!tpu.dma_semaphore, #tpu.memory_space<semaphore_mem>>
      %dma_wait3A_2088 = tpu.memref_squeeze %dma_wait3A_2087 : memref<1x!tpu.dma_semaphore, #tpu.memory_space<semaphore_mem>> -> memref<!tpu.dma_semaphore, #tpu.memory_space<semaphore_mem>>
      tpu.wait_indirect_dma semaphore(%dma_wait3A_2088 : memref<!tpu.dma_semaphore, #tpu.memory_space<semaphore_mem>>) src(%dma_wait3A_2086 : memref<10000x128xf32, #tpu.memory_space<hbm>>) dst(%dma_wait3A_2080 : memref<64x128xf32, #tpu.memory_space<vmem>>)
      %dma_start3A_2089 = arith.constant 2 : i32
      %dma_start3A_2090 = arith.constant 2 : i32
      %dma_start3A_2091 = arith.constant 0 : i32
      %dma_start3A_2092 = arith.constant 0 : i32
      %dma_start3A_2093 = tpu.memref_slice %arg9[%dma_start3A_2089, %dma_start3A_2091, %dma_start3A_2092] : memref<5x64x128xf32, #tpu.memory_space<vmem>> -> memref<1x64x128xf32, #tpu.memory_space<vmem>>
      %dma_start3A_2094 = tpu.memref_squeeze %dma_start3A_2093 : memref<1x64x128xf32, #tpu.memory_space<vmem>> -> memref<64x128xf32, #tpu.memory_space<vmem>>
      %dma_start3A_2095 = arith.constant 0 : i32
      %dma_start3A_2096 = tpu.memref_slice %arg8[%dma_start3A_2090, %dma_start3A_2095] : memref<10x64xi32, #tpu.memory_space<vmem>> -> memref<1x64xi32, #tpu.memory_space<vmem>>
      %dma_start3A_2097 = tpu.memref_squeeze %dma_start3A_2096 : memref<1x64xi32, #tpu.memory_space<vmem>> -> memref<64xi32, #tpu.memory_space<vmem>>
      %dma_start3A_2098 = arith.constant 0 : i32
      %dma_start3A_2099 = arith.constant 0 : i32
      %dma_start3A_2100 = tpu.memref_slice %arg6[%dma_start3A_2098, %dma_start3A_2099] : memref<10000x128xf32, #tpu.memory_space<vmem_shared>> -> memref<10000x128xf32, #tpu.memory_space<vmem_shared>>
      %dma_start3A_2101 = tpu.memref_slice %arg13[%scan3A_549] : memref<24x!tpu.dma_semaphore, #tpu.memory_space<semaphore_mem>> -> memref<1x!tpu.dma_semaphore, #tpu.memory_space<semaphore_mem>>
      %dma_start3A_2102 = tpu.memref_squeeze %dma_start3A_2101 : memref<1x!tpu.dma_semaphore, #tpu.memory_space<semaphore_mem>> -> memref<!tpu.dma_semaphore, #tpu.memory_space<semaphore_mem>>
      tpu.enqueue_indirect_dma source(%dma_start3A_2094 : memref<64x128xf32, #tpu.memory_space<vmem>>) target(%dma_start3A_2100 : memref<10000x128xf32, #tpu.memory_space<vmem_shared>>) offsets(%dma_start3A_2097 : memref<64xi32, #tpu.memory_space<vmem>>) semaphore(%dma_start3A_2102 : memref<!tpu.dma_semaphore, #tpu.memory_space<semaphore_mem>>) {add = true}
      %dma_wait3A_2103 = arith.constant 0 : i32
      %dma_wait3A_2104 = arith.constant 3 : i32
      %dma_wait3A_2105 = arith.constant 0 : i32
      %dma_wait3A_2106 = arith.constant 0 : i32
      %dma_wait3A_2107 = tpu.memref_slice %arg9[%dma_wait3A_2104, %dma_wait3A_2105, %dma_wait3A_2106] : memref<5x64x128xf32, #tpu.memory_space<vmem>> -> memref<1x64x128xf32, #tpu.memory_space<vmem>>
      %dma_wait3A_2108 = tpu.memref_squeeze %dma_wait3A_2107 : memref<1x64x128xf32, #tpu.memory_space<vmem>> -> memref<64x128xf32, #tpu.memory_space<vmem>>
      %dma_wait3A_2109 = arith.constant 0 : i32
      %dma_wait3A_2110 = tpu.memref_slice %arg7[%dma_wait3A_2103, %dma_wait3A_2109] : memref<10x64xi32, #tpu.memory_space<vmem>> -> memref<1x64xi32, #tpu.memory_space<vmem>>
      %dma_wait3A_2111 = tpu.memref_squeeze %dma_wait3A_2110 : memref<1x64xi32, #tpu.memory_space<vmem>> -> memref<64xi32, #tpu.memory_space<vmem>>
      %dma_wait3A_2112 = arith.constant 0 : i32
      %dma_wait3A_2113 = arith.constant 0 : i32
      %dma_wait3A_2114 = tpu.memref_slice %arg3[%dma_wait3A_2112, %dma_wait3A_2113] : memref<10000x128xf32, #tpu.memory_space<hbm>> -> memref<10000x128xf32, #tpu.memory_space<hbm>>
      %dma_wait3A_2115 = tpu.memref_slice %arg13[%scan3A_550] : memref<24x!tpu.dma_semaphore, #tpu.memory_space<semaphore_mem>> -> memref<1x!tpu.dma_semaphore, #tpu.memory_space<semaphore_mem>>
      %dma_wait3A_2116 = tpu.memref_squeeze %dma_wait3A_2115 : memref<1x!tpu.dma_semaphore, #tpu.memory_space<semaphore_mem>> -> memref<!tpu.dma_semaphore, #tpu.memory_space<semaphore_mem>>
      tpu.wait_indirect_dma semaphore(%dma_wait3A_2116 : memref<!tpu.dma_semaphore, #tpu.memory_space<semaphore_mem>>) src(%dma_wait3A_2114 : memref<10000x128xf32, #tpu.memory_space<hbm>>) dst(%dma_wait3A_2108 : memref<64x128xf32, #tpu.memory_space<vmem>>)
      %dma_start3A_2117 = arith.constant 3 : i32
      %dma_start3A_2118 = arith.constant 3 : i32
      %dma_start3A_2119 = arith.constant 0 : i32
      %dma_start3A_2120 = arith.constant 0 : i32
      %dma_start3A_2121 = tpu.memref_slice %arg9[%dma_start3A_2117, %dma_start3A_2119, %dma_start3A_2120] : memref<5x64x128xf32, #tpu.memory_space<vmem>> -> memref<1x64x128xf32, #tpu.memory_space<vmem>>
      %dma_start3A_2122 = tpu.memref_squeeze %dma_start3A_2121 : memref<1x64x128xf32, #tpu.memory_space<vmem>> -> memref<64x128xf32, #tpu.memory_space<vmem>>
      %dma_start3A_2123 = arith.constant 0 : i32
      %dma_start3A_2124 = tpu.memref_slice %arg8[%dma_start3A_2118, %dma_start3A_2123] : memref<10x64xi32, #tpu.memory_space<vmem>> -> memref<1x64xi32, #tpu.memory_space<vmem>>
      %dma_start3A_2125 = tpu.memref_squeeze %dma_start3A_2124 : memref<1x64xi32, #tpu.memory_space<vmem>> -> memref<64xi32, #tpu.memory_space<vmem>>
      %dma_start3A_2126 = arith.constant 0 : i32
      %dma_start3A_2127 = arith.constant 0 : i32
      %dma_start3A_2128 = tpu.memref_slice %arg6[%dma_start3A_2126, %dma_start3A_2127] : memref<10000x128xf32, #tpu.memory_space<vmem_shared>> -> memref<10000x128xf32, #tpu.memory_space<vmem_shared>>
      %dma_start3A_2129 = tpu.memref_slice %arg13[%scan3A_551] : memref<24x!tpu.dma_semaphore, #tpu.memory_space<semaphore_mem>> -> memref<1x!tpu.dma_semaphore, #tpu.memory_space<semaphore_mem>>
      %dma_start3A_2130 = tpu.memref_squeeze %dma_start3A_2129 : memref<1x!tpu.dma_semaphore, #tpu.memory_space<semaphore_mem>> -> memref<!tpu.dma_semaphore, #tpu.memory_space<semaphore_mem>>
      tpu.enqueue_indirect_dma source(%dma_start3A_2122 : memref<64x128xf32, #tpu.memory_space<vmem>>) target(%dma_start3A_2128 : memref<10000x128xf32, #tpu.memory_space<vmem_shared>>) offsets(%dma_start3A_2125 : memref<64xi32, #tpu.memory_space<vmem>>) semaphore(%dma_start3A_2130 : memref<!tpu.dma_semaphore, #tpu.memory_space<semaphore_mem>>) {add = true}
      %dma_wait3A_2131 = arith.constant 0 : i32
      %dma_wait3A_2132 = arith.constant 4 : i32
      %dma_wait3A_2133 = arith.constant 0 : i32
      %dma_wait3A_2134 = arith.constant 0 : i32
      %dma_wait3A_2135 = tpu.memref_slice %arg9[%dma_wait3A_2132, %dma_wait3A_2133, %dma_wait3A_2134] : memref<5x64x128xf32, #tpu.memory_space<vmem>> -> memref<1x64x128xf32, #tpu.memory_space<vmem>>
      %dma_wait3A_2136 = tpu.memref_squeeze %dma_wait3A_2135 : memref<1x64x128xf32, #tpu.memory_space<vmem>> -> memref<64x128xf32, #tpu.memory_space<vmem>>
      %dma_wait3A_2137 = arith.constant 0 : i32
      %dma_wait3A_2138 = tpu.memref_slice %arg7[%dma_wait3A_2131, %dma_wait3A_2137] : memref<10x64xi32, #tpu.memory_space<vmem>> -> memref<1x64xi32, #tpu.memory_space<vmem>>
      %dma_wait3A_2139 = tpu.memref_squeeze %dma_wait3A_2138 : memref<1x64xi32, #tpu.memory_space<vmem>> -> memref<64xi32, #tpu.memory_space<vmem>>
      %dma_wait3A_2140 = arith.constant 0 : i32
      %dma_wait3A_2141 = arith.constant 0 : i32
      %dma_wait3A_2142 = tpu.memref_slice %arg3[%dma_wait3A_2140, %dma_wait3A_2141] : memref<10000x128xf32, #tpu.memory_space<hbm>> -> memref<10000x128xf32, #tpu.memory_space<hbm>>
      %dma_wait3A_2143 = tpu.memref_slice %arg13[%scan3A_552] : memref<24x!tpu.dma_semaphore, #tpu.memory_space<semaphore_mem>> -> memref<1x!tpu.dma_semaphore, #tpu.memory_space<semaphore_mem>>
      %dma_wait3A_2144 = tpu.memref_squeeze %dma_wait3A_2143 : memref<1x!tpu.dma_semaphore, #tpu.memory_space<semaphore_mem>> -> memref<!tpu.dma_semaphore, #tpu.memory_space<semaphore_mem>>
      tpu.wait_indirect_dma semaphore(%dma_wait3A_2144 : memref<!tpu.dma_semaphore, #tpu.memory_space<semaphore_mem>>) src(%dma_wait3A_2142 : memref<10000x128xf32, #tpu.memory_space<hbm>>) dst(%dma_wait3A_2136 : memref<64x128xf32, #tpu.memory_space<vmem>>)
      %dma_start3A_2145 = arith.constant 4 : i32
      %dma_start3A_2146 = arith.constant 4 : i32
      %dma_start3A_2147 = arith.constant 0 : i32
      %dma_start3A_2148 = arith.constant 0 : i32
      %dma_start3A_2149 = tpu.memref_slice %arg9[%dma_start3A_2145, %dma_start3A_2147, %dma_start3A_2148] : memref<5x64x128xf32, #tpu.memory_space<vmem>> -> memref<1x64x128xf32, #tpu.memory_space<vmem>>
      %dma_start3A_2150 = tpu.memref_squeeze %dma_start3A_2149 : memref<1x64x128xf32, #tpu.memory_space<vmem>> -> memref<64x128xf32, #tpu.memory_space<vmem>>
      %dma_start3A_2151 = arith.constant 0 : i32
      %dma_start3A_2152 = tpu.memref_slice %arg8[%dma_start3A_2146, %dma_start3A_2151] : memref<10x64xi32, #tpu.memory_space<vmem>> -> memref<1x64xi32, #tpu.memory_space<vmem>>
      %dma_start3A_2153 = tpu.memref_squeeze %dma_start3A_2152 : memref<1x64xi32, #tpu.memory_space<vmem>> -> memref<64xi32, #tpu.memory_space<vmem>>
      %dma_start3A_2154 = arith.constant 0 : i32
      %dma_start3A_2155 = arith.constant 0 : i32
      %dma_start3A_2156 = tpu.memref_slice %arg6[%dma_start3A_2154, %dma_start3A_2155] : memref<10000x128xf32, #tpu.memory_space<vmem_shared>> -> memref<10000x128xf32, #tpu.memory_space<vmem_shared>>
      %dma_start3A_2157 = tpu.memref_slice %arg13[%scan3A_553] : memref<24x!tpu.dma_semaphore, #tpu.memory_space<semaphore_mem>> -> memref<1x!tpu.dma_semaphore, #tpu.memory_space<semaphore_mem>>
      %dma_start3A_2158 = tpu.memref_squeeze %dma_start3A_2157 : memref<1x!tpu.dma_semaphore, #tpu.memory_space<semaphore_mem>> -> memref<!tpu.dma_semaphore, #tpu.memory_space<semaphore_mem>>
      tpu.enqueue_indirect_dma source(%dma_start3A_2150 : memref<64x128xf32, #tpu.memory_space<vmem>>) target(%dma_start3A_2156 : memref<10000x128xf32, #tpu.memory_space<vmem_shared>>) offsets(%dma_start3A_2153 : memref<64xi32, #tpu.memory_space<vmem>>) semaphore(%dma_start3A_2158 : memref<!tpu.dma_semaphore, #tpu.memory_space<semaphore_mem>>) {add = true}
      %dma_wait3A_2159 = arith.constant 0 : i32
      %dma_wait3A_2160 = arith.constant 0 : i32
      %dma_wait3A_2161 = arith.constant 0 : i32
      %dma_wait3A_2162 = arith.constant 0 : i32
      %dma_wait3A_2163 = tpu.memref_slice %arg9[%dma_wait3A_2159, %dma_wait3A_2161, %dma_wait3A_2162] : memref<5x64x128xf32, #tpu.memory_space<vmem>> -> memref<1x64x128xf32, #tpu.memory_space<vmem>>
      %dma_wait3A_2164 = tpu.memref_squeeze %dma_wait3A_2163 : memref<1x64x128xf32, #tpu.memory_space<vmem>> -> memref<64x128xf32, #tpu.memory_space<vmem>>
      %dma_wait3A_2165 = arith.constant 0 : i32
      %dma_wait3A_2166 = tpu.memref_slice %arg8[%dma_wait3A_2160, %dma_wait3A_2165] : memref<10x64xi32, #tpu.memory_space<vmem>> -> memref<1x64xi32, #tpu.memory_space<vmem>>
      %dma_wait3A_2167 = tpu.memref_squeeze %dma_wait3A_2166 : memref<1x64xi32, #tpu.memory_space<vmem>> -> memref<64xi32, #tpu.memory_space<vmem>>
      %dma_wait3A_2168 = arith.constant 0 : i32
      %dma_wait3A_2169 = arith.constant 0 : i32
      %dma_wait3A_2170 = tpu.memref_slice %arg6[%dma_wait3A_2168, %dma_wait3A_2169] : memref<10000x128xf32, #tpu.memory_space<vmem_shared>> -> memref<10000x128xf32, #tpu.memory_space<vmem_shared>>
      %dma_wait3A_2171 = tpu.memref_slice %arg13[%scan3A_545] : memref<24x!tpu.dma_semaphore, #tpu.memory_space<semaphore_mem>> -> memref<1x!tpu.dma_semaphore, #tpu.memory_space<semaphore_mem>>
      %dma_wait3A_2172 = tpu.memref_squeeze %dma_wait3A_2171 : memref<1x!tpu.dma_semaphore, #tpu.memory_space<semaphore_mem>> -> memref<!tpu.dma_semaphore, #tpu.memory_space<semaphore_mem>>
      tpu.wait_indirect_dma semaphore(%dma_wait3A_2172 : memref<!tpu.dma_semaphore, #tpu.memory_space<semaphore_mem>>) src(%dma_wait3A_2164 : memref<64x128xf32, #tpu.memory_space<vmem>>) dst(%dma_wait3A_2170 : memref<10000x128xf32, #tpu.memory_space<vmem_shared>>)
      %add3A_2173 = arith.constant 4 : i32
      %add3A_2174 = arith.addi %mul3A_2018, %add3A_2173 : i32
      %sub3A = arith.constant 5 : i32
      %sub3A_2175 = arith.subi %add3A_2174, %sub3A : i32
      %add3A_2176 = arith.constant 1 : i32
      %add3A_2177 = arith.addi %sub3A_2175, %add3A_2176 : i32
      %add3A_2178 = arith.constant 0 : i32
      %add3A_2179 = arith.addi %add3A_2177, %add3A_2178 : i32
      %add3A_2180 = arith.constant 10 : i32
      %add3A_2181 = arith.addi %add3A_2179, %add3A_2180 : i32
      %mul3A_2182 = arith.constant 64 : i32
      %mul3A_2183 = arith.muli %add3A_2181, %mul3A_2182 : i32
      %add3A_2184 = arith.addi %mul3A_2, %mul3A_2183 : i32
      %multiple_of3A_2185 = tpu.assume_multiple %add3A_2184, 8 : i32
      %add3A_2186 = arith.constant 320000 : i32
      %add3A_2187 = arith.addi %add3A_2186, %mul3A_2 : i32
      %mul3A_2188 = arith.constant 64 : i32
      %mul3A_2189 = arith.muli %add3A_2181, %mul3A_2188 : i32
      %add3A_2190 = arith.addi %add3A_2187, %mul3A_2189 : i32
      %multiple_of3A_2191 = tpu.assume_multiple %add3A_2190, 8 : i32
      %dma_start3A_2192 = arith.constant 0 : i32
      %dma_start3A_2193 = arith.constant 0 : i32
      %dma_start3A_2194 = tpu.memref_slice %arg7[%dma_start3A_2192, %dma_start3A_2193] : memref<10x64xi32, #tpu.memory_space<vmem>> -> memref<1x64xi32, #tpu.memory_space<vmem>>
      %dma_start3A_2195 = tpu.memref_squeeze %dma_start3A_2194 : memref<1x64xi32, #tpu.memory_space<vmem>> -> memref<64xi32, #tpu.memory_space<vmem>>
      %dma_start3A_2196 = tpu.memref_slice %arg2[%multiple_of3A_2185] : memref<640000xi32, #tpu.memory_space<hbm>> -> memref<64xi32, #tpu.memory_space<hbm>>
      %dma_start3A_2197 = tpu.memref_slice %arg13[%scan3A_554] : memref<24x!tpu.dma_semaphore, #tpu.memory_space<semaphore_mem>> -> memref<1x!tpu.dma_semaphore, #tpu.memory_space<semaphore_mem>>
      %dma_start3A_2198 = tpu.memref_squeeze %dma_start3A_2197 : memref<1x!tpu.dma_semaphore, #tpu.memory_space<semaphore_mem>> -> memref<!tpu.dma_semaphore, #tpu.memory_space<semaphore_mem>>
      %dma_start3A_2199 = arith.constant 0 : i32
      %dma_start3A_2200 = tpu.memref_slice %arg7[%dma_start3A_2192, %dma_start3A_2199] : memref<10x64xi32, #tpu.memory_space<vmem>> -> memref<1x64xi32, #tpu.memory_space<vmem>>
      %dma_start3A_2201 = tpu.memref_squeeze %dma_start3A_2200 : memref<1x64xi32, #tpu.memory_space<vmem>> -> memref<64xi32, #tpu.memory_space<vmem>>
      %dma_start3A_2202 = tpu.memref_slice %arg2[%multiple_of3A_2185] : memref<640000xi32, #tpu.memory_space<hbm>> -> memref<64xi32, #tpu.memory_space<hbm>>
      tpu.enqueue_dma source(%dma_start3A_2202 : memref<64xi32, #tpu.memory_space<hbm>>) target(%dma_start3A_2201 : memref<64xi32, #tpu.memory_space<vmem>>) target_semaphore(%dma_start3A_2198 : memref<!tpu.dma_semaphore, #tpu.memory_space<semaphore_mem>>)
      %dma_start3A_2203 = arith.constant 0 : i32
      %dma_start3A_2204 = arith.constant 0 : i32
      %dma_start3A_2205 = tpu.memref_slice %arg8[%dma_start3A_2203, %dma_start3A_2204] : memref<10x64xi32, #tpu.memory_space<vmem>> -> memref<1x64xi32, #tpu.memory_space<vmem>>
      %dma_start3A_2206 = tpu.memref_squeeze %dma_start3A_2205 : memref<1x64xi32, #tpu.memory_space<vmem>> -> memref<64xi32, #tpu.memory_space<vmem>>
      %dma_start3A_2207 = tpu.memref_slice %arg2[%multiple_of3A_2191] : memref<640000xi32, #tpu.memory_space<hbm>> -> memref<64xi32, #tpu.memory_space<hbm>>
      %dma_start3A_2208 = tpu.memref_slice %arg13[%scan3A_554] : memref<24x!tpu.dma_semaphore, #tpu.memory_space<semaphore_mem>> -> memref<1x!tpu.dma_semaphore, #tpu.memory_space<semaphore_mem>>
      %dma_start3A_2209 = tpu.memref_squeeze %dma_start3A_2208 : memref<1x!tpu.dma_semaphore, #tpu.memory_space<semaphore_mem>> -> memref<!tpu.dma_semaphore, #tpu.memory_space<semaphore_mem>>
      %dma_start3A_2210 = arith.constant 0 : i32
      %dma_start3A_2211 = tpu.memref_slice %arg8[%dma_start3A_2203, %dma_start3A_2210] : memref<10x64xi32, #tpu.memory_space<vmem>> -> memref<1x64xi32, #tpu.memory_space<vmem>>
      %dma_start3A_2212 = tpu.memref_squeeze %dma_start3A_2211 : memref<1x64xi32, #tpu.memory_space<vmem>> -> memref<64xi32, #tpu.memory_space<vmem>>
      %dma_start3A_2213 = tpu.memref_slice %arg2[%multiple_of3A_2191] : memref<640000xi32, #tpu.memory_space<hbm>> -> memref<64xi32, #tpu.memory_space<hbm>>
      tpu.enqueue_dma source(%dma_start3A_2213 : memref<64xi32, #tpu.memory_space<hbm>>) target(%dma_start3A_2212 : memref<64xi32, #tpu.memory_space<vmem>>) target_semaphore(%dma_start3A_2209 : memref<!tpu.dma_semaphore, #tpu.memory_space<semaphore_mem>>)
      %dma_wait3A_2214 = arith.constant 5 : i32
      %dma_wait3A_2215 = arith.constant 0 : i32
      %dma_wait3A_2216 = tpu.memref_slice %arg7[%dma_wait3A_2214, %dma_wait3A_2215] : memref<10x64xi32, #tpu.memory_space<vmem>> -> memref<1x64xi32, #tpu.memory_space<vmem>>
      %dma_wait3A_2217 = tpu.memref_squeeze %dma_wait3A_2216 : memref<1x64xi32, #tpu.memory_space<vmem>> -> memref<64xi32, #tpu.memory_space<vmem>>
      %dma_wait3A_2218 = arith.constant 0 : i32
      %dma_wait3A_2219 = tpu.memref_slice %arg2[%dma_wait3A_2218] : memref<640000xi32, #tpu.memory_space<hbm>> -> memref<64xi32, #tpu.memory_space<hbm>>
      %dma_wait3A_2220 = tpu.memref_slice %arg13[%scan3A_555] : memref<24x!tpu.dma_semaphore, #tpu.memory_space<semaphore_mem>> -> memref<1x!tpu.dma_semaphore, #tpu.memory_space<semaphore_mem>>
      %dma_wait3A_2221 = tpu.memref_squeeze %dma_wait3A_2220 : memref<1x!tpu.dma_semaphore, #tpu.memory_space<semaphore_mem>> -> memref<!tpu.dma_semaphore, #tpu.memory_space<semaphore_mem>>
      %dma_wait3A_2222 = arith.constant 0 : i32
      %dma_wait3A_2223 = tpu.memref_slice %arg7[%dma_wait3A_2214, %dma_wait3A_2222] : memref<10x64xi32, #tpu.memory_space<vmem>> -> memref<1x64xi32, #tpu.memory_space<vmem>>
      %dma_wait3A_2224 = tpu.memref_squeeze %dma_wait3A_2223 : memref<1x64xi32, #tpu.memory_space<vmem>> -> memref<64xi32, #tpu.memory_space<vmem>>
      %dma_wait3A_2225 = arith.constant 0 : i32
      %dma_wait3A_2226 = tpu.memref_slice %arg2[%dma_wait3A_2225] : memref<640000xi32, #tpu.memory_space<hbm>> -> memref<64xi32, #tpu.memory_space<hbm>>
      tpu.wait_dma2 semaphore(%dma_wait3A_2221 : memref<!tpu.dma_semaphore, #tpu.memory_space<semaphore_mem>>) src(%dma_wait3A_2226 : memref<64xi32, #tpu.memory_space<hbm>>) dst(%dma_wait3A_2224 : memref<64xi32, #tpu.memory_space<vmem>>)
      %dma_wait3A_2227 = arith.constant 5 : i32
      %dma_wait3A_2228 = arith.constant 0 : i32
      %dma_wait3A_2229 = tpu.memref_slice %arg8[%dma_wait3A_2227, %dma_wait3A_2228] : memref<10x64xi32, #tpu.memory_space<vmem>> -> memref<1x64xi32, #tpu.memory_space<vmem>>
      %dma_wait3A_2230 = tpu.memref_squeeze %dma_wait3A_2229 : memref<1x64xi32, #tpu.memory_space<vmem>> -> memref<64xi32, #tpu.memory_space<vmem>>
      %dma_wait3A_2231 = arith.constant 0 : i32
      %dma_wait3A_2232 = tpu.memref_slice %arg2[%dma_wait3A_2231] : memref<640000xi32, #tpu.memory_space<hbm>> -> memref<64xi32, #tpu.memory_space<hbm>>
      %dma_wait3A_2233 = tpu.memref_slice %arg13[%scan3A_555] : memref<24x!tpu.dma_semaphore, #tpu.memory_space<semaphore_mem>> -> memref<1x!tpu.dma_semaphore, #tpu.memory_space<semaphore_mem>>
      %dma_wait3A_2234 = tpu.memref_squeeze %dma_wait3A_2233 : memref<1x!tpu.dma_semaphore, #tpu.memory_space<semaphore_mem>> -> memref<!tpu.dma_semaphore, #tpu.memory_space<semaphore_mem>>
      %dma_wait3A_2235 = arith.constant 0 : i32
      %dma_wait3A_2236 = tpu.memref_slice %arg8[%dma_wait3A_2227, %dma_wait3A_2235] : memref<10x64xi32, #tpu.memory_space<vmem>> -> memref<1x64xi32, #tpu.memory_space<vmem>>
      %dma_wait3A_2237 = tpu.memref_squeeze %dma_wait3A_2236 : memref<1x64xi32, #tpu.memory_space<vmem>> -> memref<64xi32, #tpu.memory_space<vmem>>
      %dma_wait3A_2238 = arith.constant 0 : i32
      %dma_wait3A_2239 = tpu.memref_slice %arg2[%dma_wait3A_2238] : memref<640000xi32, #tpu.memory_space<hbm>> -> memref<64xi32, #tpu.memory_space<hbm>>
      tpu.wait_dma2 semaphore(%dma_wait3A_2234 : memref<!tpu.dma_semaphore, #tpu.memory_space<semaphore_mem>>) src(%dma_wait3A_2239 : memref<64xi32, #tpu.memory_space<hbm>>) dst(%dma_wait3A_2237 : memref<64xi32, #tpu.memory_space<vmem>>)
      %dma_start3A_2240 = arith.constant 5 : i32
      %dma_start3A_2241 = arith.constant 0 : i32
      %dma_start3A_2242 = arith.constant 0 : i32
      %dma_start3A_2243 = arith.constant 0 : i32
      %dma_start3A_2244 = tpu.memref_slice %arg9[%dma_start3A_2241, %dma_start3A_2242, %dma_start3A_2243] : memref<5x64x128xf32, #tpu.memory_space<vmem>> -> memref<1x64x128xf32, #tpu.memory_space<vmem>>
      %dma_start3A_2245 = tpu.memref_squeeze %dma_start3A_2244 : memref<1x64x128xf32, #tpu.memory_space<vmem>> -> memref<64x128xf32, #tpu.memory_space<vmem>>
      %dma_start3A_2246 = arith.constant 0 : i32
      %dma_start3A_2247 = tpu.memref_slice %arg7[%dma_start3A_2240, %dma_start3A_2246] : memref<10x64xi32, #tpu.memory_space<vmem>> -> memref<1x64xi32, #tpu.memory_space<vmem>>
      %dma_start3A_2248 = tpu.memref_squeeze %dma_start3A_2247 : memref<1x64xi32, #tpu.memory_space<vmem>> -> memref<64xi32, #tpu.memory_space<vmem>>
      %dma_start3A_2249 = arith.constant 0 : i32
      %dma_start3A_2250 = arith.constant 0 : i32
      %dma_start3A_2251 = tpu.memref_slice %arg3[%dma_start3A_2249, %dma_start3A_2250] : memref<10000x128xf32, #tpu.memory_space<hbm>> -> memref<10000x128xf32, #tpu.memory_space<hbm>>
      %dma_start3A_2252 = tpu.memref_slice %arg13[%scan3A_544] : memref<24x!tpu.dma_semaphore, #tpu.memory_space<semaphore_mem>> -> memref<1x!tpu.dma_semaphore, #tpu.memory_space<semaphore_mem>>
      %dma_start3A_2253 = tpu.memref_squeeze %dma_start3A_2252 : memref<1x!tpu.dma_semaphore, #tpu.memory_space<semaphore_mem>> -> memref<!tpu.dma_semaphore, #tpu.memory_space<semaphore_mem>>
      tpu.enqueue_indirect_dma source(%dma_start3A_2251 : memref<10000x128xf32, #tpu.memory_space<hbm>>) target(%dma_start3A_2245 : memref<64x128xf32, #tpu.memory_space<vmem>>) offsets(%dma_start3A_2248 : memref<64xi32, #tpu.memory_space<vmem>>) semaphore(%dma_start3A_2253 : memref<!tpu.dma_semaphore, #tpu.memory_space<semaphore_mem>>)
      %dma_wait3A_2254 = arith.constant 1 : i32
      %dma_wait3A_2255 = arith.constant 0 : i32
      %dma_wait3A_2256 = arith.constant 0 : i32
      %dma_wait3A_2257 = arith.constant 0 : i32
      %dma_wait3A_2258 = tpu.memref_slice %arg9[%dma_wait3A_2254, %dma_wait3A_2256, %dma_wait3A_2257] : memref<5x64x128xf32, #tpu.memory_space<vmem>> -> memref<1x64x128xf32, #tpu.memory_space<vmem>>
      %dma_wait3A_2259 = tpu.memref_squeeze %dma_wait3A_2258 : memref<1x64x128xf32, #tpu.memory_space<vmem>> -> memref<64x128xf32, #tpu.memory_space<vmem>>
      %dma_wait3A_2260 = arith.constant 0 : i32
      %dma_wait3A_2261 = tpu.memref_slice %arg8[%dma_wait3A_2255, %dma_wait3A_2260] : memref<10x64xi32, #tpu.memory_space<vmem>> -> memref<1x64xi32, #tpu.memory_space<vmem>>
      %dma_wait3A_2262 = tpu.memref_squeeze %dma_wait3A_2261 : memref<1x64xi32, #tpu.memory_space<vmem>> -> memref<64xi32, #tpu.memory_space<vmem>>
      %dma_wait3A_2263 = arith.constant 0 : i32
      %dma_wait3A_2264 = arith.constant 0 : i32
      %dma_wait3A_2265 = tpu.memref_slice %arg6[%dma_wait3A_2263, %dma_wait3A_2264] : memref<10000x128xf32, #tpu.memory_space<vmem_shared>> -> memref<10000x128xf32, #tpu.memory_space<vmem_shared>>
      %dma_wait3A_2266 = tpu.memref_slice %arg13[%scan3A_547] : memref<24x!tpu.dma_semaphore, #tpu.memory_space<semaphore_mem>> -> memref<1x!tpu.dma_semaphore, #tpu.memory_space<semaphore_mem>>
      %dma_wait3A_2267 = tpu.memref_squeeze %dma_wait3A_2266 : memref<1x!tpu.dma_semaphore, #tpu.memory_space<semaphore_mem>> -> memref<!tpu.dma_semaphore, #tpu.memory_space<semaphore_mem>>
      tpu.wait_indirect_dma semaphore(%dma_wait3A_2267 : memref<!tpu.dma_semaphore, #tpu.memory_space<semaphore_mem>>) src(%dma_wait3A_2259 : memref<64x128xf32, #tpu.memory_space<vmem>>) dst(%dma_wait3A_2265 : memref<10000x128xf32, #tpu.memory_space<vmem_shared>>)
      %add3A_2268 = arith.constant 4 : i32
      %add3A_2269 = arith.addi %mul3A_2018, %add3A_2268 : i32
      %sub3A_2270 = arith.constant 5 : i32
      %sub3A_2271 = arith.subi %add3A_2269, %sub3A_2270 : i32
      %add3A_2272 = arith.constant 1 : i32
      %add3A_2273 = arith.addi %sub3A_2271, %add3A_2272 : i32
      %add3A_2274 = arith.constant 1 : i32
      %add3A_2275 = arith.addi %add3A_2273, %add3A_2274 : i32
      %add3A_2276 = arith.constant 10 : i32
      %add3A_2277 = arith.addi %add3A_2275, %add3A_2276 : i32
      %mul3A_2278 = arith.constant 64 : i32
      %mul3A_2279 = arith.muli %add3A_2277, %mul3A_2278 : i32
      %add3A_2280 = arith.addi %mul3A_2, %mul3A_2279 : i32
      %multiple_of3A_2281 = tpu.assume_multiple %add3A_2280, 8 : i32
      %add3A_2282 = arith.constant 320000 : i32
      %add3A_2283 = arith.addi %add3A_2282, %mul3A_2 : i32
      %mul3A_2284 = arith.constant 64 : i32
      %mul3A_2285 = arith.muli %add3A_2277, %mul3A_2284 : i32
      %add3A_2286 = arith.addi %add3A_2283, %mul3A_2285 : i32
      %multiple_of3A_2287 = tpu.assume_multiple %add3A_2286, 8 : i32
      %dma_start3A_2288 = arith.constant 1 : i32
      %dma_start3A_2289 = arith.constant 0 : i32
      %dma_start3A_2290 = tpu.memref_slice %arg7[%dma_start3A_2288, %dma_start3A_2289] : memref<10x64xi32, #tpu.memory_space<vmem>> -> memref<1x64xi32, #tpu.memory_space<vmem>>
      %dma_start3A_2291 = tpu.memref_squeeze %dma_start3A_2290 : memref<1x64xi32, #tpu.memory_space<vmem>> -> memref<64xi32, #tpu.memory_space<vmem>>
      %dma_start3A_2292 = tpu.memref_slice %arg2[%multiple_of3A_2281] : memref<640000xi32, #tpu.memory_space<hbm>> -> memref<64xi32, #tpu.memory_space<hbm>>
      %dma_start3A_2293 = tpu.memref_slice %arg13[%scan3A_556] : memref<24x!tpu.dma_semaphore, #tpu.memory_space<semaphore_mem>> -> memref<1x!tpu.dma_semaphore, #tpu.memory_space<semaphore_mem>>
      %dma_start3A_2294 = tpu.memref_squeeze %dma_start3A_2293 : memref<1x!tpu.dma_semaphore, #tpu.memory_space<semaphore_mem>> -> memref<!tpu.dma_semaphore, #tpu.memory_space<semaphore_mem>>
      %dma_start3A_2295 = arith.constant 0 : i32
      %dma_start3A_2296 = tpu.memref_slice %arg7[%dma_start3A_2288, %dma_start3A_2295] : memref<10x64xi32, #tpu.memory_space<vmem>> -> memref<1x64xi32, #tpu.memory_space<vmem>>
      %dma_start3A_2297 = tpu.memref_squeeze %dma_start3A_2296 : memref<1x64xi32, #tpu.memory_space<vmem>> -> memref<64xi32, #tpu.memory_space<vmem>>
      %dma_start3A_2298 = tpu.memref_slice %arg2[%multiple_of3A_2281] : memref<640000xi32, #tpu.memory_space<hbm>> -> memref<64xi32, #tpu.memory_space<hbm>>
      tpu.enqueue_dma source(%dma_start3A_2298 : memref<64xi32, #tpu.memory_space<hbm>>) target(%dma_start3A_2297 : memref<64xi32, #tpu.memory_space<vmem>>) target_semaphore(%dma_start3A_2294 : memref<!tpu.dma_semaphore, #tpu.memory_space<semaphore_mem>>)
      %dma_start3A_2299 = arith.constant 1 : i32
      %dma_start3A_2300 = arith.constant 0 : i32
      %dma_start3A_2301 = tpu.memref_slice %arg8[%dma_start3A_2299, %dma_start3A_2300] : memref<10x64xi32, #tpu.memory_space<vmem>> -> memref<1x64xi32, #tpu.memory_space<vmem>>
      %dma_start3A_2302 = tpu.memref_squeeze %dma_start3A_2301 : memref<1x64xi32, #tpu.memory_space<vmem>> -> memref<64xi32, #tpu.memory_space<vmem>>
      %dma_start3A_2303 = tpu.memref_slice %arg2[%multiple_of3A_2287] : memref<640000xi32, #tpu.memory_space<hbm>> -> memref<64xi32, #tpu.memory_space<hbm>>
      %dma_start3A_2304 = tpu.memref_slice %arg13[%scan3A_556] : memref<24x!tpu.dma_semaphore, #tpu.memory_space<semaphore_mem>> -> memref<1x!tpu.dma_semaphore, #tpu.memory_space<semaphore_mem>>
      %dma_start3A_2305 = tpu.memref_squeeze %dma_start3A_2304 : memref<1x!tpu.dma_semaphore, #tpu.memory_space<semaphore_mem>> -> memref<!tpu.dma_semaphore, #tpu.memory_space<semaphore_mem>>
      %dma_start3A_2306 = arith.constant 0 : i32
      %dma_start3A_2307 = tpu.memref_slice %arg8[%dma_start3A_2299, %dma_start3A_2306] : memref<10x64xi32, #tpu.memory_space<vmem>> -> memref<1x64xi32, #tpu.memory_space<vmem>>
      %dma_start3A_2308 = tpu.memref_squeeze %dma_start3A_2307 : memref<1x64xi32, #tpu.memory_space<vmem>> -> memref<64xi32, #tpu.memory_space<vmem>>
      %dma_start3A_2309 = tpu.memref_slice %arg2[%multiple_of3A_2287] : memref<640000xi32, #tpu.memory_space<hbm>> -> memref<64xi32, #tpu.memory_space<hbm>>
      tpu.enqueue_dma source(%dma_start3A_2309 : memref<64xi32, #tpu.memory_space<hbm>>) target(%dma_start3A_2308 : memref<64xi32, #tpu.memory_space<vmem>>) target_semaphore(%dma_start3A_2305 : memref<!tpu.dma_semaphore, #tpu.memory_space<semaphore_mem>>)
      %dma_wait3A_2310 = arith.constant 6 : i32
      %dma_wait3A_2311 = arith.constant 0 : i32
      %dma_wait3A_2312 = tpu.memref_slice %arg7[%dma_wait3A_2310, %dma_wait3A_2311] : memref<10x64xi32, #tpu.memory_space<vmem>> -> memref<1x64xi32, #tpu.memory_space<vmem>>
      %dma_wait3A_2313 = tpu.memref_squeeze %dma_wait3A_2312 : memref<1x64xi32, #tpu.memory_space<vmem>> -> memref<64xi32, #tpu.memory_space<vmem>>
      %dma_wait3A_2314 = arith.constant 0 : i32
      %dma_wait3A_2315 = tpu.memref_slice %arg2[%dma_wait3A_2314] : memref<640000xi32, #tpu.memory_space<hbm>> -> memref<64xi32, #tpu.memory_space<hbm>>
      %dma_wait3A_2316 = tpu.memref_slice %arg13[%scan3A_557] : memref<24x!tpu.dma_semaphore, #tpu.memory_space<semaphore_mem>> -> memref<1x!tpu.dma_semaphore, #tpu.memory_space<semaphore_mem>>
      %dma_wait3A_2317 = tpu.memref_squeeze %dma_wait3A_2316 : memref<1x!tpu.dma_semaphore, #tpu.memory_space<semaphore_mem>> -> memref<!tpu.dma_semaphore, #tpu.memory_space<semaphore_mem>>
      %dma_wait3A_2318 = arith.constant 0 : i32
      %dma_wait3A_2319 = tpu.memref_slice %arg7[%dma_wait3A_2310, %dma_wait3A_2318] : memref<10x64xi32, #tpu.memory_space<vmem>> -> memref<1x64xi32, #tpu.memory_space<vmem>>
      %dma_wait3A_2320 = tpu.memref_squeeze %dma_wait3A_2319 : memref<1x64xi32, #tpu.memory_space<vmem>> -> memref<64xi32, #tpu.memory_space<vmem>>
      %dma_wait3A_2321 = arith.constant 0 : i32
      %dma_wait3A_2322 = tpu.memref_slice %arg2[%dma_wait3A_2321] : memref<640000xi32, #tpu.memory_space<hbm>> -> memref<64xi32, #tpu.memory_space<hbm>>
      tpu.wait_dma2 semaphore(%dma_wait3A_2317 : memref<!tpu.dma_semaphore, #tpu.memory_space<semaphore_mem>>) src(%dma_wait3A_2322 : memref<64xi32, #tpu.memory_space<hbm>>) dst(%dma_wait3A_2320 : memref<64xi32, #tpu.memory_space<vmem>>)
      %dma_wait3A_2323 = arith.constant 6 : i32
      %dma_wait3A_2324 = arith.constant 0 : i32
      %dma_wait3A_2325 = tpu.memref_slice %arg8[%dma_wait3A_2323, %dma_wait3A_2324] : memref<10x64xi32, #tpu.memory_space<vmem>> -> memref<1x64xi32, #tpu.memory_space<vmem>>
      %dma_wait3A_2326 = tpu.memref_squeeze %dma_wait3A_2325 : memref<1x64xi32, #tpu.memory_space<vmem>> -> memref<64xi32, #tpu.memory_space<vmem>>
      %dma_wait3A_2327 = arith.constant 0 : i32
      %dma_wait3A_2328 = tpu.memref_slice %arg2[%dma_wait3A_2327] : memref<640000xi32, #tpu.memory_space<hbm>> -> memref<64xi32, #tpu.memory_space<hbm>>
      %dma_wait3A_2329 = tpu.memref_slice %arg13[%scan3A_557] : memref<24x!tpu.dma_semaphore, #tpu.memory_space<semaphore_mem>> -> memref<1x!tpu.dma_semaphore, #tpu.memory_space<semaphore_mem>>
      %dma_wait3A_2330 = tpu.memref_squeeze %dma_wait3A_2329 : memref<1x!tpu.dma_semaphore, #tpu.memory_space<semaphore_mem>> -> memref<!tpu.dma_semaphore, #tpu.memory_space<semaphore_mem>>
      %dma_wait3A_2331 = arith.constant 0 : i32
      %dma_wait3A_2332 = tpu.memref_slice %arg8[%dma_wait3A_2323, %dma_wait3A_2331] : memref<10x64xi32, #tpu.memory_space<vmem>> -> memref<1x64xi32, #tpu.memory_space<vmem>>
      %dma_wait3A_2333 = tpu.memref_squeeze %dma_wait3A_2332 : memref<1x64xi32, #tpu.memory_space<vmem>> -> memref<64xi32, #tpu.memory_space<vmem>>
      %dma_wait3A_2334 = arith.constant 0 : i32
      %dma_wait3A_2335 = tpu.memref_slice %arg2[%dma_wait3A_2334] : memref<640000xi32, #tpu.memory_space<hbm>> -> memref<64xi32, #tpu.memory_space<hbm>>
      tpu.wait_dma2 semaphore(%dma_wait3A_2330 : memref<!tpu.dma_semaphore, #tpu.memory_space<semaphore_mem>>) src(%dma_wait3A_2335 : memref<64xi32, #tpu.memory_space<hbm>>) dst(%dma_wait3A_2333 : memref<64xi32, #tpu.memory_space<vmem>>)
      %dma_start3A_2336 = arith.constant 6 : i32
      %dma_start3A_2337 = arith.constant 1 : i32
      %dma_start3A_2338 = arith.constant 0 : i32
      %dma_start3A_2339 = arith.constant 0 : i32
      %dma_start3A_2340 = tpu.memref_slice %arg9[%dma_start3A_2337, %dma_start3A_2338, %dma_start3A_2339] : memref<5x64x128xf32, #tpu.memory_space<vmem>> -> memref<1x64x128xf32, #tpu.memory_space<vmem>>
      %dma_start3A_2341 = tpu.memref_squeeze %dma_start3A_2340 : memref<1x64x128xf32, #tpu.memory_space<vmem>> -> memref<64x128xf32, #tpu.memory_space<vmem>>
      %dma_start3A_2342 = arith.constant 0 : i32
      %dma_start3A_2343 = tpu.memref_slice %arg7[%dma_start3A_2336, %dma_start3A_2342] : memref<10x64xi32, #tpu.memory_space<vmem>> -> memref<1x64xi32, #tpu.memory_space<vmem>>
      %dma_start3A_2344 = tpu.memref_squeeze %dma_start3A_2343 : memref<1x64xi32, #tpu.memory_space<vmem>> -> memref<64xi32, #tpu.memory_space<vmem>>
      %dma_start3A_2345 = arith.constant 0 : i32
      %dma_start3A_2346 = arith.constant 0 : i32
      %dma_start3A_2347 = tpu.memref_slice %arg3[%dma_start3A_2345, %dma_start3A_2346] : memref<10000x128xf32, #tpu.memory_space<hbm>> -> memref<10000x128xf32, #tpu.memory_space<hbm>>
      %dma_start3A_2348 = tpu.memref_slice %arg13[%scan3A_546] : memref<24x!tpu.dma_semaphore, #tpu.memory_space<semaphore_mem>> -> memref<1x!tpu.dma_semaphore, #tpu.memory_space<semaphore_mem>>
      %dma_start3A_2349 = tpu.memref_squeeze %dma_start3A_2348 : memref<1x!tpu.dma_semaphore, #tpu.memory_space<semaphore_mem>> -> memref<!tpu.dma_semaphore, #tpu.memory_space<semaphore_mem>>
      tpu.enqueue_indirect_dma source(%dma_start3A_2347 : memref<10000x128xf32, #tpu.memory_space<hbm>>) target(%dma_start3A_2341 : memref<64x128xf32, #tpu.memory_space<vmem>>) offsets(%dma_start3A_2344 : memref<64xi32, #tpu.memory_space<vmem>>) semaphore(%dma_start3A_2349 : memref<!tpu.dma_semaphore, #tpu.memory_space<semaphore_mem>>)
      %dma_wait3A_2350 = arith.constant 2 : i32
      %dma_wait3A_2351 = arith.constant 0 : i32
      %dma_wait3A_2352 = arith.constant 0 : i32
      %dma_wait3A_2353 = arith.constant 0 : i32
      %dma_wait3A_2354 = tpu.memref_slice %arg9[%dma_wait3A_2350, %dma_wait3A_2352, %dma_wait3A_2353] : memref<5x64x128xf32, #tpu.memory_space<vmem>> -> memref<1x64x128xf32, #tpu.memory_space<vmem>>
      %dma_wait3A_2355 = tpu.memref_squeeze %dma_wait3A_2354 : memref<1x64x128xf32, #tpu.memory_space<vmem>> -> memref<64x128xf32, #tpu.memory_space<vmem>>
      %dma_wait3A_2356 = arith.constant 0 : i32
      %dma_wait3A_2357 = tpu.memref_slice %arg8[%dma_wait3A_2351, %dma_wait3A_2356] : memref<10x64xi32, #tpu.memory_space<vmem>> -> memref<1x64xi32, #tpu.memory_space<vmem>>
      %dma_wait3A_2358 = tpu.memref_squeeze %dma_wait3A_2357 : memref<1x64xi32, #tpu.memory_space<vmem>> -> memref<64xi32, #tpu.memory_space<vmem>>
      %dma_wait3A_2359 = arith.constant 0 : i32
      %dma_wait3A_2360 = arith.constant 0 : i32
      %dma_wait3A_2361 = tpu.memref_slice %arg6[%dma_wait3A_2359, %dma_wait3A_2360] : memref<10000x128xf32, #tpu.memory_space<vmem_shared>> -> memref<10000x128xf32, #tpu.memory_space<vmem_shared>>
      %dma_wait3A_2362 = tpu.memref_slice %arg13[%scan3A_549] : memref<24x!tpu.dma_semaphore, #tpu.memory_space<semaphore_mem>> -> memref<1x!tpu.dma_semaphore, #tpu.memory_space<semaphore_mem>>
      %dma_wait3A_2363 = tpu.memref_squeeze %dma_wait3A_2362 : memref<1x!tpu.dma_semaphore, #tpu.memory_space<semaphore_mem>> -> memref<!tpu.dma_semaphore, #tpu.memory_space<semaphore_mem>>
      tpu.wait_indirect_dma semaphore(%dma_wait3A_2363 : memref<!tpu.dma_semaphore, #tpu.memory_space<semaphore_mem>>) src(%dma_wait3A_2355 : memref<64x128xf32, #tpu.memory_space<vmem>>) dst(%dma_wait3A_2361 : memref<10000x128xf32, #tpu.memory_space<vmem_shared>>)
      %add3A_2364 = arith.constant 4 : i32
      %add3A_2365 = arith.addi %mul3A_2018, %add3A_2364 : i32
      %sub3A_2366 = arith.constant 5 : i32
      %sub3A_2367 = arith.subi %add3A_2365, %sub3A_2366 : i32
      %add3A_2368 = arith.constant 1 : i32
      %add3A_2369 = arith.addi %sub3A_2367, %add3A_2368 : i32
      %add3A_2370 = arith.constant 2 : i32
      %add3A_2371 = arith.addi %add3A_2369, %add3A_2370 : i32
      %add3A_2372 = arith.constant 10 : i32
      %add3A_2373 = arith.addi %add3A_2371, %add3A_2372 : i32
      %mul3A_2374 = arith.constant 64 : i32
      %mul3A_2375 = arith.muli %add3A_2373, %mul3A_2374 : i32
      %add3A_2376 = arith.addi %mul3A_2, %mul3A_2375 : i32
      %multiple_of3A_2377 = tpu.assume_multiple %add3A_2376, 8 : i32
      %add3A_2378 = arith.constant 320000 : i32
      %add3A_2379 = arith.addi %add3A_2378, %mul3A_2 : i32
      %mul3A_2380 = arith.constant 64 : i32
      %mul3A_2381 = arith.muli %add3A_2373, %mul3A_2380 : i32
      %add3A_2382 = arith.addi %add3A_2379, %mul3A_2381 : i32
      %multiple_of3A_2383 = tpu.assume_multiple %add3A_2382, 8 : i32
      %dma_start3A_2384 = arith.constant 2 : i32
      %dma_start3A_2385 = arith.constant 0 : i32
      %dma_start3A_2386 = tpu.memref_slice %arg7[%dma_start3A_2384, %dma_start3A_2385] : memref<10x64xi32, #tpu.memory_space<vmem>> -> memref<1x64xi32, #tpu.memory_space<vmem>>
      %dma_start3A_2387 = tpu.memref_squeeze %dma_start3A_2386 : memref<1x64xi32, #tpu.memory_space<vmem>> -> memref<64xi32, #tpu.memory_space<vmem>>
      %dma_start3A_2388 = tpu.memref_slice %arg2[%multiple_of3A_2377] : memref<640000xi32, #tpu.memory_space<hbm>> -> memref<64xi32, #tpu.memory_space<hbm>>
      %dma_start3A_2389 = tpu.memref_slice %arg13[%scan3A_558] : memref<24x!tpu.dma_semaphore, #tpu.memory_space<semaphore_mem>> -> memref<1x!tpu.dma_semaphore, #tpu.memory_space<semaphore_mem>>
      %dma_start3A_2390 = tpu.memref_squeeze %dma_start3A_2389 : memref<1x!tpu.dma_semaphore, #tpu.memory_space<semaphore_mem>> -> memref<!tpu.dma_semaphore, #tpu.memory_space<semaphore_mem>>
      %dma_start3A_2391 = arith.constant 0 : i32
      %dma_start3A_2392 = tpu.memref_slice %arg7[%dma_start3A_2384, %dma_start3A_2391] : memref<10x64xi32, #tpu.memory_space<vmem>> -> memref<1x64xi32, #tpu.memory_space<vmem>>
      %dma_start3A_2393 = tpu.memref_squeeze %dma_start3A_2392 : memref<1x64xi32, #tpu.memory_space<vmem>> -> memref<64xi32, #tpu.memory_space<vmem>>
      %dma_start3A_2394 = tpu.memref_slice %arg2[%multiple_of3A_2377] : memref<640000xi32, #tpu.memory_space<hbm>> -> memref<64xi32, #tpu.memory_space<hbm>>
      tpu.enqueue_dma source(%dma_start3A_2394 : memref<64xi32, #tpu.memory_space<hbm>>) target(%dma_start3A_2393 : memref<64xi32, #tpu.memory_space<vmem>>) target_semaphore(%dma_start3A_2390 : memref<!tpu.dma_semaphore, #tpu.memory_space<semaphore_mem>>)
      %dma_start3A_2395 = arith.constant 2 : i32
      %dma_start3A_2396 = arith.constant 0 : i32
      %dma_start3A_2397 = tpu.memref_slice %arg8[%dma_start3A_2395, %dma_start3A_2396] : memref<10x64xi32, #tpu.memory_space<vmem>> -> memref<1x64xi32, #tpu.memory_space<vmem>>
      %dma_start3A_2398 = tpu.memref_squeeze %dma_start3A_2397 : memref<1x64xi32, #tpu.memory_space<vmem>> -> memref<64xi32, #tpu.memory_space<vmem>>
      %dma_start3A_2399 = tpu.memref_slice %arg2[%multiple_of3A_2383] : memref<640000xi32, #tpu.memory_space<hbm>> -> memref<64xi32, #tpu.memory_space<hbm>>
      %dma_start3A_2400 = tpu.memref_slice %arg13[%scan3A_558] : memref<24x!tpu.dma_semaphore, #tpu.memory_space<semaphore_mem>> -> memref<1x!tpu.dma_semaphore, #tpu.memory_space<semaphore_mem>>
      %dma_start3A_2401 = tpu.memref_squeeze %dma_start3A_2400 : memref<1x!tpu.dma_semaphore, #tpu.memory_space<semaphore_mem>> -> memref<!tpu.dma_semaphore, #tpu.memory_space<semaphore_mem>>
      %dma_start3A_2402 = arith.constant 0 : i32
      %dma_start3A_2403 = tpu.memref_slice %arg8[%dma_start3A_2395, %dma_start3A_2402] : memref<10x64xi32, #tpu.memory_space<vmem>> -> memref<1x64xi32, #tpu.memory_space<vmem>>
      %dma_start3A_2404 = tpu.memref_squeeze %dma_start3A_2403 : memref<1x64xi32, #tpu.memory_space<vmem>> -> memref<64xi32, #tpu.memory_space<vmem>>
      %dma_start3A_2405 = tpu.memref_slice %arg2[%multiple_of3A_2383] : memref<640000xi32, #tpu.memory_space<hbm>> -> memref<64xi32, #tpu.memory_space<hbm>>
      tpu.enqueue_dma source(%dma_start3A_2405 : memref<64xi32, #tpu.memory_space<hbm>>) target(%dma_start3A_2404 : memref<64xi32, #tpu.memory_space<vmem>>) target_semaphore(%dma_start3A_2401 : memref<!tpu.dma_semaphore, #tpu.memory_space<semaphore_mem>>)
      %dma_wait3A_2406 = arith.constant 7 : i32
      %dma_wait3A_2407 = arith.constant 0 : i32
      %dma_wait3A_2408 = tpu.memref_slice %arg7[%dma_wait3A_2406, %dma_wait3A_2407] : memref<10x64xi32, #tpu.memory_space<vmem>> -> memref<1x64xi32, #tpu.memory_space<vmem>>
      %dma_wait3A_2409 = tpu.memref_squeeze %dma_wait3A_2408 : memref<1x64xi32, #tpu.memory_space<vmem>> -> memref<64xi32, #tpu.memory_space<vmem>>
      %dma_wait3A_2410 = arith.constant 0 : i32
      %dma_wait3A_2411 = tpu.memref_slice %arg2[%dma_wait3A_2410] : memref<640000xi32, #tpu.memory_space<hbm>> -> memref<64xi32, #tpu.memory_space<hbm>>
      %dma_wait3A_2412 = tpu.memref_slice %arg13[%scan3A_559] : memref<24x!tpu.dma_semaphore, #tpu.memory_space<semaphore_mem>> -> memref<1x!tpu.dma_semaphore, #tpu.memory_space<semaphore_mem>>
      %dma_wait3A_2413 = tpu.memref_squeeze %dma_wait3A_2412 : memref<1x!tpu.dma_semaphore, #tpu.memory_space<semaphore_mem>> -> memref<!tpu.dma_semaphore, #tpu.memory_space<semaphore_mem>>
      %dma_wait3A_2414 = arith.constant 0 : i32
      %dma_wait3A_2415 = tpu.memref_slice %arg7[%dma_wait3A_2406, %dma_wait3A_2414] : memref<10x64xi32, #tpu.memory_space<vmem>> -> memref<1x64xi32, #tpu.memory_space<vmem>>
      %dma_wait3A_2416 = tpu.memref_squeeze %dma_wait3A_2415 : memref<1x64xi32, #tpu.memory_space<vmem>> -> memref<64xi32, #tpu.memory_space<vmem>>
      %dma_wait3A_2417 = arith.constant 0 : i32
      %dma_wait3A_2418 = tpu.memref_slice %arg2[%dma_wait3A_2417] : memref<640000xi32, #tpu.memory_space<hbm>> -> memref<64xi32, #tpu.memory_space<hbm>>
      tpu.wait_dma2 semaphore(%dma_wait3A_2413 : memref<!tpu.dma_semaphore, #tpu.memory_space<semaphore_mem>>) src(%dma_wait3A_2418 : memref<64xi32, #tpu.memory_space<hbm>>) dst(%dma_wait3A_2416 : memref<64xi32, #tpu.memory_space<vmem>>)
      %dma_wait3A_2419 = arith.constant 7 : i32
      %dma_wait3A_2420 = arith.constant 0 : i32
      %dma_wait3A_2421 = tpu.memref_slice %arg8[%dma_wait3A_2419, %dma_wait3A_2420] : memref<10x64xi32, #tpu.memory_space<vmem>> -> memref<1x64xi32, #tpu.memory_space<vmem>>
      %dma_wait3A_2422 = tpu.memref_squeeze %dma_wait3A_2421 : memref<1x64xi32, #tpu.memory_space<vmem>> -> memref<64xi32, #tpu.memory_space<vmem>>
      %dma_wait3A_2423 = arith.constant 0 : i32
      %dma_wait3A_2424 = tpu.memref_slice %arg2[%dma_wait3A_2423] : memref<640000xi32, #tpu.memory_space<hbm>> -> memref<64xi32, #tpu.memory_space<hbm>>
      %dma_wait3A_2425 = tpu.memref_slice %arg13[%scan3A_559] : memref<24x!tpu.dma_semaphore, #tpu.memory_space<semaphore_mem>> -> memref<1x!tpu.dma_semaphore, #tpu.memory_space<semaphore_mem>>
      %dma_wait3A_2426 = tpu.memref_squeeze %dma_wait3A_2425 : memref<1x!tpu.dma_semaphore, #tpu.memory_space<semaphore_mem>> -> memref<!tpu.dma_semaphore, #tpu.memory_space<semaphore_mem>>
      %dma_wait3A_2427 = arith.constant 0 : i32
      %dma_wait3A_2428 = tpu.memref_slice %arg8[%dma_wait3A_2419, %dma_wait3A_2427] : memref<10x64xi32, #tpu.memory_space<vmem>> -> memref<1x64xi32, #tpu.memory_space<vmem>>
      %dma_wait3A_2429 = tpu.memref_squeeze %dma_wait3A_2428 : memref<1x64xi32, #tpu.memory_space<vmem>> -> memref<64xi32, #tpu.memory_space<vmem>>
      %dma_wait3A_2430 = arith.constant 0 : i32
      %dma_wait3A_2431 = tpu.memref_slice %arg2[%dma_wait3A_2430] : memref<640000xi32, #tpu.memory_space<hbm>> -> memref<64xi32, #tpu.memory_space<hbm>>
      tpu.wait_dma2 semaphore(%dma_wait3A_2426 : memref<!tpu.dma_semaphore, #tpu.memory_space<semaphore_mem>>) src(%dma_wait3A_2431 : memref<64xi32, #tpu.memory_space<hbm>>) dst(%dma_wait3A_2429 : memref<64xi32, #tpu.memory_space<vmem>>)
      %dma_start3A_2432 = arith.constant 7 : i32
      %dma_start3A_2433 = arith.constant 2 : i32
      %dma_start3A_2434 = arith.constant 0 : i32
      %dma_start3A_2435 = arith.constant 0 : i32
      %dma_start3A_2436 = tpu.memref_slice %arg9[%dma_start3A_2433, %dma_start3A_2434, %dma_start3A_2435] : memref<5x64x128xf32, #tpu.memory_space<vmem>> -> memref<1x64x128xf32, #tpu.memory_space<vmem>>
      %dma_start3A_2437 = tpu.memref_squeeze %dma_start3A_2436 : memref<1x64x128xf32, #tpu.memory_space<vmem>> -> memref<64x128xf32, #tpu.memory_space<vmem>>
      %dma_start3A_2438 = arith.constant 0 : i32
      %dma_start3A_2439 = tpu.memref_slice %arg7[%dma_start3A_2432, %dma_start3A_2438] : memref<10x64xi32, #tpu.memory_space<vmem>> -> memref<1x64xi32, #tpu.memory_space<vmem>>
      %dma_start3A_2440 = tpu.memref_squeeze %dma_start3A_2439 : memref<1x64xi32, #tpu.memory_space<vmem>> -> memref<64xi32, #tpu.memory_space<vmem>>
      %dma_start3A_2441 = arith.constant 0 : i32
      %dma_start3A_2442 = arith.constant 0 : i32
      %dma_start3A_2443 = tpu.memref_slice %arg3[%dma_start3A_2441, %dma_start3A_2442] : memref<10000x128xf32, #tpu.memory_space<hbm>> -> memref<10000x128xf32, #tpu.memory_space<hbm>>
      %dma_start3A_2444 = tpu.memref_slice %arg13[%scan3A_548] : memref<24x!tpu.dma_semaphore, #tpu.memory_space<semaphore_mem>> -> memref<1x!tpu.dma_semaphore, #tpu.memory_space<semaphore_mem>>
      %dma_start3A_2445 = tpu.memref_squeeze %dma_start3A_2444 : memref<1x!tpu.dma_semaphore, #tpu.memory_space<semaphore_mem>> -> memref<!tpu.dma_semaphore, #tpu.memory_space<semaphore_mem>>
      tpu.enqueue_indirect_dma source(%dma_start3A_2443 : memref<10000x128xf32, #tpu.memory_space<hbm>>) target(%dma_start3A_2437 : memref<64x128xf32, #tpu.memory_space<vmem>>) offsets(%dma_start3A_2440 : memref<64xi32, #tpu.memory_space<vmem>>) semaphore(%dma_start3A_2445 : memref<!tpu.dma_semaphore, #tpu.memory_space<semaphore_mem>>)
      %dma_wait3A_2446 = arith.constant 3 : i32
      %dma_wait3A_2447 = arith.constant 0 : i32
      %dma_wait3A_2448 = arith.constant 0 : i32
      %dma_wait3A_2449 = arith.constant 0 : i32
      %dma_wait3A_2450 = tpu.memref_slice %arg9[%dma_wait3A_2446, %dma_wait3A_2448, %dma_wait3A_2449] : memref<5x64x128xf32, #tpu.memory_space<vmem>> -> memref<1x64x128xf32, #tpu.memory_space<vmem>>
      %dma_wait3A_2451 = tpu.memref_squeeze %dma_wait3A_2450 : memref<1x64x128xf32, #tpu.memory_space<vmem>> -> memref<64x128xf32, #tpu.memory_space<vmem>>
      %dma_wait3A_2452 = arith.constant 0 : i32
      %dma_wait3A_2453 = tpu.memref_slice %arg8[%dma_wait3A_2447, %dma_wait3A_2452] : memref<10x64xi32, #tpu.memory_space<vmem>> -> memref<1x64xi32, #tpu.memory_space<vmem>>
      %dma_wait3A_2454 = tpu.memref_squeeze %dma_wait3A_2453 : memref<1x64xi32, #tpu.memory_space<vmem>> -> memref<64xi32, #tpu.memory_space<vmem>>
      %dma_wait3A_2455 = arith.constant 0 : i32
      %dma_wait3A_2456 = arith.constant 0 : i32
      %dma_wait3A_2457 = tpu.memref_slice %arg6[%dma_wait3A_2455, %dma_wait3A_2456] : memref<10000x128xf32, #tpu.memory_space<vmem_shared>> -> memref<10000x128xf32, #tpu.memory_space<vmem_shared>>
      %dma_wait3A_2458 = tpu.memref_slice %arg13[%scan3A_551] : memref<24x!tpu.dma_semaphore, #tpu.memory_space<semaphore_mem>> -> memref<1x!tpu.dma_semaphore, #tpu.memory_space<semaphore_mem>>
      %dma_wait3A_2459 = tpu.memref_squeeze %dma_wait3A_2458 : memref<1x!tpu.dma_semaphore, #tpu.memory_space<semaphore_mem>> -> memref<!tpu.dma_semaphore, #tpu.memory_space<semaphore_mem>>
      tpu.wait_indirect_dma semaphore(%dma_wait3A_2459 : memref<!tpu.dma_semaphore, #tpu.memory_space<semaphore_mem>>) src(%dma_wait3A_2451 : memref<64x128xf32, #tpu.memory_space<vmem>>) dst(%dma_wait3A_2457 : memref<10000x128xf32, #tpu.memory_space<vmem_shared>>)
      %add3A_2460 = arith.constant 4 : i32
      %add3A_2461 = arith.addi %mul3A_2018, %add3A_2460 : i32
      %sub3A_2462 = arith.constant 5 : i32
      %sub3A_2463 = arith.subi %add3A_2461, %sub3A_2462 : i32
      %add3A_2464 = arith.constant 1 : i32
      %add3A_2465 = arith.addi %sub3A_2463, %add3A_2464 : i32
      %add3A_2466 = arith.constant 3 : i32
      %add3A_2467 = arith.addi %add3A_2465, %add3A_2466 : i32
      %add3A_2468 = arith.constant 10 : i32
      %add3A_2469 = arith.addi %add3A_2467, %add3A_2468 : i32
      %mul3A_2470 = arith.constant 64 : i32
      %mul3A_2471 = arith.muli %add3A_2469, %mul3A_2470 : i32
      %add3A_2472 = arith.addi %mul3A_2, %mul3A_2471 : i32
      %multiple_of3A_2473 = tpu.assume_multiple %add3A_2472, 8 : i32
      %add3A_2474 = arith.constant 320000 : i32
      %add3A_2475 = arith.addi %add3A_2474, %mul3A_2 : i32
      %mul3A_2476 = arith.constant 64 : i32
      %mul3A_2477 = arith.muli %add3A_2469, %mul3A_2476 : i32
      %add3A_2478 = arith.addi %add3A_2475, %mul3A_2477 : i32
      %multiple_of3A_2479 = tpu.assume_multiple %add3A_2478, 8 : i32
      %dma_start3A_2480 = arith.constant 3 : i32
      %dma_start3A_2481 = arith.constant 0 : i32
      %dma_start3A_2482 = tpu.memref_slice %arg7[%dma_start3A_2480, %dma_start3A_2481] : memref<10x64xi32, #tpu.memory_space<vmem>> -> memref<1x64xi32, #tpu.memory_space<vmem>>
      %dma_start3A_2483 = tpu.memref_squeeze %dma_start3A_2482 : memref<1x64xi32, #tpu.memory_space<vmem>> -> memref<64xi32, #tpu.memory_space<vmem>>
      %dma_start3A_2484 = tpu.memref_slice %arg2[%multiple_of3A_2473] : memref<640000xi32, #tpu.memory_space<hbm>> -> memref<64xi32, #tpu.memory_space<hbm>>
      %dma_start3A_2485 = tpu.memref_slice %arg13[%scan3A_560] : memref<24x!tpu.dma_semaphore, #tpu.memory_space<semaphore_mem>> -> memref<1x!tpu.dma_semaphore, #tpu.memory_space<semaphore_mem>>
      %dma_start3A_2486 = tpu.memref_squeeze %dma_start3A_2485 : memref<1x!tpu.dma_semaphore, #tpu.memory_space<semaphore_mem>> -> memref<!tpu.dma_semaphore, #tpu.memory_space<semaphore_mem>>
      %dma_start3A_2487 = arith.constant 0 : i32
      %dma_start3A_2488 = tpu.memref_slice %arg7[%dma_start3A_2480, %dma_start3A_2487] : memref<10x64xi32, #tpu.memory_space<vmem>> -> memref<1x64xi32, #tpu.memory_space<vmem>>
      %dma_start3A_2489 = tpu.memref_squeeze %dma_start3A_2488 : memref<1x64xi32, #tpu.memory_space<vmem>> -> memref<64xi32, #tpu.memory_space<vmem>>
      %dma_start3A_2490 = tpu.memref_slice %arg2[%multiple_of3A_2473] : memref<640000xi32, #tpu.memory_space<hbm>> -> memref<64xi32, #tpu.memory_space<hbm>>
      tpu.enqueue_dma source(%dma_start3A_2490 : memref<64xi32, #tpu.memory_space<hbm>>) target(%dma_start3A_2489 : memref<64xi32, #tpu.memory_space<vmem>>) target_semaphore(%dma_start3A_2486 : memref<!tpu.dma_semaphore, #tpu.memory_space<semaphore_mem>>)
      %dma_start3A_2491 = arith.constant 3 : i32
      %dma_start3A_2492 = arith.constant 0 : i32
      %dma_start3A_2493 = tpu.memref_slice %arg8[%dma_start3A_2491, %dma_start3A_2492] : memref<10x64xi32, #tpu.memory_space<vmem>> -> memref<1x64xi32, #tpu.memory_space<vmem>>
      %dma_start3A_2494 = tpu.memref_squeeze %dma_start3A_2493 : memref<1x64xi32, #tpu.memory_space<vmem>> -> memref<64xi32, #tpu.memory_space<vmem>>
      %dma_start3A_2495 = tpu.memref_slice %arg2[%multiple_of3A_2479] : memref<640000xi32, #tpu.memory_space<hbm>> -> memref<64xi32, #tpu.memory_space<hbm>>
      %dma_start3A_2496 = tpu.memref_slice %arg13[%scan3A_560] : memref<24x!tpu.dma_semaphore, #tpu.memory_space<semaphore_mem>> -> memref<1x!tpu.dma_semaphore, #tpu.memory_space<semaphore_mem>>
      %dma_start3A_2497 = tpu.memref_squeeze %dma_start3A_2496 : memref<1x!tpu.dma_semaphore, #tpu.memory_space<semaphore_mem>> -> memref<!tpu.dma_semaphore, #tpu.memory_space<semaphore_mem>>
      %dma_start3A_2498 = arith.constant 0 : i32
      %dma_start3A_2499 = tpu.memref_slice %arg8[%dma_start3A_2491, %dma_start3A_2498] : memref<10x64xi32, #tpu.memory_space<vmem>> -> memref<1x64xi32, #tpu.memory_space<vmem>>
      %dma_start3A_2500 = tpu.memref_squeeze %dma_start3A_2499 : memref<1x64xi32, #tpu.memory_space<vmem>> -> memref<64xi32, #tpu.memory_space<vmem>>
      %dma_start3A_2501 = tpu.memref_slice %arg2[%multiple_of3A_2479] : memref<640000xi32, #tpu.memory_space<hbm>> -> memref<64xi32, #tpu.memory_space<hbm>>
      tpu.enqueue_dma source(%dma_start3A_2501 : memref<64xi32, #tpu.memory_space<hbm>>) target(%dma_start3A_2500 : memref<64xi32, #tpu.memory_space<vmem>>) target_semaphore(%dma_start3A_2497 : memref<!tpu.dma_semaphore, #tpu.memory_space<semaphore_mem>>)
      %dma_wait3A_2502 = arith.constant 8 : i32
      %dma_wait3A_2503 = arith.constant 0 : i32
      %dma_wait3A_2504 = tpu.memref_slice %arg7[%dma_wait3A_2502, %dma_wait3A_2503] : memref<10x64xi32, #tpu.memory_space<vmem>> -> memref<1x64xi32, #tpu.memory_space<vmem>>
      %dma_wait3A_2505 = tpu.memref_squeeze %dma_wait3A_2504 : memref<1x64xi32, #tpu.memory_space<vmem>> -> memref<64xi32, #tpu.memory_space<vmem>>
      %dma_wait3A_2506 = arith.constant 0 : i32
      %dma_wait3A_2507 = tpu.memref_slice %arg2[%dma_wait3A_2506] : memref<640000xi32, #tpu.memory_space<hbm>> -> memref<64xi32, #tpu.memory_space<hbm>>
      %dma_wait3A_2508 = tpu.memref_slice %arg13[%scan3A_561] : memref<24x!tpu.dma_semaphore, #tpu.memory_space<semaphore_mem>> -> memref<1x!tpu.dma_semaphore, #tpu.memory_space<semaphore_mem>>
      %dma_wait3A_2509 = tpu.memref_squeeze %dma_wait3A_2508 : memref<1x!tpu.dma_semaphore, #tpu.memory_space<semaphore_mem>> -> memref<!tpu.dma_semaphore, #tpu.memory_space<semaphore_mem>>
      %dma_wait3A_2510 = arith.constant 0 : i32
      %dma_wait3A_2511 = tpu.memref_slice %arg7[%dma_wait3A_2502, %dma_wait3A_2510] : memref<10x64xi32, #tpu.memory_space<vmem>> -> memref<1x64xi32, #tpu.memory_space<vmem>>
      %dma_wait3A_2512 = tpu.memref_squeeze %dma_wait3A_2511 : memref<1x64xi32, #tpu.memory_space<vmem>> -> memref<64xi32, #tpu.memory_space<vmem>>
      %dma_wait3A_2513 = arith.constant 0 : i32
      %dma_wait3A_2514 = tpu.memref_slice %arg2[%dma_wait3A_2513] : memref<640000xi32, #tpu.memory_space<hbm>> -> memref<64xi32, #tpu.memory_space<hbm>>
      tpu.wait_dma2 semaphore(%dma_wait3A_2509 : memref<!tpu.dma_semaphore, #tpu.memory_space<semaphore_mem>>) src(%dma_wait3A_2514 : memref<64xi32, #tpu.memory_space<hbm>>) dst(%dma_wait3A_2512 : memref<64xi32, #tpu.memory_space<vmem>>)
      %dma_wait3A_2515 = arith.constant 8 : i32
      %dma_wait3A_2516 = arith.constant 0 : i32
      %dma_wait3A_2517 = tpu.memref_slice %arg8[%dma_wait3A_2515, %dma_wait3A_2516] : memref<10x64xi32, #tpu.memory_space<vmem>> -> memref<1x64xi32, #tpu.memory_space<vmem>>
      %dma_wait3A_2518 = tpu.memref_squeeze %dma_wait3A_2517 : memref<1x64xi32, #tpu.memory_space<vmem>> -> memref<64xi32, #tpu.memory_space<vmem>>
      %dma_wait3A_2519 = arith.constant 0 : i32
      %dma_wait3A_2520 = tpu.memref_slice %arg2[%dma_wait3A_2519] : memref<640000xi32, #tpu.memory_space<hbm>> -> memref<64xi32, #tpu.memory_space<hbm>>
      %dma_wait3A_2521 = tpu.memref_slice %arg13[%scan3A_561] : memref<24x!tpu.dma_semaphore, #tpu.memory_space<semaphore_mem>> -> memref<1x!tpu.dma_semaphore, #tpu.memory_space<semaphore_mem>>
      %dma_wait3A_2522 = tpu.memref_squeeze %dma_wait3A_2521 : memref<1x!tpu.dma_semaphore, #tpu.memory_space<semaphore_mem>> -> memref<!tpu.dma_semaphore, #tpu.memory_space<semaphore_mem>>
      %dma_wait3A_2523 = arith.constant 0 : i32
      %dma_wait3A_2524 = tpu.memref_slice %arg8[%dma_wait3A_2515, %dma_wait3A_2523] : memref<10x64xi32, #tpu.memory_space<vmem>> -> memref<1x64xi32, #tpu.memory_space<vmem>>
      %dma_wait3A_2525 = tpu.memref_squeeze %dma_wait3A_2524 : memref<1x64xi32, #tpu.memory_space<vmem>> -> memref<64xi32, #tpu.memory_space<vmem>>
      %dma_wait3A_2526 = arith.constant 0 : i32
      %dma_wait3A_2527 = tpu.memref_slice %arg2[%dma_wait3A_2526] : memref<640000xi32, #tpu.memory_space<hbm>> -> memref<64xi32, #tpu.memory_space<hbm>>
      tpu.wait_dma2 semaphore(%dma_wait3A_2522 : memref<!tpu.dma_semaphore, #tpu.memory_space<semaphore_mem>>) src(%dma_wait3A_2527 : memref<64xi32, #tpu.memory_space<hbm>>) dst(%dma_wait3A_2525 : memref<64xi32, #tpu.memory_space<vmem>>)
      %dma_start3A_2528 = arith.constant 8 : i32
      %dma_start3A_2529 = arith.constant 3 : i32
      %dma_start3A_2530 = arith.constant 0 : i32
      %dma_start3A_2531 = arith.constant 0 : i32
      %dma_start3A_2532 = tpu.memref_slice %arg9[%dma_start3A_2529, %dma_start3A_2530, %dma_start3A_2531] : memref<5x64x128xf32, #tpu.memory_space<vmem>> -> memref<1x64x128xf32, #tpu.memory_space<vmem>>
      %dma_start3A_2533 = tpu.memref_squeeze %dma_start3A_2532 : memref<1x64x128xf32, #tpu.memory_space<vmem>> -> memref<64x128xf32, #tpu.memory_space<vmem>>
      %dma_start3A_2534 = arith.constant 0 : i32
      %dma_start3A_2535 = tpu.memref_slice %arg7[%dma_start3A_2528, %dma_start3A_2534] : memref<10x64xi32, #tpu.memory_space<vmem>> -> memref<1x64xi32, #tpu.memory_space<vmem>>
      %dma_start3A_2536 = tpu.memref_squeeze %dma_start3A_2535 : memref<1x64xi32, #tpu.memory_space<vmem>> -> memref<64xi32, #tpu.memory_space<vmem>>
      %dma_start3A_2537 = arith.constant 0 : i32
      %dma_start3A_2538 = arith.constant 0 : i32
      %dma_start3A_2539 = tpu.memref_slice %arg3[%dma_start3A_2537, %dma_start3A_2538] : memref<10000x128xf32, #tpu.memory_space<hbm>> -> memref<10000x128xf32, #tpu.memory_space<hbm>>
      %dma_start3A_2540 = tpu.memref_slice %arg13[%scan3A_550] : memref<24x!tpu.dma_semaphore, #tpu.memory_space<semaphore_mem>> -> memref<1x!tpu.dma_semaphore, #tpu.memory_space<semaphore_mem>>
      %dma_start3A_2541 = tpu.memref_squeeze %dma_start3A_2540 : memref<1x!tpu.dma_semaphore, #tpu.memory_space<semaphore_mem>> -> memref<!tpu.dma_semaphore, #tpu.memory_space<semaphore_mem>>
      tpu.enqueue_indirect_dma source(%dma_start3A_2539 : memref<10000x128xf32, #tpu.memory_space<hbm>>) target(%dma_start3A_2533 : memref<64x128xf32, #tpu.memory_space<vmem>>) offsets(%dma_start3A_2536 : memref<64xi32, #tpu.memory_space<vmem>>) semaphore(%dma_start3A_2541 : memref<!tpu.dma_semaphore, #tpu.memory_space<semaphore_mem>>)
      %dma_wait3A_2542 = arith.constant 4 : i32
      %dma_wait3A_2543 = arith.constant 0 : i32
      %dma_wait3A_2544 = arith.constant 0 : i32
      %dma_wait3A_2545 = arith.constant 0 : i32
      %dma_wait3A_2546 = tpu.memref_slice %arg9[%dma_wait3A_2542, %dma_wait3A_2544, %dma_wait3A_2545] : memref<5x64x128xf32, #tpu.memory_space<vmem>> -> memref<1x64x128xf32, #tpu.memory_space<vmem>>
      %dma_wait3A_2547 = tpu.memref_squeeze %dma_wait3A_2546 : memref<1x64x128xf32, #tpu.memory_space<vmem>> -> memref<64x128xf32, #tpu.memory_space<vmem>>
      %dma_wait3A_2548 = arith.constant 0 : i32
      %dma_wait3A_2549 = tpu.memref_slice %arg8[%dma_wait3A_2543, %dma_wait3A_2548] : memref<10x64xi32, #tpu.memory_space<vmem>> -> memref<1x64xi32, #tpu.memory_space<vmem>>
      %dma_wait3A_2550 = tpu.memref_squeeze %dma_wait3A_2549 : memref<1x64xi32, #tpu.memory_space<vmem>> -> memref<64xi32, #tpu.memory_space<vmem>>
      %dma_wait3A_2551 = arith.constant 0 : i32
      %dma_wait3A_2552 = arith.constant 0 : i32
      %dma_wait3A_2553 = tpu.memref_slice %arg6[%dma_wait3A_2551, %dma_wait3A_2552] : memref<10000x128xf32, #tpu.memory_space<vmem_shared>> -> memref<10000x128xf32, #tpu.memory_space<vmem_shared>>
      %dma_wait3A_2554 = tpu.memref_slice %arg13[%scan3A_553] : memref<24x!tpu.dma_semaphore, #tpu.memory_space<semaphore_mem>> -> memref<1x!tpu.dma_semaphore, #tpu.memory_space<semaphore_mem>>
      %dma_wait3A_2555 = tpu.memref_squeeze %dma_wait3A_2554 : memref<1x!tpu.dma_semaphore, #tpu.memory_space<semaphore_mem>> -> memref<!tpu.dma_semaphore, #tpu.memory_space<semaphore_mem>>
      tpu.wait_indirect_dma semaphore(%dma_wait3A_2555 : memref<!tpu.dma_semaphore, #tpu.memory_space<semaphore_mem>>) src(%dma_wait3A_2547 : memref<64x128xf32, #tpu.memory_space<vmem>>) dst(%dma_wait3A_2553 : memref<10000x128xf32, #tpu.memory_space<vmem_shared>>)
      %add3A_2556 = arith.constant 4 : i32
      %add3A_2557 = arith.addi %mul3A_2018, %add3A_2556 : i32
      %sub3A_2558 = arith.constant 5 : i32
      %sub3A_2559 = arith.subi %add3A_2557, %sub3A_2558 : i32
      %add3A_2560 = arith.constant 1 : i32
      %add3A_2561 = arith.addi %sub3A_2559, %add3A_2560 : i32
      %add3A_2562 = arith.constant 4 : i32
      %add3A_2563 = arith.addi %add3A_2561, %add3A_2562 : i32
      %add3A_2564 = arith.constant 10 : i32
      %add3A_2565 = arith.addi %add3A_2563, %add3A_2564 : i32
      %mul3A_2566 = arith.constant 64 : i32
      %mul3A_2567 = arith.muli %add3A_2565, %mul3A_2566 : i32
      %add3A_2568 = arith.addi %mul3A_2, %mul3A_2567 : i32
      %multiple_of3A_2569 = tpu.assume_multiple %add3A_2568, 8 : i32
      %add3A_2570 = arith.constant 320000 : i32
      %add3A_2571 = arith.addi %add3A_2570, %mul3A_2 : i32
      %mul3A_2572 = arith.constant 64 : i32
      %mul3A_2573 = arith.muli %add3A_2565, %mul3A_2572 : i32
      %add3A_2574 = arith.addi %add3A_2571, %mul3A_2573 : i32
      %multiple_of3A_2575 = tpu.assume_multiple %add3A_2574, 8 : i32
      %dma_start3A_2576 = arith.constant 4 : i32
      %dma_start3A_2577 = arith.constant 0 : i32
      %dma_start3A_2578 = tpu.memref_slice %arg7[%dma_start3A_2576, %dma_start3A_2577] : memref<10x64xi32, #tpu.memory_space<vmem>> -> memref<1x64xi32, #tpu.memory_space<vmem>>
      %dma_start3A_2579 = tpu.memref_squeeze %dma_start3A_2578 : memref<1x64xi32, #tpu.memory_space<vmem>> -> memref<64xi32, #tpu.memory_space<vmem>>
      %dma_start3A_2580 = tpu.memref_slice %arg2[%multiple_of3A_2569] : memref<640000xi32, #tpu.memory_space<hbm>> -> memref<64xi32, #tpu.memory_space<hbm>>
      %dma_start3A_2581 = tpu.memref_slice %arg13[%scan3A_562] : memref<24x!tpu.dma_semaphore, #tpu.memory_space<semaphore_mem>> -> memref<1x!tpu.dma_semaphore, #tpu.memory_space<semaphore_mem>>
      %dma_start3A_2582 = tpu.memref_squeeze %dma_start3A_2581 : memref<1x!tpu.dma_semaphore, #tpu.memory_space<semaphore_mem>> -> memref<!tpu.dma_semaphore, #tpu.memory_space<semaphore_mem>>
      %dma_start3A_2583 = arith.constant 0 : i32
      %dma_start3A_2584 = tpu.memref_slice %arg7[%dma_start3A_2576, %dma_start3A_2583] : memref<10x64xi32, #tpu.memory_space<vmem>> -> memref<1x64xi32, #tpu.memory_space<vmem>>
      %dma_start3A_2585 = tpu.memref_squeeze %dma_start3A_2584 : memref<1x64xi32, #tpu.memory_space<vmem>> -> memref<64xi32, #tpu.memory_space<vmem>>
      %dma_start3A_2586 = tpu.memref_slice %arg2[%multiple_of3A_2569] : memref<640000xi32, #tpu.memory_space<hbm>> -> memref<64xi32, #tpu.memory_space<hbm>>
      tpu.enqueue_dma source(%dma_start3A_2586 : memref<64xi32, #tpu.memory_space<hbm>>) target(%dma_start3A_2585 : memref<64xi32, #tpu.memory_space<vmem>>) target_semaphore(%dma_start3A_2582 : memref<!tpu.dma_semaphore, #tpu.memory_space<semaphore_mem>>)
      %dma_start3A_2587 = arith.constant 4 : i32
      %dma_start3A_2588 = arith.constant 0 : i32
      %dma_start3A_2589 = tpu.memref_slice %arg8[%dma_start3A_2587, %dma_start3A_2588] : memref<10x64xi32, #tpu.memory_space<vmem>> -> memref<1x64xi32, #tpu.memory_space<vmem>>
      %dma_start3A_2590 = tpu.memref_squeeze %dma_start3A_2589 : memref<1x64xi32, #tpu.memory_space<vmem>> -> memref<64xi32, #tpu.memory_space<vmem>>
      %dma_start3A_2591 = tpu.memref_slice %arg2[%multiple_of3A_2575] : memref<640000xi32, #tpu.memory_space<hbm>> -> memref<64xi32, #tpu.memory_space<hbm>>
      %dma_start3A_2592 = tpu.memref_slice %arg13[%scan3A_562] : memref<24x!tpu.dma_semaphore, #tpu.memory_space<semaphore_mem>> -> memref<1x!tpu.dma_semaphore, #tpu.memory_space<semaphore_mem>>
      %dma_start3A_2593 = tpu.memref_squeeze %dma_start3A_2592 : memref<1x!tpu.dma_semaphore, #tpu.memory_space<semaphore_mem>> -> memref<!tpu.dma_semaphore, #tpu.memory_space<semaphore_mem>>
      %dma_start3A_2594 = arith.constant 0 : i32
      %dma_start3A_2595 = tpu.memref_slice %arg8[%dma_start3A_2587, %dma_start3A_2594] : memref<10x64xi32, #tpu.memory_space<vmem>> -> memref<1x64xi32, #tpu.memory_space<vmem>>
      %dma_start3A_2596 = tpu.memref_squeeze %dma_start3A_2595 : memref<1x64xi32, #tpu.memory_space<vmem>> -> memref<64xi32, #tpu.memory_space<vmem>>
      %dma_start3A_2597 = tpu.memref_slice %arg2[%multiple_of3A_2575] : memref<640000xi32, #tpu.memory_space<hbm>> -> memref<64xi32, #tpu.memory_space<hbm>>
      tpu.enqueue_dma source(%dma_start3A_2597 : memref<64xi32, #tpu.memory_space<hbm>>) target(%dma_start3A_2596 : memref<64xi32, #tpu.memory_space<vmem>>) target_semaphore(%dma_start3A_2593 : memref<!tpu.dma_semaphore, #tpu.memory_space<semaphore_mem>>)
      %dma_wait3A_2598 = arith.constant 9 : i32
      %dma_wait3A_2599 = arith.constant 0 : i32
      %dma_wait3A_2600 = tpu.memref_slice %arg7[%dma_wait3A_2598, %dma_wait3A_2599] : memref<10x64xi32, #tpu.memory_space<vmem>> -> memref<1x64xi32, #tpu.memory_space<vmem>>
      %dma_wait3A_2601 = tpu.memref_squeeze %dma_wait3A_2600 : memref<1x64xi32, #tpu.memory_space<vmem>> -> memref<64xi32, #tpu.memory_space<vmem>>
      %dma_wait3A_2602 = arith.constant 0 : i32
      %dma_wait3A_2603 = tpu.memref_slice %arg2[%dma_wait3A_2602] : memref<640000xi32, #tpu.memory_space<hbm>> -> memref<64xi32, #tpu.memory_space<hbm>>
      %dma_wait3A_2604 = tpu.memref_slice %arg13[%scan3A_563] : memref<24x!tpu.dma_semaphore, #tpu.memory_space<semaphore_mem>> -> memref<1x!tpu.dma_semaphore, #tpu.memory_space<semaphore_mem>>
      %dma_wait3A_2605 = tpu.memref_squeeze %dma_wait3A_2604 : memref<1x!tpu.dma_semaphore, #tpu.memory_space<semaphore_mem>> -> memref<!tpu.dma_semaphore, #tpu.memory_space<semaphore_mem>>
      %dma_wait3A_2606 = arith.constant 0 : i32
      %dma_wait3A_2607 = tpu.memref_slice %arg7[%dma_wait3A_2598, %dma_wait3A_2606] : memref<10x64xi32, #tpu.memory_space<vmem>> -> memref<1x64xi32, #tpu.memory_space<vmem>>
      %dma_wait3A_2608 = tpu.memref_squeeze %dma_wait3A_2607 : memref<1x64xi32, #tpu.memory_space<vmem>> -> memref<64xi32, #tpu.memory_space<vmem>>
      %dma_wait3A_2609 = arith.constant 0 : i32
      %dma_wait3A_2610 = tpu.memref_slice %arg2[%dma_wait3A_2609] : memref<640000xi32, #tpu.memory_space<hbm>> -> memref<64xi32, #tpu.memory_space<hbm>>
      tpu.wait_dma2 semaphore(%dma_wait3A_2605 : memref<!tpu.dma_semaphore, #tpu.memory_space<semaphore_mem>>) src(%dma_wait3A_2610 : memref<64xi32, #tpu.memory_space<hbm>>) dst(%dma_wait3A_2608 : memref<64xi32, #tpu.memory_space<vmem>>)
      %dma_wait3A_2611 = arith.constant 9 : i32
      %dma_wait3A_2612 = arith.constant 0 : i32
      %dma_wait3A_2613 = tpu.memref_slice %arg8[%dma_wait3A_2611, %dma_wait3A_2612] : memref<10x64xi32, #tpu.memory_space<vmem>> -> memref<1x64xi32, #tpu.memory_space<vmem>>
      %dma_wait3A_2614 = tpu.memref_squeeze %dma_wait3A_2613 : memref<1x64xi32, #tpu.memory_space<vmem>> -> memref<64xi32, #tpu.memory_space<vmem>>
      %dma_wait3A_2615 = arith.constant 0 : i32
      %dma_wait3A_2616 = tpu.memref_slice %arg2[%dma_wait3A_2615] : memref<640000xi32, #tpu.memory_space<hbm>> -> memref<64xi32, #tpu.memory_space<hbm>>
      %dma_wait3A_2617 = tpu.memref_slice %arg13[%scan3A_563] : memref<24x!tpu.dma_semaphore, #tpu.memory_space<semaphore_mem>> -> memref<1x!tpu.dma_semaphore, #tpu.memory_space<semaphore_mem>>
      %dma_wait3A_2618 = tpu.memref_squeeze %dma_wait3A_2617 : memref<1x!tpu.dma_semaphore, #tpu.memory_space<semaphore_mem>> -> memref<!tpu.dma_semaphore, #tpu.memory_space<semaphore_mem>>
      %dma_wait3A_2619 = arith.constant 0 : i32
      %dma_wait3A_2620 = tpu.memref_slice %arg8[%dma_wait3A_2611, %dma_wait3A_2619] : memref<10x64xi32, #tpu.memory_space<vmem>> -> memref<1x64xi32, #tpu.memory_space<vmem>>
      %dma_wait3A_2621 = tpu.memref_squeeze %dma_wait3A_2620 : memref<1x64xi32, #tpu.memory_space<vmem>> -> memref<64xi32, #tpu.memory_space<vmem>>
      %dma_wait3A_2622 = arith.constant 0 : i32
      %dma_wait3A_2623 = tpu.memref_slice %arg2[%dma_wait3A_2622] : memref<640000xi32, #tpu.memory_space<hbm>> -> memref<64xi32, #tpu.memory_space<hbm>>
      tpu.wait_dma2 semaphore(%dma_wait3A_2618 : memref<!tpu.dma_semaphore, #tpu.memory_space<semaphore_mem>>) src(%dma_wait3A_2623 : memref<64xi32, #tpu.memory_space<hbm>>) dst(%dma_wait3A_2621 : memref<64xi32, #tpu.memory_space<vmem>>)
      %dma_start3A_2624 = arith.constant 9 : i32
      %dma_start3A_2625 = arith.constant 4 : i32
      %dma_start3A_2626 = arith.constant 0 : i32
      %dma_start3A_2627 = arith.constant 0 : i32
      %dma_start3A_2628 = tpu.memref_slice %arg9[%dma_start3A_2625, %dma_start3A_2626, %dma_start3A_2627] : memref<5x64x128xf32, #tpu.memory_space<vmem>> -> memref<1x64x128xf32, #tpu.memory_space<vmem>>
      %dma_start3A_2629 = tpu.memref_squeeze %dma_start3A_2628 : memref<1x64x128xf32, #tpu.memory_space<vmem>> -> memref<64x128xf32, #tpu.memory_space<vmem>>
      %dma_start3A_2630 = arith.constant 0 : i32
      %dma_start3A_2631 = tpu.memref_slice %arg7[%dma_start3A_2624, %dma_start3A_2630] : memref<10x64xi32, #tpu.memory_space<vmem>> -> memref<1x64xi32, #tpu.memory_space<vmem>>
      %dma_start3A_2632 = tpu.memref_squeeze %dma_start3A_2631 : memref<1x64xi32, #tpu.memory_space<vmem>> -> memref<64xi32, #tpu.memory_space<vmem>>
      %dma_start3A_2633 = arith.constant 0 : i32
      %dma_start3A_2634 = arith.constant 0 : i32
      %dma_start3A_2635 = tpu.memref_slice %arg3[%dma_start3A_2633, %dma_start3A_2634] : memref<10000x128xf32, #tpu.memory_space<hbm>> -> memref<10000x128xf32, #tpu.memory_space<hbm>>
      %dma_start3A_2636 = tpu.memref_slice %arg13[%scan3A_552] : memref<24x!tpu.dma_semaphore, #tpu.memory_space<semaphore_mem>> -> memref<1x!tpu.dma_semaphore, #tpu.memory_space<semaphore_mem>>
      %dma_start3A_2637 = tpu.memref_squeeze %dma_start3A_2636 : memref<1x!tpu.dma_semaphore, #tpu.memory_space<semaphore_mem>> -> memref<!tpu.dma_semaphore, #tpu.memory_space<semaphore_mem>>
      tpu.enqueue_indirect_dma source(%dma_start3A_2635 : memref<10000x128xf32, #tpu.memory_space<hbm>>) target(%dma_start3A_2629 : memref<64x128xf32, #tpu.memory_space<vmem>>) offsets(%dma_start3A_2632 : memref<64xi32, #tpu.memory_space<vmem>>) semaphore(%dma_start3A_2637 : memref<!tpu.dma_semaphore, #tpu.memory_space<semaphore_mem>>)
      %dma_wait3A_2638 = arith.constant 0 : i32
      %dma_wait3A_2639 = arith.constant 0 : i32
      %dma_wait3A_2640 = arith.constant 0 : i32
      %dma_wait3A_2641 = arith.constant 0 : i32
      %dma_wait3A_2642 = tpu.memref_slice %arg9[%dma_wait3A_2639, %dma_wait3A_2640, %dma_wait3A_2641] : memref<5x64x128xf32, #tpu.memory_space<vmem>> -> memref<1x64x128xf32, #tpu.memory_space<vmem>>
      %dma_wait3A_2643 = tpu.memref_squeeze %dma_wait3A_2642 : memref<1x64x128xf32, #tpu.memory_space<vmem>> -> memref<64x128xf32, #tpu.memory_space<vmem>>
      %dma_wait3A_2644 = arith.constant 0 : i32
      %dma_wait3A_2645 = tpu.memref_slice %arg7[%dma_wait3A_2638, %dma_wait3A_2644] : memref<10x64xi32, #tpu.memory_space<vmem>> -> memref<1x64xi32, #tpu.memory_space<vmem>>
      %dma_wait3A_2646 = tpu.memref_squeeze %dma_wait3A_2645 : memref<1x64xi32, #tpu.memory_space<vmem>> -> memref<64xi32, #tpu.memory_space<vmem>>
      %dma_wait3A_2647 = arith.constant 0 : i32
      %dma_wait3A_2648 = arith.constant 0 : i32
      %dma_wait3A_2649 = tpu.memref_slice %arg3[%dma_wait3A_2647, %dma_wait3A_2648] : memref<10000x128xf32, #tpu.memory_space<hbm>> -> memref<10000x128xf32, #tpu.memory_space<hbm>>
      %dma_wait3A_2650 = tpu.memref_slice %arg13[%scan3A_544] : memref<24x!tpu.dma_semaphore, #tpu.memory_space<semaphore_mem>> -> memref<1x!tpu.dma_semaphore, #tpu.memory_space<semaphore_mem>>
      %dma_wait3A_2651 = tpu.memref_squeeze %dma_wait3A_2650 : memref<1x!tpu.dma_semaphore, #tpu.memory_space<semaphore_mem>> -> memref<!tpu.dma_semaphore, #tpu.memory_space<semaphore_mem>>
      tpu.wait_indirect_dma semaphore(%dma_wait3A_2651 : memref<!tpu.dma_semaphore, #tpu.memory_space<semaphore_mem>>) src(%dma_wait3A_2649 : memref<10000x128xf32, #tpu.memory_space<hbm>>) dst(%dma_wait3A_2643 : memref<64x128xf32, #tpu.memory_space<vmem>>)
      %dma_start3A_2652 = arith.constant 0 : i32
      %dma_start3A_2653 = arith.constant 5 : i32
      %dma_start3A_2654 = arith.constant 0 : i32
      %dma_start3A_2655 = arith.constant 0 : i32
      %dma_start3A_2656 = tpu.memref_slice %arg9[%dma_start3A_2652, %dma_start3A_2654, %dma_start3A_2655] : memref<5x64x128xf32, #tpu.memory_space<vmem>> -> memref<1x64x128xf32, #tpu.memory_space<vmem>>
      %dma_start3A_2657 = tpu.memref_squeeze %dma_start3A_2656 : memref<1x64x128xf32, #tpu.memory_space<vmem>> -> memref<64x128xf32, #tpu.memory_space<vmem>>
      %dma_start3A_2658 = arith.constant 0 : i32
      %dma_start3A_2659 = tpu.memref_slice %arg8[%dma_start3A_2653, %dma_start3A_2658] : memref<10x64xi32, #tpu.memory_space<vmem>> -> memref<1x64xi32, #tpu.memory_space<vmem>>
      %dma_start3A_2660 = tpu.memref_squeeze %dma_start3A_2659 : memref<1x64xi32, #tpu.memory_space<vmem>> -> memref<64xi32, #tpu.memory_space<vmem>>
      %dma_start3A_2661 = arith.constant 0 : i32
      %dma_start3A_2662 = arith.constant 0 : i32
      %dma_start3A_2663 = tpu.memref_slice %arg6[%dma_start3A_2661, %dma_start3A_2662] : memref<10000x128xf32, #tpu.memory_space<vmem_shared>> -> memref<10000x128xf32, #tpu.memory_space<vmem_shared>>
      %dma_start3A_2664 = tpu.memref_slice %arg13[%scan3A_545] : memref<24x!tpu.dma_semaphore, #tpu.memory_space<semaphore_mem>> -> memref<1x!tpu.dma_semaphore, #tpu.memory_space<semaphore_mem>>
      %dma_start3A_2665 = tpu.memref_squeeze %dma_start3A_2664 : memref<1x!tpu.dma_semaphore, #tpu.memory_space<semaphore_mem>> -> memref<!tpu.dma_semaphore, #tpu.memory_space<semaphore_mem>>
      tpu.enqueue_indirect_dma source(%dma_start3A_2657 : memref<64x128xf32, #tpu.memory_space<vmem>>) target(%dma_start3A_2663 : memref<10000x128xf32, #tpu.memory_space<vmem_shared>>) offsets(%dma_start3A_2660 : memref<64xi32, #tpu.memory_space<vmem>>) semaphore(%dma_start3A_2665 : memref<!tpu.dma_semaphore, #tpu.memory_space<semaphore_mem>>) {add = true}
      %dma_wait3A_2666 = arith.constant 0 : i32
      %dma_wait3A_2667 = arith.constant 1 : i32
      %dma_wait3A_2668 = arith.constant 0 : i32
      %dma_wait3A_2669 = arith.constant 0 : i32
      %dma_wait3A_2670 = tpu.memref_slice %arg9[%dma_wait3A_2667, %dma_wait3A_2668, %dma_wait3A_2669] : memref<5x64x128xf32, #tpu.memory_space<vmem>> -> memref<1x64x128xf32, #tpu.memory_space<vmem>>
      %dma_wait3A_2671 = tpu.memref_squeeze %dma_wait3A_2670 : memref<1x64x128xf32, #tpu.memory_space<vmem>> -> memref<64x128xf32, #tpu.memory_space<vmem>>
      %dma_wait3A_2672 = arith.constant 0 : i32
      %dma_wait3A_2673 = tpu.memref_slice %arg7[%dma_wait3A_2666, %dma_wait3A_2672] : memref<10x64xi32, #tpu.memory_space<vmem>> -> memref<1x64xi32, #tpu.memory_space<vmem>>
      %dma_wait3A_2674 = tpu.memref_squeeze %dma_wait3A_2673 : memref<1x64xi32, #tpu.memory_space<vmem>> -> memref<64xi32, #tpu.memory_space<vmem>>
      %dma_wait3A_2675 = arith.constant 0 : i32
      %dma_wait3A_2676 = arith.constant 0 : i32
      %dma_wait3A_2677 = tpu.memref_slice %arg3[%dma_wait3A_2675, %dma_wait3A_2676] : memref<10000x128xf32, #tpu.memory_space<hbm>> -> memref<10000x128xf32, #tpu.memory_space<hbm>>
      %dma_wait3A_2678 = tpu.memref_slice %arg13[%scan3A_546] : memref<24x!tpu.dma_semaphore, #tpu.memory_space<semaphore_mem>> -> memref<1x!tpu.dma_semaphore, #tpu.memory_space<semaphore_mem>>
      %dma_wait3A_2679 = tpu.memref_squeeze %dma_wait3A_2678 : memref<1x!tpu.dma_semaphore, #tpu.memory_space<semaphore_mem>> -> memref<!tpu.dma_semaphore, #tpu.memory_space<semaphore_mem>>
      tpu.wait_indirect_dma semaphore(%dma_wait3A_2679 : memref<!tpu.dma_semaphore, #tpu.memory_space<semaphore_mem>>) src(%dma_wait3A_2677 : memref<10000x128xf32, #tpu.memory_space<hbm>>) dst(%dma_wait3A_2671 : memref<64x128xf32, #tpu.memory_space<vmem>>)
      %dma_start3A_2680 = arith.constant 1 : i32
      %dma_start3A_2681 = arith.constant 6 : i32
      %dma_start3A_2682 = arith.constant 0 : i32
      %dma_start3A_2683 = arith.constant 0 : i32
      %dma_start3A_2684 = tpu.memref_slice %arg9[%dma_start3A_2680, %dma_start3A_2682, %dma_start3A_2683] : memref<5x64x128xf32, #tpu.memory_space<vmem>> -> memref<1x64x128xf32, #tpu.memory_space<vmem>>
      %dma_start3A_2685 = tpu.memref_squeeze %dma_start3A_2684 : memref<1x64x128xf32, #tpu.memory_space<vmem>> -> memref<64x128xf32, #tpu.memory_space<vmem>>
      %dma_start3A_2686 = arith.constant 0 : i32
      %dma_start3A_2687 = tpu.memref_slice %arg8[%dma_start3A_2681, %dma_start3A_2686] : memref<10x64xi32, #tpu.memory_space<vmem>> -> memref<1x64xi32, #tpu.memory_space<vmem>>
      %dma_start3A_2688 = tpu.memref_squeeze %dma_start3A_2687 : memref<1x64xi32, #tpu.memory_space<vmem>> -> memref<64xi32, #tpu.memory_space<vmem>>
      %dma_start3A_2689 = arith.constant 0 : i32
      %dma_start3A_2690 = arith.constant 0 : i32
      %dma_start3A_2691 = tpu.memref_slice %arg6[%dma_start3A_2689, %dma_start3A_2690] : memref<10000x128xf32, #tpu.memory_space<vmem_shared>> -> memref<10000x128xf32, #tpu.memory_space<vmem_shared>>
      %dma_start3A_2692 = tpu.memref_slice %arg13[%scan3A_547] : memref<24x!tpu.dma_semaphore, #tpu.memory_space<semaphore_mem>> -> memref<1x!tpu.dma_semaphore, #tpu.memory_space<semaphore_mem>>
      %dma_start3A_2693 = tpu.memref_squeeze %dma_start3A_2692 : memref<1x!tpu.dma_semaphore, #tpu.memory_space<semaphore_mem>> -> memref<!tpu.dma_semaphore, #tpu.memory_space<semaphore_mem>>
      tpu.enqueue_indirect_dma source(%dma_start3A_2685 : memref<64x128xf32, #tpu.memory_space<vmem>>) target(%dma_start3A_2691 : memref<10000x128xf32, #tpu.memory_space<vmem_shared>>) offsets(%dma_start3A_2688 : memref<64xi32, #tpu.memory_space<vmem>>) semaphore(%dma_start3A_2693 : memref<!tpu.dma_semaphore, #tpu.memory_space<semaphore_mem>>) {add = true}
      %dma_wait3A_2694 = arith.constant 0 : i32
      %dma_wait3A_2695 = arith.constant 2 : i32
      %dma_wait3A_2696 = arith.constant 0 : i32
      %dma_wait3A_2697 = arith.constant 0 : i32
      %dma_wait3A_2698 = tpu.memref_slice %arg9[%dma_wait3A_2695, %dma_wait3A_2696, %dma_wait3A_2697] : memref<5x64x128xf32, #tpu.memory_space<vmem>> -> memref<1x64x128xf32, #tpu.memory_space<vmem>>
      %dma_wait3A_2699 = tpu.memref_squeeze %dma_wait3A_2698 : memref<1x64x128xf32, #tpu.memory_space<vmem>> -> memref<64x128xf32, #tpu.memory_space<vmem>>
      %dma_wait3A_2700 = arith.constant 0 : i32
      %dma_wait3A_2701 = tpu.memref_slice %arg7[%dma_wait3A_2694, %dma_wait3A_2700] : memref<10x64xi32, #tpu.memory_space<vmem>> -> memref<1x64xi32, #tpu.memory_space<vmem>>
      %dma_wait3A_2702 = tpu.memref_squeeze %dma_wait3A_2701 : memref<1x64xi32, #tpu.memory_space<vmem>> -> memref<64xi32, #tpu.memory_space<vmem>>
      %dma_wait3A_2703 = arith.constant 0 : i32
      %dma_wait3A_2704 = arith.constant 0 : i32
      %dma_wait3A_2705 = tpu.memref_slice %arg3[%dma_wait3A_2703, %dma_wait3A_2704] : memref<10000x128xf32, #tpu.memory_space<hbm>> -> memref<10000x128xf32, #tpu.memory_space<hbm>>
      %dma_wait3A_2706 = tpu.memref_slice %arg13[%scan3A_548] : memref<24x!tpu.dma_semaphore, #tpu.memory_space<semaphore_mem>> -> memref<1x!tpu.dma_semaphore, #tpu.memory_space<semaphore_mem>>
      %dma_wait3A_2707 = tpu.memref_squeeze %dma_wait3A_2706 : memref<1x!tpu.dma_semaphore, #tpu.memory_space<semaphore_mem>> -> memref<!tpu.dma_semaphore, #tpu.memory_space<semaphore_mem>>
      tpu.wait_indirect_dma semaphore(%dma_wait3A_2707 : memref<!tpu.dma_semaphore, #tpu.memory_space<semaphore_mem>>) src(%dma_wait3A_2705 : memref<10000x128xf32, #tpu.memory_space<hbm>>) dst(%dma_wait3A_2699 : memref<64x128xf32, #tpu.memory_space<vmem>>)
      %dma_start3A_2708 = arith.constant 2 : i32
      %dma_start3A_2709 = arith.constant 7 : i32
      %dma_start3A_2710 = arith.constant 0 : i32
      %dma_start3A_2711 = arith.constant 0 : i32
      %dma_start3A_2712 = tpu.memref_slice %arg9[%dma_start3A_2708, %dma_start3A_2710, %dma_start3A_2711] : memref<5x64x128xf32, #tpu.memory_space<vmem>> -> memref<1x64x128xf32, #tpu.memory_space<vmem>>
      %dma_start3A_2713 = tpu.memref_squeeze %dma_start3A_2712 : memref<1x64x128xf32, #tpu.memory_space<vmem>> -> memref<64x128xf32, #tpu.memory_space<vmem>>
      %dma_start3A_2714 = arith.constant 0 : i32
      %dma_start3A_2715 = tpu.memref_slice %arg8[%dma_start3A_2709, %dma_start3A_2714] : memref<10x64xi32, #tpu.memory_space<vmem>> -> memref<1x64xi32, #tpu.memory_space<vmem>>
      %dma_start3A_2716 = tpu.memref_squeeze %dma_start3A_2715 : memref<1x64xi32, #tpu.memory_space<vmem>> -> memref<64xi32, #tpu.memory_space<vmem>>
      %dma_start3A_2717 = arith.constant 0 : i32
      %dma_start3A_2718 = arith.constant 0 : i32
      %dma_start3A_2719 = tpu.memref_slice %arg6[%dma_start3A_2717, %dma_start3A_2718] : memref<10000x128xf32, #tpu.memory_space<vmem_shared>> -> memref<10000x128xf32, #tpu.memory_space<vmem_shared>>
      %dma_start3A_2720 = tpu.memref_slice %arg13[%scan3A_549] : memref<24x!tpu.dma_semaphore, #tpu.memory_space<semaphore_mem>> -> memref<1x!tpu.dma_semaphore, #tpu.memory_space<semaphore_mem>>
      %dma_start3A_2721 = tpu.memref_squeeze %dma_start3A_2720 : memref<1x!tpu.dma_semaphore, #tpu.memory_space<semaphore_mem>> -> memref<!tpu.dma_semaphore, #tpu.memory_space<semaphore_mem>>
      tpu.enqueue_indirect_dma source(%dma_start3A_2713 : memref<64x128xf32, #tpu.memory_space<vmem>>) target(%dma_start3A_2719 : memref<10000x128xf32, #tpu.memory_space<vmem_shared>>) offsets(%dma_start3A_2716 : memref<64xi32, #tpu.memory_space<vmem>>) semaphore(%dma_start3A_2721 : memref<!tpu.dma_semaphore, #tpu.memory_space<semaphore_mem>>) {add = true}
      %dma_wait3A_2722 = arith.constant 0 : i32
      %dma_wait3A_2723 = arith.constant 3 : i32
      %dma_wait3A_2724 = arith.constant 0 : i32
      %dma_wait3A_2725 = arith.constant 0 : i32
      %dma_wait3A_2726 = tpu.memref_slice %arg9[%dma_wait3A_2723, %dma_wait3A_2724, %dma_wait3A_2725] : memref<5x64x128xf32, #tpu.memory_space<vmem>> -> memref<1x64x128xf32, #tpu.memory_space<vmem>>
      %dma_wait3A_2727 = tpu.memref_squeeze %dma_wait3A_2726 : memref<1x64x128xf32, #tpu.memory_space<vmem>> -> memref<64x128xf32, #tpu.memory_space<vmem>>
      %dma_wait3A_2728 = arith.constant 0 : i32
      %dma_wait3A_2729 = tpu.memref_slice %arg7[%dma_wait3A_2722, %dma_wait3A_2728] : memref<10x64xi32, #tpu.memory_space<vmem>> -> memref<1x64xi32, #tpu.memory_space<vmem>>
      %dma_wait3A_2730 = tpu.memref_squeeze %dma_wait3A_2729 : memref<1x64xi32, #tpu.memory_space<vmem>> -> memref<64xi32, #tpu.memory_space<vmem>>
      %dma_wait3A_2731 = arith.constant 0 : i32
      %dma_wait3A_2732 = arith.constant 0 : i32
      %dma_wait3A_2733 = tpu.memref_slice %arg3[%dma_wait3A_2731, %dma_wait3A_2732] : memref<10000x128xf32, #tpu.memory_space<hbm>> -> memref<10000x128xf32, #tpu.memory_space<hbm>>
      %dma_wait3A_2734 = tpu.memref_slice %arg13[%scan3A_550] : memref<24x!tpu.dma_semaphore, #tpu.memory_space<semaphore_mem>> -> memref<1x!tpu.dma_semaphore, #tpu.memory_space<semaphore_mem>>
      %dma_wait3A_2735 = tpu.memref_squeeze %dma_wait3A_2734 : memref<1x!tpu.dma_semaphore, #tpu.memory_space<semaphore_mem>> -> memref<!tpu.dma_semaphore, #tpu.memory_space<semaphore_mem>>
      tpu.wait_indirect_dma semaphore(%dma_wait3A_2735 : memref<!tpu.dma_semaphore, #tpu.memory_space<semaphore_mem>>) src(%dma_wait3A_2733 : memref<10000x128xf32, #tpu.memory_space<hbm>>) dst(%dma_wait3A_2727 : memref<64x128xf32, #tpu.memory_space<vmem>>)
      %dma_start3A_2736 = arith.constant 3 : i32
      %dma_start3A_2737 = arith.constant 8 : i32
      %dma_start3A_2738 = arith.constant 0 : i32
      %dma_start3A_2739 = arith.constant 0 : i32
      %dma_start3A_2740 = tpu.memref_slice %arg9[%dma_start3A_2736, %dma_start3A_2738, %dma_start3A_2739] : memref<5x64x128xf32, #tpu.memory_space<vmem>> -> memref<1x64x128xf32, #tpu.memory_space<vmem>>
      %dma_start3A_2741 = tpu.memref_squeeze %dma_start3A_2740 : memref<1x64x128xf32, #tpu.memory_space<vmem>> -> memref<64x128xf32, #tpu.memory_space<vmem>>
      %dma_start3A_2742 = arith.constant 0 : i32
      %dma_start3A_2743 = tpu.memref_slice %arg8[%dma_start3A_2737, %dma_start3A_2742] : memref<10x64xi32, #tpu.memory_space<vmem>> -> memref<1x64xi32, #tpu.memory_space<vmem>>
      %dma_start3A_2744 = tpu.memref_squeeze %dma_start3A_2743 : memref<1x64xi32, #tpu.memory_space<vmem>> -> memref<64xi32, #tpu.memory_space<vmem>>
      %dma_start3A_2745 = arith.constant 0 : i32
      %dma_start3A_2746 = arith.constant 0 : i32
      %dma_start3A_2747 = tpu.memref_slice %arg6[%dma_start3A_2745, %dma_start3A_2746] : memref<10000x128xf32, #tpu.memory_space<vmem_shared>> -> memref<10000x128xf32, #tpu.memory_space<vmem_shared>>
      %dma_start3A_2748 = tpu.memref_slice %arg13[%scan3A_551] : memref<24x!tpu.dma_semaphore, #tpu.memory_space<semaphore_mem>> -> memref<1x!tpu.dma_semaphore, #tpu.memory_space<semaphore_mem>>
      %dma_start3A_2749 = tpu.memref_squeeze %dma_start3A_2748 : memref<1x!tpu.dma_semaphore, #tpu.memory_space<semaphore_mem>> -> memref<!tpu.dma_semaphore, #tpu.memory_space<semaphore_mem>>
      tpu.enqueue_indirect_dma source(%dma_start3A_2741 : memref<64x128xf32, #tpu.memory_space<vmem>>) target(%dma_start3A_2747 : memref<10000x128xf32, #tpu.memory_space<vmem_shared>>) offsets(%dma_start3A_2744 : memref<64xi32, #tpu.memory_space<vmem>>) semaphore(%dma_start3A_2749 : memref<!tpu.dma_semaphore, #tpu.memory_space<semaphore_mem>>) {add = true}
      %dma_wait3A_2750 = arith.constant 0 : i32
      %dma_wait3A_2751 = arith.constant 4 : i32
      %dma_wait3A_2752 = arith.constant 0 : i32
      %dma_wait3A_2753 = arith.constant 0 : i32
      %dma_wait3A_2754 = tpu.memref_slice %arg9[%dma_wait3A_2751, %dma_wait3A_2752, %dma_wait3A_2753] : memref<5x64x128xf32, #tpu.memory_space<vmem>> -> memref<1x64x128xf32, #tpu.memory_space<vmem>>
      %dma_wait3A_2755 = tpu.memref_squeeze %dma_wait3A_2754 : memref<1x64x128xf32, #tpu.memory_space<vmem>> -> memref<64x128xf32, #tpu.memory_space<vmem>>
      %dma_wait3A_2756 = arith.constant 0 : i32
      %dma_wait3A_2757 = tpu.memref_slice %arg7[%dma_wait3A_2750, %dma_wait3A_2756] : memref<10x64xi32, #tpu.memory_space<vmem>> -> memref<1x64xi32, #tpu.memory_space<vmem>>
      %dma_wait3A_2758 = tpu.memref_squeeze %dma_wait3A_2757 : memref<1x64xi32, #tpu.memory_space<vmem>> -> memref<64xi32, #tpu.memory_space<vmem>>
      %dma_wait3A_2759 = arith.constant 0 : i32
      %dma_wait3A_2760 = arith.constant 0 : i32
      %dma_wait3A_2761 = tpu.memref_slice %arg3[%dma_wait3A_2759, %dma_wait3A_2760] : memref<10000x128xf32, #tpu.memory_space<hbm>> -> memref<10000x128xf32, #tpu.memory_space<hbm>>
      %dma_wait3A_2762 = tpu.memref_slice %arg13[%scan3A_552] : memref<24x!tpu.dma_semaphore, #tpu.memory_space<semaphore_mem>> -> memref<1x!tpu.dma_semaphore, #tpu.memory_space<semaphore_mem>>
      %dma_wait3A_2763 = tpu.memref_squeeze %dma_wait3A_2762 : memref<1x!tpu.dma_semaphore, #tpu.memory_space<semaphore_mem>> -> memref<!tpu.dma_semaphore, #tpu.memory_space<semaphore_mem>>
      tpu.wait_indirect_dma semaphore(%dma_wait3A_2763 : memref<!tpu.dma_semaphore, #tpu.memory_space<semaphore_mem>>) src(%dma_wait3A_2761 : memref<10000x128xf32, #tpu.memory_space<hbm>>) dst(%dma_wait3A_2755 : memref<64x128xf32, #tpu.memory_space<vmem>>)
      %dma_start3A_2764 = arith.constant 4 : i32
      %dma_start3A_2765 = arith.constant 9 : i32
      %dma_start3A_2766 = arith.constant 0 : i32
      %dma_start3A_2767 = arith.constant 0 : i32
      %dma_start3A_2768 = tpu.memref_slice %arg9[%dma_start3A_2764, %dma_start3A_2766, %dma_start3A_2767] : memref<5x64x128xf32, #tpu.memory_space<vmem>> -> memref<1x64x128xf32, #tpu.memory_space<vmem>>
      %dma_start3A_2769 = tpu.memref_squeeze %dma_start3A_2768 : memref<1x64x128xf32, #tpu.memory_space<vmem>> -> memref<64x128xf32, #tpu.memory_space<vmem>>
      %dma_start3A_2770 = arith.constant 0 : i32
      %dma_start3A_2771 = tpu.memref_slice %arg8[%dma_start3A_2765, %dma_start3A_2770] : memref<10x64xi32, #tpu.memory_space<vmem>> -> memref<1x64xi32, #tpu.memory_space<vmem>>
      %dma_start3A_2772 = tpu.memref_squeeze %dma_start3A_2771 : memref<1x64xi32, #tpu.memory_space<vmem>> -> memref<64xi32, #tpu.memory_space<vmem>>
      %dma_start3A_2773 = arith.constant 0 : i32
      %dma_start3A_2774 = arith.constant 0 : i32
      %dma_start3A_2775 = tpu.memref_slice %arg6[%dma_start3A_2773, %dma_start3A_2774] : memref<10000x128xf32, #tpu.memory_space<vmem_shared>> -> memref<10000x128xf32, #tpu.memory_space<vmem_shared>>
      %dma_start3A_2776 = tpu.memref_slice %arg13[%scan3A_553] : memref<24x!tpu.dma_semaphore, #tpu.memory_space<semaphore_mem>> -> memref<1x!tpu.dma_semaphore, #tpu.memory_space<semaphore_mem>>
      %dma_start3A_2777 = tpu.memref_squeeze %dma_start3A_2776 : memref<1x!tpu.dma_semaphore, #tpu.memory_space<semaphore_mem>> -> memref<!tpu.dma_semaphore, #tpu.memory_space<semaphore_mem>>
      tpu.enqueue_indirect_dma source(%dma_start3A_2769 : memref<64x128xf32, #tpu.memory_space<vmem>>) target(%dma_start3A_2775 : memref<10000x128xf32, #tpu.memory_space<vmem_shared>>) offsets(%dma_start3A_2772 : memref<64xi32, #tpu.memory_space<vmem>>) semaphore(%dma_start3A_2777 : memref<!tpu.dma_semaphore, #tpu.memory_space<semaphore_mem>>) {add = true}
      %dma_wait3A_2778 = arith.constant 0 : i32
      %dma_wait3A_2779 = arith.constant 0 : i32
      %dma_wait3A_2780 = arith.constant 0 : i32
      %dma_wait3A_2781 = arith.constant 0 : i32
      %dma_wait3A_2782 = tpu.memref_slice %arg9[%dma_wait3A_2778, %dma_wait3A_2780, %dma_wait3A_2781] : memref<5x64x128xf32, #tpu.memory_space<vmem>> -> memref<1x64x128xf32, #tpu.memory_space<vmem>>
      %dma_wait3A_2783 = tpu.memref_squeeze %dma_wait3A_2782 : memref<1x64x128xf32, #tpu.memory_space<vmem>> -> memref<64x128xf32, #tpu.memory_space<vmem>>
      %dma_wait3A_2784 = arith.constant 0 : i32
      %dma_wait3A_2785 = tpu.memref_slice %arg8[%dma_wait3A_2779, %dma_wait3A_2784] : memref<10x64xi32, #tpu.memory_space<vmem>> -> memref<1x64xi32, #tpu.memory_space<vmem>>
      %dma_wait3A_2786 = tpu.memref_squeeze %dma_wait3A_2785 : memref<1x64xi32, #tpu.memory_space<vmem>> -> memref<64xi32, #tpu.memory_space<vmem>>
      %dma_wait3A_2787 = arith.constant 0 : i32
      %dma_wait3A_2788 = arith.constant 0 : i32
      %dma_wait3A_2789 = tpu.memref_slice %arg6[%dma_wait3A_2787, %dma_wait3A_2788] : memref<10000x128xf32, #tpu.memory_space<vmem_shared>> -> memref<10000x128xf32, #tpu.memory_space<vmem_shared>>
      %dma_wait3A_2790 = tpu.memref_slice %arg13[%scan3A_545] : memref<24x!tpu.dma_semaphore, #tpu.memory_space<semaphore_mem>> -> memref<1x!tpu.dma_semaphore, #tpu.memory_space<semaphore_mem>>
      %dma_wait3A_2791 = tpu.memref_squeeze %dma_wait3A_2790 : memref<1x!tpu.dma_semaphore, #tpu.memory_space<semaphore_mem>> -> memref<!tpu.dma_semaphore, #tpu.memory_space<semaphore_mem>>
      tpu.wait_indirect_dma semaphore(%dma_wait3A_2791 : memref<!tpu.dma_semaphore, #tpu.memory_space<semaphore_mem>>) src(%dma_wait3A_2783 : memref<64x128xf32, #tpu.memory_space<vmem>>) dst(%dma_wait3A_2789 : memref<10000x128xf32, #tpu.memory_space<vmem_shared>>)
      %add3A_2792 = arith.constant 9 : i32
      %add3A_2793 = arith.addi %mul3A_2018, %add3A_2792 : i32
      %sub3A_2794 = arith.constant 5 : i32
      %sub3A_2795 = arith.subi %add3A_2793, %sub3A_2794 : i32
      %add3A_2796 = arith.constant 1 : i32
      %add3A_2797 = arith.addi %sub3A_2795, %add3A_2796 : i32
      %add3A_2798 = arith.constant 0 : i32
      %add3A_2799 = arith.addi %add3A_2797, %add3A_2798 : i32
      %add3A_2800 = arith.constant 10 : i32
      %add3A_2801 = arith.addi %add3A_2799, %add3A_2800 : i32
      %mul3A_2802 = arith.constant 64 : i32
      %mul3A_2803 = arith.muli %add3A_2801, %mul3A_2802 : i32
      %add3A_2804 = arith.addi %mul3A_2, %mul3A_2803 : i32
      %multiple_of3A_2805 = tpu.assume_multiple %add3A_2804, 8 : i32
      %add3A_2806 = arith.constant 320000 : i32
      %add3A_2807 = arith.addi %add3A_2806, %mul3A_2 : i32
      %mul3A_2808 = arith.constant 64 : i32
      %mul3A_2809 = arith.muli %add3A_2801, %mul3A_2808 : i32
      %add3A_2810 = arith.addi %add3A_2807, %mul3A_2809 : i32
      %multiple_of3A_2811 = tpu.assume_multiple %add3A_2810, 8 : i32
      %dma_start3A_2812 = arith.constant 5 : i32
      %dma_start3A_2813 = arith.constant 0 : i32
      %dma_start3A_2814 = tpu.memref_slice %arg7[%dma_start3A_2812, %dma_start3A_2813] : memref<10x64xi32, #tpu.memory_space<vmem>> -> memref<1x64xi32, #tpu.memory_space<vmem>>
      %dma_start3A_2815 = tpu.memref_squeeze %dma_start3A_2814 : memref<1x64xi32, #tpu.memory_space<vmem>> -> memref<64xi32, #tpu.memory_space<vmem>>
      %dma_start3A_2816 = tpu.memref_slice %arg2[%multiple_of3A_2805] : memref<640000xi32, #tpu.memory_space<hbm>> -> memref<64xi32, #tpu.memory_space<hbm>>
      %dma_start3A_2817 = tpu.memref_slice %arg13[%scan3A_555] : memref<24x!tpu.dma_semaphore, #tpu.memory_space<semaphore_mem>> -> memref<1x!tpu.dma_semaphore, #tpu.memory_space<semaphore_mem>>
      %dma_start3A_2818 = tpu.memref_squeeze %dma_start3A_2817 : memref<1x!tpu.dma_semaphore, #tpu.memory_space<semaphore_mem>> -> memref<!tpu.dma_semaphore, #tpu.memory_space<semaphore_mem>>
      %dma_start3A_2819 = arith.constant 0 : i32
      %dma_start3A_2820 = tpu.memref_slice %arg7[%dma_start3A_2812, %dma_start3A_2819] : memref<10x64xi32, #tpu.memory_space<vmem>> -> memref<1x64xi32, #tpu.memory_space<vmem>>
      %dma_start3A_2821 = tpu.memref_squeeze %dma_start3A_2820 : memref<1x64xi32, #tpu.memory_space<vmem>> -> memref<64xi32, #tpu.memory_space<vmem>>
      %dma_start3A_2822 = tpu.memref_slice %arg2[%multiple_of3A_2805] : memref<640000xi32, #tpu.memory_space<hbm>> -> memref<64xi32, #tpu.memory_space<hbm>>
      tpu.enqueue_dma source(%dma_start3A_2822 : memref<64xi32, #tpu.memory_space<hbm>>) target(%dma_start3A_2821 : memref<64xi32, #tpu.memory_space<vmem>>) target_semaphore(%dma_start3A_2818 : memref<!tpu.dma_semaphore, #tpu.memory_space<semaphore_mem>>)
      %dma_start3A_2823 = arith.constant 5 : i32
      %dma_start3A_2824 = arith.constant 0 : i32
      %dma_start3A_2825 = tpu.memref_slice %arg8[%dma_start3A_2823, %dma_start3A_2824] : memref<10x64xi32, #tpu.memory_space<vmem>> -> memref<1x64xi32, #tpu.memory_space<vmem>>
      %dma_start3A_2826 = tpu.memref_squeeze %dma_start3A_2825 : memref<1x64xi32, #tpu.memory_space<vmem>> -> memref<64xi32, #tpu.memory_space<vmem>>
      %dma_start3A_2827 = tpu.memref_slice %arg2[%multiple_of3A_2811] : memref<640000xi32, #tpu.memory_space<hbm>> -> memref<64xi32, #tpu.memory_space<hbm>>
      %dma_start3A_2828 = tpu.memref_slice %arg13[%scan3A_555] : memref<24x!tpu.dma_semaphore, #tpu.memory_space<semaphore_mem>> -> memref<1x!tpu.dma_semaphore, #tpu.memory_space<semaphore_mem>>
      %dma_start3A_2829 = tpu.memref_squeeze %dma_start3A_2828 : memref<1x!tpu.dma_semaphore, #tpu.memory_space<semaphore_mem>> -> memref<!tpu.dma_semaphore, #tpu.memory_space<semaphore_mem>>
      %dma_start3A_2830 = arith.constant 0 : i32
      %dma_start3A_2831 = tpu.memref_slice %arg8[%dma_start3A_2823, %dma_start3A_2830] : memref<10x64xi32, #tpu.memory_space<vmem>> -> memref<1x64xi32, #tpu.memory_space<vmem>>
      %dma_start3A_2832 = tpu.memref_squeeze %dma_start3A_2831 : memref<1x64xi32, #tpu.memory_space<vmem>> -> memref<64xi32, #tpu.memory_space<vmem>>
      %dma_start3A_2833 = tpu.memref_slice %arg2[%multiple_of3A_2811] : memref<640000xi32, #tpu.memory_space<hbm>> -> memref<64xi32, #tpu.memory_space<hbm>>
      tpu.enqueue_dma source(%dma_start3A_2833 : memref<64xi32, #tpu.memory_space<hbm>>) target(%dma_start3A_2832 : memref<64xi32, #tpu.memory_space<vmem>>) target_semaphore(%dma_start3A_2829 : memref<!tpu.dma_semaphore, #tpu.memory_space<semaphore_mem>>)
      %dma_wait3A_2834 = arith.constant 0 : i32
      %dma_wait3A_2835 = arith.constant 0 : i32
      %dma_wait3A_2836 = tpu.memref_slice %arg7[%dma_wait3A_2834, %dma_wait3A_2835] : memref<10x64xi32, #tpu.memory_space<vmem>> -> memref<1x64xi32, #tpu.memory_space<vmem>>
      %dma_wait3A_2837 = tpu.memref_squeeze %dma_wait3A_2836 : memref<1x64xi32, #tpu.memory_space<vmem>> -> memref<64xi32, #tpu.memory_space<vmem>>
      %dma_wait3A_2838 = arith.constant 0 : i32
      %dma_wait3A_2839 = tpu.memref_slice %arg2[%dma_wait3A_2838] : memref<640000xi32, #tpu.memory_space<hbm>> -> memref<64xi32, #tpu.memory_space<hbm>>
      %dma_wait3A_2840 = tpu.memref_slice %arg13[%scan3A_554] : memref<24x!tpu.dma_semaphore, #tpu.memory_space<semaphore_mem>> -> memref<1x!tpu.dma_semaphore, #tpu.memory_space<semaphore_mem>>
      %dma_wait3A_2841 = tpu.memref_squeeze %dma_wait3A_2840 : memref<1x!tpu.dma_semaphore, #tpu.memory_space<semaphore_mem>> -> memref<!tpu.dma_semaphore, #tpu.memory_space<semaphore_mem>>
      %dma_wait3A_2842 = arith.constant 0 : i32
      %dma_wait3A_2843 = tpu.memref_slice %arg7[%dma_wait3A_2834, %dma_wait3A_2842] : memref<10x64xi32, #tpu.memory_space<vmem>> -> memref<1x64xi32, #tpu.memory_space<vmem>>
      %dma_wait3A_2844 = tpu.memref_squeeze %dma_wait3A_2843 : memref<1x64xi32, #tpu.memory_space<vmem>> -> memref<64xi32, #tpu.memory_space<vmem>>
      %dma_wait3A_2845 = arith.constant 0 : i32
      %dma_wait3A_2846 = tpu.memref_slice %arg2[%dma_wait3A_2845] : memref<640000xi32, #tpu.memory_space<hbm>> -> memref<64xi32, #tpu.memory_space<hbm>>
      tpu.wait_dma2 semaphore(%dma_wait3A_2841 : memref<!tpu.dma_semaphore, #tpu.memory_space<semaphore_mem>>) src(%dma_wait3A_2846 : memref<64xi32, #tpu.memory_space<hbm>>) dst(%dma_wait3A_2844 : memref<64xi32, #tpu.memory_space<vmem>>)
      %dma_wait3A_2847 = arith.constant 0 : i32
      %dma_wait3A_2848 = arith.constant 0 : i32
      %dma_wait3A_2849 = tpu.memref_slice %arg8[%dma_wait3A_2847, %dma_wait3A_2848] : memref<10x64xi32, #tpu.memory_space<vmem>> -> memref<1x64xi32, #tpu.memory_space<vmem>>
      %dma_wait3A_2850 = tpu.memref_squeeze %dma_wait3A_2849 : memref<1x64xi32, #tpu.memory_space<vmem>> -> memref<64xi32, #tpu.memory_space<vmem>>
      %dma_wait3A_2851 = arith.constant 0 : i32
      %dma_wait3A_2852 = tpu.memref_slice %arg2[%dma_wait3A_2851] : memref<640000xi32, #tpu.memory_space<hbm>> -> memref<64xi32, #tpu.memory_space<hbm>>
      %dma_wait3A_2853 = tpu.memref_slice %arg13[%scan3A_554] : memref<24x!tpu.dma_semaphore, #tpu.memory_space<semaphore_mem>> -> memref<1x!tpu.dma_semaphore, #tpu.memory_space<semaphore_mem>>
      %dma_wait3A_2854 = tpu.memref_squeeze %dma_wait3A_2853 : memref<1x!tpu.dma_semaphore, #tpu.memory_space<semaphore_mem>> -> memref<!tpu.dma_semaphore, #tpu.memory_space<semaphore_mem>>
      %dma_wait3A_2855 = arith.constant 0 : i32
      %dma_wait3A_2856 = tpu.memref_slice %arg8[%dma_wait3A_2847, %dma_wait3A_2855] : memref<10x64xi32, #tpu.memory_space<vmem>> -> memref<1x64xi32, #tpu.memory_space<vmem>>
      %dma_wait3A_2857 = tpu.memref_squeeze %dma_wait3A_2856 : memref<1x64xi32, #tpu.memory_space<vmem>> -> memref<64xi32, #tpu.memory_space<vmem>>
      %dma_wait3A_2858 = arith.constant 0 : i32
      %dma_wait3A_2859 = tpu.memref_slice %arg2[%dma_wait3A_2858] : memref<640000xi32, #tpu.memory_space<hbm>> -> memref<64xi32, #tpu.memory_space<hbm>>
      tpu.wait_dma2 semaphore(%dma_wait3A_2854 : memref<!tpu.dma_semaphore, #tpu.memory_space<semaphore_mem>>) src(%dma_wait3A_2859 : memref<64xi32, #tpu.memory_space<hbm>>) dst(%dma_wait3A_2857 : memref<64xi32, #tpu.memory_space<vmem>>)
      %dma_start3A_2860 = arith.constant 0 : i32
      %dma_start3A_2861 = arith.constant 0 : i32
      %dma_start3A_2862 = arith.constant 0 : i32
      %dma_start3A_2863 = arith.constant 0 : i32
      %dma_start3A_2864 = tpu.memref_slice %arg9[%dma_start3A_2861, %dma_start3A_2862, %dma_start3A_2863] : memref<5x64x128xf32, #tpu.memory_space<vmem>> -> memref<1x64x128xf32, #tpu.memory_space<vmem>>
      %dma_start3A_2865 = tpu.memref_squeeze %dma_start3A_2864 : memref<1x64x128xf32, #tpu.memory_space<vmem>> -> memref<64x128xf32, #tpu.memory_space<vmem>>
      %dma_start3A_2866 = arith.constant 0 : i32
      %dma_start3A_2867 = tpu.memref_slice %arg7[%dma_start3A_2860, %dma_start3A_2866] : memref<10x64xi32, #tpu.memory_space<vmem>> -> memref<1x64xi32, #tpu.memory_space<vmem>>
      %dma_start3A_2868 = tpu.memref_squeeze %dma_start3A_2867 : memref<1x64xi32, #tpu.memory_space<vmem>> -> memref<64xi32, #tpu.memory_space<vmem>>
      %dma_start3A_2869 = arith.constant 0 : i32
      %dma_start3A_2870 = arith.constant 0 : i32
      %dma_start3A_2871 = tpu.memref_slice %arg3[%dma_start3A_2869, %dma_start3A_2870] : memref<10000x128xf32, #tpu.memory_space<hbm>> -> memref<10000x128xf32, #tpu.memory_space<hbm>>
      %dma_start3A_2872 = tpu.memref_slice %arg13[%scan3A_544] : memref<24x!tpu.dma_semaphore, #tpu.memory_space<semaphore_mem>> -> memref<1x!tpu.dma_semaphore, #tpu.memory_space<semaphore_mem>>
      %dma_start3A_2873 = tpu.memref_squeeze %dma_start3A_2872 : memref<1x!tpu.dma_semaphore, #tpu.memory_space<semaphore_mem>> -> memref<!tpu.dma_semaphore, #tpu.memory_space<semaphore_mem>>
      tpu.enqueue_indirect_dma source(%dma_start3A_2871 : memref<10000x128xf32, #tpu.memory_space<hbm>>) target(%dma_start3A_2865 : memref<64x128xf32, #tpu.memory_space<vmem>>) offsets(%dma_start3A_2868 : memref<64xi32, #tpu.memory_space<vmem>>) semaphore(%dma_start3A_2873 : memref<!tpu.dma_semaphore, #tpu.memory_space<semaphore_mem>>)
      %dma_wait3A_2874 = arith.constant 1 : i32
      %dma_wait3A_2875 = arith.constant 0 : i32
      %dma_wait3A_2876 = arith.constant 0 : i32
      %dma_wait3A_2877 = arith.constant 0 : i32
      %dma_wait3A_2878 = tpu.memref_slice %arg9[%dma_wait3A_2874, %dma_wait3A_2876, %dma_wait3A_2877] : memref<5x64x128xf32, #tpu.memory_space<vmem>> -> memref<1x64x128xf32, #tpu.memory_space<vmem>>
      %dma_wait3A_2879 = tpu.memref_squeeze %dma_wait3A_2878 : memref<1x64x128xf32, #tpu.memory_space<vmem>> -> memref<64x128xf32, #tpu.memory_space<vmem>>
      %dma_wait3A_2880 = arith.constant 0 : i32
      %dma_wait3A_2881 = tpu.memref_slice %arg8[%dma_wait3A_2875, %dma_wait3A_2880] : memref<10x64xi32, #tpu.memory_space<vmem>> -> memref<1x64xi32, #tpu.memory_space<vmem>>
      %dma_wait3A_2882 = tpu.memref_squeeze %dma_wait3A_2881 : memref<1x64xi32, #tpu.memory_space<vmem>> -> memref<64xi32, #tpu.memory_space<vmem>>
      %dma_wait3A_2883 = arith.constant 0 : i32
      %dma_wait3A_2884 = arith.constant 0 : i32
      %dma_wait3A_2885 = tpu.memref_slice %arg6[%dma_wait3A_2883, %dma_wait3A_2884] : memref<10000x128xf32, #tpu.memory_space<vmem_shared>> -> memref<10000x128xf32, #tpu.memory_space<vmem_shared>>
      %dma_wait3A_2886 = tpu.memref_slice %arg13[%scan3A_547] : memref<24x!tpu.dma_semaphore, #tpu.memory_space<semaphore_mem>> -> memref<1x!tpu.dma_semaphore, #tpu.memory_space<semaphore_mem>>
      %dma_wait3A_2887 = tpu.memref_squeeze %dma_wait3A_2886 : memref<1x!tpu.dma_semaphore, #tpu.memory_space<semaphore_mem>> -> memref<!tpu.dma_semaphore, #tpu.memory_space<semaphore_mem>>
      tpu.wait_indirect_dma semaphore(%dma_wait3A_2887 : memref<!tpu.dma_semaphore, #tpu.memory_space<semaphore_mem>>) src(%dma_wait3A_2879 : memref<64x128xf32, #tpu.memory_space<vmem>>) dst(%dma_wait3A_2885 : memref<10000x128xf32, #tpu.memory_space<vmem_shared>>)
      %add3A_2888 = arith.constant 9 : i32
      %add3A_2889 = arith.addi %mul3A_2018, %add3A_2888 : i32
      %sub3A_2890 = arith.constant 5 : i32
      %sub3A_2891 = arith.subi %add3A_2889, %sub3A_2890 : i32
      %add3A_2892 = arith.constant 1 : i32
      %add3A_2893 = arith.addi %sub3A_2891, %add3A_2892 : i32
      %add3A_2894 = arith.constant 1 : i32
      %add3A_2895 = arith.addi %add3A_2893, %add3A_2894 : i32
      %add3A_2896 = arith.constant 10 : i32
      %add3A_2897 = arith.addi %add3A_2895, %add3A_2896 : i32
      %mul3A_2898 = arith.constant 64 : i32
      %mul3A_2899 = arith.muli %add3A_2897, %mul3A_2898 : i32
      %add3A_2900 = arith.addi %mul3A_2, %mul3A_2899 : i32
      %multiple_of3A_2901 = tpu.assume_multiple %add3A_2900, 8 : i32
      %add3A_2902 = arith.constant 320000 : i32
      %add3A_2903 = arith.addi %add3A_2902, %mul3A_2 : i32
      %mul3A_2904 = arith.constant 64 : i32
      %mul3A_2905 = arith.muli %add3A_2897, %mul3A_2904 : i32
      %add3A_2906 = arith.addi %add3A_2903, %mul3A_2905 : i32
      %multiple_of3A_2907 = tpu.assume_multiple %add3A_2906, 8 : i32
      %dma_start3A_2908 = arith.constant 6 : i32
      %dma_start3A_2909 = arith.constant 0 : i32
      %dma_start3A_2910 = tpu.memref_slice %arg7[%dma_start3A_2908, %dma_start3A_2909] : memref<10x64xi32, #tpu.memory_space<vmem>> -> memref<1x64xi32, #tpu.memory_space<vmem>>
      %dma_start3A_2911 = tpu.memref_squeeze %dma_start3A_2910 : memref<1x64xi32, #tpu.memory_space<vmem>> -> memref<64xi32, #tpu.memory_space<vmem>>
      %dma_start3A_2912 = tpu.memref_slice %arg2[%multiple_of3A_2901] : memref<640000xi32, #tpu.memory_space<hbm>> -> memref<64xi32, #tpu.memory_space<hbm>>
      %dma_start3A_2913 = tpu.memref_slice %arg13[%scan3A_557] : memref<24x!tpu.dma_semaphore, #tpu.memory_space<semaphore_mem>> -> memref<1x!tpu.dma_semaphore, #tpu.memory_space<semaphore_mem>>
      %dma_start3A_2914 = tpu.memref_squeeze %dma_start3A_2913 : memref<1x!tpu.dma_semaphore, #tpu.memory_space<semaphore_mem>> -> memref<!tpu.dma_semaphore, #tpu.memory_space<semaphore_mem>>
      %dma_start3A_2915 = arith.constant 0 : i32
      %dma_start3A_2916 = tpu.memref_slice %arg7[%dma_start3A_2908, %dma_start3A_2915] : memref<10x64xi32, #tpu.memory_space<vmem>> -> memref<1x64xi32, #tpu.memory_space<vmem>>
      %dma_start3A_2917 = tpu.memref_squeeze %dma_start3A_2916 : memref<1x64xi32, #tpu.memory_space<vmem>> -> memref<64xi32, #tpu.memory_space<vmem>>
      %dma_start3A_2918 = tpu.memref_slice %arg2[%multiple_of3A_2901] : memref<640000xi32, #tpu.memory_space<hbm>> -> memref<64xi32, #tpu.memory_space<hbm>>
      tpu.enqueue_dma source(%dma_start3A_2918 : memref<64xi32, #tpu.memory_space<hbm>>) target(%dma_start3A_2917 : memref<64xi32, #tpu.memory_space<vmem>>) target_semaphore(%dma_start3A_2914 : memref<!tpu.dma_semaphore, #tpu.memory_space<semaphore_mem>>)
      %dma_start3A_2919 = arith.constant 6 : i32
      %dma_start3A_2920 = arith.constant 0 : i32
      %dma_start3A_2921 = tpu.memref_slice %arg8[%dma_start3A_2919, %dma_start3A_2920] : memref<10x64xi32, #tpu.memory_space<vmem>> -> memref<1x64xi32, #tpu.memory_space<vmem>>
      %dma_start3A_2922 = tpu.memref_squeeze %dma_start3A_2921 : memref<1x64xi32, #tpu.memory_space<vmem>> -> memref<64xi32, #tpu.memory_space<vmem>>
      %dma_start3A_2923 = tpu.memref_slice %arg2[%multiple_of3A_2907] : memref<640000xi32, #tpu.memory_space<hbm>> -> memref<64xi32, #tpu.memory_space<hbm>>
      %dma_start3A_2924 = tpu.memref_slice %arg13[%scan3A_557] : memref<24x!tpu.dma_semaphore, #tpu.memory_space<semaphore_mem>> -> memref<1x!tpu.dma_semaphore, #tpu.memory_space<semaphore_mem>>
      %dma_start3A_2925 = tpu.memref_squeeze %dma_start3A_2924 : memref<1x!tpu.dma_semaphore, #tpu.memory_space<semaphore_mem>> -> memref<!tpu.dma_semaphore, #tpu.memory_space<semaphore_mem>>
      %dma_start3A_2926 = arith.constant 0 : i32
      %dma_start3A_2927 = tpu.memref_slice %arg8[%dma_start3A_2919, %dma_start3A_2926] : memref<10x64xi32, #tpu.memory_space<vmem>> -> memref<1x64xi32, #tpu.memory_space<vmem>>
      %dma_start3A_2928 = tpu.memref_squeeze %dma_start3A_2927 : memref<1x64xi32, #tpu.memory_space<vmem>> -> memref<64xi32, #tpu.memory_space<vmem>>
      %dma_start3A_2929 = tpu.memref_slice %arg2[%multiple_of3A_2907] : memref<640000xi32, #tpu.memory_space<hbm>> -> memref<64xi32, #tpu.memory_space<hbm>>
      tpu.enqueue_dma source(%dma_start3A_2929 : memref<64xi32, #tpu.memory_space<hbm>>) target(%dma_start3A_2928 : memref<64xi32, #tpu.memory_space<vmem>>) target_semaphore(%dma_start3A_2925 : memref<!tpu.dma_semaphore, #tpu.memory_space<semaphore_mem>>)
      %dma_wait3A_2930 = arith.constant 1 : i32
      %dma_wait3A_2931 = arith.constant 0 : i32
      %dma_wait3A_2932 = tpu.memref_slice %arg7[%dma_wait3A_2930, %dma_wait3A_2931] : memref<10x64xi32, #tpu.memory_space<vmem>> -> memref<1x64xi32, #tpu.memory_space<vmem>>
      %dma_wait3A_2933 = tpu.memref_squeeze %dma_wait3A_2932 : memref<1x64xi32, #tpu.memory_space<vmem>> -> memref<64xi32, #tpu.memory_space<vmem>>
      %dma_wait3A_2934 = arith.constant 0 : i32
      %dma_wait3A_2935 = tpu.memref_slice %arg2[%dma_wait3A_2934] : memref<640000xi32, #tpu.memory_space<hbm>> -> memref<64xi32, #tpu.memory_space<hbm>>
      %dma_wait3A_2936 = tpu.memref_slice %arg13[%scan3A_556] : memref<24x!tpu.dma_semaphore, #tpu.memory_space<semaphore_mem>> -> memref<1x!tpu.dma_semaphore, #tpu.memory_space<semaphore_mem>>
      %dma_wait3A_2937 = tpu.memref_squeeze %dma_wait3A_2936 : memref<1x!tpu.dma_semaphore, #tpu.memory_space<semaphore_mem>> -> memref<!tpu.dma_semaphore, #tpu.memory_space<semaphore_mem>>
      %dma_wait3A_2938 = arith.constant 0 : i32
      %dma_wait3A_2939 = tpu.memref_slice %arg7[%dma_wait3A_2930, %dma_wait3A_2938] : memref<10x64xi32, #tpu.memory_space<vmem>> -> memref<1x64xi32, #tpu.memory_space<vmem>>
      %dma_wait3A_2940 = tpu.memref_squeeze %dma_wait3A_2939 : memref<1x64xi32, #tpu.memory_space<vmem>> -> memref<64xi32, #tpu.memory_space<vmem>>
      %dma_wait3A_2941 = arith.constant 0 : i32
      %dma_wait3A_2942 = tpu.memref_slice %arg2[%dma_wait3A_2941] : memref<640000xi32, #tpu.memory_space<hbm>> -> memref<64xi32, #tpu.memory_space<hbm>>
      tpu.wait_dma2 semaphore(%dma_wait3A_2937 : memref<!tpu.dma_semaphore, #tpu.memory_space<semaphore_mem>>) src(%dma_wait3A_2942 : memref<64xi32, #tpu.memory_space<hbm>>) dst(%dma_wait3A_2940 : memref<64xi32, #tpu.memory_space<vmem>>)
      %dma_wait3A_2943 = arith.constant 1 : i32
      %dma_wait3A_2944 = arith.constant 0 : i32
      %dma_wait3A_2945 = tpu.memref_slice %arg8[%dma_wait3A_2943, %dma_wait3A_2944] : memref<10x64xi32, #tpu.memory_space<vmem>> -> memref<1x64xi32, #tpu.memory_space<vmem>>
      %dma_wait3A_2946 = tpu.memref_squeeze %dma_wait3A_2945 : memref<1x64xi32, #tpu.memory_space<vmem>> -> memref<64xi32, #tpu.memory_space<vmem>>
      %dma_wait3A_2947 = arith.constant 0 : i32
      %dma_wait3A_2948 = tpu.memref_slice %arg2[%dma_wait3A_2947] : memref<640000xi32, #tpu.memory_space<hbm>> -> memref<64xi32, #tpu.memory_space<hbm>>
      %dma_wait3A_2949 = tpu.memref_slice %arg13[%scan3A_556] : memref<24x!tpu.dma_semaphore, #tpu.memory_space<semaphore_mem>> -> memref<1x!tpu.dma_semaphore, #tpu.memory_space<semaphore_mem>>
      %dma_wait3A_2950 = tpu.memref_squeeze %dma_wait3A_2949 : memref<1x!tpu.dma_semaphore, #tpu.memory_space<semaphore_mem>> -> memref<!tpu.dma_semaphore, #tpu.memory_space<semaphore_mem>>
      %dma_wait3A_2951 = arith.constant 0 : i32
      %dma_wait3A_2952 = tpu.memref_slice %arg8[%dma_wait3A_2943, %dma_wait3A_2951] : memref<10x64xi32, #tpu.memory_space<vmem>> -> memref<1x64xi32, #tpu.memory_space<vmem>>
      %dma_wait3A_2953 = tpu.memref_squeeze %dma_wait3A_2952 : memref<1x64xi32, #tpu.memory_space<vmem>> -> memref<64xi32, #tpu.memory_space<vmem>>
      %dma_wait3A_2954 = arith.constant 0 : i32
      %dma_wait3A_2955 = tpu.memref_slice %arg2[%dma_wait3A_2954] : memref<640000xi32, #tpu.memory_space<hbm>> -> memref<64xi32, #tpu.memory_space<hbm>>
      tpu.wait_dma2 semaphore(%dma_wait3A_2950 : memref<!tpu.dma_semaphore, #tpu.memory_space<semaphore_mem>>) src(%dma_wait3A_2955 : memref<64xi32, #tpu.memory_space<hbm>>) dst(%dma_wait3A_2953 : memref<64xi32, #tpu.memory_space<vmem>>)
      %dma_start3A_2956 = arith.constant 1 : i32
      %dma_start3A_2957 = arith.constant 1 : i32
      %dma_start3A_2958 = arith.constant 0 : i32
      %dma_start3A_2959 = arith.constant 0 : i32
      %dma_start3A_2960 = tpu.memref_slice %arg9[%dma_start3A_2957, %dma_start3A_2958, %dma_start3A_2959] : memref<5x64x128xf32, #tpu.memory_space<vmem>> -> memref<1x64x128xf32, #tpu.memory_space<vmem>>
      %dma_start3A_2961 = tpu.memref_squeeze %dma_start3A_2960 : memref<1x64x128xf32, #tpu.memory_space<vmem>> -> memref<64x128xf32, #tpu.memory_space<vmem>>
      %dma_start3A_2962 = arith.constant 0 : i32
      %dma_start3A_2963 = tpu.memref_slice %arg7[%dma_start3A_2956, %dma_start3A_2962] : memref<10x64xi32, #tpu.memory_space<vmem>> -> memref<1x64xi32, #tpu.memory_space<vmem>>
      %dma_start3A_2964 = tpu.memref_squeeze %dma_start3A_2963 : memref<1x64xi32, #tpu.memory_space<vmem>> -> memref<64xi32, #tpu.memory_space<vmem>>
      %dma_start3A_2965 = arith.constant 0 : i32
      %dma_start3A_2966 = arith.constant 0 : i32
      %dma_start3A_2967 = tpu.memref_slice %arg3[%dma_start3A_2965, %dma_start3A_2966] : memref<10000x128xf32, #tpu.memory_space<hbm>> -> memref<10000x128xf32, #tpu.memory_space<hbm>>
      %dma_start3A_2968 = tpu.memref_slice %arg13[%scan3A_546] : memref<24x!tpu.dma_semaphore, #tpu.memory_space<semaphore_mem>> -> memref<1x!tpu.dma_semaphore, #tpu.memory_space<semaphore_mem>>
      %dma_start3A_2969 = tpu.memref_squeeze %dma_start3A_2968 : memref<1x!tpu.dma_semaphore, #tpu.memory_space<semaphore_mem>> -> memref<!tpu.dma_semaphore, #tpu.memory_space<semaphore_mem>>
      tpu.enqueue_indirect_dma source(%dma_start3A_2967 : memref<10000x128xf32, #tpu.memory_space<hbm>>) target(%dma_start3A_2961 : memref<64x128xf32, #tpu.memory_space<vmem>>) offsets(%dma_start3A_2964 : memref<64xi32, #tpu.memory_space<vmem>>) semaphore(%dma_start3A_2969 : memref<!tpu.dma_semaphore, #tpu.memory_space<semaphore_mem>>)
      %dma_wait3A_2970 = arith.constant 2 : i32
      %dma_wait3A_2971 = arith.constant 0 : i32
      %dma_wait3A_2972 = arith.constant 0 : i32
      %dma_wait3A_2973 = arith.constant 0 : i32
      %dma_wait3A_2974 = tpu.memref_slice %arg9[%dma_wait3A_2970, %dma_wait3A_2972, %dma_wait3A_2973] : memref<5x64x128xf32, #tpu.memory_space<vmem>> -> memref<1x64x128xf32, #tpu.memory_space<vmem>>
      %dma_wait3A_2975 = tpu.memref_squeeze %dma_wait3A_2974 : memref<1x64x128xf32, #tpu.memory_space<vmem>> -> memref<64x128xf32, #tpu.memory_space<vmem>>
      %dma_wait3A_2976 = arith.constant 0 : i32
      %dma_wait3A_2977 = tpu.memref_slice %arg8[%dma_wait3A_2971, %dma_wait3A_2976] : memref<10x64xi32, #tpu.memory_space<vmem>> -> memref<1x64xi32, #tpu.memory_space<vmem>>
      %dma_wait3A_2978 = tpu.memref_squeeze %dma_wait3A_2977 : memref<1x64xi32, #tpu.memory_space<vmem>> -> memref<64xi32, #tpu.memory_space<vmem>>
      %dma_wait3A_2979 = arith.constant 0 : i32
      %dma_wait3A_2980 = arith.constant 0 : i32
      %dma_wait3A_2981 = tpu.memref_slice %arg6[%dma_wait3A_2979, %dma_wait3A_2980] : memref<10000x128xf32, #tpu.memory_space<vmem_shared>> -> memref<10000x128xf32, #tpu.memory_space<vmem_shared>>
      %dma_wait3A_2982 = tpu.memref_slice %arg13[%scan3A_549] : memref<24x!tpu.dma_semaphore, #tpu.memory_space<semaphore_mem>> -> memref<1x!tpu.dma_semaphore, #tpu.memory_space<semaphore_mem>>
      %dma_wait3A_2983 = tpu.memref_squeeze %dma_wait3A_2982 : memref<1x!tpu.dma_semaphore, #tpu.memory_space<semaphore_mem>> -> memref<!tpu.dma_semaphore, #tpu.memory_space<semaphore_mem>>
      tpu.wait_indirect_dma semaphore(%dma_wait3A_2983 : memref<!tpu.dma_semaphore, #tpu.memory_space<semaphore_mem>>) src(%dma_wait3A_2975 : memref<64x128xf32, #tpu.memory_space<vmem>>) dst(%dma_wait3A_2981 : memref<10000x128xf32, #tpu.memory_space<vmem_shared>>)
      %add3A_2984 = arith.constant 9 : i32
      %add3A_2985 = arith.addi %mul3A_2018, %add3A_2984 : i32
      %sub3A_2986 = arith.constant 5 : i32
      %sub3A_2987 = arith.subi %add3A_2985, %sub3A_2986 : i32
      %add3A_2988 = arith.constant 1 : i32
      %add3A_2989 = arith.addi %sub3A_2987, %add3A_2988 : i32
      %add3A_2990 = arith.constant 2 : i32
      %add3A_2991 = arith.addi %add3A_2989, %add3A_2990 : i32
      %add3A_2992 = arith.constant 10 : i32
      %add3A_2993 = arith.addi %add3A_2991, %add3A_2992 : i32
      %mul3A_2994 = arith.constant 64 : i32
      %mul3A_2995 = arith.muli %add3A_2993, %mul3A_2994 : i32
      %add3A_2996 = arith.addi %mul3A_2, %mul3A_2995 : i32
      %multiple_of3A_2997 = tpu.assume_multiple %add3A_2996, 8 : i32
      %add3A_2998 = arith.constant 320000 : i32
      %add3A_2999 = arith.addi %add3A_2998, %mul3A_2 : i32
      %mul3A_3000 = arith.constant 64 : i32
      %mul3A_3001 = arith.muli %add3A_2993, %mul3A_3000 : i32
      %add3A_3002 = arith.addi %add3A_2999, %mul3A_3001 : i32
      %multiple_of3A_3003 = tpu.assume_multiple %add3A_3002, 8 : i32
      %dma_start3A_3004 = arith.constant 7 : i32
      %dma_start3A_3005 = arith.constant 0 : i32
      %dma_start3A_3006 = tpu.memref_slice %arg7[%dma_start3A_3004, %dma_start3A_3005] : memref<10x64xi32, #tpu.memory_space<vmem>> -> memref<1x64xi32, #tpu.memory_space<vmem>>
      %dma_start3A_3007 = tpu.memref_squeeze %dma_start3A_3006 : memref<1x64xi32, #tpu.memory_space<vmem>> -> memref<64xi32, #tpu.memory_space<vmem>>
      %dma_start3A_3008 = tpu.memref_slice %arg2[%multiple_of3A_2997] : memref<640000xi32, #tpu.memory_space<hbm>> -> memref<64xi32, #tpu.memory_space<hbm>>
      %dma_start3A_3009 = tpu.memref_slice %arg13[%scan3A_559] : memref<24x!tpu.dma_semaphore, #tpu.memory_space<semaphore_mem>> -> memref<1x!tpu.dma_semaphore, #tpu.memory_space<semaphore_mem>>
      %dma_start3A_3010 = tpu.memref_squeeze %dma_start3A_3009 : memref<1x!tpu.dma_semaphore, #tpu.memory_space<semaphore_mem>> -> memref<!tpu.dma_semaphore, #tpu.memory_space<semaphore_mem>>
      %dma_start3A_3011 = arith.constant 0 : i32
      %dma_start3A_3012 = tpu.memref_slice %arg7[%dma_start3A_3004, %dma_start3A_3011] : memref<10x64xi32, #tpu.memory_space<vmem>> -> memref<1x64xi32, #tpu.memory_space<vmem>>
      %dma_start3A_3013 = tpu.memref_squeeze %dma_start3A_3012 : memref<1x64xi32, #tpu.memory_space<vmem>> -> memref<64xi32, #tpu.memory_space<vmem>>
      %dma_start3A_3014 = tpu.memref_slice %arg2[%multiple_of3A_2997] : memref<640000xi32, #tpu.memory_space<hbm>> -> memref<64xi32, #tpu.memory_space<hbm>>
      tpu.enqueue_dma source(%dma_start3A_3014 : memref<64xi32, #tpu.memory_space<hbm>>) target(%dma_start3A_3013 : memref<64xi32, #tpu.memory_space<vmem>>) target_semaphore(%dma_start3A_3010 : memref<!tpu.dma_semaphore, #tpu.memory_space<semaphore_mem>>)
      %dma_start3A_3015 = arith.constant 7 : i32
      %dma_start3A_3016 = arith.constant 0 : i32
      %dma_start3A_3017 = tpu.memref_slice %arg8[%dma_start3A_3015, %dma_start3A_3016] : memref<10x64xi32, #tpu.memory_space<vmem>> -> memref<1x64xi32, #tpu.memory_space<vmem>>
      %dma_start3A_3018 = tpu.memref_squeeze %dma_start3A_3017 : memref<1x64xi32, #tpu.memory_space<vmem>> -> memref<64xi32, #tpu.memory_space<vmem>>
      %dma_start3A_3019 = tpu.memref_slice %arg2[%multiple_of3A_3003] : memref<640000xi32, #tpu.memory_space<hbm>> -> memref<64xi32, #tpu.memory_space<hbm>>
      %dma_start3A_3020 = tpu.memref_slice %arg13[%scan3A_559] : memref<24x!tpu.dma_semaphore, #tpu.memory_space<semaphore_mem>> -> memref<1x!tpu.dma_semaphore, #tpu.memory_space<semaphore_mem>>
      %dma_start3A_3021 = tpu.memref_squeeze %dma_start3A_3020 : memref<1x!tpu.dma_semaphore, #tpu.memory_space<semaphore_mem>> -> memref<!tpu.dma_semaphore, #tpu.memory_space<semaphore_mem>>
      %dma_start3A_3022 = arith.constant 0 : i32
      %dma_start3A_3023 = tpu.memref_slice %arg8[%dma_start3A_3015, %dma_start3A_3022] : memref<10x64xi32, #tpu.memory_space<vmem>> -> memref<1x64xi32, #tpu.memory_space<vmem>>
      %dma_start3A_3024 = tpu.memref_squeeze %dma_start3A_3023 : memref<1x64xi32, #tpu.memory_space<vmem>> -> memref<64xi32, #tpu.memory_space<vmem>>
      %dma_start3A_3025 = tpu.memref_slice %arg2[%multiple_of3A_3003] : memref<640000xi32, #tpu.memory_space<hbm>> -> memref<64xi32, #tpu.memory_space<hbm>>
      tpu.enqueue_dma source(%dma_start3A_3025 : memref<64xi32, #tpu.memory_space<hbm>>) target(%dma_start3A_3024 : memref<64xi32, #tpu.memory_space<vmem>>) target_semaphore(%dma_start3A_3021 : memref<!tpu.dma_semaphore, #tpu.memory_space<semaphore_mem>>)
      %dma_wait3A_3026 = arith.constant 2 : i32
      %dma_wait3A_3027 = arith.constant 0 : i32
      %dma_wait3A_3028 = tpu.memref_slice %arg7[%dma_wait3A_3026, %dma_wait3A_3027] : memref<10x64xi32, #tpu.memory_space<vmem>> -> memref<1x64xi32, #tpu.memory_space<vmem>>
      %dma_wait3A_3029 = tpu.memref_squeeze %dma_wait3A_3028 : memref<1x64xi32, #tpu.memory_space<vmem>> -> memref<64xi32, #tpu.memory_space<vmem>>
      %dma_wait3A_3030 = arith.constant 0 : i32
      %dma_wait3A_3031 = tpu.memref_slice %arg2[%dma_wait3A_3030] : memref<640000xi32, #tpu.memory_space<hbm>> -> memref<64xi32, #tpu.memory_space<hbm>>
      %dma_wait3A_3032 = tpu.memref_slice %arg13[%scan3A_558] : memref<24x!tpu.dma_semaphore, #tpu.memory_space<semaphore_mem>> -> memref<1x!tpu.dma_semaphore, #tpu.memory_space<semaphore_mem>>
      %dma_wait3A_3033 = tpu.memref_squeeze %dma_wait3A_3032 : memref<1x!tpu.dma_semaphore, #tpu.memory_space<semaphore_mem>> -> memref<!tpu.dma_semaphore, #tpu.memory_space<semaphore_mem>>
      %dma_wait3A_3034 = arith.constant 0 : i32
      %dma_wait3A_3035 = tpu.memref_slice %arg7[%dma_wait3A_3026, %dma_wait3A_3034] : memref<10x64xi32, #tpu.memory_space<vmem>> -> memref<1x64xi32, #tpu.memory_space<vmem>>
      %dma_wait3A_3036 = tpu.memref_squeeze %dma_wait3A_3035 : memref<1x64xi32, #tpu.memory_space<vmem>> -> memref<64xi32, #tpu.memory_space<vmem>>
      %dma_wait3A_3037 = arith.constant 0 : i32
      %dma_wait3A_3038 = tpu.memref_slice %arg2[%dma_wait3A_3037] : memref<640000xi32, #tpu.memory_space<hbm>> -> memref<64xi32, #tpu.memory_space<hbm>>
      tpu.wait_dma2 semaphore(%dma_wait3A_3033 : memref<!tpu.dma_semaphore, #tpu.memory_space<semaphore_mem>>) src(%dma_wait3A_3038 : memref<64xi32, #tpu.memory_space<hbm>>) dst(%dma_wait3A_3036 : memref<64xi32, #tpu.memory_space<vmem>>)
      %dma_wait3A_3039 = arith.constant 2 : i32
      %dma_wait3A_3040 = arith.constant 0 : i32
      %dma_wait3A_3041 = tpu.memref_slice %arg8[%dma_wait3A_3039, %dma_wait3A_3040] : memref<10x64xi32, #tpu.memory_space<vmem>> -> memref<1x64xi32, #tpu.memory_space<vmem>>
      %dma_wait3A_3042 = tpu.memref_squeeze %dma_wait3A_3041 : memref<1x64xi32, #tpu.memory_space<vmem>> -> memref<64xi32, #tpu.memory_space<vmem>>
      %dma_wait3A_3043 = arith.constant 0 : i32
      %dma_wait3A_3044 = tpu.memref_slice %arg2[%dma_wait3A_3043] : memref<640000xi32, #tpu.memory_space<hbm>> -> memref<64xi32, #tpu.memory_space<hbm>>
      %dma_wait3A_3045 = tpu.memref_slice %arg13[%scan3A_558] : memref<24x!tpu.dma_semaphore, #tpu.memory_space<semaphore_mem>> -> memref<1x!tpu.dma_semaphore, #tpu.memory_space<semaphore_mem>>
      %dma_wait3A_3046 = tpu.memref_squeeze %dma_wait3A_3045 : memref<1x!tpu.dma_semaphore, #tpu.memory_space<semaphore_mem>> -> memref<!tpu.dma_semaphore, #tpu.memory_space<semaphore_mem>>
      %dma_wait3A_3047 = arith.constant 0 : i32
      %dma_wait3A_3048 = tpu.memref_slice %arg8[%dma_wait3A_3039, %dma_wait3A_3047] : memref<10x64xi32, #tpu.memory_space<vmem>> -> memref<1x64xi32, #tpu.memory_space<vmem>>
      %dma_wait3A_3049 = tpu.memref_squeeze %dma_wait3A_3048 : memref<1x64xi32, #tpu.memory_space<vmem>> -> memref<64xi32, #tpu.memory_space<vmem>>
      %dma_wait3A_3050 = arith.constant 0 : i32
      %dma_wait3A_3051 = tpu.memref_slice %arg2[%dma_wait3A_3050] : memref<640000xi32, #tpu.memory_space<hbm>> -> memref<64xi32, #tpu.memory_space<hbm>>
      tpu.wait_dma2 semaphore(%dma_wait3A_3046 : memref<!tpu.dma_semaphore, #tpu.memory_space<semaphore_mem>>) src(%dma_wait3A_3051 : memref<64xi32, #tpu.memory_space<hbm>>) dst(%dma_wait3A_3049 : memref<64xi32, #tpu.memory_space<vmem>>)
      %dma_start3A_3052 = arith.constant 2 : i32
      %dma_start3A_3053 = arith.constant 2 : i32
      %dma_start3A_3054 = arith.constant 0 : i32
      %dma_start3A_3055 = arith.constant 0 : i32
      %dma_start3A_3056 = tpu.memref_slice %arg9[%dma_start3A_3053, %dma_start3A_3054, %dma_start3A_3055] : memref<5x64x128xf32, #tpu.memory_space<vmem>> -> memref<1x64x128xf32, #tpu.memory_space<vmem>>
      %dma_start3A_3057 = tpu.memref_squeeze %dma_start3A_3056 : memref<1x64x128xf32, #tpu.memory_space<vmem>> -> memref<64x128xf32, #tpu.memory_space<vmem>>
      %dma_start3A_3058 = arith.constant 0 : i32
      %dma_start3A_3059 = tpu.memref_slice %arg7[%dma_start3A_3052, %dma_start3A_3058] : memref<10x64xi32, #tpu.memory_space<vmem>> -> memref<1x64xi32, #tpu.memory_space<vmem>>
      %dma_start3A_3060 = tpu.memref_squeeze %dma_start3A_3059 : memref<1x64xi32, #tpu.memory_space<vmem>> -> memref<64xi32, #tpu.memory_space<vmem>>
      %dma_start3A_3061 = arith.constant 0 : i32
      %dma_start3A_3062 = arith.constant 0 : i32
      %dma_start3A_3063 = tpu.memref_slice %arg3[%dma_start3A_3061, %dma_start3A_3062] : memref<10000x128xf32, #tpu.memory_space<hbm>> -> memref<10000x128xf32, #tpu.memory_space<hbm>>
      %dma_start3A_3064 = tpu.memref_slice %arg13[%scan3A_548] : memref<24x!tpu.dma_semaphore, #tpu.memory_space<semaphore_mem>> -> memref<1x!tpu.dma_semaphore, #tpu.memory_space<semaphore_mem>>
      %dma_start3A_3065 = tpu.memref_squeeze %dma_start3A_3064 : memref<1x!tpu.dma_semaphore, #tpu.memory_space<semaphore_mem>> -> memref<!tpu.dma_semaphore, #tpu.memory_space<semaphore_mem>>
      tpu.enqueue_indirect_dma source(%dma_start3A_3063 : memref<10000x128xf32, #tpu.memory_space<hbm>>) target(%dma_start3A_3057 : memref<64x128xf32, #tpu.memory_space<vmem>>) offsets(%dma_start3A_3060 : memref<64xi32, #tpu.memory_space<vmem>>) semaphore(%dma_start3A_3065 : memref<!tpu.dma_semaphore, #tpu.memory_space<semaphore_mem>>)
      %dma_wait3A_3066 = arith.constant 3 : i32
      %dma_wait3A_3067 = arith.constant 0 : i32
      %dma_wait3A_3068 = arith.constant 0 : i32
      %dma_wait3A_3069 = arith.constant 0 : i32
      %dma_wait3A_3070 = tpu.memref_slice %arg9[%dma_wait3A_3066, %dma_wait3A_3068, %dma_wait3A_3069] : memref<5x64x128xf32, #tpu.memory_space<vmem>> -> memref<1x64x128xf32, #tpu.memory_space<vmem>>
      %dma_wait3A_3071 = tpu.memref_squeeze %dma_wait3A_3070 : memref<1x64x128xf32, #tpu.memory_space<vmem>> -> memref<64x128xf32, #tpu.memory_space<vmem>>
      %dma_wait3A_3072 = arith.constant 0 : i32
      %dma_wait3A_3073 = tpu.memref_slice %arg8[%dma_wait3A_3067, %dma_wait3A_3072] : memref<10x64xi32, #tpu.memory_space<vmem>> -> memref<1x64xi32, #tpu.memory_space<vmem>>
      %dma_wait3A_3074 = tpu.memref_squeeze %dma_wait3A_3073 : memref<1x64xi32, #tpu.memory_space<vmem>> -> memref<64xi32, #tpu.memory_space<vmem>>
      %dma_wait3A_3075 = arith.constant 0 : i32
      %dma_wait3A_3076 = arith.constant 0 : i32
      %dma_wait3A_3077 = tpu.memref_slice %arg6[%dma_wait3A_3075, %dma_wait3A_3076] : memref<10000x128xf32, #tpu.memory_space<vmem_shared>> -> memref<10000x128xf32, #tpu.memory_space<vmem_shared>>
      %dma_wait3A_3078 = tpu.memref_slice %arg13[%scan3A_551] : memref<24x!tpu.dma_semaphore, #tpu.memory_space<semaphore_mem>> -> memref<1x!tpu.dma_semaphore, #tpu.memory_space<semaphore_mem>>
      %dma_wait3A_3079 = tpu.memref_squeeze %dma_wait3A_3078 : memref<1x!tpu.dma_semaphore, #tpu.memory_space<semaphore_mem>> -> memref<!tpu.dma_semaphore, #tpu.memory_space<semaphore_mem>>
      tpu.wait_indirect_dma semaphore(%dma_wait3A_3079 : memref<!tpu.dma_semaphore, #tpu.memory_space<semaphore_mem>>) src(%dma_wait3A_3071 : memref<64x128xf32, #tpu.memory_space<vmem>>) dst(%dma_wait3A_3077 : memref<10000x128xf32, #tpu.memory_space<vmem_shared>>)
      %add3A_3080 = arith.constant 9 : i32
      %add3A_3081 = arith.addi %mul3A_2018, %add3A_3080 : i32
      %sub3A_3082 = arith.constant 5 : i32
      %sub3A_3083 = arith.subi %add3A_3081, %sub3A_3082 : i32
      %add3A_3084 = arith.constant 1 : i32
      %add3A_3085 = arith.addi %sub3A_3083, %add3A_3084 : i32
      %add3A_3086 = arith.constant 3 : i32
      %add3A_3087 = arith.addi %add3A_3085, %add3A_3086 : i32
      %add3A_3088 = arith.constant 10 : i32
      %add3A_3089 = arith.addi %add3A_3087, %add3A_3088 : i32
      %mul3A_3090 = arith.constant 64 : i32
      %mul3A_3091 = arith.muli %add3A_3089, %mul3A_3090 : i32
      %add3A_3092 = arith.addi %mul3A_2, %mul3A_3091 : i32
      %multiple_of3A_3093 = tpu.assume_multiple %add3A_3092, 8 : i32
      %add3A_3094 = arith.constant 320000 : i32
      %add3A_3095 = arith.addi %add3A_3094, %mul3A_2 : i32
      %mul3A_3096 = arith.constant 64 : i32
      %mul3A_3097 = arith.muli %add3A_3089, %mul3A_3096 : i32
      %add3A_3098 = arith.addi %add3A_3095, %mul3A_3097 : i32
      %multiple_of3A_3099 = tpu.assume_multiple %add3A_3098, 8 : i32
      %dma_start3A_3100 = arith.constant 8 : i32
      %dma_start3A_3101 = arith.constant 0 : i32
      %dma_start3A_3102 = tpu.memref_slice %arg7[%dma_start3A_3100, %dma_start3A_3101] : memref<10x64xi32, #tpu.memory_space<vmem>> -> memref<1x64xi32, #tpu.memory_space<vmem>>
      %dma_start3A_3103 = tpu.memref_squeeze %dma_start3A_3102 : memref<1x64xi32, #tpu.memory_space<vmem>> -> memref<64xi32, #tpu.memory_space<vmem>>
      %dma_start3A_3104 = tpu.memref_slice %arg2[%multiple_of3A_3093] : memref<640000xi32, #tpu.memory_space<hbm>> -> memref<64xi32, #tpu.memory_space<hbm>>
      %dma_start3A_3105 = tpu.memref_slice %arg13[%scan3A_561] : memref<24x!tpu.dma_semaphore, #tpu.memory_space<semaphore_mem>> -> memref<1x!tpu.dma_semaphore, #tpu.memory_space<semaphore_mem>>
      %dma_start3A_3106 = tpu.memref_squeeze %dma_start3A_3105 : memref<1x!tpu.dma_semaphore, #tpu.memory_space<semaphore_mem>> -> memref<!tpu.dma_semaphore, #tpu.memory_space<semaphore_mem>>
      %dma_start3A_3107 = arith.constant 0 : i32
      %dma_start3A_3108 = tpu.memref_slice %arg7[%dma_start3A_3100, %dma_start3A_3107] : memref<10x64xi32, #tpu.memory_space<vmem>> -> memref<1x64xi32, #tpu.memory_space<vmem>>
      %dma_start3A_3109 = tpu.memref_squeeze %dma_start3A_3108 : memref<1x64xi32, #tpu.memory_space<vmem>> -> memref<64xi32, #tpu.memory_space<vmem>>
      %dma_start3A_3110 = tpu.memref_slice %arg2[%multiple_of3A_3093] : memref<640000xi32, #tpu.memory_space<hbm>> -> memref<64xi32, #tpu.memory_space<hbm>>
      tpu.enqueue_dma source(%dma_start3A_3110 : memref<64xi32, #tpu.memory_space<hbm>>) target(%dma_start3A_3109 : memref<64xi32, #tpu.memory_space<vmem>>) target_semaphore(%dma_start3A_3106 : memref<!tpu.dma_semaphore, #tpu.memory_space<semaphore_mem>>)
      %dma_start3A_3111 = arith.constant 8 : i32
      %dma_start3A_3112 = arith.constant 0 : i32
      %dma_start3A_3113 = tpu.memref_slice %arg8[%dma_start3A_3111, %dma_start3A_3112] : memref<10x64xi32, #tpu.memory_space<vmem>> -> memref<1x64xi32, #tpu.memory_space<vmem>>
      %dma_start3A_3114 = tpu.memref_squeeze %dma_start3A_3113 : memref<1x64xi32, #tpu.memory_space<vmem>> -> memref<64xi32, #tpu.memory_space<vmem>>
      %dma_start3A_3115 = tpu.memref_slice %arg2[%multiple_of3A_3099] : memref<640000xi32, #tpu.memory_space<hbm>> -> memref<64xi32, #tpu.memory_space<hbm>>
      %dma_start3A_3116 = tpu.memref_slice %arg13[%scan3A_561] : memref<24x!tpu.dma_semaphore, #tpu.memory_space<semaphore_mem>> -> memref<1x!tpu.dma_semaphore, #tpu.memory_space<semaphore_mem>>
      %dma_start3A_3117 = tpu.memref_squeeze %dma_start3A_3116 : memref<1x!tpu.dma_semaphore, #tpu.memory_space<semaphore_mem>> -> memref<!tpu.dma_semaphore, #tpu.memory_space<semaphore_mem>>
      %dma_start3A_3118 = arith.constant 0 : i32
      %dma_start3A_3119 = tpu.memref_slice %arg8[%dma_start3A_3111, %dma_start3A_3118] : memref<10x64xi32, #tpu.memory_space<vmem>> -> memref<1x64xi32, #tpu.memory_space<vmem>>
      %dma_start3A_3120 = tpu.memref_squeeze %dma_start3A_3119 : memref<1x64xi32, #tpu.memory_space<vmem>> -> memref<64xi32, #tpu.memory_space<vmem>>
      %dma_start3A_3121 = tpu.memref_slice %arg2[%multiple_of3A_3099] : memref<640000xi32, #tpu.memory_space<hbm>> -> memref<64xi32, #tpu.memory_space<hbm>>
      tpu.enqueue_dma source(%dma_start3A_3121 : memref<64xi32, #tpu.memory_space<hbm>>) target(%dma_start3A_3120 : memref<64xi32, #tpu.memory_space<vmem>>) target_semaphore(%dma_start3A_3117 : memref<!tpu.dma_semaphore, #tpu.memory_space<semaphore_mem>>)
      %dma_wait3A_3122 = arith.constant 3 : i32
      %dma_wait3A_3123 = arith.constant 0 : i32
      %dma_wait3A_3124 = tpu.memref_slice %arg7[%dma_wait3A_3122, %dma_wait3A_3123] : memref<10x64xi32, #tpu.memory_space<vmem>> -> memref<1x64xi32, #tpu.memory_space<vmem>>
      %dma_wait3A_3125 = tpu.memref_squeeze %dma_wait3A_3124 : memref<1x64xi32, #tpu.memory_space<vmem>> -> memref<64xi32, #tpu.memory_space<vmem>>
      %dma_wait3A_3126 = arith.constant 0 : i32
      %dma_wait3A_3127 = tpu.memref_slice %arg2[%dma_wait3A_3126] : memref<640000xi32, #tpu.memory_space<hbm>> -> memref<64xi32, #tpu.memory_space<hbm>>
      %dma_wait3A_3128 = tpu.memref_slice %arg13[%scan3A_560] : memref<24x!tpu.dma_semaphore, #tpu.memory_space<semaphore_mem>> -> memref<1x!tpu.dma_semaphore, #tpu.memory_space<semaphore_mem>>
      %dma_wait3A_3129 = tpu.memref_squeeze %dma_wait3A_3128 : memref<1x!tpu.dma_semaphore, #tpu.memory_space<semaphore_mem>> -> memref<!tpu.dma_semaphore, #tpu.memory_space<semaphore_mem>>
      %dma_wait3A_3130 = arith.constant 0 : i32
      %dma_wait3A_3131 = tpu.memref_slice %arg7[%dma_wait3A_3122, %dma_wait3A_3130] : memref<10x64xi32, #tpu.memory_space<vmem>> -> memref<1x64xi32, #tpu.memory_space<vmem>>
      %dma_wait3A_3132 = tpu.memref_squeeze %dma_wait3A_3131 : memref<1x64xi32, #tpu.memory_space<vmem>> -> memref<64xi32, #tpu.memory_space<vmem>>
      %dma_wait3A_3133 = arith.constant 0 : i32
      %dma_wait3A_3134 = tpu.memref_slice %arg2[%dma_wait3A_3133] : memref<640000xi32, #tpu.memory_space<hbm>> -> memref<64xi32, #tpu.memory_space<hbm>>
      tpu.wait_dma2 semaphore(%dma_wait3A_3129 : memref<!tpu.dma_semaphore, #tpu.memory_space<semaphore_mem>>) src(%dma_wait3A_3134 : memref<64xi32, #tpu.memory_space<hbm>>) dst(%dma_wait3A_3132 : memref<64xi32, #tpu.memory_space<vmem>>)
      %dma_wait3A_3135 = arith.constant 3 : i32
      %dma_wait3A_3136 = arith.constant 0 : i32
      %dma_wait3A_3137 = tpu.memref_slice %arg8[%dma_wait3A_3135, %dma_wait3A_3136] : memref<10x64xi32, #tpu.memory_space<vmem>> -> memref<1x64xi32, #tpu.memory_space<vmem>>
      %dma_wait3A_3138 = tpu.memref_squeeze %dma_wait3A_3137 : memref<1x64xi32, #tpu.memory_space<vmem>> -> memref<64xi32, #tpu.memory_space<vmem>>
      %dma_wait3A_3139 = arith.constant 0 : i32
      %dma_wait3A_3140 = tpu.memref_slice %arg2[%dma_wait3A_3139] : memref<640000xi32, #tpu.memory_space<hbm>> -> memref<64xi32, #tpu.memory_space<hbm>>
      %dma_wait3A_3141 = tpu.memref_slice %arg13[%scan3A_560] : memref<24x!tpu.dma_semaphore, #tpu.memory_space<semaphore_mem>> -> memref<1x!tpu.dma_semaphore, #tpu.memory_space<semaphore_mem>>
      %dma_wait3A_3142 = tpu.memref_squeeze %dma_wait3A_3141 : memref<1x!tpu.dma_semaphore, #tpu.memory_space<semaphore_mem>> -> memref<!tpu.dma_semaphore, #tpu.memory_space<semaphore_mem>>
      %dma_wait3A_3143 = arith.constant 0 : i32
      %dma_wait3A_3144 = tpu.memref_slice %arg8[%dma_wait3A_3135, %dma_wait3A_3143] : memref<10x64xi32, #tpu.memory_space<vmem>> -> memref<1x64xi32, #tpu.memory_space<vmem>>
      %dma_wait3A_3145 = tpu.memref_squeeze %dma_wait3A_3144 : memref<1x64xi32, #tpu.memory_space<vmem>> -> memref<64xi32, #tpu.memory_space<vmem>>
      %dma_wait3A_3146 = arith.constant 0 : i32
      %dma_wait3A_3147 = tpu.memref_slice %arg2[%dma_wait3A_3146] : memref<640000xi32, #tpu.memory_space<hbm>> -> memref<64xi32, #tpu.memory_space<hbm>>
      tpu.wait_dma2 semaphore(%dma_wait3A_3142 : memref<!tpu.dma_semaphore, #tpu.memory_space<semaphore_mem>>) src(%dma_wait3A_3147 : memref<64xi32, #tpu.memory_space<hbm>>) dst(%dma_wait3A_3145 : memref<64xi32, #tpu.memory_space<vmem>>)
      %dma_start3A_3148 = arith.constant 3 : i32
      %dma_start3A_3149 = arith.constant 3 : i32
      %dma_start3A_3150 = arith.constant 0 : i32
      %dma_start3A_3151 = arith.constant 0 : i32
      %dma_start3A_3152 = tpu.memref_slice %arg9[%dma_start3A_3149, %dma_start3A_3150, %dma_start3A_3151] : memref<5x64x128xf32, #tpu.memory_space<vmem>> -> memref<1x64x128xf32, #tpu.memory_space<vmem>>
      %dma_start3A_3153 = tpu.memref_squeeze %dma_start3A_3152 : memref<1x64x128xf32, #tpu.memory_space<vmem>> -> memref<64x128xf32, #tpu.memory_space<vmem>>
      %dma_start3A_3154 = arith.constant 0 : i32
      %dma_start3A_3155 = tpu.memref_slice %arg7[%dma_start3A_3148, %dma_start3A_3154] : memref<10x64xi32, #tpu.memory_space<vmem>> -> memref<1x64xi32, #tpu.memory_space<vmem>>
      %dma_start3A_3156 = tpu.memref_squeeze %dma_start3A_3155 : memref<1x64xi32, #tpu.memory_space<vmem>> -> memref<64xi32, #tpu.memory_space<vmem>>
      %dma_start3A_3157 = arith.constant 0 : i32
      %dma_start3A_3158 = arith.constant 0 : i32
      %dma_start3A_3159 = tpu.memref_slice %arg3[%dma_start3A_3157, %dma_start3A_3158] : memref<10000x128xf32, #tpu.memory_space<hbm>> -> memref<10000x128xf32, #tpu.memory_space<hbm>>
      %dma_start3A_3160 = tpu.memref_slice %arg13[%scan3A_550] : memref<24x!tpu.dma_semaphore, #tpu.memory_space<semaphore_mem>> -> memref<1x!tpu.dma_semaphore, #tpu.memory_space<semaphore_mem>>
      %dma_start3A_3161 = tpu.memref_squeeze %dma_start3A_3160 : memref<1x!tpu.dma_semaphore, #tpu.memory_space<semaphore_mem>> -> memref<!tpu.dma_semaphore, #tpu.memory_space<semaphore_mem>>
      tpu.enqueue_indirect_dma source(%dma_start3A_3159 : memref<10000x128xf32, #tpu.memory_space<hbm>>) target(%dma_start3A_3153 : memref<64x128xf32, #tpu.memory_space<vmem>>) offsets(%dma_start3A_3156 : memref<64xi32, #tpu.memory_space<vmem>>) semaphore(%dma_start3A_3161 : memref<!tpu.dma_semaphore, #tpu.memory_space<semaphore_mem>>)
      %dma_wait3A_3162 = arith.constant 4 : i32
      %dma_wait3A_3163 = arith.constant 0 : i32
      %dma_wait3A_3164 = arith.constant 0 : i32
      %dma_wait3A_3165 = arith.constant 0 : i32
      %dma_wait3A_3166 = tpu.memref_slice %arg9[%dma_wait3A_3162, %dma_wait3A_3164, %dma_wait3A_3165] : memref<5x64x128xf32, #tpu.memory_space<vmem>> -> memref<1x64x128xf32, #tpu.memory_space<vmem>>
      %dma_wait3A_3167 = tpu.memref_squeeze %dma_wait3A_3166 : memref<1x64x128xf32, #tpu.memory_space<vmem>> -> memref<64x128xf32, #tpu.memory_space<vmem>>
      %dma_wait3A_3168 = arith.constant 0 : i32
      %dma_wait3A_3169 = tpu.memref_slice %arg8[%dma_wait3A_3163, %dma_wait3A_3168] : memref<10x64xi32, #tpu.memory_space<vmem>> -> memref<1x64xi32, #tpu.memory_space<vmem>>
      %dma_wait3A_3170 = tpu.memref_squeeze %dma_wait3A_3169 : memref<1x64xi32, #tpu.memory_space<vmem>> -> memref<64xi32, #tpu.memory_space<vmem>>
      %dma_wait3A_3171 = arith.constant 0 : i32
      %dma_wait3A_3172 = arith.constant 0 : i32
      %dma_wait3A_3173 = tpu.memref_slice %arg6[%dma_wait3A_3171, %dma_wait3A_3172] : memref<10000x128xf32, #tpu.memory_space<vmem_shared>> -> memref<10000x128xf32, #tpu.memory_space<vmem_shared>>
      %dma_wait3A_3174 = tpu.memref_slice %arg13[%scan3A_553] : memref<24x!tpu.dma_semaphore, #tpu.memory_space<semaphore_mem>> -> memref<1x!tpu.dma_semaphore, #tpu.memory_space<semaphore_mem>>
      %dma_wait3A_3175 = tpu.memref_squeeze %dma_wait3A_3174 : memref<1x!tpu.dma_semaphore, #tpu.memory_space<semaphore_mem>> -> memref<!tpu.dma_semaphore, #tpu.memory_space<semaphore_mem>>
      tpu.wait_indirect_dma semaphore(%dma_wait3A_3175 : memref<!tpu.dma_semaphore, #tpu.memory_space<semaphore_mem>>) src(%dma_wait3A_3167 : memref<64x128xf32, #tpu.memory_space<vmem>>) dst(%dma_wait3A_3173 : memref<10000x128xf32, #tpu.memory_space<vmem_shared>>)
      %add3A_3176 = arith.constant 9 : i32
      %add3A_3177 = arith.addi %mul3A_2018, %add3A_3176 : i32
      %sub3A_3178 = arith.constant 5 : i32
      %sub3A_3179 = arith.subi %add3A_3177, %sub3A_3178 : i32
      %add3A_3180 = arith.constant 1 : i32
      %add3A_3181 = arith.addi %sub3A_3179, %add3A_3180 : i32
      %add3A_3182 = arith.constant 4 : i32
      %add3A_3183 = arith.addi %add3A_3181, %add3A_3182 : i32
      %add3A_3184 = arith.constant 10 : i32
      %add3A_3185 = arith.addi %add3A_3183, %add3A_3184 : i32
      %mul3A_3186 = arith.constant 64 : i32
      %mul3A_3187 = arith.muli %add3A_3185, %mul3A_3186 : i32
      %add3A_3188 = arith.addi %mul3A_2, %mul3A_3187 : i32
      %multiple_of3A_3189 = tpu.assume_multiple %add3A_3188, 8 : i32
      %add3A_3190 = arith.constant 320000 : i32
      %add3A_3191 = arith.addi %add3A_3190, %mul3A_2 : i32
      %mul3A_3192 = arith.constant 64 : i32
      %mul3A_3193 = arith.muli %add3A_3185, %mul3A_3192 : i32
      %add3A_3194 = arith.addi %add3A_3191, %mul3A_3193 : i32
      %multiple_of3A_3195 = tpu.assume_multiple %add3A_3194, 8 : i32
      %dma_start3A_3196 = arith.constant 9 : i32
      %dma_start3A_3197 = arith.constant 0 : i32
      %dma_start3A_3198 = tpu.memref_slice %arg7[%dma_start3A_3196, %dma_start3A_3197] : memref<10x64xi32, #tpu.memory_space<vmem>> -> memref<1x64xi32, #tpu.memory_space<vmem>>
      %dma_start3A_3199 = tpu.memref_squeeze %dma_start3A_3198 : memref<1x64xi32, #tpu.memory_space<vmem>> -> memref<64xi32, #tpu.memory_space<vmem>>
      %dma_start3A_3200 = tpu.memref_slice %arg2[%multiple_of3A_3189] : memref<640000xi32, #tpu.memory_space<hbm>> -> memref<64xi32, #tpu.memory_space<hbm>>
      %dma_start3A_3201 = tpu.memref_slice %arg13[%scan3A_563] : memref<24x!tpu.dma_semaphore, #tpu.memory_space<semaphore_mem>> -> memref<1x!tpu.dma_semaphore, #tpu.memory_space<semaphore_mem>>
      %dma_start3A_3202 = tpu.memref_squeeze %dma_start3A_3201 : memref<1x!tpu.dma_semaphore, #tpu.memory_space<semaphore_mem>> -> memref<!tpu.dma_semaphore, #tpu.memory_space<semaphore_mem>>
      %dma_start3A_3203 = arith.constant 0 : i32
      %dma_start3A_3204 = tpu.memref_slice %arg7[%dma_start3A_3196, %dma_start3A_3203] : memref<10x64xi32, #tpu.memory_space<vmem>> -> memref<1x64xi32, #tpu.memory_space<vmem>>
      %dma_start3A_3205 = tpu.memref_squeeze %dma_start3A_3204 : memref<1x64xi32, #tpu.memory_space<vmem>> -> memref<64xi32, #tpu.memory_space<vmem>>
      %dma_start3A_3206 = tpu.memref_slice %arg2[%multiple_of3A_3189] : memref<640000xi32, #tpu.memory_space<hbm>> -> memref<64xi32, #tpu.memory_space<hbm>>
      tpu.enqueue_dma source(%dma_start3A_3206 : memref<64xi32, #tpu.memory_space<hbm>>) target(%dma_start3A_3205 : memref<64xi32, #tpu.memory_space<vmem>>) target_semaphore(%dma_start3A_3202 : memref<!tpu.dma_semaphore, #tpu.memory_space<semaphore_mem>>)
      %dma_start3A_3207 = arith.constant 9 : i32
      %dma_start3A_3208 = arith.constant 0 : i32
      %dma_start3A_3209 = tpu.memref_slice %arg8[%dma_start3A_3207, %dma_start3A_3208] : memref<10x64xi32, #tpu.memory_space<vmem>> -> memref<1x64xi32, #tpu.memory_space<vmem>>
      %dma_start3A_3210 = tpu.memref_squeeze %dma_start3A_3209 : memref<1x64xi32, #tpu.memory_space<vmem>> -> memref<64xi32, #tpu.memory_space<vmem>>
      %dma_start3A_3211 = tpu.memref_slice %arg2[%multiple_of3A_3195] : memref<640000xi32, #tpu.memory_space<hbm>> -> memref<64xi32, #tpu.memory_space<hbm>>
      %dma_start3A_3212 = tpu.memref_slice %arg13[%scan3A_563] : memref<24x!tpu.dma_semaphore, #tpu.memory_space<semaphore_mem>> -> memref<1x!tpu.dma_semaphore, #tpu.memory_space<semaphore_mem>>
      %dma_start3A_3213 = tpu.memref_squeeze %dma_start3A_3212 : memref<1x!tpu.dma_semaphore, #tpu.memory_space<semaphore_mem>> -> memref<!tpu.dma_semaphore, #tpu.memory_space<semaphore_mem>>
      %dma_start3A_3214 = arith.constant 0 : i32
      %dma_start3A_3215 = tpu.memref_slice %arg8[%dma_start3A_3207, %dma_start3A_3214] : memref<10x64xi32, #tpu.memory_space<vmem>> -> memref<1x64xi32, #tpu.memory_space<vmem>>
      %dma_start3A_3216 = tpu.memref_squeeze %dma_start3A_3215 : memref<1x64xi32, #tpu.memory_space<vmem>> -> memref<64xi32, #tpu.memory_space<vmem>>
      %dma_start3A_3217 = tpu.memref_slice %arg2[%multiple_of3A_3195] : memref<640000xi32, #tpu.memory_space<hbm>> -> memref<64xi32, #tpu.memory_space<hbm>>
      tpu.enqueue_dma source(%dma_start3A_3217 : memref<64xi32, #tpu.memory_space<hbm>>) target(%dma_start3A_3216 : memref<64xi32, #tpu.memory_space<vmem>>) target_semaphore(%dma_start3A_3213 : memref<!tpu.dma_semaphore, #tpu.memory_space<semaphore_mem>>)
      %dma_wait3A_3218 = arith.constant 4 : i32
      %dma_wait3A_3219 = arith.constant 0 : i32
      %dma_wait3A_3220 = tpu.memref_slice %arg7[%dma_wait3A_3218, %dma_wait3A_3219] : memref<10x64xi32, #tpu.memory_space<vmem>> -> memref<1x64xi32, #tpu.memory_space<vmem>>
      %dma_wait3A_3221 = tpu.memref_squeeze %dma_wait3A_3220 : memref<1x64xi32, #tpu.memory_space<vmem>> -> memref<64xi32, #tpu.memory_space<vmem>>
      %dma_wait3A_3222 = arith.constant 0 : i32
      %dma_wait3A_3223 = tpu.memref_slice %arg2[%dma_wait3A_3222] : memref<640000xi32, #tpu.memory_space<hbm>> -> memref<64xi32, #tpu.memory_space<hbm>>
      %dma_wait3A_3224 = tpu.memref_slice %arg13[%scan3A_562] : memref<24x!tpu.dma_semaphore, #tpu.memory_space<semaphore_mem>> -> memref<1x!tpu.dma_semaphore, #tpu.memory_space<semaphore_mem>>
      %dma_wait3A_3225 = tpu.memref_squeeze %dma_wait3A_3224 : memref<1x!tpu.dma_semaphore, #tpu.memory_space<semaphore_mem>> -> memref<!tpu.dma_semaphore, #tpu.memory_space<semaphore_mem>>
      %dma_wait3A_3226 = arith.constant 0 : i32
      %dma_wait3A_3227 = tpu.memref_slice %arg7[%dma_wait3A_3218, %dma_wait3A_3226] : memref<10x64xi32, #tpu.memory_space<vmem>> -> memref<1x64xi32, #tpu.memory_space<vmem>>
      %dma_wait3A_3228 = tpu.memref_squeeze %dma_wait3A_3227 : memref<1x64xi32, #tpu.memory_space<vmem>> -> memref<64xi32, #tpu.memory_space<vmem>>
      %dma_wait3A_3229 = arith.constant 0 : i32
      %dma_wait3A_3230 = tpu.memref_slice %arg2[%dma_wait3A_3229] : memref<640000xi32, #tpu.memory_space<hbm>> -> memref<64xi32, #tpu.memory_space<hbm>>
      tpu.wait_dma2 semaphore(%dma_wait3A_3225 : memref<!tpu.dma_semaphore, #tpu.memory_space<semaphore_mem>>) src(%dma_wait3A_3230 : memref<64xi32, #tpu.memory_space<hbm>>) dst(%dma_wait3A_3228 : memref<64xi32, #tpu.memory_space<vmem>>)
      %dma_wait3A_3231 = arith.constant 4 : i32
      %dma_wait3A_3232 = arith.constant 0 : i32
      %dma_wait3A_3233 = tpu.memref_slice %arg8[%dma_wait3A_3231, %dma_wait3A_3232] : memref<10x64xi32, #tpu.memory_space<vmem>> -> memref<1x64xi32, #tpu.memory_space<vmem>>
      %dma_wait3A_3234 = tpu.memref_squeeze %dma_wait3A_3233 : memref<1x64xi32, #tpu.memory_space<vmem>> -> memref<64xi32, #tpu.memory_space<vmem>>
      %dma_wait3A_3235 = arith.constant 0 : i32
      %dma_wait3A_3236 = tpu.memref_slice %arg2[%dma_wait3A_3235] : memref<640000xi32, #tpu.memory_space<hbm>> -> memref<64xi32, #tpu.memory_space<hbm>>
      %dma_wait3A_3237 = tpu.memref_slice %arg13[%scan3A_562] : memref<24x!tpu.dma_semaphore, #tpu.memory_space<semaphore_mem>> -> memref<1x!tpu.dma_semaphore, #tpu.memory_space<semaphore_mem>>
      %dma_wait3A_3238 = tpu.memref_squeeze %dma_wait3A_3237 : memref<1x!tpu.dma_semaphore, #tpu.memory_space<semaphore_mem>> -> memref<!tpu.dma_semaphore, #tpu.memory_space<semaphore_mem>>
      %dma_wait3A_3239 = arith.constant 0 : i32
      %dma_wait3A_3240 = tpu.memref_slice %arg8[%dma_wait3A_3231, %dma_wait3A_3239] : memref<10x64xi32, #tpu.memory_space<vmem>> -> memref<1x64xi32, #tpu.memory_space<vmem>>
      %dma_wait3A_3241 = tpu.memref_squeeze %dma_wait3A_3240 : memref<1x64xi32, #tpu.memory_space<vmem>> -> memref<64xi32, #tpu.memory_space<vmem>>
      %dma_wait3A_3242 = arith.constant 0 : i32
      %dma_wait3A_3243 = tpu.memref_slice %arg2[%dma_wait3A_3242] : memref<640000xi32, #tpu.memory_space<hbm>> -> memref<64xi32, #tpu.memory_space<hbm>>
      tpu.wait_dma2 semaphore(%dma_wait3A_3238 : memref<!tpu.dma_semaphore, #tpu.memory_space<semaphore_mem>>) src(%dma_wait3A_3243 : memref<64xi32, #tpu.memory_space<hbm>>) dst(%dma_wait3A_3241 : memref<64xi32, #tpu.memory_space<vmem>>)
      %dma_start3A_3244 = arith.constant 4 : i32
      %dma_start3A_3245 = arith.constant 4 : i32
      %dma_start3A_3246 = arith.constant 0 : i32
      %dma_start3A_3247 = arith.constant 0 : i32
      %dma_start3A_3248 = tpu.memref_slice %arg9[%dma_start3A_3245, %dma_start3A_3246, %dma_start3A_3247] : memref<5x64x128xf32, #tpu.memory_space<vmem>> -> memref<1x64x128xf32, #tpu.memory_space<vmem>>
      %dma_start3A_3249 = tpu.memref_squeeze %dma_start3A_3248 : memref<1x64x128xf32, #tpu.memory_space<vmem>> -> memref<64x128xf32, #tpu.memory_space<vmem>>
      %dma_start3A_3250 = arith.constant 0 : i32
      %dma_start3A_3251 = tpu.memref_slice %arg7[%dma_start3A_3244, %dma_start3A_3250] : memref<10x64xi32, #tpu.memory_space<vmem>> -> memref<1x64xi32, #tpu.memory_space<vmem>>
      %dma_start3A_3252 = tpu.memref_squeeze %dma_start3A_3251 : memref<1x64xi32, #tpu.memory_space<vmem>> -> memref<64xi32, #tpu.memory_space<vmem>>
      %dma_start3A_3253 = arith.constant 0 : i32
      %dma_start3A_3254 = arith.constant 0 : i32
      %dma_start3A_3255 = tpu.memref_slice %arg3[%dma_start3A_3253, %dma_start3A_3254] : memref<10000x128xf32, #tpu.memory_space<hbm>> -> memref<10000x128xf32, #tpu.memory_space<hbm>>
      %dma_start3A_3256 = tpu.memref_slice %arg13[%scan3A_552] : memref<24x!tpu.dma_semaphore, #tpu.memory_space<semaphore_mem>> -> memref<1x!tpu.dma_semaphore, #tpu.memory_space<semaphore_mem>>
      %dma_start3A_3257 = tpu.memref_squeeze %dma_start3A_3256 : memref<1x!tpu.dma_semaphore, #tpu.memory_space<semaphore_mem>> -> memref<!tpu.dma_semaphore, #tpu.memory_space<semaphore_mem>>
      tpu.enqueue_indirect_dma source(%dma_start3A_3255 : memref<10000x128xf32, #tpu.memory_space<hbm>>) target(%dma_start3A_3249 : memref<64x128xf32, #tpu.memory_space<vmem>>) offsets(%dma_start3A_3252 : memref<64xi32, #tpu.memory_space<vmem>>) semaphore(%dma_start3A_3257 : memref<!tpu.dma_semaphore, #tpu.memory_space<semaphore_mem>>)
    }
    %scan3A_568 = arith.constant 14 : i32
    %dma_wait3A_569 = arith.constant 0 : i32
    %dma_wait3A_570 = arith.constant 0 : i32
    %dma_wait3A_571 = arith.constant 0 : i32
    %dma_wait3A_572 = arith.constant 0 : i32
    %dma_wait3A_573 = arith.constant 0 : i32
    %dma_wait3A_574 = tpu.memref_slice %arg9[%dma_wait3A_570, %dma_wait3A_572, %dma_wait3A_573] : memref<5x64x128xf32, #tpu.memory_space<vmem>> -> memref<1x64x128xf32, #tpu.memory_space<vmem>>
    %dma_wait3A_575 = tpu.memref_squeeze %dma_wait3A_574 : memref<1x64x128xf32, #tpu.memory_space<vmem>> -> memref<64x128xf32, #tpu.memory_space<vmem>>
    %dma_wait3A_576 = arith.constant 0 : i32
    %dma_wait3A_577 = tpu.memref_slice %arg7[%dma_wait3A_569, %dma_wait3A_576] : memref<10x64xi32, #tpu.memory_space<vmem>> -> memref<1x64xi32, #tpu.memory_space<vmem>>
    %dma_wait3A_578 = tpu.memref_squeeze %dma_wait3A_577 : memref<1x64xi32, #tpu.memory_space<vmem>> -> memref<64xi32, #tpu.memory_space<vmem>>
    %dma_wait3A_579 = arith.constant 0 : i32
    %dma_wait3A_580 = arith.constant 0 : i32
    %dma_wait3A_581 = tpu.memref_slice %arg3[%dma_wait3A_579, %dma_wait3A_580] : memref<10000x128xf32, #tpu.memory_space<hbm>> -> memref<10000x128xf32, #tpu.memory_space<hbm>>
    %dma_wait3A_582 = tpu.memref_slice %arg13[%dma_wait3A_571] : memref<24x!tpu.dma_semaphore, #tpu.memory_space<semaphore_mem>> -> memref<1x!tpu.dma_semaphore, #tpu.memory_space<semaphore_mem>>
    %dma_wait3A_583 = tpu.memref_squeeze %dma_wait3A_582 : memref<1x!tpu.dma_semaphore, #tpu.memory_space<semaphore_mem>> -> memref<!tpu.dma_semaphore, #tpu.memory_space<semaphore_mem>>
    tpu.wait_indirect_dma semaphore(%dma_wait3A_583 : memref<!tpu.dma_semaphore, #tpu.memory_space<semaphore_mem>>) src(%dma_wait3A_581 : memref<10000x128xf32, #tpu.memory_space<hbm>>) dst(%dma_wait3A_575 : memref<64x128xf32, #tpu.memory_space<vmem>>)
    %dma_start3A_584 = arith.constant 0 : i32
    %dma_start3A_585 = arith.constant 0 : i32
    %dma_start3A_586 = arith.constant 5 : i32
    %dma_start3A_587 = arith.constant 0 : i32
    %dma_start3A_588 = arith.constant 0 : i32
    %dma_start3A_589 = tpu.memref_slice %arg9[%dma_start3A_584, %dma_start3A_587, %dma_start3A_588] : memref<5x64x128xf32, #tpu.memory_space<vmem>> -> memref<1x64x128xf32, #tpu.memory_space<vmem>>
    %dma_start3A_590 = tpu.memref_squeeze %dma_start3A_589 : memref<1x64x128xf32, #tpu.memory_space<vmem>> -> memref<64x128xf32, #tpu.memory_space<vmem>>
    %dma_start3A_591 = arith.constant 0 : i32
    %dma_start3A_592 = tpu.memref_slice %arg8[%dma_start3A_585, %dma_start3A_591] : memref<10x64xi32, #tpu.memory_space<vmem>> -> memref<1x64xi32, #tpu.memory_space<vmem>>
    %dma_start3A_593 = tpu.memref_squeeze %dma_start3A_592 : memref<1x64xi32, #tpu.memory_space<vmem>> -> memref<64xi32, #tpu.memory_space<vmem>>
    %dma_start3A_594 = arith.constant 0 : i32
    %dma_start3A_595 = arith.constant 0 : i32
    %dma_start3A_596 = tpu.memref_slice %arg6[%dma_start3A_594, %dma_start3A_595] : memref<10000x128xf32, #tpu.memory_space<vmem_shared>> -> memref<10000x128xf32, #tpu.memory_space<vmem_shared>>
    %dma_start3A_597 = tpu.memref_slice %arg13[%dma_start3A_586] : memref<24x!tpu.dma_semaphore, #tpu.memory_space<semaphore_mem>> -> memref<1x!tpu.dma_semaphore, #tpu.memory_space<semaphore_mem>>
    %dma_start3A_598 = tpu.memref_squeeze %dma_start3A_597 : memref<1x!tpu.dma_semaphore, #tpu.memory_space<semaphore_mem>> -> memref<!tpu.dma_semaphore, #tpu.memory_space<semaphore_mem>>
    tpu.enqueue_indirect_dma source(%dma_start3A_590 : memref<64x128xf32, #tpu.memory_space<vmem>>) target(%dma_start3A_596 : memref<10000x128xf32, #tpu.memory_space<vmem_shared>>) offsets(%dma_start3A_593 : memref<64xi32, #tpu.memory_space<vmem>>) semaphore(%dma_start3A_598 : memref<!tpu.dma_semaphore, #tpu.memory_space<semaphore_mem>>) {add = true}
    %dma_wait3A_599 = arith.constant 0 : i32
    %dma_wait3A_600 = arith.constant 1 : i32
    %dma_wait3A_601 = arith.constant 1 : i32
    %dma_wait3A_602 = arith.constant 0 : i32
    %dma_wait3A_603 = arith.constant 0 : i32
    %dma_wait3A_604 = tpu.memref_slice %arg9[%dma_wait3A_600, %dma_wait3A_602, %dma_wait3A_603] : memref<5x64x128xf32, #tpu.memory_space<vmem>> -> memref<1x64x128xf32, #tpu.memory_space<vmem>>
    %dma_wait3A_605 = tpu.memref_squeeze %dma_wait3A_604 : memref<1x64x128xf32, #tpu.memory_space<vmem>> -> memref<64x128xf32, #tpu.memory_space<vmem>>
    %dma_wait3A_606 = arith.constant 0 : i32
    %dma_wait3A_607 = tpu.memref_slice %arg7[%dma_wait3A_599, %dma_wait3A_606] : memref<10x64xi32, #tpu.memory_space<vmem>> -> memref<1x64xi32, #tpu.memory_space<vmem>>
    %dma_wait3A_608 = tpu.memref_squeeze %dma_wait3A_607 : memref<1x64xi32, #tpu.memory_space<vmem>> -> memref<64xi32, #tpu.memory_space<vmem>>
    %dma_wait3A_609 = arith.constant 0 : i32
    %dma_wait3A_610 = arith.constant 0 : i32
    %dma_wait3A_611 = tpu.memref_slice %arg3[%dma_wait3A_609, %dma_wait3A_610] : memref<10000x128xf32, #tpu.memory_space<hbm>> -> memref<10000x128xf32, #tpu.memory_space<hbm>>
    %dma_wait3A_612 = tpu.memref_slice %arg13[%dma_wait3A_601] : memref<24x!tpu.dma_semaphore, #tpu.memory_space<semaphore_mem>> -> memref<1x!tpu.dma_semaphore, #tpu.memory_space<semaphore_mem>>
    %dma_wait3A_613 = tpu.memref_squeeze %dma_wait3A_612 : memref<1x!tpu.dma_semaphore, #tpu.memory_space<semaphore_mem>> -> memref<!tpu.dma_semaphore, #tpu.memory_space<semaphore_mem>>
    tpu.wait_indirect_dma semaphore(%dma_wait3A_613 : memref<!tpu.dma_semaphore, #tpu.memory_space<semaphore_mem>>) src(%dma_wait3A_611 : memref<10000x128xf32, #tpu.memory_space<hbm>>) dst(%dma_wait3A_605 : memref<64x128xf32, #tpu.memory_space<vmem>>)
    %dma_start3A_614 = arith.constant 1 : i32
    %dma_start3A_615 = arith.constant 1 : i32
    %dma_start3A_616 = arith.constant 6 : i32
    %dma_start3A_617 = arith.constant 0 : i32
    %dma_start3A_618 = arith.constant 0 : i32
    %dma_start3A_619 = tpu.memref_slice %arg9[%dma_start3A_614, %dma_start3A_617, %dma_start3A_618] : memref<5x64x128xf32, #tpu.memory_space<vmem>> -> memref<1x64x128xf32, #tpu.memory_space<vmem>>
    %dma_start3A_620 = tpu.memref_squeeze %dma_start3A_619 : memref<1x64x128xf32, #tpu.memory_space<vmem>> -> memref<64x128xf32, #tpu.memory_space<vmem>>
    %dma_start3A_621 = arith.constant 0 : i32
    %dma_start3A_622 = tpu.memref_slice %arg8[%dma_start3A_615, %dma_start3A_621] : memref<10x64xi32, #tpu.memory_space<vmem>> -> memref<1x64xi32, #tpu.memory_space<vmem>>
    %dma_start3A_623 = tpu.memref_squeeze %dma_start3A_622 : memref<1x64xi32, #tpu.memory_space<vmem>> -> memref<64xi32, #tpu.memory_space<vmem>>
    %dma_start3A_624 = arith.constant 0 : i32
    %dma_start3A_625 = arith.constant 0 : i32
    %dma_start3A_626 = tpu.memref_slice %arg6[%dma_start3A_624, %dma_start3A_625] : memref<10000x128xf32, #tpu.memory_space<vmem_shared>> -> memref<10000x128xf32, #tpu.memory_space<vmem_shared>>
    %dma_start3A_627 = tpu.memref_slice %arg13[%dma_start3A_616] : memref<24x!tpu.dma_semaphore, #tpu.memory_space<semaphore_mem>> -> memref<1x!tpu.dma_semaphore, #tpu.memory_space<semaphore_mem>>
    %dma_start3A_628 = tpu.memref_squeeze %dma_start3A_627 : memref<1x!tpu.dma_semaphore, #tpu.memory_space<semaphore_mem>> -> memref<!tpu.dma_semaphore, #tpu.memory_space<semaphore_mem>>
    tpu.enqueue_indirect_dma source(%dma_start3A_620 : memref<64x128xf32, #tpu.memory_space<vmem>>) target(%dma_start3A_626 : memref<10000x128xf32, #tpu.memory_space<vmem_shared>>) offsets(%dma_start3A_623 : memref<64xi32, #tpu.memory_space<vmem>>) semaphore(%dma_start3A_628 : memref<!tpu.dma_semaphore, #tpu.memory_space<semaphore_mem>>) {add = true}
    %dma_wait3A_629 = arith.constant 0 : i32
    %dma_wait3A_630 = arith.constant 2 : i32
    %dma_wait3A_631 = arith.constant 2 : i32
    %dma_wait3A_632 = arith.constant 0 : i32
    %dma_wait3A_633 = arith.constant 0 : i32
    %dma_wait3A_634 = tpu.memref_slice %arg9[%dma_wait3A_630, %dma_wait3A_632, %dma_wait3A_633] : memref<5x64x128xf32, #tpu.memory_space<vmem>> -> memref<1x64x128xf32, #tpu.memory_space<vmem>>
    %dma_wait3A_635 = tpu.memref_squeeze %dma_wait3A_634 : memref<1x64x128xf32, #tpu.memory_space<vmem>> -> memref<64x128xf32, #tpu.memory_space<vmem>>
    %dma_wait3A_636 = arith.constant 0 : i32
    %dma_wait3A_637 = tpu.memref_slice %arg7[%dma_wait3A_629, %dma_wait3A_636] : memref<10x64xi32, #tpu.memory_space<vmem>> -> memref<1x64xi32, #tpu.memory_space<vmem>>
    %dma_wait3A_638 = tpu.memref_squeeze %dma_wait3A_637 : memref<1x64xi32, #tpu.memory_space<vmem>> -> memref<64xi32, #tpu.memory_space<vmem>>
    %dma_wait3A_639 = arith.constant 0 : i32
    %dma_wait3A_640 = arith.constant 0 : i32
    %dma_wait3A_641 = tpu.memref_slice %arg3[%dma_wait3A_639, %dma_wait3A_640] : memref<10000x128xf32, #tpu.memory_space<hbm>> -> memref<10000x128xf32, #tpu.memory_space<hbm>>
    %dma_wait3A_642 = tpu.memref_slice %arg13[%dma_wait3A_631] : memref<24x!tpu.dma_semaphore, #tpu.memory_space<semaphore_mem>> -> memref<1x!tpu.dma_semaphore, #tpu.memory_space<semaphore_mem>>
    %dma_wait3A_643 = tpu.memref_squeeze %dma_wait3A_642 : memref<1x!tpu.dma_semaphore, #tpu.memory_space<semaphore_mem>> -> memref<!tpu.dma_semaphore, #tpu.memory_space<semaphore_mem>>
    tpu.wait_indirect_dma semaphore(%dma_wait3A_643 : memref<!tpu.dma_semaphore, #tpu.memory_space<semaphore_mem>>) src(%dma_wait3A_641 : memref<10000x128xf32, #tpu.memory_space<hbm>>) dst(%dma_wait3A_635 : memref<64x128xf32, #tpu.memory_space<vmem>>)
    %dma_start3A_644 = arith.constant 2 : i32
    %dma_start3A_645 = arith.constant 2 : i32
    %dma_start3A_646 = arith.constant 7 : i32
    %dma_start3A_647 = arith.constant 0 : i32
    %dma_start3A_648 = arith.constant 0 : i32
    %dma_start3A_649 = tpu.memref_slice %arg9[%dma_start3A_644, %dma_start3A_647, %dma_start3A_648] : memref<5x64x128xf32, #tpu.memory_space<vmem>> -> memref<1x64x128xf32, #tpu.memory_space<vmem>>
    %dma_start3A_650 = tpu.memref_squeeze %dma_start3A_649 : memref<1x64x128xf32, #tpu.memory_space<vmem>> -> memref<64x128xf32, #tpu.memory_space<vmem>>
    %dma_start3A_651 = arith.constant 0 : i32
    %dma_start3A_652 = tpu.memref_slice %arg8[%dma_start3A_645, %dma_start3A_651] : memref<10x64xi32, #tpu.memory_space<vmem>> -> memref<1x64xi32, #tpu.memory_space<vmem>>
    %dma_start3A_653 = tpu.memref_squeeze %dma_start3A_652 : memref<1x64xi32, #tpu.memory_space<vmem>> -> memref<64xi32, #tpu.memory_space<vmem>>
    %dma_start3A_654 = arith.constant 0 : i32
    %dma_start3A_655 = arith.constant 0 : i32
    %dma_start3A_656 = tpu.memref_slice %arg6[%dma_start3A_654, %dma_start3A_655] : memref<10000x128xf32, #tpu.memory_space<vmem_shared>> -> memref<10000x128xf32, #tpu.memory_space<vmem_shared>>
    %dma_start3A_657 = tpu.memref_slice %arg13[%dma_start3A_646] : memref<24x!tpu.dma_semaphore, #tpu.memory_space<semaphore_mem>> -> memref<1x!tpu.dma_semaphore, #tpu.memory_space<semaphore_mem>>
    %dma_start3A_658 = tpu.memref_squeeze %dma_start3A_657 : memref<1x!tpu.dma_semaphore, #tpu.memory_space<semaphore_mem>> -> memref<!tpu.dma_semaphore, #tpu.memory_space<semaphore_mem>>
    tpu.enqueue_indirect_dma source(%dma_start3A_650 : memref<64x128xf32, #tpu.memory_space<vmem>>) target(%dma_start3A_656 : memref<10000x128xf32, #tpu.memory_space<vmem_shared>>) offsets(%dma_start3A_653 : memref<64xi32, #tpu.memory_space<vmem>>) semaphore(%dma_start3A_658 : memref<!tpu.dma_semaphore, #tpu.memory_space<semaphore_mem>>) {add = true}
    %dma_wait3A_659 = arith.constant 0 : i32
    %dma_wait3A_660 = arith.constant 3 : i32
    %dma_wait3A_661 = arith.constant 3 : i32
    %dma_wait3A_662 = arith.constant 0 : i32
    %dma_wait3A_663 = arith.constant 0 : i32
    %dma_wait3A_664 = tpu.memref_slice %arg9[%dma_wait3A_660, %dma_wait3A_662, %dma_wait3A_663] : memref<5x64x128xf32, #tpu.memory_space<vmem>> -> memref<1x64x128xf32, #tpu.memory_space<vmem>>
    %dma_wait3A_665 = tpu.memref_squeeze %dma_wait3A_664 : memref<1x64x128xf32, #tpu.memory_space<vmem>> -> memref<64x128xf32, #tpu.memory_space<vmem>>
    %dma_wait3A_666 = arith.constant 0 : i32
    %dma_wait3A_667 = tpu.memref_slice %arg7[%dma_wait3A_659, %dma_wait3A_666] : memref<10x64xi32, #tpu.memory_space<vmem>> -> memref<1x64xi32, #tpu.memory_space<vmem>>
    %dma_wait3A_668 = tpu.memref_squeeze %dma_wait3A_667 : memref<1x64xi32, #tpu.memory_space<vmem>> -> memref<64xi32, #tpu.memory_space<vmem>>
    %dma_wait3A_669 = arith.constant 0 : i32
    %dma_wait3A_670 = arith.constant 0 : i32
    %dma_wait3A_671 = tpu.memref_slice %arg3[%dma_wait3A_669, %dma_wait3A_670] : memref<10000x128xf32, #tpu.memory_space<hbm>> -> memref<10000x128xf32, #tpu.memory_space<hbm>>
    %dma_wait3A_672 = tpu.memref_slice %arg13[%dma_wait3A_661] : memref<24x!tpu.dma_semaphore, #tpu.memory_space<semaphore_mem>> -> memref<1x!tpu.dma_semaphore, #tpu.memory_space<semaphore_mem>>
    %dma_wait3A_673 = tpu.memref_squeeze %dma_wait3A_672 : memref<1x!tpu.dma_semaphore, #tpu.memory_space<semaphore_mem>> -> memref<!tpu.dma_semaphore, #tpu.memory_space<semaphore_mem>>
    tpu.wait_indirect_dma semaphore(%dma_wait3A_673 : memref<!tpu.dma_semaphore, #tpu.memory_space<semaphore_mem>>) src(%dma_wait3A_671 : memref<10000x128xf32, #tpu.memory_space<hbm>>) dst(%dma_wait3A_665 : memref<64x128xf32, #tpu.memory_space<vmem>>)
    %dma_start3A_674 = arith.constant 3 : i32
    %dma_start3A_675 = arith.constant 3 : i32
    %dma_start3A_676 = arith.constant 8 : i32
    %dma_start3A_677 = arith.constant 0 : i32
    %dma_start3A_678 = arith.constant 0 : i32
    %dma_start3A_679 = tpu.memref_slice %arg9[%dma_start3A_674, %dma_start3A_677, %dma_start3A_678] : memref<5x64x128xf32, #tpu.memory_space<vmem>> -> memref<1x64x128xf32, #tpu.memory_space<vmem>>
    %dma_start3A_680 = tpu.memref_squeeze %dma_start3A_679 : memref<1x64x128xf32, #tpu.memory_space<vmem>> -> memref<64x128xf32, #tpu.memory_space<vmem>>
    %dma_start3A_681 = arith.constant 0 : i32
    %dma_start3A_682 = tpu.memref_slice %arg8[%dma_start3A_675, %dma_start3A_681] : memref<10x64xi32, #tpu.memory_space<vmem>> -> memref<1x64xi32, #tpu.memory_space<vmem>>
    %dma_start3A_683 = tpu.memref_squeeze %dma_start3A_682 : memref<1x64xi32, #tpu.memory_space<vmem>> -> memref<64xi32, #tpu.memory_space<vmem>>
    %dma_start3A_684 = arith.constant 0 : i32
    %dma_start3A_685 = arith.constant 0 : i32
    %dma_start3A_686 = tpu.memref_slice %arg6[%dma_start3A_684, %dma_start3A_685] : memref<10000x128xf32, #tpu.memory_space<vmem_shared>> -> memref<10000x128xf32, #tpu.memory_space<vmem_shared>>
    %dma_start3A_687 = tpu.memref_slice %arg13[%dma_start3A_676] : memref<24x!tpu.dma_semaphore, #tpu.memory_space<semaphore_mem>> -> memref<1x!tpu.dma_semaphore, #tpu.memory_space<semaphore_mem>>
    %dma_start3A_688 = tpu.memref_squeeze %dma_start3A_687 : memref<1x!tpu.dma_semaphore, #tpu.memory_space<semaphore_mem>> -> memref<!tpu.dma_semaphore, #tpu.memory_space<semaphore_mem>>
    tpu.enqueue_indirect_dma source(%dma_start3A_680 : memref<64x128xf32, #tpu.memory_space<vmem>>) target(%dma_start3A_686 : memref<10000x128xf32, #tpu.memory_space<vmem_shared>>) offsets(%dma_start3A_683 : memref<64xi32, #tpu.memory_space<vmem>>) semaphore(%dma_start3A_688 : memref<!tpu.dma_semaphore, #tpu.memory_space<semaphore_mem>>) {add = true}
    %dma_wait3A_689 = arith.constant 0 : i32
    %dma_wait3A_690 = arith.constant 4 : i32
    %dma_wait3A_691 = arith.constant 4 : i32
    %dma_wait3A_692 = arith.constant 0 : i32
    %dma_wait3A_693 = arith.constant 0 : i32
    %dma_wait3A_694 = tpu.memref_slice %arg9[%dma_wait3A_690, %dma_wait3A_692, %dma_wait3A_693] : memref<5x64x128xf32, #tpu.memory_space<vmem>> -> memref<1x64x128xf32, #tpu.memory_space<vmem>>
    %dma_wait3A_695 = tpu.memref_squeeze %dma_wait3A_694 : memref<1x64x128xf32, #tpu.memory_space<vmem>> -> memref<64x128xf32, #tpu.memory_space<vmem>>
    %dma_wait3A_696 = arith.constant 0 : i32
    %dma_wait3A_697 = tpu.memref_slice %arg7[%dma_wait3A_689, %dma_wait3A_696] : memref<10x64xi32, #tpu.memory_space<vmem>> -> memref<1x64xi32, #tpu.memory_space<vmem>>
    %dma_wait3A_698 = tpu.memref_squeeze %dma_wait3A_697 : memref<1x64xi32, #tpu.memory_space<vmem>> -> memref<64xi32, #tpu.memory_space<vmem>>
    %dma_wait3A_699 = arith.constant 0 : i32
    %dma_wait3A_700 = arith.constant 0 : i32
    %dma_wait3A_701 = tpu.memref_slice %arg3[%dma_wait3A_699, %dma_wait3A_700] : memref<10000x128xf32, #tpu.memory_space<hbm>> -> memref<10000x128xf32, #tpu.memory_space<hbm>>
    %dma_wait3A_702 = tpu.memref_slice %arg13[%dma_wait3A_691] : memref<24x!tpu.dma_semaphore, #tpu.memory_space<semaphore_mem>> -> memref<1x!tpu.dma_semaphore, #tpu.memory_space<semaphore_mem>>
    %dma_wait3A_703 = tpu.memref_squeeze %dma_wait3A_702 : memref<1x!tpu.dma_semaphore, #tpu.memory_space<semaphore_mem>> -> memref<!tpu.dma_semaphore, #tpu.memory_space<semaphore_mem>>
    tpu.wait_indirect_dma semaphore(%dma_wait3A_703 : memref<!tpu.dma_semaphore, #tpu.memory_space<semaphore_mem>>) src(%dma_wait3A_701 : memref<10000x128xf32, #tpu.memory_space<hbm>>) dst(%dma_wait3A_695 : memref<64x128xf32, #tpu.memory_space<vmem>>)
    %dma_start3A_704 = arith.constant 4 : i32
    %dma_start3A_705 = arith.constant 4 : i32
    %dma_start3A_706 = arith.constant 9 : i32
    %dma_start3A_707 = arith.constant 0 : i32
    %dma_start3A_708 = arith.constant 0 : i32
    %dma_start3A_709 = tpu.memref_slice %arg9[%dma_start3A_704, %dma_start3A_707, %dma_start3A_708] : memref<5x64x128xf32, #tpu.memory_space<vmem>> -> memref<1x64x128xf32, #tpu.memory_space<vmem>>
    %dma_start3A_710 = tpu.memref_squeeze %dma_start3A_709 : memref<1x64x128xf32, #tpu.memory_space<vmem>> -> memref<64x128xf32, #tpu.memory_space<vmem>>
    %dma_start3A_711 = arith.constant 0 : i32
    %dma_start3A_712 = tpu.memref_slice %arg8[%dma_start3A_705, %dma_start3A_711] : memref<10x64xi32, #tpu.memory_space<vmem>> -> memref<1x64xi32, #tpu.memory_space<vmem>>
    %dma_start3A_713 = tpu.memref_squeeze %dma_start3A_712 : memref<1x64xi32, #tpu.memory_space<vmem>> -> memref<64xi32, #tpu.memory_space<vmem>>
    %dma_start3A_714 = arith.constant 0 : i32
    %dma_start3A_715 = arith.constant 0 : i32
    %dma_start3A_716 = tpu.memref_slice %arg6[%dma_start3A_714, %dma_start3A_715] : memref<10000x128xf32, #tpu.memory_space<vmem_shared>> -> memref<10000x128xf32, #tpu.memory_space<vmem_shared>>
    %dma_start3A_717 = tpu.memref_slice %arg13[%dma_start3A_706] : memref<24x!tpu.dma_semaphore, #tpu.memory_space<semaphore_mem>> -> memref<1x!tpu.dma_semaphore, #tpu.memory_space<semaphore_mem>>
    %dma_start3A_718 = tpu.memref_squeeze %dma_start3A_717 : memref<1x!tpu.dma_semaphore, #tpu.memory_space<semaphore_mem>> -> memref<!tpu.dma_semaphore, #tpu.memory_space<semaphore_mem>>
    tpu.enqueue_indirect_dma source(%dma_start3A_710 : memref<64x128xf32, #tpu.memory_space<vmem>>) target(%dma_start3A_716 : memref<10000x128xf32, #tpu.memory_space<vmem_shared>>) offsets(%dma_start3A_713 : memref<64xi32, #tpu.memory_space<vmem>>) semaphore(%dma_start3A_718 : memref<!tpu.dma_semaphore, #tpu.memory_space<semaphore_mem>>) {add = true}
    %dma_wait3A_719 = arith.constant 0 : i32
    %dma_wait3A_720 = arith.constant 0 : i32
    %dma_wait3A_721 = arith.constant 5 : i32
    %dma_wait3A_722 = arith.constant 0 : i32
    %dma_wait3A_723 = arith.constant 0 : i32
    %dma_wait3A_724 = tpu.memref_slice %arg9[%dma_wait3A_719, %dma_wait3A_722, %dma_wait3A_723] : memref<5x64x128xf32, #tpu.memory_space<vmem>> -> memref<1x64x128xf32, #tpu.memory_space<vmem>>
    %dma_wait3A_725 = tpu.memref_squeeze %dma_wait3A_724 : memref<1x64x128xf32, #tpu.memory_space<vmem>> -> memref<64x128xf32, #tpu.memory_space<vmem>>
    %dma_wait3A_726 = arith.constant 0 : i32
    %dma_wait3A_727 = tpu.memref_slice %arg8[%dma_wait3A_720, %dma_wait3A_726] : memref<10x64xi32, #tpu.memory_space<vmem>> -> memref<1x64xi32, #tpu.memory_space<vmem>>
    %dma_wait3A_728 = tpu.memref_squeeze %dma_wait3A_727 : memref<1x64xi32, #tpu.memory_space<vmem>> -> memref<64xi32, #tpu.memory_space<vmem>>
    %dma_wait3A_729 = arith.constant 0 : i32
    %dma_wait3A_730 = arith.constant 0 : i32
    %dma_wait3A_731 = tpu.memref_slice %arg6[%dma_wait3A_729, %dma_wait3A_730] : memref<10000x128xf32, #tpu.memory_space<vmem_shared>> -> memref<10000x128xf32, #tpu.memory_space<vmem_shared>>
    %dma_wait3A_732 = tpu.memref_slice %arg13[%dma_wait3A_721] : memref<24x!tpu.dma_semaphore, #tpu.memory_space<semaphore_mem>> -> memref<1x!tpu.dma_semaphore, #tpu.memory_space<semaphore_mem>>
    %dma_wait3A_733 = tpu.memref_squeeze %dma_wait3A_732 : memref<1x!tpu.dma_semaphore, #tpu.memory_space<semaphore_mem>> -> memref<!tpu.dma_semaphore, #tpu.memory_space<semaphore_mem>>
    tpu.wait_indirect_dma semaphore(%dma_wait3A_733 : memref<!tpu.dma_semaphore, #tpu.memory_space<semaphore_mem>>) src(%dma_wait3A_725 : memref<64x128xf32, #tpu.memory_space<vmem>>) dst(%dma_wait3A_731 : memref<10000x128xf32, #tpu.memory_space<vmem_shared>>)
    %add3A_734 = arith.constant 9600 : i32
    %add3A_735 = arith.addi %mul3A_2, %add3A_734 : i32
    %multiple_of3A_736 = tpu.assume_multiple %add3A_735, 8 : i32
    %add3A_737 = arith.constant 320000 : i32
    %add3A_738 = arith.addi %add3A_737, %mul3A_2 : i32
    %add3A_739 = arith.constant 9600 : i32
    %add3A_740 = arith.addi %add3A_738, %add3A_739 : i32
    %multiple_of3A_741 = tpu.assume_multiple %add3A_740, 8 : i32
    %dma_start3A_742 = arith.constant 0 : i32
    %dma_start3A_743 = arith.constant 10 : i32
    %dma_start3A_744 = arith.constant 0 : i32
    %dma_start3A_745 = tpu.memref_slice %arg7[%dma_start3A_742, %dma_start3A_744] : memref<10x64xi32, #tpu.memory_space<vmem>> -> memref<1x64xi32, #tpu.memory_space<vmem>>
    %dma_start3A_746 = tpu.memref_squeeze %dma_start3A_745 : memref<1x64xi32, #tpu.memory_space<vmem>> -> memref<64xi32, #tpu.memory_space<vmem>>
    %dma_start3A_747 = tpu.memref_slice %arg2[%multiple_of3A_736] : memref<640000xi32, #tpu.memory_space<hbm>> -> memref<64xi32, #tpu.memory_space<hbm>>
    %dma_start3A_748 = tpu.memref_slice %arg13[%dma_start3A_743] : memref<24x!tpu.dma_semaphore, #tpu.memory_space<semaphore_mem>> -> memref<1x!tpu.dma_semaphore, #tpu.memory_space<semaphore_mem>>
    %dma_start3A_749 = tpu.memref_squeeze %dma_start3A_748 : memref<1x!tpu.dma_semaphore, #tpu.memory_space<semaphore_mem>> -> memref<!tpu.dma_semaphore, #tpu.memory_space<semaphore_mem>>
    %dma_start3A_750 = arith.constant 0 : i32
    %dma_start3A_751 = tpu.memref_slice %arg7[%dma_start3A_742, %dma_start3A_750] : memref<10x64xi32, #tpu.memory_space<vmem>> -> memref<1x64xi32, #tpu.memory_space<vmem>>
    %dma_start3A_752 = tpu.memref_squeeze %dma_start3A_751 : memref<1x64xi32, #tpu.memory_space<vmem>> -> memref<64xi32, #tpu.memory_space<vmem>>
    %dma_start3A_753 = tpu.memref_slice %arg2[%multiple_of3A_736] : memref<640000xi32, #tpu.memory_space<hbm>> -> memref<64xi32, #tpu.memory_space<hbm>>
    tpu.enqueue_dma source(%dma_start3A_753 : memref<64xi32, #tpu.memory_space<hbm>>) target(%dma_start3A_752 : memref<64xi32, #tpu.memory_space<vmem>>) target_semaphore(%dma_start3A_749 : memref<!tpu.dma_semaphore, #tpu.memory_space<semaphore_mem>>)
    %dma_start3A_754 = arith.constant 0 : i32
    %dma_start3A_755 = arith.constant 10 : i32
    %dma_start3A_756 = arith.constant 0 : i32
    %dma_start3A_757 = tpu.memref_slice %arg8[%dma_start3A_754, %dma_start3A_756] : memref<10x64xi32, #tpu.memory_space<vmem>> -> memref<1x64xi32, #tpu.memory_space<vmem>>
    %dma_start3A_758 = tpu.memref_squeeze %dma_start3A_757 : memref<1x64xi32, #tpu.memory_space<vmem>> -> memref<64xi32, #tpu.memory_space<vmem>>
    %dma_start3A_759 = tpu.memref_slice %arg2[%multiple_of3A_741] : memref<640000xi32, #tpu.memory_space<hbm>> -> memref<64xi32, #tpu.memory_space<hbm>>
    %dma_start3A_760 = tpu.memref_slice %arg13[%dma_start3A_755] : memref<24x!tpu.dma_semaphore, #tpu.memory_space<semaphore_mem>> -> memref<1x!tpu.dma_semaphore, #tpu.memory_space<semaphore_mem>>
    %dma_start3A_761 = tpu.memref_squeeze %dma_start3A_760 : memref<1x!tpu.dma_semaphore, #tpu.memory_space<semaphore_mem>> -> memref<!tpu.dma_semaphore, #tpu.memory_space<semaphore_mem>>
    %dma_start3A_762 = arith.constant 0 : i32
    %dma_start3A_763 = tpu.memref_slice %arg8[%dma_start3A_754, %dma_start3A_762] : memref<10x64xi32, #tpu.memory_space<vmem>> -> memref<1x64xi32, #tpu.memory_space<vmem>>
    %dma_start3A_764 = tpu.memref_squeeze %dma_start3A_763 : memref<1x64xi32, #tpu.memory_space<vmem>> -> memref<64xi32, #tpu.memory_space<vmem>>
    %dma_start3A_765 = tpu.memref_slice %arg2[%multiple_of3A_741] : memref<640000xi32, #tpu.memory_space<hbm>> -> memref<64xi32, #tpu.memory_space<hbm>>
    tpu.enqueue_dma source(%dma_start3A_765 : memref<64xi32, #tpu.memory_space<hbm>>) target(%dma_start3A_764 : memref<64xi32, #tpu.memory_space<vmem>>) target_semaphore(%dma_start3A_761 : memref<!tpu.dma_semaphore, #tpu.memory_space<semaphore_mem>>)
    %dma_wait3A_766 = arith.constant 5 : i32
    %dma_wait3A_767 = arith.constant 15 : i32
    %dma_wait3A_768 = arith.constant 0 : i32
    %dma_wait3A_769 = tpu.memref_slice %arg7[%dma_wait3A_766, %dma_wait3A_768] : memref<10x64xi32, #tpu.memory_space<vmem>> -> memref<1x64xi32, #tpu.memory_space<vmem>>
    %dma_wait3A_770 = tpu.memref_squeeze %dma_wait3A_769 : memref<1x64xi32, #tpu.memory_space<vmem>> -> memref<64xi32, #tpu.memory_space<vmem>>
    %dma_wait3A_771 = arith.constant 0 : i32
    %dma_wait3A_772 = tpu.memref_slice %arg2[%dma_wait3A_771] : memref<640000xi32, #tpu.memory_space<hbm>> -> memref<64xi32, #tpu.memory_space<hbm>>
    %dma_wait3A_773 = tpu.memref_slice %arg13[%dma_wait3A_767] : memref<24x!tpu.dma_semaphore, #tpu.memory_space<semaphore_mem>> -> memref<1x!tpu.dma_semaphore, #tpu.memory_space<semaphore_mem>>
    %dma_wait3A_774 = tpu.memref_squeeze %dma_wait3A_773 : memref<1x!tpu.dma_semaphore, #tpu.memory_space<semaphore_mem>> -> memref<!tpu.dma_semaphore, #tpu.memory_space<semaphore_mem>>
    %dma_wait3A_775 = arith.constant 0 : i32
    %dma_wait3A_776 = tpu.memref_slice %arg7[%dma_wait3A_766, %dma_wait3A_775] : memref<10x64xi32, #tpu.memory_space<vmem>> -> memref<1x64xi32, #tpu.memory_space<vmem>>
    %dma_wait3A_777 = tpu.memref_squeeze %dma_wait3A_776 : memref<1x64xi32, #tpu.memory_space<vmem>> -> memref<64xi32, #tpu.memory_space<vmem>>
    %dma_wait3A_778 = arith.constant 0 : i32
    %dma_wait3A_779 = tpu.memref_slice %arg2[%dma_wait3A_778] : memref<640000xi32, #tpu.memory_space<hbm>> -> memref<64xi32, #tpu.memory_space<hbm>>
    tpu.wait_dma2 semaphore(%dma_wait3A_774 : memref<!tpu.dma_semaphore, #tpu.memory_space<semaphore_mem>>) src(%dma_wait3A_779 : memref<64xi32, #tpu.memory_space<hbm>>) dst(%dma_wait3A_777 : memref<64xi32, #tpu.memory_space<vmem>>)
    %dma_wait3A_780 = arith.constant 5 : i32
    %dma_wait3A_781 = arith.constant 15 : i32
    %dma_wait3A_782 = arith.constant 0 : i32
    %dma_wait3A_783 = tpu.memref_slice %arg8[%dma_wait3A_780, %dma_wait3A_782] : memref<10x64xi32, #tpu.memory_space<vmem>> -> memref<1x64xi32, #tpu.memory_space<vmem>>
    %dma_wait3A_784 = tpu.memref_squeeze %dma_wait3A_783 : memref<1x64xi32, #tpu.memory_space<vmem>> -> memref<64xi32, #tpu.memory_space<vmem>>
    %dma_wait3A_785 = arith.constant 0 : i32
    %dma_wait3A_786 = tpu.memref_slice %arg2[%dma_wait3A_785] : memref<640000xi32, #tpu.memory_space<hbm>> -> memref<64xi32, #tpu.memory_space<hbm>>
    %dma_wait3A_787 = tpu.memref_slice %arg13[%dma_wait3A_781] : memref<24x!tpu.dma_semaphore, #tpu.memory_space<semaphore_mem>> -> memref<1x!tpu.dma_semaphore, #tpu.memory_space<semaphore_mem>>
    %dma_wait3A_788 = tpu.memref_squeeze %dma_wait3A_787 : memref<1x!tpu.dma_semaphore, #tpu.memory_space<semaphore_mem>> -> memref<!tpu.dma_semaphore, #tpu.memory_space<semaphore_mem>>
    %dma_wait3A_789 = arith.constant 0 : i32
    %dma_wait3A_790 = tpu.memref_slice %arg8[%dma_wait3A_780, %dma_wait3A_789] : memref<10x64xi32, #tpu.memory_space<vmem>> -> memref<1x64xi32, #tpu.memory_space<vmem>>
    %dma_wait3A_791 = tpu.memref_squeeze %dma_wait3A_790 : memref<1x64xi32, #tpu.memory_space<vmem>> -> memref<64xi32, #tpu.memory_space<vmem>>
    %dma_wait3A_792 = arith.constant 0 : i32
    %dma_wait3A_793 = tpu.memref_slice %arg2[%dma_wait3A_792] : memref<640000xi32, #tpu.memory_space<hbm>> -> memref<64xi32, #tpu.memory_space<hbm>>
    tpu.wait_dma2 semaphore(%dma_wait3A_788 : memref<!tpu.dma_semaphore, #tpu.memory_space<semaphore_mem>>) src(%dma_wait3A_793 : memref<64xi32, #tpu.memory_space<hbm>>) dst(%dma_wait3A_791 : memref<64xi32, #tpu.memory_space<vmem>>)
    %dma_start3A_794 = arith.constant 5 : i32
    %dma_start3A_795 = arith.constant 0 : i32
    %dma_start3A_796 = arith.constant 0 : i32
    %dma_start3A_797 = arith.constant 0 : i32
    %dma_start3A_798 = arith.constant 0 : i32
    %dma_start3A_799 = tpu.memref_slice %arg9[%dma_start3A_795, %dma_start3A_797, %dma_start3A_798] : memref<5x64x128xf32, #tpu.memory_space<vmem>> -> memref<1x64x128xf32, #tpu.memory_space<vmem>>
    %dma_start3A_800 = tpu.memref_squeeze %dma_start3A_799 : memref<1x64x128xf32, #tpu.memory_space<vmem>> -> memref<64x128xf32, #tpu.memory_space<vmem>>
    %dma_start3A_801 = arith.constant 0 : i32
    %dma_start3A_802 = tpu.memref_slice %arg7[%dma_start3A_794, %dma_start3A_801] : memref<10x64xi32, #tpu.memory_space<vmem>> -> memref<1x64xi32, #tpu.memory_space<vmem>>
    %dma_start3A_803 = tpu.memref_squeeze %dma_start3A_802 : memref<1x64xi32, #tpu.memory_space<vmem>> -> memref<64xi32, #tpu.memory_space<vmem>>
    %dma_start3A_804 = arith.constant 0 : i32
    %dma_start3A_805 = arith.constant 0 : i32
    %dma_start3A_806 = tpu.memref_slice %arg3[%dma_start3A_804, %dma_start3A_805] : memref<10000x128xf32, #tpu.memory_space<hbm>> -> memref<10000x128xf32, #tpu.memory_space<hbm>>
    %dma_start3A_807 = tpu.memref_slice %arg13[%dma_start3A_796] : memref<24x!tpu.dma_semaphore, #tpu.memory_space<semaphore_mem>> -> memref<1x!tpu.dma_semaphore, #tpu.memory_space<semaphore_mem>>
    %dma_start3A_808 = tpu.memref_squeeze %dma_start3A_807 : memref<1x!tpu.dma_semaphore, #tpu.memory_space<semaphore_mem>> -> memref<!tpu.dma_semaphore, #tpu.memory_space<semaphore_mem>>
    tpu.enqueue_indirect_dma source(%dma_start3A_806 : memref<10000x128xf32, #tpu.memory_space<hbm>>) target(%dma_start3A_800 : memref<64x128xf32, #tpu.memory_space<vmem>>) offsets(%dma_start3A_803 : memref<64xi32, #tpu.memory_space<vmem>>) semaphore(%dma_start3A_808 : memref<!tpu.dma_semaphore, #tpu.memory_space<semaphore_mem>>)
    %dma_wait3A_809 = arith.constant 1 : i32
    %dma_wait3A_810 = arith.constant 0 : i32
    %dma_wait3A_811 = arith.constant 6 : i32
    %dma_wait3A_812 = arith.constant 0 : i32
    %dma_wait3A_813 = arith.constant 0 : i32
    %dma_wait3A_814 = tpu.memref_slice %arg9[%dma_wait3A_809, %dma_wait3A_812, %dma_wait3A_813] : memref<5x64x128xf32, #tpu.memory_space<vmem>> -> memref<1x64x128xf32, #tpu.memory_space<vmem>>
    %dma_wait3A_815 = tpu.memref_squeeze %dma_wait3A_814 : memref<1x64x128xf32, #tpu.memory_space<vmem>> -> memref<64x128xf32, #tpu.memory_space<vmem>>
    %dma_wait3A_816 = arith.constant 0 : i32
    %dma_wait3A_817 = tpu.memref_slice %arg8[%dma_wait3A_810, %dma_wait3A_816] : memref<10x64xi32, #tpu.memory_space<vmem>> -> memref<1x64xi32, #tpu.memory_space<vmem>>
    %dma_wait3A_818 = tpu.memref_squeeze %dma_wait3A_817 : memref<1x64xi32, #tpu.memory_space<vmem>> -> memref<64xi32, #tpu.memory_space<vmem>>
    %dma_wait3A_819 = arith.constant 0 : i32
    %dma_wait3A_820 = arith.constant 0 : i32
    %dma_wait3A_821 = tpu.memref_slice %arg6[%dma_wait3A_819, %dma_wait3A_820] : memref<10000x128xf32, #tpu.memory_space<vmem_shared>> -> memref<10000x128xf32, #tpu.memory_space<vmem_shared>>
    %dma_wait3A_822 = tpu.memref_slice %arg13[%dma_wait3A_811] : memref<24x!tpu.dma_semaphore, #tpu.memory_space<semaphore_mem>> -> memref<1x!tpu.dma_semaphore, #tpu.memory_space<semaphore_mem>>
    %dma_wait3A_823 = tpu.memref_squeeze %dma_wait3A_822 : memref<1x!tpu.dma_semaphore, #tpu.memory_space<semaphore_mem>> -> memref<!tpu.dma_semaphore, #tpu.memory_space<semaphore_mem>>
    tpu.wait_indirect_dma semaphore(%dma_wait3A_823 : memref<!tpu.dma_semaphore, #tpu.memory_space<semaphore_mem>>) src(%dma_wait3A_815 : memref<64x128xf32, #tpu.memory_space<vmem>>) dst(%dma_wait3A_821 : memref<10000x128xf32, #tpu.memory_space<vmem_shared>>)
    %add3A_824 = arith.constant 9664 : i32
    %add3A_825 = arith.addi %mul3A_2, %add3A_824 : i32
    %multiple_of3A_826 = tpu.assume_multiple %add3A_825, 8 : i32
    %add3A_827 = arith.constant 320000 : i32
    %add3A_828 = arith.addi %add3A_827, %mul3A_2 : i32
    %add3A_829 = arith.constant 9664 : i32
    %add3A_830 = arith.addi %add3A_828, %add3A_829 : i32
    %multiple_of3A_831 = tpu.assume_multiple %add3A_830, 8 : i32
    %dma_start3A_832 = arith.constant 1 : i32
    %dma_start3A_833 = arith.constant 11 : i32
    %dma_start3A_834 = arith.constant 0 : i32
    %dma_start3A_835 = tpu.memref_slice %arg7[%dma_start3A_832, %dma_start3A_834] : memref<10x64xi32, #tpu.memory_space<vmem>> -> memref<1x64xi32, #tpu.memory_space<vmem>>
    %dma_start3A_836 = tpu.memref_squeeze %dma_start3A_835 : memref<1x64xi32, #tpu.memory_space<vmem>> -> memref<64xi32, #tpu.memory_space<vmem>>
    %dma_start3A_837 = tpu.memref_slice %arg2[%multiple_of3A_826] : memref<640000xi32, #tpu.memory_space<hbm>> -> memref<64xi32, #tpu.memory_space<hbm>>
    %dma_start3A_838 = tpu.memref_slice %arg13[%dma_start3A_833] : memref<24x!tpu.dma_semaphore, #tpu.memory_space<semaphore_mem>> -> memref<1x!tpu.dma_semaphore, #tpu.memory_space<semaphore_mem>>
    %dma_start3A_839 = tpu.memref_squeeze %dma_start3A_838 : memref<1x!tpu.dma_semaphore, #tpu.memory_space<semaphore_mem>> -> memref<!tpu.dma_semaphore, #tpu.memory_space<semaphore_mem>>
    %dma_start3A_840 = arith.constant 0 : i32
    %dma_start3A_841 = tpu.memref_slice %arg7[%dma_start3A_832, %dma_start3A_840] : memref<10x64xi32, #tpu.memory_space<vmem>> -> memref<1x64xi32, #tpu.memory_space<vmem>>
    %dma_start3A_842 = tpu.memref_squeeze %dma_start3A_841 : memref<1x64xi32, #tpu.memory_space<vmem>> -> memref<64xi32, #tpu.memory_space<vmem>>
    %dma_start3A_843 = tpu.memref_slice %arg2[%multiple_of3A_826] : memref<640000xi32, #tpu.memory_space<hbm>> -> memref<64xi32, #tpu.memory_space<hbm>>
    tpu.enqueue_dma source(%dma_start3A_843 : memref<64xi32, #tpu.memory_space<hbm>>) target(%dma_start3A_842 : memref<64xi32, #tpu.memory_space<vmem>>) target_semaphore(%dma_start3A_839 : memref<!tpu.dma_semaphore, #tpu.memory_space<semaphore_mem>>)
    %dma_start3A_844 = arith.constant 1 : i32
    %dma_start3A_845 = arith.constant 11 : i32
    %dma_start3A_846 = arith.constant 0 : i32
    %dma_start3A_847 = tpu.memref_slice %arg8[%dma_start3A_844, %dma_start3A_846] : memref<10x64xi32, #tpu.memory_space<vmem>> -> memref<1x64xi32, #tpu.memory_space<vmem>>
    %dma_start3A_848 = tpu.memref_squeeze %dma_start3A_847 : memref<1x64xi32, #tpu.memory_space<vmem>> -> memref<64xi32, #tpu.memory_space<vmem>>
    %dma_start3A_849 = tpu.memref_slice %arg2[%multiple_of3A_831] : memref<640000xi32, #tpu.memory_space<hbm>> -> memref<64xi32, #tpu.memory_space<hbm>>
    %dma_start3A_850 = tpu.memref_slice %arg13[%dma_start3A_845] : memref<24x!tpu.dma_semaphore, #tpu.memory_space<semaphore_mem>> -> memref<1x!tpu.dma_semaphore, #tpu.memory_space<semaphore_mem>>
    %dma_start3A_851 = tpu.memref_squeeze %dma_start3A_850 : memref<1x!tpu.dma_semaphore, #tpu.memory_space<semaphore_mem>> -> memref<!tpu.dma_semaphore, #tpu.memory_space<semaphore_mem>>
    %dma_start3A_852 = arith.constant 0 : i32
    %dma_start3A_853 = tpu.memref_slice %arg8[%dma_start3A_844, %dma_start3A_852] : memref<10x64xi32, #tpu.memory_space<vmem>> -> memref<1x64xi32, #tpu.memory_space<vmem>>
    %dma_start3A_854 = tpu.memref_squeeze %dma_start3A_853 : memref<1x64xi32, #tpu.memory_space<vmem>> -> memref<64xi32, #tpu.memory_space<vmem>>
    %dma_start3A_855 = tpu.memref_slice %arg2[%multiple_of3A_831] : memref<640000xi32, #tpu.memory_space<hbm>> -> memref<64xi32, #tpu.memory_space<hbm>>
    tpu.enqueue_dma source(%dma_start3A_855 : memref<64xi32, #tpu.memory_space<hbm>>) target(%dma_start3A_854 : memref<64xi32, #tpu.memory_space<vmem>>) target_semaphore(%dma_start3A_851 : memref<!tpu.dma_semaphore, #tpu.memory_space<semaphore_mem>>)
    %dma_wait3A_856 = arith.constant 6 : i32
    %dma_wait3A_857 = arith.constant 16 : i32
    %dma_wait3A_858 = arith.constant 0 : i32
    %dma_wait3A_859 = tpu.memref_slice %arg7[%dma_wait3A_856, %dma_wait3A_858] : memref<10x64xi32, #tpu.memory_space<vmem>> -> memref<1x64xi32, #tpu.memory_space<vmem>>
    %dma_wait3A_860 = tpu.memref_squeeze %dma_wait3A_859 : memref<1x64xi32, #tpu.memory_space<vmem>> -> memref<64xi32, #tpu.memory_space<vmem>>
    %dma_wait3A_861 = arith.constant 0 : i32
    %dma_wait3A_862 = tpu.memref_slice %arg2[%dma_wait3A_861] : memref<640000xi32, #tpu.memory_space<hbm>> -> memref<64xi32, #tpu.memory_space<hbm>>
    %dma_wait3A_863 = tpu.memref_slice %arg13[%dma_wait3A_857] : memref<24x!tpu.dma_semaphore, #tpu.memory_space<semaphore_mem>> -> memref<1x!tpu.dma_semaphore, #tpu.memory_space<semaphore_mem>>
    %dma_wait3A_864 = tpu.memref_squeeze %dma_wait3A_863 : memref<1x!tpu.dma_semaphore, #tpu.memory_space<semaphore_mem>> -> memref<!tpu.dma_semaphore, #tpu.memory_space<semaphore_mem>>
    %dma_wait3A_865 = arith.constant 0 : i32
    %dma_wait3A_866 = tpu.memref_slice %arg7[%dma_wait3A_856, %dma_wait3A_865] : memref<10x64xi32, #tpu.memory_space<vmem>> -> memref<1x64xi32, #tpu.memory_space<vmem>>
    %dma_wait3A_867 = tpu.memref_squeeze %dma_wait3A_866 : memref<1x64xi32, #tpu.memory_space<vmem>> -> memref<64xi32, #tpu.memory_space<vmem>>
    %dma_wait3A_868 = arith.constant 0 : i32
    %dma_wait3A_869 = tpu.memref_slice %arg2[%dma_wait3A_868] : memref<640000xi32, #tpu.memory_space<hbm>> -> memref<64xi32, #tpu.memory_space<hbm>>
    tpu.wait_dma2 semaphore(%dma_wait3A_864 : memref<!tpu.dma_semaphore, #tpu.memory_space<semaphore_mem>>) src(%dma_wait3A_869 : memref<64xi32, #tpu.memory_space<hbm>>) dst(%dma_wait3A_867 : memref<64xi32, #tpu.memory_space<vmem>>)
    %dma_wait3A_870 = arith.constant 6 : i32
    %dma_wait3A_871 = arith.constant 16 : i32
    %dma_wait3A_872 = arith.constant 0 : i32
    %dma_wait3A_873 = tpu.memref_slice %arg8[%dma_wait3A_870, %dma_wait3A_872] : memref<10x64xi32, #tpu.memory_space<vmem>> -> memref<1x64xi32, #tpu.memory_space<vmem>>
    %dma_wait3A_874 = tpu.memref_squeeze %dma_wait3A_873 : memref<1x64xi32, #tpu.memory_space<vmem>> -> memref<64xi32, #tpu.memory_space<vmem>>
    %dma_wait3A_875 = arith.constant 0 : i32
    %dma_wait3A_876 = tpu.memref_slice %arg2[%dma_wait3A_875] : memref<640000xi32, #tpu.memory_space<hbm>> -> memref<64xi32, #tpu.memory_space<hbm>>
    %dma_wait3A_877 = tpu.memref_slice %arg13[%dma_wait3A_871] : memref<24x!tpu.dma_semaphore, #tpu.memory_space<semaphore_mem>> -> memref<1x!tpu.dma_semaphore, #tpu.memory_space<semaphore_mem>>
    %dma_wait3A_878 = tpu.memref_squeeze %dma_wait3A_877 : memref<1x!tpu.dma_semaphore, #tpu.memory_space<semaphore_mem>> -> memref<!tpu.dma_semaphore, #tpu.memory_space<semaphore_mem>>
    %dma_wait3A_879 = arith.constant 0 : i32
    %dma_wait3A_880 = tpu.memref_slice %arg8[%dma_wait3A_870, %dma_wait3A_879] : memref<10x64xi32, #tpu.memory_space<vmem>> -> memref<1x64xi32, #tpu.memory_space<vmem>>
    %dma_wait3A_881 = tpu.memref_squeeze %dma_wait3A_880 : memref<1x64xi32, #tpu.memory_space<vmem>> -> memref<64xi32, #tpu.memory_space<vmem>>
    %dma_wait3A_882 = arith.constant 0 : i32
    %dma_wait3A_883 = tpu.memref_slice %arg2[%dma_wait3A_882] : memref<640000xi32, #tpu.memory_space<hbm>> -> memref<64xi32, #tpu.memory_space<hbm>>
    tpu.wait_dma2 semaphore(%dma_wait3A_878 : memref<!tpu.dma_semaphore, #tpu.memory_space<semaphore_mem>>) src(%dma_wait3A_883 : memref<64xi32, #tpu.memory_space<hbm>>) dst(%dma_wait3A_881 : memref<64xi32, #tpu.memory_space<vmem>>)
    %dma_start3A_884 = arith.constant 6 : i32
    %dma_start3A_885 = arith.constant 1 : i32
    %dma_start3A_886 = arith.constant 1 : i32
    %dma_start3A_887 = arith.constant 0 : i32
    %dma_start3A_888 = arith.constant 0 : i32
    %dma_start3A_889 = tpu.memref_slice %arg9[%dma_start3A_885, %dma_start3A_887, %dma_start3A_888] : memref<5x64x128xf32, #tpu.memory_space<vmem>> -> memref<1x64x128xf32, #tpu.memory_space<vmem>>
    %dma_start3A_890 = tpu.memref_squeeze %dma_start3A_889 : memref<1x64x128xf32, #tpu.memory_space<vmem>> -> memref<64x128xf32, #tpu.memory_space<vmem>>
    %dma_start3A_891 = arith.constant 0 : i32
    %dma_start3A_892 = tpu.memref_slice %arg7[%dma_start3A_884, %dma_start3A_891] : memref<10x64xi32, #tpu.memory_space<vmem>> -> memref<1x64xi32, #tpu.memory_space<vmem>>
    %dma_start3A_893 = tpu.memref_squeeze %dma_start3A_892 : memref<1x64xi32, #tpu.memory_space<vmem>> -> memref<64xi32, #tpu.memory_space<vmem>>
    %dma_start3A_894 = arith.constant 0 : i32
    %dma_start3A_895 = arith.constant 0 : i32
    %dma_start3A_896 = tpu.memref_slice %arg3[%dma_start3A_894, %dma_start3A_895] : memref<10000x128xf32, #tpu.memory_space<hbm>> -> memref<10000x128xf32, #tpu.memory_space<hbm>>
    %dma_start3A_897 = tpu.memref_slice %arg13[%dma_start3A_886] : memref<24x!tpu.dma_semaphore, #tpu.memory_space<semaphore_mem>> -> memref<1x!tpu.dma_semaphore, #tpu.memory_space<semaphore_mem>>
    %dma_start3A_898 = tpu.memref_squeeze %dma_start3A_897 : memref<1x!tpu.dma_semaphore, #tpu.memory_space<semaphore_mem>> -> memref<!tpu.dma_semaphore, #tpu.memory_space<semaphore_mem>>
    tpu.enqueue_indirect_dma source(%dma_start3A_896 : memref<10000x128xf32, #tpu.memory_space<hbm>>) target(%dma_start3A_890 : memref<64x128xf32, #tpu.memory_space<vmem>>) offsets(%dma_start3A_893 : memref<64xi32, #tpu.memory_space<vmem>>) semaphore(%dma_start3A_898 : memref<!tpu.dma_semaphore, #tpu.memory_space<semaphore_mem>>)
    %dma_wait3A_899 = arith.constant 2 : i32
    %dma_wait3A_900 = arith.constant 0 : i32
    %dma_wait3A_901 = arith.constant 7 : i32
    %dma_wait3A_902 = arith.constant 0 : i32
    %dma_wait3A_903 = arith.constant 0 : i32
    %dma_wait3A_904 = tpu.memref_slice %arg9[%dma_wait3A_899, %dma_wait3A_902, %dma_wait3A_903] : memref<5x64x128xf32, #tpu.memory_space<vmem>> -> memref<1x64x128xf32, #tpu.memory_space<vmem>>
    %dma_wait3A_905 = tpu.memref_squeeze %dma_wait3A_904 : memref<1x64x128xf32, #tpu.memory_space<vmem>> -> memref<64x128xf32, #tpu.memory_space<vmem>>
    %dma_wait3A_906 = arith.constant 0 : i32
    %dma_wait3A_907 = tpu.memref_slice %arg8[%dma_wait3A_900, %dma_wait3A_906] : memref<10x64xi32, #tpu.memory_space<vmem>> -> memref<1x64xi32, #tpu.memory_space<vmem>>
    %dma_wait3A_908 = tpu.memref_squeeze %dma_wait3A_907 : memref<1x64xi32, #tpu.memory_space<vmem>> -> memref<64xi32, #tpu.memory_space<vmem>>
    %dma_wait3A_909 = arith.constant 0 : i32
    %dma_wait3A_910 = arith.constant 0 : i32
    %dma_wait3A_911 = tpu.memref_slice %arg6[%dma_wait3A_909, %dma_wait3A_910] : memref<10000x128xf32, #tpu.memory_space<vmem_shared>> -> memref<10000x128xf32, #tpu.memory_space<vmem_shared>>
    %dma_wait3A_912 = tpu.memref_slice %arg13[%dma_wait3A_901] : memref<24x!tpu.dma_semaphore, #tpu.memory_space<semaphore_mem>> -> memref<1x!tpu.dma_semaphore, #tpu.memory_space<semaphore_mem>>
    %dma_wait3A_913 = tpu.memref_squeeze %dma_wait3A_912 : memref<1x!tpu.dma_semaphore, #tpu.memory_space<semaphore_mem>> -> memref<!tpu.dma_semaphore, #tpu.memory_space<semaphore_mem>>
    tpu.wait_indirect_dma semaphore(%dma_wait3A_913 : memref<!tpu.dma_semaphore, #tpu.memory_space<semaphore_mem>>) src(%dma_wait3A_905 : memref<64x128xf32, #tpu.memory_space<vmem>>) dst(%dma_wait3A_911 : memref<10000x128xf32, #tpu.memory_space<vmem_shared>>)
    %add3A_914 = arith.constant 9728 : i32
    %add3A_915 = arith.addi %mul3A_2, %add3A_914 : i32
    %multiple_of3A_916 = tpu.assume_multiple %add3A_915, 8 : i32
    %add3A_917 = arith.constant 320000 : i32
    %add3A_918 = arith.addi %add3A_917, %mul3A_2 : i32
    %add3A_919 = arith.constant 9728 : i32
    %add3A_920 = arith.addi %add3A_918, %add3A_919 : i32
    %multiple_of3A_921 = tpu.assume_multiple %add3A_920, 8 : i32
    %dma_start3A_922 = arith.constant 2 : i32
    %dma_start3A_923 = arith.constant 12 : i32
    %dma_start3A_924 = arith.constant 0 : i32
    %dma_start3A_925 = tpu.memref_slice %arg7[%dma_start3A_922, %dma_start3A_924] : memref<10x64xi32, #tpu.memory_space<vmem>> -> memref<1x64xi32, #tpu.memory_space<vmem>>
    %dma_start3A_926 = tpu.memref_squeeze %dma_start3A_925 : memref<1x64xi32, #tpu.memory_space<vmem>> -> memref<64xi32, #tpu.memory_space<vmem>>
    %dma_start3A_927 = tpu.memref_slice %arg2[%multiple_of3A_916] : memref<640000xi32, #tpu.memory_space<hbm>> -> memref<64xi32, #tpu.memory_space<hbm>>
    %dma_start3A_928 = tpu.memref_slice %arg13[%dma_start3A_923] : memref<24x!tpu.dma_semaphore, #tpu.memory_space<semaphore_mem>> -> memref<1x!tpu.dma_semaphore, #tpu.memory_space<semaphore_mem>>
    %dma_start3A_929 = tpu.memref_squeeze %dma_start3A_928 : memref<1x!tpu.dma_semaphore, #tpu.memory_space<semaphore_mem>> -> memref<!tpu.dma_semaphore, #tpu.memory_space<semaphore_mem>>
    %dma_start3A_930 = arith.constant 0 : i32
    %dma_start3A_931 = tpu.memref_slice %arg7[%dma_start3A_922, %dma_start3A_930] : memref<10x64xi32, #tpu.memory_space<vmem>> -> memref<1x64xi32, #tpu.memory_space<vmem>>
    %dma_start3A_932 = tpu.memref_squeeze %dma_start3A_931 : memref<1x64xi32, #tpu.memory_space<vmem>> -> memref<64xi32, #tpu.memory_space<vmem>>
    %dma_start3A_933 = tpu.memref_slice %arg2[%multiple_of3A_916] : memref<640000xi32, #tpu.memory_space<hbm>> -> memref<64xi32, #tpu.memory_space<hbm>>
    tpu.enqueue_dma source(%dma_start3A_933 : memref<64xi32, #tpu.memory_space<hbm>>) target(%dma_start3A_932 : memref<64xi32, #tpu.memory_space<vmem>>) target_semaphore(%dma_start3A_929 : memref<!tpu.dma_semaphore, #tpu.memory_space<semaphore_mem>>)
    %dma_start3A_934 = arith.constant 2 : i32
    %dma_start3A_935 = arith.constant 12 : i32
    %dma_start3A_936 = arith.constant 0 : i32
    %dma_start3A_937 = tpu.memref_slice %arg8[%dma_start3A_934, %dma_start3A_936] : memref<10x64xi32, #tpu.memory_space<vmem>> -> memref<1x64xi32, #tpu.memory_space<vmem>>
    %dma_start3A_938 = tpu.memref_squeeze %dma_start3A_937 : memref<1x64xi32, #tpu.memory_space<vmem>> -> memref<64xi32, #tpu.memory_space<vmem>>
    %dma_start3A_939 = tpu.memref_slice %arg2[%multiple_of3A_921] : memref<640000xi32, #tpu.memory_space<hbm>> -> memref<64xi32, #tpu.memory_space<hbm>>
    %dma_start3A_940 = tpu.memref_slice %arg13[%dma_start3A_935] : memref<24x!tpu.dma_semaphore, #tpu.memory_space<semaphore_mem>> -> memref<1x!tpu.dma_semaphore, #tpu.memory_space<semaphore_mem>>
    %dma_start3A_941 = tpu.memref_squeeze %dma_start3A_940 : memref<1x!tpu.dma_semaphore, #tpu.memory_space<semaphore_mem>> -> memref<!tpu.dma_semaphore, #tpu.memory_space<semaphore_mem>>
    %dma_start3A_942 = arith.constant 0 : i32
    %dma_start3A_943 = tpu.memref_slice %arg8[%dma_start3A_934, %dma_start3A_942] : memref<10x64xi32, #tpu.memory_space<vmem>> -> memref<1x64xi32, #tpu.memory_space<vmem>>
    %dma_start3A_944 = tpu.memref_squeeze %dma_start3A_943 : memref<1x64xi32, #tpu.memory_space<vmem>> -> memref<64xi32, #tpu.memory_space<vmem>>
    %dma_start3A_945 = tpu.memref_slice %arg2[%multiple_of3A_921] : memref<640000xi32, #tpu.memory_space<hbm>> -> memref<64xi32, #tpu.memory_space<hbm>>
    tpu.enqueue_dma source(%dma_start3A_945 : memref<64xi32, #tpu.memory_space<hbm>>) target(%dma_start3A_944 : memref<64xi32, #tpu.memory_space<vmem>>) target_semaphore(%dma_start3A_941 : memref<!tpu.dma_semaphore, #tpu.memory_space<semaphore_mem>>)
    %dma_wait3A_946 = arith.constant 7 : i32
    %dma_wait3A_947 = arith.constant 17 : i32
    %dma_wait3A_948 = arith.constant 0 : i32
    %dma_wait3A_949 = tpu.memref_slice %arg7[%dma_wait3A_946, %dma_wait3A_948] : memref<10x64xi32, #tpu.memory_space<vmem>> -> memref<1x64xi32, #tpu.memory_space<vmem>>
    %dma_wait3A_950 = tpu.memref_squeeze %dma_wait3A_949 : memref<1x64xi32, #tpu.memory_space<vmem>> -> memref<64xi32, #tpu.memory_space<vmem>>
    %dma_wait3A_951 = arith.constant 0 : i32
    %dma_wait3A_952 = tpu.memref_slice %arg2[%dma_wait3A_951] : memref<640000xi32, #tpu.memory_space<hbm>> -> memref<64xi32, #tpu.memory_space<hbm>>
    %dma_wait3A_953 = tpu.memref_slice %arg13[%dma_wait3A_947] : memref<24x!tpu.dma_semaphore, #tpu.memory_space<semaphore_mem>> -> memref<1x!tpu.dma_semaphore, #tpu.memory_space<semaphore_mem>>
    %dma_wait3A_954 = tpu.memref_squeeze %dma_wait3A_953 : memref<1x!tpu.dma_semaphore, #tpu.memory_space<semaphore_mem>> -> memref<!tpu.dma_semaphore, #tpu.memory_space<semaphore_mem>>
    %dma_wait3A_955 = arith.constant 0 : i32
    %dma_wait3A_956 = tpu.memref_slice %arg7[%dma_wait3A_946, %dma_wait3A_955] : memref<10x64xi32, #tpu.memory_space<vmem>> -> memref<1x64xi32, #tpu.memory_space<vmem>>
    %dma_wait3A_957 = tpu.memref_squeeze %dma_wait3A_956 : memref<1x64xi32, #tpu.memory_space<vmem>> -> memref<64xi32, #tpu.memory_space<vmem>>
    %dma_wait3A_958 = arith.constant 0 : i32
    %dma_wait3A_959 = tpu.memref_slice %arg2[%dma_wait3A_958] : memref<640000xi32, #tpu.memory_space<hbm>> -> memref<64xi32, #tpu.memory_space<hbm>>
    tpu.wait_dma2 semaphore(%dma_wait3A_954 : memref<!tpu.dma_semaphore, #tpu.memory_space<semaphore_mem>>) src(%dma_wait3A_959 : memref<64xi32, #tpu.memory_space<hbm>>) dst(%dma_wait3A_957 : memref<64xi32, #tpu.memory_space<vmem>>)
    %dma_wait3A_960 = arith.constant 7 : i32
    %dma_wait3A_961 = arith.constant 17 : i32
    %dma_wait3A_962 = arith.constant 0 : i32
    %dma_wait3A_963 = tpu.memref_slice %arg8[%dma_wait3A_960, %dma_wait3A_962] : memref<10x64xi32, #tpu.memory_space<vmem>> -> memref<1x64xi32, #tpu.memory_space<vmem>>
    %dma_wait3A_964 = tpu.memref_squeeze %dma_wait3A_963 : memref<1x64xi32, #tpu.memory_space<vmem>> -> memref<64xi32, #tpu.memory_space<vmem>>
    %dma_wait3A_965 = arith.constant 0 : i32
    %dma_wait3A_966 = tpu.memref_slice %arg2[%dma_wait3A_965] : memref<640000xi32, #tpu.memory_space<hbm>> -> memref<64xi32, #tpu.memory_space<hbm>>
    %dma_wait3A_967 = tpu.memref_slice %arg13[%dma_wait3A_961] : memref<24x!tpu.dma_semaphore, #tpu.memory_space<semaphore_mem>> -> memref<1x!tpu.dma_semaphore, #tpu.memory_space<semaphore_mem>>
    %dma_wait3A_968 = tpu.memref_squeeze %dma_wait3A_967 : memref<1x!tpu.dma_semaphore, #tpu.memory_space<semaphore_mem>> -> memref<!tpu.dma_semaphore, #tpu.memory_space<semaphore_mem>>
    %dma_wait3A_969 = arith.constant 0 : i32
    %dma_wait3A_970 = tpu.memref_slice %arg8[%dma_wait3A_960, %dma_wait3A_969] : memref<10x64xi32, #tpu.memory_space<vmem>> -> memref<1x64xi32, #tpu.memory_space<vmem>>
    %dma_wait3A_971 = tpu.memref_squeeze %dma_wait3A_970 : memref<1x64xi32, #tpu.memory_space<vmem>> -> memref<64xi32, #tpu.memory_space<vmem>>
    %dma_wait3A_972 = arith.constant 0 : i32
    %dma_wait3A_973 = tpu.memref_slice %arg2[%dma_wait3A_972] : memref<640000xi32, #tpu.memory_space<hbm>> -> memref<64xi32, #tpu.memory_space<hbm>>
    tpu.wait_dma2 semaphore(%dma_wait3A_968 : memref<!tpu.dma_semaphore, #tpu.memory_space<semaphore_mem>>) src(%dma_wait3A_973 : memref<64xi32, #tpu.memory_space<hbm>>) dst(%dma_wait3A_971 : memref<64xi32, #tpu.memory_space<vmem>>)
    %dma_start3A_974 = arith.constant 7 : i32
    %dma_start3A_975 = arith.constant 2 : i32
    %dma_start3A_976 = arith.constant 2 : i32
    %dma_start3A_977 = arith.constant 0 : i32
    %dma_start3A_978 = arith.constant 0 : i32
    %dma_start3A_979 = tpu.memref_slice %arg9[%dma_start3A_975, %dma_start3A_977, %dma_start3A_978] : memref<5x64x128xf32, #tpu.memory_space<vmem>> -> memref<1x64x128xf32, #tpu.memory_space<vmem>>
    %dma_start3A_980 = tpu.memref_squeeze %dma_start3A_979 : memref<1x64x128xf32, #tpu.memory_space<vmem>> -> memref<64x128xf32, #tpu.memory_space<vmem>>
    %dma_start3A_981 = arith.constant 0 : i32
    %dma_start3A_982 = tpu.memref_slice %arg7[%dma_start3A_974, %dma_start3A_981] : memref<10x64xi32, #tpu.memory_space<vmem>> -> memref<1x64xi32, #tpu.memory_space<vmem>>
    %dma_start3A_983 = tpu.memref_squeeze %dma_start3A_982 : memref<1x64xi32, #tpu.memory_space<vmem>> -> memref<64xi32, #tpu.memory_space<vmem>>
    %dma_start3A_984 = arith.constant 0 : i32
    %dma_start3A_985 = arith.constant 0 : i32
    %dma_start3A_986 = tpu.memref_slice %arg3[%dma_start3A_984, %dma_start3A_985] : memref<10000x128xf32, #tpu.memory_space<hbm>> -> memref<10000x128xf32, #tpu.memory_space<hbm>>
    %dma_start3A_987 = tpu.memref_slice %arg13[%dma_start3A_976] : memref<24x!tpu.dma_semaphore, #tpu.memory_space<semaphore_mem>> -> memref<1x!tpu.dma_semaphore, #tpu.memory_space<semaphore_mem>>
    %dma_start3A_988 = tpu.memref_squeeze %dma_start3A_987 : memref<1x!tpu.dma_semaphore, #tpu.memory_space<semaphore_mem>> -> memref<!tpu.dma_semaphore, #tpu.memory_space<semaphore_mem>>
    tpu.enqueue_indirect_dma source(%dma_start3A_986 : memref<10000x128xf32, #tpu.memory_space<hbm>>) target(%dma_start3A_980 : memref<64x128xf32, #tpu.memory_space<vmem>>) offsets(%dma_start3A_983 : memref<64xi32, #tpu.memory_space<vmem>>) semaphore(%dma_start3A_988 : memref<!tpu.dma_semaphore, #tpu.memory_space<semaphore_mem>>)
    %dma_wait3A_989 = arith.constant 3 : i32
    %dma_wait3A_990 = arith.constant 0 : i32
    %dma_wait3A_991 = arith.constant 8 : i32
    %dma_wait3A_992 = arith.constant 0 : i32
    %dma_wait3A_993 = arith.constant 0 : i32
    %dma_wait3A_994 = tpu.memref_slice %arg9[%dma_wait3A_989, %dma_wait3A_992, %dma_wait3A_993] : memref<5x64x128xf32, #tpu.memory_space<vmem>> -> memref<1x64x128xf32, #tpu.memory_space<vmem>>
    %dma_wait3A_995 = tpu.memref_squeeze %dma_wait3A_994 : memref<1x64x128xf32, #tpu.memory_space<vmem>> -> memref<64x128xf32, #tpu.memory_space<vmem>>
    %dma_wait3A_996 = arith.constant 0 : i32
    %dma_wait3A_997 = tpu.memref_slice %arg8[%dma_wait3A_990, %dma_wait3A_996] : memref<10x64xi32, #tpu.memory_space<vmem>> -> memref<1x64xi32, #tpu.memory_space<vmem>>
    %dma_wait3A_998 = tpu.memref_squeeze %dma_wait3A_997 : memref<1x64xi32, #tpu.memory_space<vmem>> -> memref<64xi32, #tpu.memory_space<vmem>>
    %dma_wait3A_999 = arith.constant 0 : i32
    %dma_wait3A_1000 = arith.constant 0 : i32
    %dma_wait3A_1001 = tpu.memref_slice %arg6[%dma_wait3A_999, %dma_wait3A_1000] : memref<10000x128xf32, #tpu.memory_space<vmem_shared>> -> memref<10000x128xf32, #tpu.memory_space<vmem_shared>>
    %dma_wait3A_1002 = tpu.memref_slice %arg13[%dma_wait3A_991] : memref<24x!tpu.dma_semaphore, #tpu.memory_space<semaphore_mem>> -> memref<1x!tpu.dma_semaphore, #tpu.memory_space<semaphore_mem>>
    %dma_wait3A_1003 = tpu.memref_squeeze %dma_wait3A_1002 : memref<1x!tpu.dma_semaphore, #tpu.memory_space<semaphore_mem>> -> memref<!tpu.dma_semaphore, #tpu.memory_space<semaphore_mem>>
    tpu.wait_indirect_dma semaphore(%dma_wait3A_1003 : memref<!tpu.dma_semaphore, #tpu.memory_space<semaphore_mem>>) src(%dma_wait3A_995 : memref<64x128xf32, #tpu.memory_space<vmem>>) dst(%dma_wait3A_1001 : memref<10000x128xf32, #tpu.memory_space<vmem_shared>>)
    %add3A_1004 = arith.constant 9792 : i32
    %add3A_1005 = arith.addi %mul3A_2, %add3A_1004 : i32
    %multiple_of3A_1006 = tpu.assume_multiple %add3A_1005, 8 : i32
    %add3A_1007 = arith.constant 320000 : i32
    %add3A_1008 = arith.addi %add3A_1007, %mul3A_2 : i32
    %add3A_1009 = arith.constant 9792 : i32
    %add3A_1010 = arith.addi %add3A_1008, %add3A_1009 : i32
    %multiple_of3A_1011 = tpu.assume_multiple %add3A_1010, 8 : i32
    %dma_start3A_1012 = arith.constant 3 : i32
    %dma_start3A_1013 = arith.constant 13 : i32
    %dma_start3A_1014 = arith.constant 0 : i32
    %dma_start3A_1015 = tpu.memref_slice %arg7[%dma_start3A_1012, %dma_start3A_1014] : memref<10x64xi32, #tpu.memory_space<vmem>> -> memref<1x64xi32, #tpu.memory_space<vmem>>
    %dma_start3A_1016 = tpu.memref_squeeze %dma_start3A_1015 : memref<1x64xi32, #tpu.memory_space<vmem>> -> memref<64xi32, #tpu.memory_space<vmem>>
    %dma_start3A_1017 = tpu.memref_slice %arg2[%multiple_of3A_1006] : memref<640000xi32, #tpu.memory_space<hbm>> -> memref<64xi32, #tpu.memory_space<hbm>>
    %dma_start3A_1018 = tpu.memref_slice %arg13[%dma_start3A_1013] : memref<24x!tpu.dma_semaphore, #tpu.memory_space<semaphore_mem>> -> memref<1x!tpu.dma_semaphore, #tpu.memory_space<semaphore_mem>>
    %dma_start3A_1019 = tpu.memref_squeeze %dma_start3A_1018 : memref<1x!tpu.dma_semaphore, #tpu.memory_space<semaphore_mem>> -> memref<!tpu.dma_semaphore, #tpu.memory_space<semaphore_mem>>
    %dma_start3A_1020 = arith.constant 0 : i32
    %dma_start3A_1021 = tpu.memref_slice %arg7[%dma_start3A_1012, %dma_start3A_1020] : memref<10x64xi32, #tpu.memory_space<vmem>> -> memref<1x64xi32, #tpu.memory_space<vmem>>
    %dma_start3A_1022 = tpu.memref_squeeze %dma_start3A_1021 : memref<1x64xi32, #tpu.memory_space<vmem>> -> memref<64xi32, #tpu.memory_space<vmem>>
    %dma_start3A_1023 = tpu.memref_slice %arg2[%multiple_of3A_1006] : memref<640000xi32, #tpu.memory_space<hbm>> -> memref<64xi32, #tpu.memory_space<hbm>>
    tpu.enqueue_dma source(%dma_start3A_1023 : memref<64xi32, #tpu.memory_space<hbm>>) target(%dma_start3A_1022 : memref<64xi32, #tpu.memory_space<vmem>>) target_semaphore(%dma_start3A_1019 : memref<!tpu.dma_semaphore, #tpu.memory_space<semaphore_mem>>)
    %dma_start3A_1024 = arith.constant 3 : i32
    %dma_start3A_1025 = arith.constant 13 : i32
    %dma_start3A_1026 = arith.constant 0 : i32
    %dma_start3A_1027 = tpu.memref_slice %arg8[%dma_start3A_1024, %dma_start3A_1026] : memref<10x64xi32, #tpu.memory_space<vmem>> -> memref<1x64xi32, #tpu.memory_space<vmem>>
    %dma_start3A_1028 = tpu.memref_squeeze %dma_start3A_1027 : memref<1x64xi32, #tpu.memory_space<vmem>> -> memref<64xi32, #tpu.memory_space<vmem>>
    %dma_start3A_1029 = tpu.memref_slice %arg2[%multiple_of3A_1011] : memref<640000xi32, #tpu.memory_space<hbm>> -> memref<64xi32, #tpu.memory_space<hbm>>
    %dma_start3A_1030 = tpu.memref_slice %arg13[%dma_start3A_1025] : memref<24x!tpu.dma_semaphore, #tpu.memory_space<semaphore_mem>> -> memref<1x!tpu.dma_semaphore, #tpu.memory_space<semaphore_mem>>
    %dma_start3A_1031 = tpu.memref_squeeze %dma_start3A_1030 : memref<1x!tpu.dma_semaphore, #tpu.memory_space<semaphore_mem>> -> memref<!tpu.dma_semaphore, #tpu.memory_space<semaphore_mem>>
    %dma_start3A_1032 = arith.constant 0 : i32
    %dma_start3A_1033 = tpu.memref_slice %arg8[%dma_start3A_1024, %dma_start3A_1032] : memref<10x64xi32, #tpu.memory_space<vmem>> -> memref<1x64xi32, #tpu.memory_space<vmem>>
    %dma_start3A_1034 = tpu.memref_squeeze %dma_start3A_1033 : memref<1x64xi32, #tpu.memory_space<vmem>> -> memref<64xi32, #tpu.memory_space<vmem>>
    %dma_start3A_1035 = tpu.memref_slice %arg2[%multiple_of3A_1011] : memref<640000xi32, #tpu.memory_space<hbm>> -> memref<64xi32, #tpu.memory_space<hbm>>
    tpu.enqueue_dma source(%dma_start3A_1035 : memref<64xi32, #tpu.memory_space<hbm>>) target(%dma_start3A_1034 : memref<64xi32, #tpu.memory_space<vmem>>) target_semaphore(%dma_start3A_1031 : memref<!tpu.dma_semaphore, #tpu.memory_space<semaphore_mem>>)
    %dma_wait3A_1036 = arith.constant 8 : i32
    %dma_wait3A_1037 = arith.constant 18 : i32
    %dma_wait3A_1038 = arith.constant 0 : i32
    %dma_wait3A_1039 = tpu.memref_slice %arg7[%dma_wait3A_1036, %dma_wait3A_1038] : memref<10x64xi32, #tpu.memory_space<vmem>> -> memref<1x64xi32, #tpu.memory_space<vmem>>
    %dma_wait3A_1040 = tpu.memref_squeeze %dma_wait3A_1039 : memref<1x64xi32, #tpu.memory_space<vmem>> -> memref<64xi32, #tpu.memory_space<vmem>>
    %dma_wait3A_1041 = arith.constant 0 : i32
    %dma_wait3A_1042 = tpu.memref_slice %arg2[%dma_wait3A_1041] : memref<640000xi32, #tpu.memory_space<hbm>> -> memref<64xi32, #tpu.memory_space<hbm>>
    %dma_wait3A_1043 = tpu.memref_slice %arg13[%dma_wait3A_1037] : memref<24x!tpu.dma_semaphore, #tpu.memory_space<semaphore_mem>> -> memref<1x!tpu.dma_semaphore, #tpu.memory_space<semaphore_mem>>
    %dma_wait3A_1044 = tpu.memref_squeeze %dma_wait3A_1043 : memref<1x!tpu.dma_semaphore, #tpu.memory_space<semaphore_mem>> -> memref<!tpu.dma_semaphore, #tpu.memory_space<semaphore_mem>>
    %dma_wait3A_1045 = arith.constant 0 : i32
    %dma_wait3A_1046 = tpu.memref_slice %arg7[%dma_wait3A_1036, %dma_wait3A_1045] : memref<10x64xi32, #tpu.memory_space<vmem>> -> memref<1x64xi32, #tpu.memory_space<vmem>>
    %dma_wait3A_1047 = tpu.memref_squeeze %dma_wait3A_1046 : memref<1x64xi32, #tpu.memory_space<vmem>> -> memref<64xi32, #tpu.memory_space<vmem>>
    %dma_wait3A_1048 = arith.constant 0 : i32
    %dma_wait3A_1049 = tpu.memref_slice %arg2[%dma_wait3A_1048] : memref<640000xi32, #tpu.memory_space<hbm>> -> memref<64xi32, #tpu.memory_space<hbm>>
    tpu.wait_dma2 semaphore(%dma_wait3A_1044 : memref<!tpu.dma_semaphore, #tpu.memory_space<semaphore_mem>>) src(%dma_wait3A_1049 : memref<64xi32, #tpu.memory_space<hbm>>) dst(%dma_wait3A_1047 : memref<64xi32, #tpu.memory_space<vmem>>)
    %dma_wait3A_1050 = arith.constant 8 : i32
    %dma_wait3A_1051 = arith.constant 18 : i32
    %dma_wait3A_1052 = arith.constant 0 : i32
    %dma_wait3A_1053 = tpu.memref_slice %arg8[%dma_wait3A_1050, %dma_wait3A_1052] : memref<10x64xi32, #tpu.memory_space<vmem>> -> memref<1x64xi32, #tpu.memory_space<vmem>>
    %dma_wait3A_1054 = tpu.memref_squeeze %dma_wait3A_1053 : memref<1x64xi32, #tpu.memory_space<vmem>> -> memref<64xi32, #tpu.memory_space<vmem>>
    %dma_wait3A_1055 = arith.constant 0 : i32
    %dma_wait3A_1056 = tpu.memref_slice %arg2[%dma_wait3A_1055] : memref<640000xi32, #tpu.memory_space<hbm>> -> memref<64xi32, #tpu.memory_space<hbm>>
    %dma_wait3A_1057 = tpu.memref_slice %arg13[%dma_wait3A_1051] : memref<24x!tpu.dma_semaphore, #tpu.memory_space<semaphore_mem>> -> memref<1x!tpu.dma_semaphore, #tpu.memory_space<semaphore_mem>>
    %dma_wait3A_1058 = tpu.memref_squeeze %dma_wait3A_1057 : memref<1x!tpu.dma_semaphore, #tpu.memory_space<semaphore_mem>> -> memref<!tpu.dma_semaphore, #tpu.memory_space<semaphore_mem>>
    %dma_wait3A_1059 = arith.constant 0 : i32
    %dma_wait3A_1060 = tpu.memref_slice %arg8[%dma_wait3A_1050, %dma_wait3A_1059] : memref<10x64xi32, #tpu.memory_space<vmem>> -> memref<1x64xi32, #tpu.memory_space<vmem>>
    %dma_wait3A_1061 = tpu.memref_squeeze %dma_wait3A_1060 : memref<1x64xi32, #tpu.memory_space<vmem>> -> memref<64xi32, #tpu.memory_space<vmem>>
    %dma_wait3A_1062 = arith.constant 0 : i32
    %dma_wait3A_1063 = tpu.memref_slice %arg2[%dma_wait3A_1062] : memref<640000xi32, #tpu.memory_space<hbm>> -> memref<64xi32, #tpu.memory_space<hbm>>
    tpu.wait_dma2 semaphore(%dma_wait3A_1058 : memref<!tpu.dma_semaphore, #tpu.memory_space<semaphore_mem>>) src(%dma_wait3A_1063 : memref<64xi32, #tpu.memory_space<hbm>>) dst(%dma_wait3A_1061 : memref<64xi32, #tpu.memory_space<vmem>>)
    %dma_start3A_1064 = arith.constant 8 : i32
    %dma_start3A_1065 = arith.constant 3 : i32
    %dma_start3A_1066 = arith.constant 3 : i32
    %dma_start3A_1067 = arith.constant 0 : i32
    %dma_start3A_1068 = arith.constant 0 : i32
    %dma_start3A_1069 = tpu.memref_slice %arg9[%dma_start3A_1065, %dma_start3A_1067, %dma_start3A_1068] : memref<5x64x128xf32, #tpu.memory_space<vmem>> -> memref<1x64x128xf32, #tpu.memory_space<vmem>>
    %dma_start3A_1070 = tpu.memref_squeeze %dma_start3A_1069 : memref<1x64x128xf32, #tpu.memory_space<vmem>> -> memref<64x128xf32, #tpu.memory_space<vmem>>
    %dma_start3A_1071 = arith.constant 0 : i32
    %dma_start3A_1072 = tpu.memref_slice %arg7[%dma_start3A_1064, %dma_start3A_1071] : memref<10x64xi32, #tpu.memory_space<vmem>> -> memref<1x64xi32, #tpu.memory_space<vmem>>
    %dma_start3A_1073 = tpu.memref_squeeze %dma_start3A_1072 : memref<1x64xi32, #tpu.memory_space<vmem>> -> memref<64xi32, #tpu.memory_space<vmem>>
    %dma_start3A_1074 = arith.constant 0 : i32
    %dma_start3A_1075 = arith.constant 0 : i32
    %dma_start3A_1076 = tpu.memref_slice %arg3[%dma_start3A_1074, %dma_start3A_1075] : memref<10000x128xf32, #tpu.memory_space<hbm>> -> memref<10000x128xf32, #tpu.memory_space<hbm>>
    %dma_start3A_1077 = tpu.memref_slice %arg13[%dma_start3A_1066] : memref<24x!tpu.dma_semaphore, #tpu.memory_space<semaphore_mem>> -> memref<1x!tpu.dma_semaphore, #tpu.memory_space<semaphore_mem>>
    %dma_start3A_1078 = tpu.memref_squeeze %dma_start3A_1077 : memref<1x!tpu.dma_semaphore, #tpu.memory_space<semaphore_mem>> -> memref<!tpu.dma_semaphore, #tpu.memory_space<semaphore_mem>>
    tpu.enqueue_indirect_dma source(%dma_start3A_1076 : memref<10000x128xf32, #tpu.memory_space<hbm>>) target(%dma_start3A_1070 : memref<64x128xf32, #tpu.memory_space<vmem>>) offsets(%dma_start3A_1073 : memref<64xi32, #tpu.memory_space<vmem>>) semaphore(%dma_start3A_1078 : memref<!tpu.dma_semaphore, #tpu.memory_space<semaphore_mem>>)
    %dma_wait3A_1079 = arith.constant 4 : i32
    %dma_wait3A_1080 = arith.constant 0 : i32
    %dma_wait3A_1081 = arith.constant 9 : i32
    %dma_wait3A_1082 = arith.constant 0 : i32
    %dma_wait3A_1083 = arith.constant 0 : i32
    %dma_wait3A_1084 = tpu.memref_slice %arg9[%dma_wait3A_1079, %dma_wait3A_1082, %dma_wait3A_1083] : memref<5x64x128xf32, #tpu.memory_space<vmem>> -> memref<1x64x128xf32, #tpu.memory_space<vmem>>
    %dma_wait3A_1085 = tpu.memref_squeeze %dma_wait3A_1084 : memref<1x64x128xf32, #tpu.memory_space<vmem>> -> memref<64x128xf32, #tpu.memory_space<vmem>>
    %dma_wait3A_1086 = arith.constant 0 : i32
    %dma_wait3A_1087 = tpu.memref_slice %arg8[%dma_wait3A_1080, %dma_wait3A_1086] : memref<10x64xi32, #tpu.memory_space<vmem>> -> memref<1x64xi32, #tpu.memory_space<vmem>>
    %dma_wait3A_1088 = tpu.memref_squeeze %dma_wait3A_1087 : memref<1x64xi32, #tpu.memory_space<vmem>> -> memref<64xi32, #tpu.memory_space<vmem>>
    %dma_wait3A_1089 = arith.constant 0 : i32
    %dma_wait3A_1090 = arith.constant 0 : i32
    %dma_wait3A_1091 = tpu.memref_slice %arg6[%dma_wait3A_1089, %dma_wait3A_1090] : memref<10000x128xf32, #tpu.memory_space<vmem_shared>> -> memref<10000x128xf32, #tpu.memory_space<vmem_shared>>
    %dma_wait3A_1092 = tpu.memref_slice %arg13[%dma_wait3A_1081] : memref<24x!tpu.dma_semaphore, #tpu.memory_space<semaphore_mem>> -> memref<1x!tpu.dma_semaphore, #tpu.memory_space<semaphore_mem>>
    %dma_wait3A_1093 = tpu.memref_squeeze %dma_wait3A_1092 : memref<1x!tpu.dma_semaphore, #tpu.memory_space<semaphore_mem>> -> memref<!tpu.dma_semaphore, #tpu.memory_space<semaphore_mem>>
    tpu.wait_indirect_dma semaphore(%dma_wait3A_1093 : memref<!tpu.dma_semaphore, #tpu.memory_space<semaphore_mem>>) src(%dma_wait3A_1085 : memref<64x128xf32, #tpu.memory_space<vmem>>) dst(%dma_wait3A_1091 : memref<10000x128xf32, #tpu.memory_space<vmem_shared>>)
    %add3A_1094 = arith.constant 9856 : i32
    %add3A_1095 = arith.addi %mul3A_2, %add3A_1094 : i32
    %multiple_of3A_1096 = tpu.assume_multiple %add3A_1095, 8 : i32
    %add3A_1097 = arith.constant 320000 : i32
    %add3A_1098 = arith.addi %add3A_1097, %mul3A_2 : i32
    %add3A_1099 = arith.constant 9856 : i32
    %add3A_1100 = arith.addi %add3A_1098, %add3A_1099 : i32
    %multiple_of3A_1101 = tpu.assume_multiple %add3A_1100, 8 : i32
    %dma_start3A_1102 = arith.constant 4 : i32
    %dma_start3A_1103 = arith.constant 14 : i32
    %dma_start3A_1104 = arith.constant 0 : i32
    %dma_start3A_1105 = tpu.memref_slice %arg7[%dma_start3A_1102, %dma_start3A_1104] : memref<10x64xi32, #tpu.memory_space<vmem>> -> memref<1x64xi32, #tpu.memory_space<vmem>>
    %dma_start3A_1106 = tpu.memref_squeeze %dma_start3A_1105 : memref<1x64xi32, #tpu.memory_space<vmem>> -> memref<64xi32, #tpu.memory_space<vmem>>
    %dma_start3A_1107 = tpu.memref_slice %arg2[%multiple_of3A_1096] : memref<640000xi32, #tpu.memory_space<hbm>> -> memref<64xi32, #tpu.memory_space<hbm>>
    %dma_start3A_1108 = tpu.memref_slice %arg13[%dma_start3A_1103] : memref<24x!tpu.dma_semaphore, #tpu.memory_space<semaphore_mem>> -> memref<1x!tpu.dma_semaphore, #tpu.memory_space<semaphore_mem>>
    %dma_start3A_1109 = tpu.memref_squeeze %dma_start3A_1108 : memref<1x!tpu.dma_semaphore, #tpu.memory_space<semaphore_mem>> -> memref<!tpu.dma_semaphore, #tpu.memory_space<semaphore_mem>>
    %dma_start3A_1110 = arith.constant 0 : i32
    %dma_start3A_1111 = tpu.memref_slice %arg7[%dma_start3A_1102, %dma_start3A_1110] : memref<10x64xi32, #tpu.memory_space<vmem>> -> memref<1x64xi32, #tpu.memory_space<vmem>>
    %dma_start3A_1112 = tpu.memref_squeeze %dma_start3A_1111 : memref<1x64xi32, #tpu.memory_space<vmem>> -> memref<64xi32, #tpu.memory_space<vmem>>
    %dma_start3A_1113 = tpu.memref_slice %arg2[%multiple_of3A_1096] : memref<640000xi32, #tpu.memory_space<hbm>> -> memref<64xi32, #tpu.memory_space<hbm>>
    tpu.enqueue_dma source(%dma_start3A_1113 : memref<64xi32, #tpu.memory_space<hbm>>) target(%dma_start3A_1112 : memref<64xi32, #tpu.memory_space<vmem>>) target_semaphore(%dma_start3A_1109 : memref<!tpu.dma_semaphore, #tpu.memory_space<semaphore_mem>>)
    %dma_start3A_1114 = arith.constant 4 : i32
    %dma_start3A_1115 = arith.constant 14 : i32
    %dma_start3A_1116 = arith.constant 0 : i32
    %dma_start3A_1117 = tpu.memref_slice %arg8[%dma_start3A_1114, %dma_start3A_1116] : memref<10x64xi32, #tpu.memory_space<vmem>> -> memref<1x64xi32, #tpu.memory_space<vmem>>
    %dma_start3A_1118 = tpu.memref_squeeze %dma_start3A_1117 : memref<1x64xi32, #tpu.memory_space<vmem>> -> memref<64xi32, #tpu.memory_space<vmem>>
    %dma_start3A_1119 = tpu.memref_slice %arg2[%multiple_of3A_1101] : memref<640000xi32, #tpu.memory_space<hbm>> -> memref<64xi32, #tpu.memory_space<hbm>>
    %dma_start3A_1120 = tpu.memref_slice %arg13[%dma_start3A_1115] : memref<24x!tpu.dma_semaphore, #tpu.memory_space<semaphore_mem>> -> memref<1x!tpu.dma_semaphore, #tpu.memory_space<semaphore_mem>>
    %dma_start3A_1121 = tpu.memref_squeeze %dma_start3A_1120 : memref<1x!tpu.dma_semaphore, #tpu.memory_space<semaphore_mem>> -> memref<!tpu.dma_semaphore, #tpu.memory_space<semaphore_mem>>
    %dma_start3A_1122 = arith.constant 0 : i32
    %dma_start3A_1123 = tpu.memref_slice %arg8[%dma_start3A_1114, %dma_start3A_1122] : memref<10x64xi32, #tpu.memory_space<vmem>> -> memref<1x64xi32, #tpu.memory_space<vmem>>
    %dma_start3A_1124 = tpu.memref_squeeze %dma_start3A_1123 : memref<1x64xi32, #tpu.memory_space<vmem>> -> memref<64xi32, #tpu.memory_space<vmem>>
    %dma_start3A_1125 = tpu.memref_slice %arg2[%multiple_of3A_1101] : memref<640000xi32, #tpu.memory_space<hbm>> -> memref<64xi32, #tpu.memory_space<hbm>>
    tpu.enqueue_dma source(%dma_start3A_1125 : memref<64xi32, #tpu.memory_space<hbm>>) target(%dma_start3A_1124 : memref<64xi32, #tpu.memory_space<vmem>>) target_semaphore(%dma_start3A_1121 : memref<!tpu.dma_semaphore, #tpu.memory_space<semaphore_mem>>)
    %dma_wait3A_1126 = arith.constant 9 : i32
    %dma_wait3A_1127 = arith.constant 19 : i32
    %dma_wait3A_1128 = arith.constant 0 : i32
    %dma_wait3A_1129 = tpu.memref_slice %arg7[%dma_wait3A_1126, %dma_wait3A_1128] : memref<10x64xi32, #tpu.memory_space<vmem>> -> memref<1x64xi32, #tpu.memory_space<vmem>>
    %dma_wait3A_1130 = tpu.memref_squeeze %dma_wait3A_1129 : memref<1x64xi32, #tpu.memory_space<vmem>> -> memref<64xi32, #tpu.memory_space<vmem>>
    %dma_wait3A_1131 = arith.constant 0 : i32
    %dma_wait3A_1132 = tpu.memref_slice %arg2[%dma_wait3A_1131] : memref<640000xi32, #tpu.memory_space<hbm>> -> memref<64xi32, #tpu.memory_space<hbm>>
    %dma_wait3A_1133 = tpu.memref_slice %arg13[%dma_wait3A_1127] : memref<24x!tpu.dma_semaphore, #tpu.memory_space<semaphore_mem>> -> memref<1x!tpu.dma_semaphore, #tpu.memory_space<semaphore_mem>>
    %dma_wait3A_1134 = tpu.memref_squeeze %dma_wait3A_1133 : memref<1x!tpu.dma_semaphore, #tpu.memory_space<semaphore_mem>> -> memref<!tpu.dma_semaphore, #tpu.memory_space<semaphore_mem>>
    %dma_wait3A_1135 = arith.constant 0 : i32
    %dma_wait3A_1136 = tpu.memref_slice %arg7[%dma_wait3A_1126, %dma_wait3A_1135] : memref<10x64xi32, #tpu.memory_space<vmem>> -> memref<1x64xi32, #tpu.memory_space<vmem>>
    %dma_wait3A_1137 = tpu.memref_squeeze %dma_wait3A_1136 : memref<1x64xi32, #tpu.memory_space<vmem>> -> memref<64xi32, #tpu.memory_space<vmem>>
    %dma_wait3A_1138 = arith.constant 0 : i32
    %dma_wait3A_1139 = tpu.memref_slice %arg2[%dma_wait3A_1138] : memref<640000xi32, #tpu.memory_space<hbm>> -> memref<64xi32, #tpu.memory_space<hbm>>
    tpu.wait_dma2 semaphore(%dma_wait3A_1134 : memref<!tpu.dma_semaphore, #tpu.memory_space<semaphore_mem>>) src(%dma_wait3A_1139 : memref<64xi32, #tpu.memory_space<hbm>>) dst(%dma_wait3A_1137 : memref<64xi32, #tpu.memory_space<vmem>>)
    %dma_wait3A_1140 = arith.constant 9 : i32
    %dma_wait3A_1141 = arith.constant 19 : i32
    %dma_wait3A_1142 = arith.constant 0 : i32
    %dma_wait3A_1143 = tpu.memref_slice %arg8[%dma_wait3A_1140, %dma_wait3A_1142] : memref<10x64xi32, #tpu.memory_space<vmem>> -> memref<1x64xi32, #tpu.memory_space<vmem>>
    %dma_wait3A_1144 = tpu.memref_squeeze %dma_wait3A_1143 : memref<1x64xi32, #tpu.memory_space<vmem>> -> memref<64xi32, #tpu.memory_space<vmem>>
    %dma_wait3A_1145 = arith.constant 0 : i32
    %dma_wait3A_1146 = tpu.memref_slice %arg2[%dma_wait3A_1145] : memref<640000xi32, #tpu.memory_space<hbm>> -> memref<64xi32, #tpu.memory_space<hbm>>
    %dma_wait3A_1147 = tpu.memref_slice %arg13[%dma_wait3A_1141] : memref<24x!tpu.dma_semaphore, #tpu.memory_space<semaphore_mem>> -> memref<1x!tpu.dma_semaphore, #tpu.memory_space<semaphore_mem>>
    %dma_wait3A_1148 = tpu.memref_squeeze %dma_wait3A_1147 : memref<1x!tpu.dma_semaphore, #tpu.memory_space<semaphore_mem>> -> memref<!tpu.dma_semaphore, #tpu.memory_space<semaphore_mem>>
    %dma_wait3A_1149 = arith.constant 0 : i32
    %dma_wait3A_1150 = tpu.memref_slice %arg8[%dma_wait3A_1140, %dma_wait3A_1149] : memref<10x64xi32, #tpu.memory_space<vmem>> -> memref<1x64xi32, #tpu.memory_space<vmem>>
    %dma_wait3A_1151 = tpu.memref_squeeze %dma_wait3A_1150 : memref<1x64xi32, #tpu.memory_space<vmem>> -> memref<64xi32, #tpu.memory_space<vmem>>
    %dma_wait3A_1152 = arith.constant 0 : i32
    %dma_wait3A_1153 = tpu.memref_slice %arg2[%dma_wait3A_1152] : memref<640000xi32, #tpu.memory_space<hbm>> -> memref<64xi32, #tpu.memory_space<hbm>>
    tpu.wait_dma2 semaphore(%dma_wait3A_1148 : memref<!tpu.dma_semaphore, #tpu.memory_space<semaphore_mem>>) src(%dma_wait3A_1153 : memref<64xi32, #tpu.memory_space<hbm>>) dst(%dma_wait3A_1151 : memref<64xi32, #tpu.memory_space<vmem>>)
    %dma_start3A_1154 = arith.constant 9 : i32
    %dma_start3A_1155 = arith.constant 4 : i32
    %dma_start3A_1156 = arith.constant 4 : i32
    %dma_start3A_1157 = arith.constant 0 : i32
    %dma_start3A_1158 = arith.constant 0 : i32
    %dma_start3A_1159 = tpu.memref_slice %arg9[%dma_start3A_1155, %dma_start3A_1157, %dma_start3A_1158] : memref<5x64x128xf32, #tpu.memory_space<vmem>> -> memref<1x64x128xf32, #tpu.memory_space<vmem>>
    %dma_start3A_1160 = tpu.memref_squeeze %dma_start3A_1159 : memref<1x64x128xf32, #tpu.memory_space<vmem>> -> memref<64x128xf32, #tpu.memory_space<vmem>>
    %dma_start3A_1161 = arith.constant 0 : i32
    %dma_start3A_1162 = tpu.memref_slice %arg7[%dma_start3A_1154, %dma_start3A_1161] : memref<10x64xi32, #tpu.memory_space<vmem>> -> memref<1x64xi32, #tpu.memory_space<vmem>>
    %dma_start3A_1163 = tpu.memref_squeeze %dma_start3A_1162 : memref<1x64xi32, #tpu.memory_space<vmem>> -> memref<64xi32, #tpu.memory_space<vmem>>
    %dma_start3A_1164 = arith.constant 0 : i32
    %dma_start3A_1165 = arith.constant 0 : i32
    %dma_start3A_1166 = tpu.memref_slice %arg3[%dma_start3A_1164, %dma_start3A_1165] : memref<10000x128xf32, #tpu.memory_space<hbm>> -> memref<10000x128xf32, #tpu.memory_space<hbm>>
    %dma_start3A_1167 = tpu.memref_slice %arg13[%dma_start3A_1156] : memref<24x!tpu.dma_semaphore, #tpu.memory_space<semaphore_mem>> -> memref<1x!tpu.dma_semaphore, #tpu.memory_space<semaphore_mem>>
    %dma_start3A_1168 = tpu.memref_squeeze %dma_start3A_1167 : memref<1x!tpu.dma_semaphore, #tpu.memory_space<semaphore_mem>> -> memref<!tpu.dma_semaphore, #tpu.memory_space<semaphore_mem>>
    tpu.enqueue_indirect_dma source(%dma_start3A_1166 : memref<10000x128xf32, #tpu.memory_space<hbm>>) target(%dma_start3A_1160 : memref<64x128xf32, #tpu.memory_space<vmem>>) offsets(%dma_start3A_1163 : memref<64xi32, #tpu.memory_space<vmem>>) semaphore(%dma_start3A_1168 : memref<!tpu.dma_semaphore, #tpu.memory_space<semaphore_mem>>)
    %dma_wait3A_1169 = arith.constant 0 : i32
    %dma_wait3A_1170 = arith.constant 0 : i32
    %dma_wait3A_1171 = arith.constant 0 : i32
    %dma_wait3A_1172 = arith.constant 0 : i32
    %dma_wait3A_1173 = arith.constant 0 : i32
    %dma_wait3A_1174 = tpu.memref_slice %arg9[%dma_wait3A_1170, %dma_wait3A_1172, %dma_wait3A_1173] : memref<5x64x128xf32, #tpu.memory_space<vmem>> -> memref<1x64x128xf32, #tpu.memory_space<vmem>>
    %dma_wait3A_1175 = tpu.memref_squeeze %dma_wait3A_1174 : memref<1x64x128xf32, #tpu.memory_space<vmem>> -> memref<64x128xf32, #tpu.memory_space<vmem>>
    %dma_wait3A_1176 = arith.constant 0 : i32
    %dma_wait3A_1177 = tpu.memref_slice %arg7[%dma_wait3A_1169, %dma_wait3A_1176] : memref<10x64xi32, #tpu.memory_space<vmem>> -> memref<1x64xi32, #tpu.memory_space<vmem>>
    %dma_wait3A_1178 = tpu.memref_squeeze %dma_wait3A_1177 : memref<1x64xi32, #tpu.memory_space<vmem>> -> memref<64xi32, #tpu.memory_space<vmem>>
    %dma_wait3A_1179 = arith.constant 0 : i32
    %dma_wait3A_1180 = arith.constant 0 : i32
    %dma_wait3A_1181 = tpu.memref_slice %arg3[%dma_wait3A_1179, %dma_wait3A_1180] : memref<10000x128xf32, #tpu.memory_space<hbm>> -> memref<10000x128xf32, #tpu.memory_space<hbm>>
    %dma_wait3A_1182 = tpu.memref_slice %arg13[%dma_wait3A_1171] : memref<24x!tpu.dma_semaphore, #tpu.memory_space<semaphore_mem>> -> memref<1x!tpu.dma_semaphore, #tpu.memory_space<semaphore_mem>>
    %dma_wait3A_1183 = tpu.memref_squeeze %dma_wait3A_1182 : memref<1x!tpu.dma_semaphore, #tpu.memory_space<semaphore_mem>> -> memref<!tpu.dma_semaphore, #tpu.memory_space<semaphore_mem>>
    tpu.wait_indirect_dma semaphore(%dma_wait3A_1183 : memref<!tpu.dma_semaphore, #tpu.memory_space<semaphore_mem>>) src(%dma_wait3A_1181 : memref<10000x128xf32, #tpu.memory_space<hbm>>) dst(%dma_wait3A_1175 : memref<64x128xf32, #tpu.memory_space<vmem>>)
    %dma_start3A_1184 = arith.constant 0 : i32
    %dma_start3A_1185 = arith.constant 5 : i32
    %dma_start3A_1186 = arith.constant 5 : i32
    %dma_start3A_1187 = arith.constant 0 : i32
    %dma_start3A_1188 = arith.constant 0 : i32
    %dma_start3A_1189 = tpu.memref_slice %arg9[%dma_start3A_1184, %dma_start3A_1187, %dma_start3A_1188] : memref<5x64x128xf32, #tpu.memory_space<vmem>> -> memref<1x64x128xf32, #tpu.memory_space<vmem>>
    %dma_start3A_1190 = tpu.memref_squeeze %dma_start3A_1189 : memref<1x64x128xf32, #tpu.memory_space<vmem>> -> memref<64x128xf32, #tpu.memory_space<vmem>>
    %dma_start3A_1191 = arith.constant 0 : i32
    %dma_start3A_1192 = tpu.memref_slice %arg8[%dma_start3A_1185, %dma_start3A_1191] : memref<10x64xi32, #tpu.memory_space<vmem>> -> memref<1x64xi32, #tpu.memory_space<vmem>>
    %dma_start3A_1193 = tpu.memref_squeeze %dma_start3A_1192 : memref<1x64xi32, #tpu.memory_space<vmem>> -> memref<64xi32, #tpu.memory_space<vmem>>
    %dma_start3A_1194 = arith.constant 0 : i32
    %dma_start3A_1195 = arith.constant 0 : i32
    %dma_start3A_1196 = tpu.memref_slice %arg6[%dma_start3A_1194, %dma_start3A_1195] : memref<10000x128xf32, #tpu.memory_space<vmem_shared>> -> memref<10000x128xf32, #tpu.memory_space<vmem_shared>>
    %dma_start3A_1197 = tpu.memref_slice %arg13[%dma_start3A_1186] : memref<24x!tpu.dma_semaphore, #tpu.memory_space<semaphore_mem>> -> memref<1x!tpu.dma_semaphore, #tpu.memory_space<semaphore_mem>>
    %dma_start3A_1198 = tpu.memref_squeeze %dma_start3A_1197 : memref<1x!tpu.dma_semaphore, #tpu.memory_space<semaphore_mem>> -> memref<!tpu.dma_semaphore, #tpu.memory_space<semaphore_mem>>
    tpu.enqueue_indirect_dma source(%dma_start3A_1190 : memref<64x128xf32, #tpu.memory_space<vmem>>) target(%dma_start3A_1196 : memref<10000x128xf32, #tpu.memory_space<vmem_shared>>) offsets(%dma_start3A_1193 : memref<64xi32, #tpu.memory_space<vmem>>) semaphore(%dma_start3A_1198 : memref<!tpu.dma_semaphore, #tpu.memory_space<semaphore_mem>>) {add = true}
    %dma_wait3A_1199 = arith.constant 0 : i32
    %dma_wait3A_1200 = arith.constant 1 : i32
    %dma_wait3A_1201 = arith.constant 1 : i32
    %dma_wait3A_1202 = arith.constant 0 : i32
    %dma_wait3A_1203 = arith.constant 0 : i32
    %dma_wait3A_1204 = tpu.memref_slice %arg9[%dma_wait3A_1200, %dma_wait3A_1202, %dma_wait3A_1203] : memref<5x64x128xf32, #tpu.memory_space<vmem>> -> memref<1x64x128xf32, #tpu.memory_space<vmem>>
    %dma_wait3A_1205 = tpu.memref_squeeze %dma_wait3A_1204 : memref<1x64x128xf32, #tpu.memory_space<vmem>> -> memref<64x128xf32, #tpu.memory_space<vmem>>
    %dma_wait3A_1206 = arith.constant 0 : i32
    %dma_wait3A_1207 = tpu.memref_slice %arg7[%dma_wait3A_1199, %dma_wait3A_1206] : memref<10x64xi32, #tpu.memory_space<vmem>> -> memref<1x64xi32, #tpu.memory_space<vmem>>
    %dma_wait3A_1208 = tpu.memref_squeeze %dma_wait3A_1207 : memref<1x64xi32, #tpu.memory_space<vmem>> -> memref<64xi32, #tpu.memory_space<vmem>>
    %dma_wait3A_1209 = arith.constant 0 : i32
    %dma_wait3A_1210 = arith.constant 0 : i32
    %dma_wait3A_1211 = tpu.memref_slice %arg3[%dma_wait3A_1209, %dma_wait3A_1210] : memref<10000x128xf32, #tpu.memory_space<hbm>> -> memref<10000x128xf32, #tpu.memory_space<hbm>>
    %dma_wait3A_1212 = tpu.memref_slice %arg13[%dma_wait3A_1201] : memref<24x!tpu.dma_semaphore, #tpu.memory_space<semaphore_mem>> -> memref<1x!tpu.dma_semaphore, #tpu.memory_space<semaphore_mem>>
    %dma_wait3A_1213 = tpu.memref_squeeze %dma_wait3A_1212 : memref<1x!tpu.dma_semaphore, #tpu.memory_space<semaphore_mem>> -> memref<!tpu.dma_semaphore, #tpu.memory_space<semaphore_mem>>
    tpu.wait_indirect_dma semaphore(%dma_wait3A_1213 : memref<!tpu.dma_semaphore, #tpu.memory_space<semaphore_mem>>) src(%dma_wait3A_1211 : memref<10000x128xf32, #tpu.memory_space<hbm>>) dst(%dma_wait3A_1205 : memref<64x128xf32, #tpu.memory_space<vmem>>)
    %dma_start3A_1214 = arith.constant 1 : i32
    %dma_start3A_1215 = arith.constant 6 : i32
    %dma_start3A_1216 = arith.constant 6 : i32
    %dma_start3A_1217 = arith.constant 0 : i32
    %dma_start3A_1218 = arith.constant 0 : i32
    %dma_start3A_1219 = tpu.memref_slice %arg9[%dma_start3A_1214, %dma_start3A_1217, %dma_start3A_1218] : memref<5x64x128xf32, #tpu.memory_space<vmem>> -> memref<1x64x128xf32, #tpu.memory_space<vmem>>
    %dma_start3A_1220 = tpu.memref_squeeze %dma_start3A_1219 : memref<1x64x128xf32, #tpu.memory_space<vmem>> -> memref<64x128xf32, #tpu.memory_space<vmem>>
    %dma_start3A_1221 = arith.constant 0 : i32
    %dma_start3A_1222 = tpu.memref_slice %arg8[%dma_start3A_1215, %dma_start3A_1221] : memref<10x64xi32, #tpu.memory_space<vmem>> -> memref<1x64xi32, #tpu.memory_space<vmem>>
    %dma_start3A_1223 = tpu.memref_squeeze %dma_start3A_1222 : memref<1x64xi32, #tpu.memory_space<vmem>> -> memref<64xi32, #tpu.memory_space<vmem>>
    %dma_start3A_1224 = arith.constant 0 : i32
    %dma_start3A_1225 = arith.constant 0 : i32
    %dma_start3A_1226 = tpu.memref_slice %arg6[%dma_start3A_1224, %dma_start3A_1225] : memref<10000x128xf32, #tpu.memory_space<vmem_shared>> -> memref<10000x128xf32, #tpu.memory_space<vmem_shared>>
    %dma_start3A_1227 = tpu.memref_slice %arg13[%dma_start3A_1216] : memref<24x!tpu.dma_semaphore, #tpu.memory_space<semaphore_mem>> -> memref<1x!tpu.dma_semaphore, #tpu.memory_space<semaphore_mem>>
    %dma_start3A_1228 = tpu.memref_squeeze %dma_start3A_1227 : memref<1x!tpu.dma_semaphore, #tpu.memory_space<semaphore_mem>> -> memref<!tpu.dma_semaphore, #tpu.memory_space<semaphore_mem>>
    tpu.enqueue_indirect_dma source(%dma_start3A_1220 : memref<64x128xf32, #tpu.memory_space<vmem>>) target(%dma_start3A_1226 : memref<10000x128xf32, #tpu.memory_space<vmem_shared>>) offsets(%dma_start3A_1223 : memref<64xi32, #tpu.memory_space<vmem>>) semaphore(%dma_start3A_1228 : memref<!tpu.dma_semaphore, #tpu.memory_space<semaphore_mem>>) {add = true}
    %dma_wait3A_1229 = arith.constant 0 : i32
    %dma_wait3A_1230 = arith.constant 2 : i32
    %dma_wait3A_1231 = arith.constant 2 : i32
    %dma_wait3A_1232 = arith.constant 0 : i32
    %dma_wait3A_1233 = arith.constant 0 : i32
    %dma_wait3A_1234 = tpu.memref_slice %arg9[%dma_wait3A_1230, %dma_wait3A_1232, %dma_wait3A_1233] : memref<5x64x128xf32, #tpu.memory_space<vmem>> -> memref<1x64x128xf32, #tpu.memory_space<vmem>>
    %dma_wait3A_1235 = tpu.memref_squeeze %dma_wait3A_1234 : memref<1x64x128xf32, #tpu.memory_space<vmem>> -> memref<64x128xf32, #tpu.memory_space<vmem>>
    %dma_wait3A_1236 = arith.constant 0 : i32
    %dma_wait3A_1237 = tpu.memref_slice %arg7[%dma_wait3A_1229, %dma_wait3A_1236] : memref<10x64xi32, #tpu.memory_space<vmem>> -> memref<1x64xi32, #tpu.memory_space<vmem>>
    %dma_wait3A_1238 = tpu.memref_squeeze %dma_wait3A_1237 : memref<1x64xi32, #tpu.memory_space<vmem>> -> memref<64xi32, #tpu.memory_space<vmem>>
    %dma_wait3A_1239 = arith.constant 0 : i32
    %dma_wait3A_1240 = arith.constant 0 : i32
    %dma_wait3A_1241 = tpu.memref_slice %arg3[%dma_wait3A_1239, %dma_wait3A_1240] : memref<10000x128xf32, #tpu.memory_space<hbm>> -> memref<10000x128xf32, #tpu.memory_space<hbm>>
    %dma_wait3A_1242 = tpu.memref_slice %arg13[%dma_wait3A_1231] : memref<24x!tpu.dma_semaphore, #tpu.memory_space<semaphore_mem>> -> memref<1x!tpu.dma_semaphore, #tpu.memory_space<semaphore_mem>>
    %dma_wait3A_1243 = tpu.memref_squeeze %dma_wait3A_1242 : memref<1x!tpu.dma_semaphore, #tpu.memory_space<semaphore_mem>> -> memref<!tpu.dma_semaphore, #tpu.memory_space<semaphore_mem>>
    tpu.wait_indirect_dma semaphore(%dma_wait3A_1243 : memref<!tpu.dma_semaphore, #tpu.memory_space<semaphore_mem>>) src(%dma_wait3A_1241 : memref<10000x128xf32, #tpu.memory_space<hbm>>) dst(%dma_wait3A_1235 : memref<64x128xf32, #tpu.memory_space<vmem>>)
    %dma_start3A_1244 = arith.constant 2 : i32
    %dma_start3A_1245 = arith.constant 7 : i32
    %dma_start3A_1246 = arith.constant 7 : i32
    %dma_start3A_1247 = arith.constant 0 : i32
    %dma_start3A_1248 = arith.constant 0 : i32
    %dma_start3A_1249 = tpu.memref_slice %arg9[%dma_start3A_1244, %dma_start3A_1247, %dma_start3A_1248] : memref<5x64x128xf32, #tpu.memory_space<vmem>> -> memref<1x64x128xf32, #tpu.memory_space<vmem>>
    %dma_start3A_1250 = tpu.memref_squeeze %dma_start3A_1249 : memref<1x64x128xf32, #tpu.memory_space<vmem>> -> memref<64x128xf32, #tpu.memory_space<vmem>>
    %dma_start3A_1251 = arith.constant 0 : i32
    %dma_start3A_1252 = tpu.memref_slice %arg8[%dma_start3A_1245, %dma_start3A_1251] : memref<10x64xi32, #tpu.memory_space<vmem>> -> memref<1x64xi32, #tpu.memory_space<vmem>>
    %dma_start3A_1253 = tpu.memref_squeeze %dma_start3A_1252 : memref<1x64xi32, #tpu.memory_space<vmem>> -> memref<64xi32, #tpu.memory_space<vmem>>
    %dma_start3A_1254 = arith.constant 0 : i32
    %dma_start3A_1255 = arith.constant 0 : i32
    %dma_start3A_1256 = tpu.memref_slice %arg6[%dma_start3A_1254, %dma_start3A_1255] : memref<10000x128xf32, #tpu.memory_space<vmem_shared>> -> memref<10000x128xf32, #tpu.memory_space<vmem_shared>>
    %dma_start3A_1257 = tpu.memref_slice %arg13[%dma_start3A_1246] : memref<24x!tpu.dma_semaphore, #tpu.memory_space<semaphore_mem>> -> memref<1x!tpu.dma_semaphore, #tpu.memory_space<semaphore_mem>>
    %dma_start3A_1258 = tpu.memref_squeeze %dma_start3A_1257 : memref<1x!tpu.dma_semaphore, #tpu.memory_space<semaphore_mem>> -> memref<!tpu.dma_semaphore, #tpu.memory_space<semaphore_mem>>
    tpu.enqueue_indirect_dma source(%dma_start3A_1250 : memref<64x128xf32, #tpu.memory_space<vmem>>) target(%dma_start3A_1256 : memref<10000x128xf32, #tpu.memory_space<vmem_shared>>) offsets(%dma_start3A_1253 : memref<64xi32, #tpu.memory_space<vmem>>) semaphore(%dma_start3A_1258 : memref<!tpu.dma_semaphore, #tpu.memory_space<semaphore_mem>>) {add = true}
    %dma_wait3A_1259 = arith.constant 0 : i32
    %dma_wait3A_1260 = arith.constant 3 : i32
    %dma_wait3A_1261 = arith.constant 3 : i32
    %dma_wait3A_1262 = arith.constant 0 : i32
    %dma_wait3A_1263 = arith.constant 0 : i32
    %dma_wait3A_1264 = tpu.memref_slice %arg9[%dma_wait3A_1260, %dma_wait3A_1262, %dma_wait3A_1263] : memref<5x64x128xf32, #tpu.memory_space<vmem>> -> memref<1x64x128xf32, #tpu.memory_space<vmem>>
    %dma_wait3A_1265 = tpu.memref_squeeze %dma_wait3A_1264 : memref<1x64x128xf32, #tpu.memory_space<vmem>> -> memref<64x128xf32, #tpu.memory_space<vmem>>
    %dma_wait3A_1266 = arith.constant 0 : i32
    %dma_wait3A_1267 = tpu.memref_slice %arg7[%dma_wait3A_1259, %dma_wait3A_1266] : memref<10x64xi32, #tpu.memory_space<vmem>> -> memref<1x64xi32, #tpu.memory_space<vmem>>
    %dma_wait3A_1268 = tpu.memref_squeeze %dma_wait3A_1267 : memref<1x64xi32, #tpu.memory_space<vmem>> -> memref<64xi32, #tpu.memory_space<vmem>>
    %dma_wait3A_1269 = arith.constant 0 : i32
    %dma_wait3A_1270 = arith.constant 0 : i32
    %dma_wait3A_1271 = tpu.memref_slice %arg3[%dma_wait3A_1269, %dma_wait3A_1270] : memref<10000x128xf32, #tpu.memory_space<hbm>> -> memref<10000x128xf32, #tpu.memory_space<hbm>>
    %dma_wait3A_1272 = tpu.memref_slice %arg13[%dma_wait3A_1261] : memref<24x!tpu.dma_semaphore, #tpu.memory_space<semaphore_mem>> -> memref<1x!tpu.dma_semaphore, #tpu.memory_space<semaphore_mem>>
    %dma_wait3A_1273 = tpu.memref_squeeze %dma_wait3A_1272 : memref<1x!tpu.dma_semaphore, #tpu.memory_space<semaphore_mem>> -> memref<!tpu.dma_semaphore, #tpu.memory_space<semaphore_mem>>
    tpu.wait_indirect_dma semaphore(%dma_wait3A_1273 : memref<!tpu.dma_semaphore, #tpu.memory_space<semaphore_mem>>) src(%dma_wait3A_1271 : memref<10000x128xf32, #tpu.memory_space<hbm>>) dst(%dma_wait3A_1265 : memref<64x128xf32, #tpu.memory_space<vmem>>)
    %dma_start3A_1274 = arith.constant 3 : i32
    %dma_start3A_1275 = arith.constant 8 : i32
    %dma_start3A_1276 = arith.constant 8 : i32
    %dma_start3A_1277 = arith.constant 0 : i32
    %dma_start3A_1278 = arith.constant 0 : i32
    %dma_start3A_1279 = tpu.memref_slice %arg9[%dma_start3A_1274, %dma_start3A_1277, %dma_start3A_1278] : memref<5x64x128xf32, #tpu.memory_space<vmem>> -> memref<1x64x128xf32, #tpu.memory_space<vmem>>
    %dma_start3A_1280 = tpu.memref_squeeze %dma_start3A_1279 : memref<1x64x128xf32, #tpu.memory_space<vmem>> -> memref<64x128xf32, #tpu.memory_space<vmem>>
    %dma_start3A_1281 = arith.constant 0 : i32
    %dma_start3A_1282 = tpu.memref_slice %arg8[%dma_start3A_1275, %dma_start3A_1281] : memref<10x64xi32, #tpu.memory_space<vmem>> -> memref<1x64xi32, #tpu.memory_space<vmem>>
    %dma_start3A_1283 = tpu.memref_squeeze %dma_start3A_1282 : memref<1x64xi32, #tpu.memory_space<vmem>> -> memref<64xi32, #tpu.memory_space<vmem>>
    %dma_start3A_1284 = arith.constant 0 : i32
    %dma_start3A_1285 = arith.constant 0 : i32
    %dma_start3A_1286 = tpu.memref_slice %arg6[%dma_start3A_1284, %dma_start3A_1285] : memref<10000x128xf32, #tpu.memory_space<vmem_shared>> -> memref<10000x128xf32, #tpu.memory_space<vmem_shared>>
    %dma_start3A_1287 = tpu.memref_slice %arg13[%dma_start3A_1276] : memref<24x!tpu.dma_semaphore, #tpu.memory_space<semaphore_mem>> -> memref<1x!tpu.dma_semaphore, #tpu.memory_space<semaphore_mem>>
    %dma_start3A_1288 = tpu.memref_squeeze %dma_start3A_1287 : memref<1x!tpu.dma_semaphore, #tpu.memory_space<semaphore_mem>> -> memref<!tpu.dma_semaphore, #tpu.memory_space<semaphore_mem>>
    tpu.enqueue_indirect_dma source(%dma_start3A_1280 : memref<64x128xf32, #tpu.memory_space<vmem>>) target(%dma_start3A_1286 : memref<10000x128xf32, #tpu.memory_space<vmem_shared>>) offsets(%dma_start3A_1283 : memref<64xi32, #tpu.memory_space<vmem>>) semaphore(%dma_start3A_1288 : memref<!tpu.dma_semaphore, #tpu.memory_space<semaphore_mem>>) {add = true}
    %dma_wait3A_1289 = arith.constant 0 : i32
    %dma_wait3A_1290 = arith.constant 4 : i32
    %dma_wait3A_1291 = arith.constant 4 : i32
    %dma_wait3A_1292 = arith.constant 0 : i32
    %dma_wait3A_1293 = arith.constant 0 : i32
    %dma_wait3A_1294 = tpu.memref_slice %arg9[%dma_wait3A_1290, %dma_wait3A_1292, %dma_wait3A_1293] : memref<5x64x128xf32, #tpu.memory_space<vmem>> -> memref<1x64x128xf32, #tpu.memory_space<vmem>>
    %dma_wait3A_1295 = tpu.memref_squeeze %dma_wait3A_1294 : memref<1x64x128xf32, #tpu.memory_space<vmem>> -> memref<64x128xf32, #tpu.memory_space<vmem>>
    %dma_wait3A_1296 = arith.constant 0 : i32
    %dma_wait3A_1297 = tpu.memref_slice %arg7[%dma_wait3A_1289, %dma_wait3A_1296] : memref<10x64xi32, #tpu.memory_space<vmem>> -> memref<1x64xi32, #tpu.memory_space<vmem>>
    %dma_wait3A_1298 = tpu.memref_squeeze %dma_wait3A_1297 : memref<1x64xi32, #tpu.memory_space<vmem>> -> memref<64xi32, #tpu.memory_space<vmem>>
    %dma_wait3A_1299 = arith.constant 0 : i32
    %dma_wait3A_1300 = arith.constant 0 : i32
    %dma_wait3A_1301 = tpu.memref_slice %arg3[%dma_wait3A_1299, %dma_wait3A_1300] : memref<10000x128xf32, #tpu.memory_space<hbm>> -> memref<10000x128xf32, #tpu.memory_space<hbm>>
    %dma_wait3A_1302 = tpu.memref_slice %arg13[%dma_wait3A_1291] : memref<24x!tpu.dma_semaphore, #tpu.memory_space<semaphore_mem>> -> memref<1x!tpu.dma_semaphore, #tpu.memory_space<semaphore_mem>>
    %dma_wait3A_1303 = tpu.memref_squeeze %dma_wait3A_1302 : memref<1x!tpu.dma_semaphore, #tpu.memory_space<semaphore_mem>> -> memref<!tpu.dma_semaphore, #tpu.memory_space<semaphore_mem>>
    tpu.wait_indirect_dma semaphore(%dma_wait3A_1303 : memref<!tpu.dma_semaphore, #tpu.memory_space<semaphore_mem>>) src(%dma_wait3A_1301 : memref<10000x128xf32, #tpu.memory_space<hbm>>) dst(%dma_wait3A_1295 : memref<64x128xf32, #tpu.memory_space<vmem>>)
    %dma_start3A_1304 = arith.constant 4 : i32
    %dma_start3A_1305 = arith.constant 9 : i32
    %dma_start3A_1306 = arith.constant 9 : i32
    %dma_start3A_1307 = arith.constant 0 : i32
    %dma_start3A_1308 = arith.constant 0 : i32
    %dma_start3A_1309 = tpu.memref_slice %arg9[%dma_start3A_1304, %dma_start3A_1307, %dma_start3A_1308] : memref<5x64x128xf32, #tpu.memory_space<vmem>> -> memref<1x64x128xf32, #tpu.memory_space<vmem>>
    %dma_start3A_1310 = tpu.memref_squeeze %dma_start3A_1309 : memref<1x64x128xf32, #tpu.memory_space<vmem>> -> memref<64x128xf32, #tpu.memory_space<vmem>>
    %dma_start3A_1311 = arith.constant 0 : i32
    %dma_start3A_1312 = tpu.memref_slice %arg8[%dma_start3A_1305, %dma_start3A_1311] : memref<10x64xi32, #tpu.memory_space<vmem>> -> memref<1x64xi32, #tpu.memory_space<vmem>>
    %dma_start3A_1313 = tpu.memref_squeeze %dma_start3A_1312 : memref<1x64xi32, #tpu.memory_space<vmem>> -> memref<64xi32, #tpu.memory_space<vmem>>
    %dma_start3A_1314 = arith.constant 0 : i32
    %dma_start3A_1315 = arith.constant 0 : i32
    %dma_start3A_1316 = tpu.memref_slice %arg6[%dma_start3A_1314, %dma_start3A_1315] : memref<10000x128xf32, #tpu.memory_space<vmem_shared>> -> memref<10000x128xf32, #tpu.memory_space<vmem_shared>>
    %dma_start3A_1317 = tpu.memref_slice %arg13[%dma_start3A_1306] : memref<24x!tpu.dma_semaphore, #tpu.memory_space<semaphore_mem>> -> memref<1x!tpu.dma_semaphore, #tpu.memory_space<semaphore_mem>>
    %dma_start3A_1318 = tpu.memref_squeeze %dma_start3A_1317 : memref<1x!tpu.dma_semaphore, #tpu.memory_space<semaphore_mem>> -> memref<!tpu.dma_semaphore, #tpu.memory_space<semaphore_mem>>
    tpu.enqueue_indirect_dma source(%dma_start3A_1310 : memref<64x128xf32, #tpu.memory_space<vmem>>) target(%dma_start3A_1316 : memref<10000x128xf32, #tpu.memory_space<vmem_shared>>) offsets(%dma_start3A_1313 : memref<64xi32, #tpu.memory_space<vmem>>) semaphore(%dma_start3A_1318 : memref<!tpu.dma_semaphore, #tpu.memory_space<semaphore_mem>>) {add = true}
    %dma_wait3A_1319 = arith.constant 0 : i32
    %dma_wait3A_1320 = arith.constant 0 : i32
    %dma_wait3A_1321 = arith.constant 5 : i32
    %dma_wait3A_1322 = arith.constant 0 : i32
    %dma_wait3A_1323 = arith.constant 0 : i32
    %dma_wait3A_1324 = tpu.memref_slice %arg9[%dma_wait3A_1319, %dma_wait3A_1322, %dma_wait3A_1323] : memref<5x64x128xf32, #tpu.memory_space<vmem>> -> memref<1x64x128xf32, #tpu.memory_space<vmem>>
    %dma_wait3A_1325 = tpu.memref_squeeze %dma_wait3A_1324 : memref<1x64x128xf32, #tpu.memory_space<vmem>> -> memref<64x128xf32, #tpu.memory_space<vmem>>
    %dma_wait3A_1326 = arith.constant 0 : i32
    %dma_wait3A_1327 = tpu.memref_slice %arg8[%dma_wait3A_1320, %dma_wait3A_1326] : memref<10x64xi32, #tpu.memory_space<vmem>> -> memref<1x64xi32, #tpu.memory_space<vmem>>
    %dma_wait3A_1328 = tpu.memref_squeeze %dma_wait3A_1327 : memref<1x64xi32, #tpu.memory_space<vmem>> -> memref<64xi32, #tpu.memory_space<vmem>>
    %dma_wait3A_1329 = arith.constant 0 : i32
    %dma_wait3A_1330 = arith.constant 0 : i32
    %dma_wait3A_1331 = tpu.memref_slice %arg6[%dma_wait3A_1329, %dma_wait3A_1330] : memref<10000x128xf32, #tpu.memory_space<vmem_shared>> -> memref<10000x128xf32, #tpu.memory_space<vmem_shared>>
    %dma_wait3A_1332 = tpu.memref_slice %arg13[%dma_wait3A_1321] : memref<24x!tpu.dma_semaphore, #tpu.memory_space<semaphore_mem>> -> memref<1x!tpu.dma_semaphore, #tpu.memory_space<semaphore_mem>>
    %dma_wait3A_1333 = tpu.memref_squeeze %dma_wait3A_1332 : memref<1x!tpu.dma_semaphore, #tpu.memory_space<semaphore_mem>> -> memref<!tpu.dma_semaphore, #tpu.memory_space<semaphore_mem>>
    tpu.wait_indirect_dma semaphore(%dma_wait3A_1333 : memref<!tpu.dma_semaphore, #tpu.memory_space<semaphore_mem>>) src(%dma_wait3A_1325 : memref<64x128xf32, #tpu.memory_space<vmem>>) dst(%dma_wait3A_1331 : memref<10000x128xf32, #tpu.memory_space<vmem_shared>>)
    %add3A_1334 = arith.constant 9920 : i32
    %add3A_1335 = arith.addi %mul3A_2, %add3A_1334 : i32
    %multiple_of3A_1336 = tpu.assume_multiple %add3A_1335, 8 : i32
    %add3A_1337 = arith.constant 320000 : i32
    %add3A_1338 = arith.addi %add3A_1337, %mul3A_2 : i32
    %add3A_1339 = arith.constant 9920 : i32
    %add3A_1340 = arith.addi %add3A_1338, %add3A_1339 : i32
    %multiple_of3A_1341 = tpu.assume_multiple %add3A_1340, 8 : i32
    %dma_start3A_1342 = arith.constant 5 : i32
    %dma_start3A_1343 = arith.constant 15 : i32
    %dma_start3A_1344 = arith.constant 0 : i32
    %dma_start3A_1345 = tpu.memref_slice %arg7[%dma_start3A_1342, %dma_start3A_1344] : memref<10x64xi32, #tpu.memory_space<vmem>> -> memref<1x64xi32, #tpu.memory_space<vmem>>
    %dma_start3A_1346 = tpu.memref_squeeze %dma_start3A_1345 : memref<1x64xi32, #tpu.memory_space<vmem>> -> memref<64xi32, #tpu.memory_space<vmem>>
    %dma_start3A_1347 = tpu.memref_slice %arg2[%multiple_of3A_1336] : memref<640000xi32, #tpu.memory_space<hbm>> -> memref<64xi32, #tpu.memory_space<hbm>>
    %dma_start3A_1348 = tpu.memref_slice %arg13[%dma_start3A_1343] : memref<24x!tpu.dma_semaphore, #tpu.memory_space<semaphore_mem>> -> memref<1x!tpu.dma_semaphore, #tpu.memory_space<semaphore_mem>>
    %dma_start3A_1349 = tpu.memref_squeeze %dma_start3A_1348 : memref<1x!tpu.dma_semaphore, #tpu.memory_space<semaphore_mem>> -> memref<!tpu.dma_semaphore, #tpu.memory_space<semaphore_mem>>
    %dma_start3A_1350 = arith.constant 0 : i32
    %dma_start3A_1351 = tpu.memref_slice %arg7[%dma_start3A_1342, %dma_start3A_1350] : memref<10x64xi32, #tpu.memory_space<vmem>> -> memref<1x64xi32, #tpu.memory_space<vmem>>
    %dma_start3A_1352 = tpu.memref_squeeze %dma_start3A_1351 : memref<1x64xi32, #tpu.memory_space<vmem>> -> memref<64xi32, #tpu.memory_space<vmem>>
    %dma_start3A_1353 = tpu.memref_slice %arg2[%multiple_of3A_1336] : memref<640000xi32, #tpu.memory_space<hbm>> -> memref<64xi32, #tpu.memory_space<hbm>>
    tpu.enqueue_dma source(%dma_start3A_1353 : memref<64xi32, #tpu.memory_space<hbm>>) target(%dma_start3A_1352 : memref<64xi32, #tpu.memory_space<vmem>>) target_semaphore(%dma_start3A_1349 : memref<!tpu.dma_semaphore, #tpu.memory_space<semaphore_mem>>)
    %dma_start3A_1354 = arith.constant 5 : i32
    %dma_start3A_1355 = arith.constant 15 : i32
    %dma_start3A_1356 = arith.constant 0 : i32
    %dma_start3A_1357 = tpu.memref_slice %arg8[%dma_start3A_1354, %dma_start3A_1356] : memref<10x64xi32, #tpu.memory_space<vmem>> -> memref<1x64xi32, #tpu.memory_space<vmem>>
    %dma_start3A_1358 = tpu.memref_squeeze %dma_start3A_1357 : memref<1x64xi32, #tpu.memory_space<vmem>> -> memref<64xi32, #tpu.memory_space<vmem>>
    %dma_start3A_1359 = tpu.memref_slice %arg2[%multiple_of3A_1341] : memref<640000xi32, #tpu.memory_space<hbm>> -> memref<64xi32, #tpu.memory_space<hbm>>
    %dma_start3A_1360 = tpu.memref_slice %arg13[%dma_start3A_1355] : memref<24x!tpu.dma_semaphore, #tpu.memory_space<semaphore_mem>> -> memref<1x!tpu.dma_semaphore, #tpu.memory_space<semaphore_mem>>
    %dma_start3A_1361 = tpu.memref_squeeze %dma_start3A_1360 : memref<1x!tpu.dma_semaphore, #tpu.memory_space<semaphore_mem>> -> memref<!tpu.dma_semaphore, #tpu.memory_space<semaphore_mem>>
    %dma_start3A_1362 = arith.constant 0 : i32
    %dma_start3A_1363 = tpu.memref_slice %arg8[%dma_start3A_1354, %dma_start3A_1362] : memref<10x64xi32, #tpu.memory_space<vmem>> -> memref<1x64xi32, #tpu.memory_space<vmem>>
    %dma_start3A_1364 = tpu.memref_squeeze %dma_start3A_1363 : memref<1x64xi32, #tpu.memory_space<vmem>> -> memref<64xi32, #tpu.memory_space<vmem>>
    %dma_start3A_1365 = tpu.memref_slice %arg2[%multiple_of3A_1341] : memref<640000xi32, #tpu.memory_space<hbm>> -> memref<64xi32, #tpu.memory_space<hbm>>
    tpu.enqueue_dma source(%dma_start3A_1365 : memref<64xi32, #tpu.memory_space<hbm>>) target(%dma_start3A_1364 : memref<64xi32, #tpu.memory_space<vmem>>) target_semaphore(%dma_start3A_1361 : memref<!tpu.dma_semaphore, #tpu.memory_space<semaphore_mem>>)
    %dma_wait3A_1366 = arith.constant 0 : i32
    %dma_wait3A_1367 = arith.constant 10 : i32
    %dma_wait3A_1368 = arith.constant 0 : i32
    %dma_wait3A_1369 = tpu.memref_slice %arg7[%dma_wait3A_1366, %dma_wait3A_1368] : memref<10x64xi32, #tpu.memory_space<vmem>> -> memref<1x64xi32, #tpu.memory_space<vmem>>
    %dma_wait3A_1370 = tpu.memref_squeeze %dma_wait3A_1369 : memref<1x64xi32, #tpu.memory_space<vmem>> -> memref<64xi32, #tpu.memory_space<vmem>>
    %dma_wait3A_1371 = arith.constant 0 : i32
    %dma_wait3A_1372 = tpu.memref_slice %arg2[%dma_wait3A_1371] : memref<640000xi32, #tpu.memory_space<hbm>> -> memref<64xi32, #tpu.memory_space<hbm>>
    %dma_wait3A_1373 = tpu.memref_slice %arg13[%dma_wait3A_1367] : memref<24x!tpu.dma_semaphore, #tpu.memory_space<semaphore_mem>> -> memref<1x!tpu.dma_semaphore, #tpu.memory_space<semaphore_mem>>
    %dma_wait3A_1374 = tpu.memref_squeeze %dma_wait3A_1373 : memref<1x!tpu.dma_semaphore, #tpu.memory_space<semaphore_mem>> -> memref<!tpu.dma_semaphore, #tpu.memory_space<semaphore_mem>>
    %dma_wait3A_1375 = arith.constant 0 : i32
    %dma_wait3A_1376 = tpu.memref_slice %arg7[%dma_wait3A_1366, %dma_wait3A_1375] : memref<10x64xi32, #tpu.memory_space<vmem>> -> memref<1x64xi32, #tpu.memory_space<vmem>>
    %dma_wait3A_1377 = tpu.memref_squeeze %dma_wait3A_1376 : memref<1x64xi32, #tpu.memory_space<vmem>> -> memref<64xi32, #tpu.memory_space<vmem>>
    %dma_wait3A_1378 = arith.constant 0 : i32
    %dma_wait3A_1379 = tpu.memref_slice %arg2[%dma_wait3A_1378] : memref<640000xi32, #tpu.memory_space<hbm>> -> memref<64xi32, #tpu.memory_space<hbm>>
    tpu.wait_dma2 semaphore(%dma_wait3A_1374 : memref<!tpu.dma_semaphore, #tpu.memory_space<semaphore_mem>>) src(%dma_wait3A_1379 : memref<64xi32, #tpu.memory_space<hbm>>) dst(%dma_wait3A_1377 : memref<64xi32, #tpu.memory_space<vmem>>)
    %dma_wait3A_1380 = arith.constant 0 : i32
    %dma_wait3A_1381 = arith.constant 10 : i32
    %dma_wait3A_1382 = arith.constant 0 : i32
    %dma_wait3A_1383 = tpu.memref_slice %arg8[%dma_wait3A_1380, %dma_wait3A_1382] : memref<10x64xi32, #tpu.memory_space<vmem>> -> memref<1x64xi32, #tpu.memory_space<vmem>>
    %dma_wait3A_1384 = tpu.memref_squeeze %dma_wait3A_1383 : memref<1x64xi32, #tpu.memory_space<vmem>> -> memref<64xi32, #tpu.memory_space<vmem>>
    %dma_wait3A_1385 = arith.constant 0 : i32
    %dma_wait3A_1386 = tpu.memref_slice %arg2[%dma_wait3A_1385] : memref<640000xi32, #tpu.memory_space<hbm>> -> memref<64xi32, #tpu.memory_space<hbm>>
    %dma_wait3A_1387 = tpu.memref_slice %arg13[%dma_wait3A_1381] : memref<24x!tpu.dma_semaphore, #tpu.memory_space<semaphore_mem>> -> memref<1x!tpu.dma_semaphore, #tpu.memory_space<semaphore_mem>>
    %dma_wait3A_1388 = tpu.memref_squeeze %dma_wait3A_1387 : memref<1x!tpu.dma_semaphore, #tpu.memory_space<semaphore_mem>> -> memref<!tpu.dma_semaphore, #tpu.memory_space<semaphore_mem>>
    %dma_wait3A_1389 = arith.constant 0 : i32
    %dma_wait3A_1390 = tpu.memref_slice %arg8[%dma_wait3A_1380, %dma_wait3A_1389] : memref<10x64xi32, #tpu.memory_space<vmem>> -> memref<1x64xi32, #tpu.memory_space<vmem>>
    %dma_wait3A_1391 = tpu.memref_squeeze %dma_wait3A_1390 : memref<1x64xi32, #tpu.memory_space<vmem>> -> memref<64xi32, #tpu.memory_space<vmem>>
    %dma_wait3A_1392 = arith.constant 0 : i32
    %dma_wait3A_1393 = tpu.memref_slice %arg2[%dma_wait3A_1392] : memref<640000xi32, #tpu.memory_space<hbm>> -> memref<64xi32, #tpu.memory_space<hbm>>
    tpu.wait_dma2 semaphore(%dma_wait3A_1388 : memref<!tpu.dma_semaphore, #tpu.memory_space<semaphore_mem>>) src(%dma_wait3A_1393 : memref<64xi32, #tpu.memory_space<hbm>>) dst(%dma_wait3A_1391 : memref<64xi32, #tpu.memory_space<vmem>>)
    %dma_start3A_1394 = arith.constant 0 : i32
    %dma_start3A_1395 = arith.constant 0 : i32
    %dma_start3A_1396 = arith.constant 0 : i32
    %dma_start3A_1397 = arith.constant 0 : i32
    %dma_start3A_1398 = arith.constant 0 : i32
    %dma_start3A_1399 = tpu.memref_slice %arg9[%dma_start3A_1395, %dma_start3A_1397, %dma_start3A_1398] : memref<5x64x128xf32, #tpu.memory_space<vmem>> -> memref<1x64x128xf32, #tpu.memory_space<vmem>>
    %dma_start3A_1400 = tpu.memref_squeeze %dma_start3A_1399 : memref<1x64x128xf32, #tpu.memory_space<vmem>> -> memref<64x128xf32, #tpu.memory_space<vmem>>
    %dma_start3A_1401 = arith.constant 0 : i32
    %dma_start3A_1402 = tpu.memref_slice %arg7[%dma_start3A_1394, %dma_start3A_1401] : memref<10x64xi32, #tpu.memory_space<vmem>> -> memref<1x64xi32, #tpu.memory_space<vmem>>
    %dma_start3A_1403 = tpu.memref_squeeze %dma_start3A_1402 : memref<1x64xi32, #tpu.memory_space<vmem>> -> memref<64xi32, #tpu.memory_space<vmem>>
    %dma_start3A_1404 = arith.constant 0 : i32
    %dma_start3A_1405 = arith.constant 0 : i32
    %dma_start3A_1406 = tpu.memref_slice %arg3[%dma_start3A_1404, %dma_start3A_1405] : memref<10000x128xf32, #tpu.memory_space<hbm>> -> memref<10000x128xf32, #tpu.memory_space<hbm>>
    %dma_start3A_1407 = tpu.memref_slice %arg13[%dma_start3A_1396] : memref<24x!tpu.dma_semaphore, #tpu.memory_space<semaphore_mem>> -> memref<1x!tpu.dma_semaphore, #tpu.memory_space<semaphore_mem>>
    %dma_start3A_1408 = tpu.memref_squeeze %dma_start3A_1407 : memref<1x!tpu.dma_semaphore, #tpu.memory_space<semaphore_mem>> -> memref<!tpu.dma_semaphore, #tpu.memory_space<semaphore_mem>>
    tpu.enqueue_indirect_dma source(%dma_start3A_1406 : memref<10000x128xf32, #tpu.memory_space<hbm>>) target(%dma_start3A_1400 : memref<64x128xf32, #tpu.memory_space<vmem>>) offsets(%dma_start3A_1403 : memref<64xi32, #tpu.memory_space<vmem>>) semaphore(%dma_start3A_1408 : memref<!tpu.dma_semaphore, #tpu.memory_space<semaphore_mem>>)
    %dma_wait3A_1409 = arith.constant 1 : i32
    %dma_wait3A_1410 = arith.constant 0 : i32
    %dma_wait3A_1411 = arith.constant 6 : i32
    %dma_wait3A_1412 = arith.constant 0 : i32
    %dma_wait3A_1413 = arith.constant 0 : i32
    %dma_wait3A_1414 = tpu.memref_slice %arg9[%dma_wait3A_1409, %dma_wait3A_1412, %dma_wait3A_1413] : memref<5x64x128xf32, #tpu.memory_space<vmem>> -> memref<1x64x128xf32, #tpu.memory_space<vmem>>
    %dma_wait3A_1415 = tpu.memref_squeeze %dma_wait3A_1414 : memref<1x64x128xf32, #tpu.memory_space<vmem>> -> memref<64x128xf32, #tpu.memory_space<vmem>>
    %dma_wait3A_1416 = arith.constant 0 : i32
    %dma_wait3A_1417 = tpu.memref_slice %arg8[%dma_wait3A_1410, %dma_wait3A_1416] : memref<10x64xi32, #tpu.memory_space<vmem>> -> memref<1x64xi32, #tpu.memory_space<vmem>>
    %dma_wait3A_1418 = tpu.memref_squeeze %dma_wait3A_1417 : memref<1x64xi32, #tpu.memory_space<vmem>> -> memref<64xi32, #tpu.memory_space<vmem>>
    %dma_wait3A_1419 = arith.constant 0 : i32
    %dma_wait3A_1420 = arith.constant 0 : i32
    %dma_wait3A_1421 = tpu.memref_slice %arg6[%dma_wait3A_1419, %dma_wait3A_1420] : memref<10000x128xf32, #tpu.memory_space<vmem_shared>> -> memref<10000x128xf32, #tpu.memory_space<vmem_shared>>
    %dma_wait3A_1422 = tpu.memref_slice %arg13[%dma_wait3A_1411] : memref<24x!tpu.dma_semaphore, #tpu.memory_space<semaphore_mem>> -> memref<1x!tpu.dma_semaphore, #tpu.memory_space<semaphore_mem>>
    %dma_wait3A_1423 = tpu.memref_squeeze %dma_wait3A_1422 : memref<1x!tpu.dma_semaphore, #tpu.memory_space<semaphore_mem>> -> memref<!tpu.dma_semaphore, #tpu.memory_space<semaphore_mem>>
    tpu.wait_indirect_dma semaphore(%dma_wait3A_1423 : memref<!tpu.dma_semaphore, #tpu.memory_space<semaphore_mem>>) src(%dma_wait3A_1415 : memref<64x128xf32, #tpu.memory_space<vmem>>) dst(%dma_wait3A_1421 : memref<10000x128xf32, #tpu.memory_space<vmem_shared>>)
    %dma_wait3A_1424 = arith.constant 1 : i32
    %dma_wait3A_1425 = arith.constant 11 : i32
    %dma_wait3A_1426 = arith.constant 0 : i32
    %dma_wait3A_1427 = tpu.memref_slice %arg7[%dma_wait3A_1424, %dma_wait3A_1426] : memref<10x64xi32, #tpu.memory_space<vmem>> -> memref<1x64xi32, #tpu.memory_space<vmem>>
    %dma_wait3A_1428 = tpu.memref_squeeze %dma_wait3A_1427 : memref<1x64xi32, #tpu.memory_space<vmem>> -> memref<64xi32, #tpu.memory_space<vmem>>
    %dma_wait3A_1429 = arith.constant 0 : i32
    %dma_wait3A_1430 = tpu.memref_slice %arg2[%dma_wait3A_1429] : memref<640000xi32, #tpu.memory_space<hbm>> -> memref<64xi32, #tpu.memory_space<hbm>>
    %dma_wait3A_1431 = tpu.memref_slice %arg13[%dma_wait3A_1425] : memref<24x!tpu.dma_semaphore, #tpu.memory_space<semaphore_mem>> -> memref<1x!tpu.dma_semaphore, #tpu.memory_space<semaphore_mem>>
    %dma_wait3A_1432 = tpu.memref_squeeze %dma_wait3A_1431 : memref<1x!tpu.dma_semaphore, #tpu.memory_space<semaphore_mem>> -> memref<!tpu.dma_semaphore, #tpu.memory_space<semaphore_mem>>
    %dma_wait3A_1433 = arith.constant 0 : i32
    %dma_wait3A_1434 = tpu.memref_slice %arg7[%dma_wait3A_1424, %dma_wait3A_1433] : memref<10x64xi32, #tpu.memory_space<vmem>> -> memref<1x64xi32, #tpu.memory_space<vmem>>
    %dma_wait3A_1435 = tpu.memref_squeeze %dma_wait3A_1434 : memref<1x64xi32, #tpu.memory_space<vmem>> -> memref<64xi32, #tpu.memory_space<vmem>>
    %dma_wait3A_1436 = arith.constant 0 : i32
    %dma_wait3A_1437 = tpu.memref_slice %arg2[%dma_wait3A_1436] : memref<640000xi32, #tpu.memory_space<hbm>> -> memref<64xi32, #tpu.memory_space<hbm>>
    tpu.wait_dma2 semaphore(%dma_wait3A_1432 : memref<!tpu.dma_semaphore, #tpu.memory_space<semaphore_mem>>) src(%dma_wait3A_1437 : memref<64xi32, #tpu.memory_space<hbm>>) dst(%dma_wait3A_1435 : memref<64xi32, #tpu.memory_space<vmem>>)
    %dma_wait3A_1438 = arith.constant 1 : i32
    %dma_wait3A_1439 = arith.constant 11 : i32
    %dma_wait3A_1440 = arith.constant 0 : i32
    %dma_wait3A_1441 = tpu.memref_slice %arg8[%dma_wait3A_1438, %dma_wait3A_1440] : memref<10x64xi32, #tpu.memory_space<vmem>> -> memref<1x64xi32, #tpu.memory_space<vmem>>
    %dma_wait3A_1442 = tpu.memref_squeeze %dma_wait3A_1441 : memref<1x64xi32, #tpu.memory_space<vmem>> -> memref<64xi32, #tpu.memory_space<vmem>>
    %dma_wait3A_1443 = arith.constant 0 : i32
    %dma_wait3A_1444 = tpu.memref_slice %arg2[%dma_wait3A_1443] : memref<640000xi32, #tpu.memory_space<hbm>> -> memref<64xi32, #tpu.memory_space<hbm>>
    %dma_wait3A_1445 = tpu.memref_slice %arg13[%dma_wait3A_1439] : memref<24x!tpu.dma_semaphore, #tpu.memory_space<semaphore_mem>> -> memref<1x!tpu.dma_semaphore, #tpu.memory_space<semaphore_mem>>
    %dma_wait3A_1446 = tpu.memref_squeeze %dma_wait3A_1445 : memref<1x!tpu.dma_semaphore, #tpu.memory_space<semaphore_mem>> -> memref<!tpu.dma_semaphore, #tpu.memory_space<semaphore_mem>>
    %dma_wait3A_1447 = arith.constant 0 : i32
    %dma_wait3A_1448 = tpu.memref_slice %arg8[%dma_wait3A_1438, %dma_wait3A_1447] : memref<10x64xi32, #tpu.memory_space<vmem>> -> memref<1x64xi32, #tpu.memory_space<vmem>>
    %dma_wait3A_1449 = tpu.memref_squeeze %dma_wait3A_1448 : memref<1x64xi32, #tpu.memory_space<vmem>> -> memref<64xi32, #tpu.memory_space<vmem>>
    %dma_wait3A_1450 = arith.constant 0 : i32
    %dma_wait3A_1451 = tpu.memref_slice %arg2[%dma_wait3A_1450] : memref<640000xi32, #tpu.memory_space<hbm>> -> memref<64xi32, #tpu.memory_space<hbm>>
    tpu.wait_dma2 semaphore(%dma_wait3A_1446 : memref<!tpu.dma_semaphore, #tpu.memory_space<semaphore_mem>>) src(%dma_wait3A_1451 : memref<64xi32, #tpu.memory_space<hbm>>) dst(%dma_wait3A_1449 : memref<64xi32, #tpu.memory_space<vmem>>)
    %dma_start3A_1452 = arith.constant 1 : i32
    %dma_start3A_1453 = arith.constant 1 : i32
    %dma_start3A_1454 = arith.constant 1 : i32
    %dma_start3A_1455 = arith.constant 0 : i32
    %dma_start3A_1456 = arith.constant 0 : i32
    %dma_start3A_1457 = tpu.memref_slice %arg9[%dma_start3A_1453, %dma_start3A_1455, %dma_start3A_1456] : memref<5x64x128xf32, #tpu.memory_space<vmem>> -> memref<1x64x128xf32, #tpu.memory_space<vmem>>
    %dma_start3A_1458 = tpu.memref_squeeze %dma_start3A_1457 : memref<1x64x128xf32, #tpu.memory_space<vmem>> -> memref<64x128xf32, #tpu.memory_space<vmem>>
    %dma_start3A_1459 = arith.constant 0 : i32
    %dma_start3A_1460 = tpu.memref_slice %arg7[%dma_start3A_1452, %dma_start3A_1459] : memref<10x64xi32, #tpu.memory_space<vmem>> -> memref<1x64xi32, #tpu.memory_space<vmem>>
    %dma_start3A_1461 = tpu.memref_squeeze %dma_start3A_1460 : memref<1x64xi32, #tpu.memory_space<vmem>> -> memref<64xi32, #tpu.memory_space<vmem>>
    %dma_start3A_1462 = arith.constant 0 : i32
    %dma_start3A_1463 = arith.constant 0 : i32
    %dma_start3A_1464 = tpu.memref_slice %arg3[%dma_start3A_1462, %dma_start3A_1463] : memref<10000x128xf32, #tpu.memory_space<hbm>> -> memref<10000x128xf32, #tpu.memory_space<hbm>>
    %dma_start3A_1465 = tpu.memref_slice %arg13[%dma_start3A_1454] : memref<24x!tpu.dma_semaphore, #tpu.memory_space<semaphore_mem>> -> memref<1x!tpu.dma_semaphore, #tpu.memory_space<semaphore_mem>>
    %dma_start3A_1466 = tpu.memref_squeeze %dma_start3A_1465 : memref<1x!tpu.dma_semaphore, #tpu.memory_space<semaphore_mem>> -> memref<!tpu.dma_semaphore, #tpu.memory_space<semaphore_mem>>
    tpu.enqueue_indirect_dma source(%dma_start3A_1464 : memref<10000x128xf32, #tpu.memory_space<hbm>>) target(%dma_start3A_1458 : memref<64x128xf32, #tpu.memory_space<vmem>>) offsets(%dma_start3A_1461 : memref<64xi32, #tpu.memory_space<vmem>>) semaphore(%dma_start3A_1466 : memref<!tpu.dma_semaphore, #tpu.memory_space<semaphore_mem>>)
    %dma_wait3A_1467 = arith.constant 2 : i32
    %dma_wait3A_1468 = arith.constant 0 : i32
    %dma_wait3A_1469 = arith.constant 7 : i32
    %dma_wait3A_1470 = arith.constant 0 : i32
    %dma_wait3A_1471 = arith.constant 0 : i32
    %dma_wait3A_1472 = tpu.memref_slice %arg9[%dma_wait3A_1467, %dma_wait3A_1470, %dma_wait3A_1471] : memref<5x64x128xf32, #tpu.memory_space<vmem>> -> memref<1x64x128xf32, #tpu.memory_space<vmem>>
    %dma_wait3A_1473 = tpu.memref_squeeze %dma_wait3A_1472 : memref<1x64x128xf32, #tpu.memory_space<vmem>> -> memref<64x128xf32, #tpu.memory_space<vmem>>
    %dma_wait3A_1474 = arith.constant 0 : i32
    %dma_wait3A_1475 = tpu.memref_slice %arg8[%dma_wait3A_1468, %dma_wait3A_1474] : memref<10x64xi32, #tpu.memory_space<vmem>> -> memref<1x64xi32, #tpu.memory_space<vmem>>
    %dma_wait3A_1476 = tpu.memref_squeeze %dma_wait3A_1475 : memref<1x64xi32, #tpu.memory_space<vmem>> -> memref<64xi32, #tpu.memory_space<vmem>>
    %dma_wait3A_1477 = arith.constant 0 : i32
    %dma_wait3A_1478 = arith.constant 0 : i32
    %dma_wait3A_1479 = tpu.memref_slice %arg6[%dma_wait3A_1477, %dma_wait3A_1478] : memref<10000x128xf32, #tpu.memory_space<vmem_shared>> -> memref<10000x128xf32, #tpu.memory_space<vmem_shared>>
    %dma_wait3A_1480 = tpu.memref_slice %arg13[%dma_wait3A_1469] : memref<24x!tpu.dma_semaphore, #tpu.memory_space<semaphore_mem>> -> memref<1x!tpu.dma_semaphore, #tpu.memory_space<semaphore_mem>>
    %dma_wait3A_1481 = tpu.memref_squeeze %dma_wait3A_1480 : memref<1x!tpu.dma_semaphore, #tpu.memory_space<semaphore_mem>> -> memref<!tpu.dma_semaphore, #tpu.memory_space<semaphore_mem>>
    tpu.wait_indirect_dma semaphore(%dma_wait3A_1481 : memref<!tpu.dma_semaphore, #tpu.memory_space<semaphore_mem>>) src(%dma_wait3A_1473 : memref<64x128xf32, #tpu.memory_space<vmem>>) dst(%dma_wait3A_1479 : memref<10000x128xf32, #tpu.memory_space<vmem_shared>>)
    %dma_wait3A_1482 = arith.constant 2 : i32
    %dma_wait3A_1483 = arith.constant 12 : i32
    %dma_wait3A_1484 = arith.constant 0 : i32
    %dma_wait3A_1485 = tpu.memref_slice %arg7[%dma_wait3A_1482, %dma_wait3A_1484] : memref<10x64xi32, #tpu.memory_space<vmem>> -> memref<1x64xi32, #tpu.memory_space<vmem>>
    %dma_wait3A_1486 = tpu.memref_squeeze %dma_wait3A_1485 : memref<1x64xi32, #tpu.memory_space<vmem>> -> memref<64xi32, #tpu.memory_space<vmem>>
    %dma_wait3A_1487 = arith.constant 0 : i32
    %dma_wait3A_1488 = tpu.memref_slice %arg2[%dma_wait3A_1487] : memref<640000xi32, #tpu.memory_space<hbm>> -> memref<64xi32, #tpu.memory_space<hbm>>
    %dma_wait3A_1489 = tpu.memref_slice %arg13[%dma_wait3A_1483] : memref<24x!tpu.dma_semaphore, #tpu.memory_space<semaphore_mem>> -> memref<1x!tpu.dma_semaphore, #tpu.memory_space<semaphore_mem>>
    %dma_wait3A_1490 = tpu.memref_squeeze %dma_wait3A_1489 : memref<1x!tpu.dma_semaphore, #tpu.memory_space<semaphore_mem>> -> memref<!tpu.dma_semaphore, #tpu.memory_space<semaphore_mem>>
    %dma_wait3A_1491 = arith.constant 0 : i32
    %dma_wait3A_1492 = tpu.memref_slice %arg7[%dma_wait3A_1482, %dma_wait3A_1491] : memref<10x64xi32, #tpu.memory_space<vmem>> -> memref<1x64xi32, #tpu.memory_space<vmem>>
    %dma_wait3A_1493 = tpu.memref_squeeze %dma_wait3A_1492 : memref<1x64xi32, #tpu.memory_space<vmem>> -> memref<64xi32, #tpu.memory_space<vmem>>
    %dma_wait3A_1494 = arith.constant 0 : i32
    %dma_wait3A_1495 = tpu.memref_slice %arg2[%dma_wait3A_1494] : memref<640000xi32, #tpu.memory_space<hbm>> -> memref<64xi32, #tpu.memory_space<hbm>>
    tpu.wait_dma2 semaphore(%dma_wait3A_1490 : memref<!tpu.dma_semaphore, #tpu.memory_space<semaphore_mem>>) src(%dma_wait3A_1495 : memref<64xi32, #tpu.memory_space<hbm>>) dst(%dma_wait3A_1493 : memref<64xi32, #tpu.memory_space<vmem>>)
    %dma_wait3A_1496 = arith.constant 2 : i32
    %dma_wait3A_1497 = arith.constant 12 : i32
    %dma_wait3A_1498 = arith.constant 0 : i32
    %dma_wait3A_1499 = tpu.memref_slice %arg8[%dma_wait3A_1496, %dma_wait3A_1498] : memref<10x64xi32, #tpu.memory_space<vmem>> -> memref<1x64xi32, #tpu.memory_space<vmem>>
    %dma_wait3A_1500 = tpu.memref_squeeze %dma_wait3A_1499 : memref<1x64xi32, #tpu.memory_space<vmem>> -> memref<64xi32, #tpu.memory_space<vmem>>
    %dma_wait3A_1501 = arith.constant 0 : i32
    %dma_wait3A_1502 = tpu.memref_slice %arg2[%dma_wait3A_1501] : memref<640000xi32, #tpu.memory_space<hbm>> -> memref<64xi32, #tpu.memory_space<hbm>>
    %dma_wait3A_1503 = tpu.memref_slice %arg13[%dma_wait3A_1497] : memref<24x!tpu.dma_semaphore, #tpu.memory_space<semaphore_mem>> -> memref<1x!tpu.dma_semaphore, #tpu.memory_space<semaphore_mem>>
    %dma_wait3A_1504 = tpu.memref_squeeze %dma_wait3A_1503 : memref<1x!tpu.dma_semaphore, #tpu.memory_space<semaphore_mem>> -> memref<!tpu.dma_semaphore, #tpu.memory_space<semaphore_mem>>
    %dma_wait3A_1505 = arith.constant 0 : i32
    %dma_wait3A_1506 = tpu.memref_slice %arg8[%dma_wait3A_1496, %dma_wait3A_1505] : memref<10x64xi32, #tpu.memory_space<vmem>> -> memref<1x64xi32, #tpu.memory_space<vmem>>
    %dma_wait3A_1507 = tpu.memref_squeeze %dma_wait3A_1506 : memref<1x64xi32, #tpu.memory_space<vmem>> -> memref<64xi32, #tpu.memory_space<vmem>>
    %dma_wait3A_1508 = arith.constant 0 : i32
    %dma_wait3A_1509 = tpu.memref_slice %arg2[%dma_wait3A_1508] : memref<640000xi32, #tpu.memory_space<hbm>> -> memref<64xi32, #tpu.memory_space<hbm>>
    tpu.wait_dma2 semaphore(%dma_wait3A_1504 : memref<!tpu.dma_semaphore, #tpu.memory_space<semaphore_mem>>) src(%dma_wait3A_1509 : memref<64xi32, #tpu.memory_space<hbm>>) dst(%dma_wait3A_1507 : memref<64xi32, #tpu.memory_space<vmem>>)
    %dma_start3A_1510 = arith.constant 2 : i32
    %dma_start3A_1511 = arith.constant 2 : i32
    %dma_start3A_1512 = arith.constant 2 : i32
    %dma_start3A_1513 = arith.constant 0 : i32
    %dma_start3A_1514 = arith.constant 0 : i32
    %dma_start3A_1515 = tpu.memref_slice %arg9[%dma_start3A_1511, %dma_start3A_1513, %dma_start3A_1514] : memref<5x64x128xf32, #tpu.memory_space<vmem>> -> memref<1x64x128xf32, #tpu.memory_space<vmem>>
    %dma_start3A_1516 = tpu.memref_squeeze %dma_start3A_1515 : memref<1x64x128xf32, #tpu.memory_space<vmem>> -> memref<64x128xf32, #tpu.memory_space<vmem>>
    %dma_start3A_1517 = arith.constant 0 : i32
    %dma_start3A_1518 = tpu.memref_slice %arg7[%dma_start3A_1510, %dma_start3A_1517] : memref<10x64xi32, #tpu.memory_space<vmem>> -> memref<1x64xi32, #tpu.memory_space<vmem>>
    %dma_start3A_1519 = tpu.memref_squeeze %dma_start3A_1518 : memref<1x64xi32, #tpu.memory_space<vmem>> -> memref<64xi32, #tpu.memory_space<vmem>>
    %dma_start3A_1520 = arith.constant 0 : i32
    %dma_start3A_1521 = arith.constant 0 : i32
    %dma_start3A_1522 = tpu.memref_slice %arg3[%dma_start3A_1520, %dma_start3A_1521] : memref<10000x128xf32, #tpu.memory_space<hbm>> -> memref<10000x128xf32, #tpu.memory_space<hbm>>
    %dma_start3A_1523 = tpu.memref_slice %arg13[%dma_start3A_1512] : memref<24x!tpu.dma_semaphore, #tpu.memory_space<semaphore_mem>> -> memref<1x!tpu.dma_semaphore, #tpu.memory_space<semaphore_mem>>
    %dma_start3A_1524 = tpu.memref_squeeze %dma_start3A_1523 : memref<1x!tpu.dma_semaphore, #tpu.memory_space<semaphore_mem>> -> memref<!tpu.dma_semaphore, #tpu.memory_space<semaphore_mem>>
    tpu.enqueue_indirect_dma source(%dma_start3A_1522 : memref<10000x128xf32, #tpu.memory_space<hbm>>) target(%dma_start3A_1516 : memref<64x128xf32, #tpu.memory_space<vmem>>) offsets(%dma_start3A_1519 : memref<64xi32, #tpu.memory_space<vmem>>) semaphore(%dma_start3A_1524 : memref<!tpu.dma_semaphore, #tpu.memory_space<semaphore_mem>>)
    %dma_wait3A_1525 = arith.constant 3 : i32
    %dma_wait3A_1526 = arith.constant 0 : i32
    %dma_wait3A_1527 = arith.constant 8 : i32
    %dma_wait3A_1528 = arith.constant 0 : i32
    %dma_wait3A_1529 = arith.constant 0 : i32
    %dma_wait3A_1530 = tpu.memref_slice %arg9[%dma_wait3A_1525, %dma_wait3A_1528, %dma_wait3A_1529] : memref<5x64x128xf32, #tpu.memory_space<vmem>> -> memref<1x64x128xf32, #tpu.memory_space<vmem>>
    %dma_wait3A_1531 = tpu.memref_squeeze %dma_wait3A_1530 : memref<1x64x128xf32, #tpu.memory_space<vmem>> -> memref<64x128xf32, #tpu.memory_space<vmem>>
    %dma_wait3A_1532 = arith.constant 0 : i32
    %dma_wait3A_1533 = tpu.memref_slice %arg8[%dma_wait3A_1526, %dma_wait3A_1532] : memref<10x64xi32, #tpu.memory_space<vmem>> -> memref<1x64xi32, #tpu.memory_space<vmem>>
    %dma_wait3A_1534 = tpu.memref_squeeze %dma_wait3A_1533 : memref<1x64xi32, #tpu.memory_space<vmem>> -> memref<64xi32, #tpu.memory_space<vmem>>
    %dma_wait3A_1535 = arith.constant 0 : i32
    %dma_wait3A_1536 = arith.constant 0 : i32
    %dma_wait3A_1537 = tpu.memref_slice %arg6[%dma_wait3A_1535, %dma_wait3A_1536] : memref<10000x128xf32, #tpu.memory_space<vmem_shared>> -> memref<10000x128xf32, #tpu.memory_space<vmem_shared>>
    %dma_wait3A_1538 = tpu.memref_slice %arg13[%dma_wait3A_1527] : memref<24x!tpu.dma_semaphore, #tpu.memory_space<semaphore_mem>> -> memref<1x!tpu.dma_semaphore, #tpu.memory_space<semaphore_mem>>
    %dma_wait3A_1539 = tpu.memref_squeeze %dma_wait3A_1538 : memref<1x!tpu.dma_semaphore, #tpu.memory_space<semaphore_mem>> -> memref<!tpu.dma_semaphore, #tpu.memory_space<semaphore_mem>>
    tpu.wait_indirect_dma semaphore(%dma_wait3A_1539 : memref<!tpu.dma_semaphore, #tpu.memory_space<semaphore_mem>>) src(%dma_wait3A_1531 : memref<64x128xf32, #tpu.memory_space<vmem>>) dst(%dma_wait3A_1537 : memref<10000x128xf32, #tpu.memory_space<vmem_shared>>)
    %dma_wait3A_1540 = arith.constant 3 : i32
    %dma_wait3A_1541 = arith.constant 13 : i32
    %dma_wait3A_1542 = arith.constant 0 : i32
    %dma_wait3A_1543 = tpu.memref_slice %arg7[%dma_wait3A_1540, %dma_wait3A_1542] : memref<10x64xi32, #tpu.memory_space<vmem>> -> memref<1x64xi32, #tpu.memory_space<vmem>>
    %dma_wait3A_1544 = tpu.memref_squeeze %dma_wait3A_1543 : memref<1x64xi32, #tpu.memory_space<vmem>> -> memref<64xi32, #tpu.memory_space<vmem>>
    %dma_wait3A_1545 = arith.constant 0 : i32
    %dma_wait3A_1546 = tpu.memref_slice %arg2[%dma_wait3A_1545] : memref<640000xi32, #tpu.memory_space<hbm>> -> memref<64xi32, #tpu.memory_space<hbm>>
    %dma_wait3A_1547 = tpu.memref_slice %arg13[%dma_wait3A_1541] : memref<24x!tpu.dma_semaphore, #tpu.memory_space<semaphore_mem>> -> memref<1x!tpu.dma_semaphore, #tpu.memory_space<semaphore_mem>>
    %dma_wait3A_1548 = tpu.memref_squeeze %dma_wait3A_1547 : memref<1x!tpu.dma_semaphore, #tpu.memory_space<semaphore_mem>> -> memref<!tpu.dma_semaphore, #tpu.memory_space<semaphore_mem>>
    %dma_wait3A_1549 = arith.constant 0 : i32
    %dma_wait3A_1550 = tpu.memref_slice %arg7[%dma_wait3A_1540, %dma_wait3A_1549] : memref<10x64xi32, #tpu.memory_space<vmem>> -> memref<1x64xi32, #tpu.memory_space<vmem>>
    %dma_wait3A_1551 = tpu.memref_squeeze %dma_wait3A_1550 : memref<1x64xi32, #tpu.memory_space<vmem>> -> memref<64xi32, #tpu.memory_space<vmem>>
    %dma_wait3A_1552 = arith.constant 0 : i32
    %dma_wait3A_1553 = tpu.memref_slice %arg2[%dma_wait3A_1552] : memref<640000xi32, #tpu.memory_space<hbm>> -> memref<64xi32, #tpu.memory_space<hbm>>
    tpu.wait_dma2 semaphore(%dma_wait3A_1548 : memref<!tpu.dma_semaphore, #tpu.memory_space<semaphore_mem>>) src(%dma_wait3A_1553 : memref<64xi32, #tpu.memory_space<hbm>>) dst(%dma_wait3A_1551 : memref<64xi32, #tpu.memory_space<vmem>>)
    %dma_wait3A_1554 = arith.constant 3 : i32
    %dma_wait3A_1555 = arith.constant 13 : i32
    %dma_wait3A_1556 = arith.constant 0 : i32
    %dma_wait3A_1557 = tpu.memref_slice %arg8[%dma_wait3A_1554, %dma_wait3A_1556] : memref<10x64xi32, #tpu.memory_space<vmem>> -> memref<1x64xi32, #tpu.memory_space<vmem>>
    %dma_wait3A_1558 = tpu.memref_squeeze %dma_wait3A_1557 : memref<1x64xi32, #tpu.memory_space<vmem>> -> memref<64xi32, #tpu.memory_space<vmem>>
    %dma_wait3A_1559 = arith.constant 0 : i32
    %dma_wait3A_1560 = tpu.memref_slice %arg2[%dma_wait3A_1559] : memref<640000xi32, #tpu.memory_space<hbm>> -> memref<64xi32, #tpu.memory_space<hbm>>
    %dma_wait3A_1561 = tpu.memref_slice %arg13[%dma_wait3A_1555] : memref<24x!tpu.dma_semaphore, #tpu.memory_space<semaphore_mem>> -> memref<1x!tpu.dma_semaphore, #tpu.memory_space<semaphore_mem>>
    %dma_wait3A_1562 = tpu.memref_squeeze %dma_wait3A_1561 : memref<1x!tpu.dma_semaphore, #tpu.memory_space<semaphore_mem>> -> memref<!tpu.dma_semaphore, #tpu.memory_space<semaphore_mem>>
    %dma_wait3A_1563 = arith.constant 0 : i32
    %dma_wait3A_1564 = tpu.memref_slice %arg8[%dma_wait3A_1554, %dma_wait3A_1563] : memref<10x64xi32, #tpu.memory_space<vmem>> -> memref<1x64xi32, #tpu.memory_space<vmem>>
    %dma_wait3A_1565 = tpu.memref_squeeze %dma_wait3A_1564 : memref<1x64xi32, #tpu.memory_space<vmem>> -> memref<64xi32, #tpu.memory_space<vmem>>
    %dma_wait3A_1566 = arith.constant 0 : i32
    %dma_wait3A_1567 = tpu.memref_slice %arg2[%dma_wait3A_1566] : memref<640000xi32, #tpu.memory_space<hbm>> -> memref<64xi32, #tpu.memory_space<hbm>>
    tpu.wait_dma2 semaphore(%dma_wait3A_1562 : memref<!tpu.dma_semaphore, #tpu.memory_space<semaphore_mem>>) src(%dma_wait3A_1567 : memref<64xi32, #tpu.memory_space<hbm>>) dst(%dma_wait3A_1565 : memref<64xi32, #tpu.memory_space<vmem>>)
    %dma_start3A_1568 = arith.constant 3 : i32
    %dma_start3A_1569 = arith.constant 3 : i32
    %dma_start3A_1570 = arith.constant 3 : i32
    %dma_start3A_1571 = arith.constant 0 : i32
    %dma_start3A_1572 = arith.constant 0 : i32
    %dma_start3A_1573 = tpu.memref_slice %arg9[%dma_start3A_1569, %dma_start3A_1571, %dma_start3A_1572] : memref<5x64x128xf32, #tpu.memory_space<vmem>> -> memref<1x64x128xf32, #tpu.memory_space<vmem>>
    %dma_start3A_1574 = tpu.memref_squeeze %dma_start3A_1573 : memref<1x64x128xf32, #tpu.memory_space<vmem>> -> memref<64x128xf32, #tpu.memory_space<vmem>>
    %dma_start3A_1575 = arith.constant 0 : i32
    %dma_start3A_1576 = tpu.memref_slice %arg7[%dma_start3A_1568, %dma_start3A_1575] : memref<10x64xi32, #tpu.memory_space<vmem>> -> memref<1x64xi32, #tpu.memory_space<vmem>>
    %dma_start3A_1577 = tpu.memref_squeeze %dma_start3A_1576 : memref<1x64xi32, #tpu.memory_space<vmem>> -> memref<64xi32, #tpu.memory_space<vmem>>
    %dma_start3A_1578 = arith.constant 0 : i32
    %dma_start3A_1579 = arith.constant 0 : i32
    %dma_start3A_1580 = tpu.memref_slice %arg3[%dma_start3A_1578, %dma_start3A_1579] : memref<10000x128xf32, #tpu.memory_space<hbm>> -> memref<10000x128xf32, #tpu.memory_space<hbm>>
    %dma_start3A_1581 = tpu.memref_slice %arg13[%dma_start3A_1570] : memref<24x!tpu.dma_semaphore, #tpu.memory_space<semaphore_mem>> -> memref<1x!tpu.dma_semaphore, #tpu.memory_space<semaphore_mem>>
    %dma_start3A_1582 = tpu.memref_squeeze %dma_start3A_1581 : memref<1x!tpu.dma_semaphore, #tpu.memory_space<semaphore_mem>> -> memref<!tpu.dma_semaphore, #tpu.memory_space<semaphore_mem>>
    tpu.enqueue_indirect_dma source(%dma_start3A_1580 : memref<10000x128xf32, #tpu.memory_space<hbm>>) target(%dma_start3A_1574 : memref<64x128xf32, #tpu.memory_space<vmem>>) offsets(%dma_start3A_1577 : memref<64xi32, #tpu.memory_space<vmem>>) semaphore(%dma_start3A_1582 : memref<!tpu.dma_semaphore, #tpu.memory_space<semaphore_mem>>)
    %dma_wait3A_1583 = arith.constant 4 : i32
    %dma_wait3A_1584 = arith.constant 0 : i32
    %dma_wait3A_1585 = arith.constant 9 : i32
    %dma_wait3A_1586 = arith.constant 0 : i32
    %dma_wait3A_1587 = arith.constant 0 : i32
    %dma_wait3A_1588 = tpu.memref_slice %arg9[%dma_wait3A_1583, %dma_wait3A_1586, %dma_wait3A_1587] : memref<5x64x128xf32, #tpu.memory_space<vmem>> -> memref<1x64x128xf32, #tpu.memory_space<vmem>>
    %dma_wait3A_1589 = tpu.memref_squeeze %dma_wait3A_1588 : memref<1x64x128xf32, #tpu.memory_space<vmem>> -> memref<64x128xf32, #tpu.memory_space<vmem>>
    %dma_wait3A_1590 = arith.constant 0 : i32
    %dma_wait3A_1591 = tpu.memref_slice %arg8[%dma_wait3A_1584, %dma_wait3A_1590] : memref<10x64xi32, #tpu.memory_space<vmem>> -> memref<1x64xi32, #tpu.memory_space<vmem>>
    %dma_wait3A_1592 = tpu.memref_squeeze %dma_wait3A_1591 : memref<1x64xi32, #tpu.memory_space<vmem>> -> memref<64xi32, #tpu.memory_space<vmem>>
    %dma_wait3A_1593 = arith.constant 0 : i32
    %dma_wait3A_1594 = arith.constant 0 : i32
    %dma_wait3A_1595 = tpu.memref_slice %arg6[%dma_wait3A_1593, %dma_wait3A_1594] : memref<10000x128xf32, #tpu.memory_space<vmem_shared>> -> memref<10000x128xf32, #tpu.memory_space<vmem_shared>>
    %dma_wait3A_1596 = tpu.memref_slice %arg13[%dma_wait3A_1585] : memref<24x!tpu.dma_semaphore, #tpu.memory_space<semaphore_mem>> -> memref<1x!tpu.dma_semaphore, #tpu.memory_space<semaphore_mem>>
    %dma_wait3A_1597 = tpu.memref_squeeze %dma_wait3A_1596 : memref<1x!tpu.dma_semaphore, #tpu.memory_space<semaphore_mem>> -> memref<!tpu.dma_semaphore, #tpu.memory_space<semaphore_mem>>
    tpu.wait_indirect_dma semaphore(%dma_wait3A_1597 : memref<!tpu.dma_semaphore, #tpu.memory_space<semaphore_mem>>) src(%dma_wait3A_1589 : memref<64x128xf32, #tpu.memory_space<vmem>>) dst(%dma_wait3A_1595 : memref<10000x128xf32, #tpu.memory_space<vmem_shared>>)
    %dma_wait3A_1598 = arith.constant 4 : i32
    %dma_wait3A_1599 = arith.constant 14 : i32
    %dma_wait3A_1600 = arith.constant 0 : i32
    %dma_wait3A_1601 = tpu.memref_slice %arg7[%dma_wait3A_1598, %dma_wait3A_1600] : memref<10x64xi32, #tpu.memory_space<vmem>> -> memref<1x64xi32, #tpu.memory_space<vmem>>
    %dma_wait3A_1602 = tpu.memref_squeeze %dma_wait3A_1601 : memref<1x64xi32, #tpu.memory_space<vmem>> -> memref<64xi32, #tpu.memory_space<vmem>>
    %dma_wait3A_1603 = arith.constant 0 : i32
    %dma_wait3A_1604 = tpu.memref_slice %arg2[%dma_wait3A_1603] : memref<640000xi32, #tpu.memory_space<hbm>> -> memref<64xi32, #tpu.memory_space<hbm>>
    %dma_wait3A_1605 = tpu.memref_slice %arg13[%dma_wait3A_1599] : memref<24x!tpu.dma_semaphore, #tpu.memory_space<semaphore_mem>> -> memref<1x!tpu.dma_semaphore, #tpu.memory_space<semaphore_mem>>
    %dma_wait3A_1606 = tpu.memref_squeeze %dma_wait3A_1605 : memref<1x!tpu.dma_semaphore, #tpu.memory_space<semaphore_mem>> -> memref<!tpu.dma_semaphore, #tpu.memory_space<semaphore_mem>>
    %dma_wait3A_1607 = arith.constant 0 : i32
    %dma_wait3A_1608 = tpu.memref_slice %arg7[%dma_wait3A_1598, %dma_wait3A_1607] : memref<10x64xi32, #tpu.memory_space<vmem>> -> memref<1x64xi32, #tpu.memory_space<vmem>>
    %dma_wait3A_1609 = tpu.memref_squeeze %dma_wait3A_1608 : memref<1x64xi32, #tpu.memory_space<vmem>> -> memref<64xi32, #tpu.memory_space<vmem>>
    %dma_wait3A_1610 = arith.constant 0 : i32
    %dma_wait3A_1611 = tpu.memref_slice %arg2[%dma_wait3A_1610] : memref<640000xi32, #tpu.memory_space<hbm>> -> memref<64xi32, #tpu.memory_space<hbm>>
    tpu.wait_dma2 semaphore(%dma_wait3A_1606 : memref<!tpu.dma_semaphore, #tpu.memory_space<semaphore_mem>>) src(%dma_wait3A_1611 : memref<64xi32, #tpu.memory_space<hbm>>) dst(%dma_wait3A_1609 : memref<64xi32, #tpu.memory_space<vmem>>)
    %dma_wait3A_1612 = arith.constant 4 : i32
    %dma_wait3A_1613 = arith.constant 14 : i32
    %dma_wait3A_1614 = arith.constant 0 : i32
    %dma_wait3A_1615 = tpu.memref_slice %arg8[%dma_wait3A_1612, %dma_wait3A_1614] : memref<10x64xi32, #tpu.memory_space<vmem>> -> memref<1x64xi32, #tpu.memory_space<vmem>>
    %dma_wait3A_1616 = tpu.memref_squeeze %dma_wait3A_1615 : memref<1x64xi32, #tpu.memory_space<vmem>> -> memref<64xi32, #tpu.memory_space<vmem>>
    %dma_wait3A_1617 = arith.constant 0 : i32
    %dma_wait3A_1618 = tpu.memref_slice %arg2[%dma_wait3A_1617] : memref<640000xi32, #tpu.memory_space<hbm>> -> memref<64xi32, #tpu.memory_space<hbm>>
    %dma_wait3A_1619 = tpu.memref_slice %arg13[%dma_wait3A_1613] : memref<24x!tpu.dma_semaphore, #tpu.memory_space<semaphore_mem>> -> memref<1x!tpu.dma_semaphore, #tpu.memory_space<semaphore_mem>>
    %dma_wait3A_1620 = tpu.memref_squeeze %dma_wait3A_1619 : memref<1x!tpu.dma_semaphore, #tpu.memory_space<semaphore_mem>> -> memref<!tpu.dma_semaphore, #tpu.memory_space<semaphore_mem>>
    %dma_wait3A_1621 = arith.constant 0 : i32
    %dma_wait3A_1622 = tpu.memref_slice %arg8[%dma_wait3A_1612, %dma_wait3A_1621] : memref<10x64xi32, #tpu.memory_space<vmem>> -> memref<1x64xi32, #tpu.memory_space<vmem>>
    %dma_wait3A_1623 = tpu.memref_squeeze %dma_wait3A_1622 : memref<1x64xi32, #tpu.memory_space<vmem>> -> memref<64xi32, #tpu.memory_space<vmem>>
    %dma_wait3A_1624 = arith.constant 0 : i32
    %dma_wait3A_1625 = tpu.memref_slice %arg2[%dma_wait3A_1624] : memref<640000xi32, #tpu.memory_space<hbm>> -> memref<64xi32, #tpu.memory_space<hbm>>
    tpu.wait_dma2 semaphore(%dma_wait3A_1620 : memref<!tpu.dma_semaphore, #tpu.memory_space<semaphore_mem>>) src(%dma_wait3A_1625 : memref<64xi32, #tpu.memory_space<hbm>>) dst(%dma_wait3A_1623 : memref<64xi32, #tpu.memory_space<vmem>>)
    %dma_start3A_1626 = arith.constant 4 : i32
    %dma_start3A_1627 = arith.constant 4 : i32
    %dma_start3A_1628 = arith.constant 4 : i32
    %dma_start3A_1629 = arith.constant 0 : i32
    %dma_start3A_1630 = arith.constant 0 : i32
    %dma_start3A_1631 = tpu.memref_slice %arg9[%dma_start3A_1627, %dma_start3A_1629, %dma_start3A_1630] : memref<5x64x128xf32, #tpu.memory_space<vmem>> -> memref<1x64x128xf32, #tpu.memory_space<vmem>>
    %dma_start3A_1632 = tpu.memref_squeeze %dma_start3A_1631 : memref<1x64x128xf32, #tpu.memory_space<vmem>> -> memref<64x128xf32, #tpu.memory_space<vmem>>
    %dma_start3A_1633 = arith.constant 0 : i32
    %dma_start3A_1634 = tpu.memref_slice %arg7[%dma_start3A_1626, %dma_start3A_1633] : memref<10x64xi32, #tpu.memory_space<vmem>> -> memref<1x64xi32, #tpu.memory_space<vmem>>
    %dma_start3A_1635 = tpu.memref_squeeze %dma_start3A_1634 : memref<1x64xi32, #tpu.memory_space<vmem>> -> memref<64xi32, #tpu.memory_space<vmem>>
    %dma_start3A_1636 = arith.constant 0 : i32
    %dma_start3A_1637 = arith.constant 0 : i32
    %dma_start3A_1638 = tpu.memref_slice %arg3[%dma_start3A_1636, %dma_start3A_1637] : memref<10000x128xf32, #tpu.memory_space<hbm>> -> memref<10000x128xf32, #tpu.memory_space<hbm>>
    %dma_start3A_1639 = tpu.memref_slice %arg13[%dma_start3A_1628] : memref<24x!tpu.dma_semaphore, #tpu.memory_space<semaphore_mem>> -> memref<1x!tpu.dma_semaphore, #tpu.memory_space<semaphore_mem>>
    %dma_start3A_1640 = tpu.memref_squeeze %dma_start3A_1639 : memref<1x!tpu.dma_semaphore, #tpu.memory_space<semaphore_mem>> -> memref<!tpu.dma_semaphore, #tpu.memory_space<semaphore_mem>>
    tpu.enqueue_indirect_dma source(%dma_start3A_1638 : memref<10000x128xf32, #tpu.memory_space<hbm>>) target(%dma_start3A_1632 : memref<64x128xf32, #tpu.memory_space<vmem>>) offsets(%dma_start3A_1635 : memref<64xi32, #tpu.memory_space<vmem>>) semaphore(%dma_start3A_1640 : memref<!tpu.dma_semaphore, #tpu.memory_space<semaphore_mem>>)
    %dma_wait3A_1641 = arith.constant 0 : i32
    %dma_wait3A_1642 = arith.constant 0 : i32
    %dma_wait3A_1643 = arith.constant 0 : i32
    %dma_wait3A_1644 = arith.constant 0 : i32
    %dma_wait3A_1645 = arith.constant 0 : i32
    %dma_wait3A_1646 = tpu.memref_slice %arg9[%dma_wait3A_1642, %dma_wait3A_1644, %dma_wait3A_1645] : memref<5x64x128xf32, #tpu.memory_space<vmem>> -> memref<1x64x128xf32, #tpu.memory_space<vmem>>
    %dma_wait3A_1647 = tpu.memref_squeeze %dma_wait3A_1646 : memref<1x64x128xf32, #tpu.memory_space<vmem>> -> memref<64x128xf32, #tpu.memory_space<vmem>>
    %dma_wait3A_1648 = arith.constant 0 : i32
    %dma_wait3A_1649 = tpu.memref_slice %arg7[%dma_wait3A_1641, %dma_wait3A_1648] : memref<10x64xi32, #tpu.memory_space<vmem>> -> memref<1x64xi32, #tpu.memory_space<vmem>>
    %dma_wait3A_1650 = tpu.memref_squeeze %dma_wait3A_1649 : memref<1x64xi32, #tpu.memory_space<vmem>> -> memref<64xi32, #tpu.memory_space<vmem>>
    %dma_wait3A_1651 = arith.constant 0 : i32
    %dma_wait3A_1652 = arith.constant 0 : i32
    %dma_wait3A_1653 = tpu.memref_slice %arg3[%dma_wait3A_1651, %dma_wait3A_1652] : memref<10000x128xf32, #tpu.memory_space<hbm>> -> memref<10000x128xf32, #tpu.memory_space<hbm>>
    %dma_wait3A_1654 = tpu.memref_slice %arg13[%dma_wait3A_1643] : memref<24x!tpu.dma_semaphore, #tpu.memory_space<semaphore_mem>> -> memref<1x!tpu.dma_semaphore, #tpu.memory_space<semaphore_mem>>
    %dma_wait3A_1655 = tpu.memref_squeeze %dma_wait3A_1654 : memref<1x!tpu.dma_semaphore, #tpu.memory_space<semaphore_mem>> -> memref<!tpu.dma_semaphore, #tpu.memory_space<semaphore_mem>>
    tpu.wait_indirect_dma semaphore(%dma_wait3A_1655 : memref<!tpu.dma_semaphore, #tpu.memory_space<semaphore_mem>>) src(%dma_wait3A_1653 : memref<10000x128xf32, #tpu.memory_space<hbm>>) dst(%dma_wait3A_1647 : memref<64x128xf32, #tpu.memory_space<vmem>>)
    %dma_start3A_1656 = arith.constant 0 : i32
    %dma_start3A_1657 = arith.constant 0 : i32
    %dma_start3A_1658 = arith.constant 5 : i32
    %dma_start3A_1659 = arith.constant 0 : i32
    %dma_start3A_1660 = arith.constant 0 : i32
    %dma_start3A_1661 = tpu.memref_slice %arg9[%dma_start3A_1656, %dma_start3A_1659, %dma_start3A_1660] : memref<5x64x128xf32, #tpu.memory_space<vmem>> -> memref<1x64x128xf32, #tpu.memory_space<vmem>>
    %dma_start3A_1662 = tpu.memref_squeeze %dma_start3A_1661 : memref<1x64x128xf32, #tpu.memory_space<vmem>> -> memref<64x128xf32, #tpu.memory_space<vmem>>
    %dma_start3A_1663 = arith.constant 0 : i32
    %dma_start3A_1664 = tpu.memref_slice %arg8[%dma_start3A_1657, %dma_start3A_1663] : memref<10x64xi32, #tpu.memory_space<vmem>> -> memref<1x64xi32, #tpu.memory_space<vmem>>
    %dma_start3A_1665 = tpu.memref_squeeze %dma_start3A_1664 : memref<1x64xi32, #tpu.memory_space<vmem>> -> memref<64xi32, #tpu.memory_space<vmem>>
    %dma_start3A_1666 = arith.constant 0 : i32
    %dma_start3A_1667 = arith.constant 0 : i32
    %dma_start3A_1668 = tpu.memref_slice %arg6[%dma_start3A_1666, %dma_start3A_1667] : memref<10000x128xf32, #tpu.memory_space<vmem_shared>> -> memref<10000x128xf32, #tpu.memory_space<vmem_shared>>
    %dma_start3A_1669 = tpu.memref_slice %arg13[%dma_start3A_1658] : memref<24x!tpu.dma_semaphore, #tpu.memory_space<semaphore_mem>> -> memref<1x!tpu.dma_semaphore, #tpu.memory_space<semaphore_mem>>
    %dma_start3A_1670 = tpu.memref_squeeze %dma_start3A_1669 : memref<1x!tpu.dma_semaphore, #tpu.memory_space<semaphore_mem>> -> memref<!tpu.dma_semaphore, #tpu.memory_space<semaphore_mem>>
    tpu.enqueue_indirect_dma source(%dma_start3A_1662 : memref<64x128xf32, #tpu.memory_space<vmem>>) target(%dma_start3A_1668 : memref<10000x128xf32, #tpu.memory_space<vmem_shared>>) offsets(%dma_start3A_1665 : memref<64xi32, #tpu.memory_space<vmem>>) semaphore(%dma_start3A_1670 : memref<!tpu.dma_semaphore, #tpu.memory_space<semaphore_mem>>) {add = true}
    %dma_wait3A_1671 = arith.constant 0 : i32
    %dma_wait3A_1672 = arith.constant 1 : i32
    %dma_wait3A_1673 = arith.constant 1 : i32
    %dma_wait3A_1674 = arith.constant 0 : i32
    %dma_wait3A_1675 = arith.constant 0 : i32
    %dma_wait3A_1676 = tpu.memref_slice %arg9[%dma_wait3A_1672, %dma_wait3A_1674, %dma_wait3A_1675] : memref<5x64x128xf32, #tpu.memory_space<vmem>> -> memref<1x64x128xf32, #tpu.memory_space<vmem>>
    %dma_wait3A_1677 = tpu.memref_squeeze %dma_wait3A_1676 : memref<1x64x128xf32, #tpu.memory_space<vmem>> -> memref<64x128xf32, #tpu.memory_space<vmem>>
    %dma_wait3A_1678 = arith.constant 0 : i32
    %dma_wait3A_1679 = tpu.memref_slice %arg7[%dma_wait3A_1671, %dma_wait3A_1678] : memref<10x64xi32, #tpu.memory_space<vmem>> -> memref<1x64xi32, #tpu.memory_space<vmem>>
    %dma_wait3A_1680 = tpu.memref_squeeze %dma_wait3A_1679 : memref<1x64xi32, #tpu.memory_space<vmem>> -> memref<64xi32, #tpu.memory_space<vmem>>
    %dma_wait3A_1681 = arith.constant 0 : i32
    %dma_wait3A_1682 = arith.constant 0 : i32
    %dma_wait3A_1683 = tpu.memref_slice %arg3[%dma_wait3A_1681, %dma_wait3A_1682] : memref<10000x128xf32, #tpu.memory_space<hbm>> -> memref<10000x128xf32, #tpu.memory_space<hbm>>
    %dma_wait3A_1684 = tpu.memref_slice %arg13[%dma_wait3A_1673] : memref<24x!tpu.dma_semaphore, #tpu.memory_space<semaphore_mem>> -> memref<1x!tpu.dma_semaphore, #tpu.memory_space<semaphore_mem>>
    %dma_wait3A_1685 = tpu.memref_squeeze %dma_wait3A_1684 : memref<1x!tpu.dma_semaphore, #tpu.memory_space<semaphore_mem>> -> memref<!tpu.dma_semaphore, #tpu.memory_space<semaphore_mem>>
    tpu.wait_indirect_dma semaphore(%dma_wait3A_1685 : memref<!tpu.dma_semaphore, #tpu.memory_space<semaphore_mem>>) src(%dma_wait3A_1683 : memref<10000x128xf32, #tpu.memory_space<hbm>>) dst(%dma_wait3A_1677 : memref<64x128xf32, #tpu.memory_space<vmem>>)
    %dma_start3A_1686 = arith.constant 1 : i32
    %dma_start3A_1687 = arith.constant 1 : i32
    %dma_start3A_1688 = arith.constant 6 : i32
    %dma_start3A_1689 = arith.constant 0 : i32
    %dma_start3A_1690 = arith.constant 0 : i32
    %dma_start3A_1691 = tpu.memref_slice %arg9[%dma_start3A_1686, %dma_start3A_1689, %dma_start3A_1690] : memref<5x64x128xf32, #tpu.memory_space<vmem>> -> memref<1x64x128xf32, #tpu.memory_space<vmem>>
    %dma_start3A_1692 = tpu.memref_squeeze %dma_start3A_1691 : memref<1x64x128xf32, #tpu.memory_space<vmem>> -> memref<64x128xf32, #tpu.memory_space<vmem>>
    %dma_start3A_1693 = arith.constant 0 : i32
    %dma_start3A_1694 = tpu.memref_slice %arg8[%dma_start3A_1687, %dma_start3A_1693] : memref<10x64xi32, #tpu.memory_space<vmem>> -> memref<1x64xi32, #tpu.memory_space<vmem>>
    %dma_start3A_1695 = tpu.memref_squeeze %dma_start3A_1694 : memref<1x64xi32, #tpu.memory_space<vmem>> -> memref<64xi32, #tpu.memory_space<vmem>>
    %dma_start3A_1696 = arith.constant 0 : i32
    %dma_start3A_1697 = arith.constant 0 : i32
    %dma_start3A_1698 = tpu.memref_slice %arg6[%dma_start3A_1696, %dma_start3A_1697] : memref<10000x128xf32, #tpu.memory_space<vmem_shared>> -> memref<10000x128xf32, #tpu.memory_space<vmem_shared>>
    %dma_start3A_1699 = tpu.memref_slice %arg13[%dma_start3A_1688] : memref<24x!tpu.dma_semaphore, #tpu.memory_space<semaphore_mem>> -> memref<1x!tpu.dma_semaphore, #tpu.memory_space<semaphore_mem>>
    %dma_start3A_1700 = tpu.memref_squeeze %dma_start3A_1699 : memref<1x!tpu.dma_semaphore, #tpu.memory_space<semaphore_mem>> -> memref<!tpu.dma_semaphore, #tpu.memory_space<semaphore_mem>>
    tpu.enqueue_indirect_dma source(%dma_start3A_1692 : memref<64x128xf32, #tpu.memory_space<vmem>>) target(%dma_start3A_1698 : memref<10000x128xf32, #tpu.memory_space<vmem_shared>>) offsets(%dma_start3A_1695 : memref<64xi32, #tpu.memory_space<vmem>>) semaphore(%dma_start3A_1700 : memref<!tpu.dma_semaphore, #tpu.memory_space<semaphore_mem>>) {add = true}
    %dma_wait3A_1701 = arith.constant 0 : i32
    %dma_wait3A_1702 = arith.constant 2 : i32
    %dma_wait3A_1703 = arith.constant 2 : i32
    %dma_wait3A_1704 = arith.constant 0 : i32
    %dma_wait3A_1705 = arith.constant 0 : i32
    %dma_wait3A_1706 = tpu.memref_slice %arg9[%dma_wait3A_1702, %dma_wait3A_1704, %dma_wait3A_1705] : memref<5x64x128xf32, #tpu.memory_space<vmem>> -> memref<1x64x128xf32, #tpu.memory_space<vmem>>
    %dma_wait3A_1707 = tpu.memref_squeeze %dma_wait3A_1706 : memref<1x64x128xf32, #tpu.memory_space<vmem>> -> memref<64x128xf32, #tpu.memory_space<vmem>>
    %dma_wait3A_1708 = arith.constant 0 : i32
    %dma_wait3A_1709 = tpu.memref_slice %arg7[%dma_wait3A_1701, %dma_wait3A_1708] : memref<10x64xi32, #tpu.memory_space<vmem>> -> memref<1x64xi32, #tpu.memory_space<vmem>>
    %dma_wait3A_1710 = tpu.memref_squeeze %dma_wait3A_1709 : memref<1x64xi32, #tpu.memory_space<vmem>> -> memref<64xi32, #tpu.memory_space<vmem>>
    %dma_wait3A_1711 = arith.constant 0 : i32
    %dma_wait3A_1712 = arith.constant 0 : i32
    %dma_wait3A_1713 = tpu.memref_slice %arg3[%dma_wait3A_1711, %dma_wait3A_1712] : memref<10000x128xf32, #tpu.memory_space<hbm>> -> memref<10000x128xf32, #tpu.memory_space<hbm>>
    %dma_wait3A_1714 = tpu.memref_slice %arg13[%dma_wait3A_1703] : memref<24x!tpu.dma_semaphore, #tpu.memory_space<semaphore_mem>> -> memref<1x!tpu.dma_semaphore, #tpu.memory_space<semaphore_mem>>
    %dma_wait3A_1715 = tpu.memref_squeeze %dma_wait3A_1714 : memref<1x!tpu.dma_semaphore, #tpu.memory_space<semaphore_mem>> -> memref<!tpu.dma_semaphore, #tpu.memory_space<semaphore_mem>>
    tpu.wait_indirect_dma semaphore(%dma_wait3A_1715 : memref<!tpu.dma_semaphore, #tpu.memory_space<semaphore_mem>>) src(%dma_wait3A_1713 : memref<10000x128xf32, #tpu.memory_space<hbm>>) dst(%dma_wait3A_1707 : memref<64x128xf32, #tpu.memory_space<vmem>>)
    %dma_start3A_1716 = arith.constant 2 : i32
    %dma_start3A_1717 = arith.constant 2 : i32
    %dma_start3A_1718 = arith.constant 7 : i32
    %dma_start3A_1719 = arith.constant 0 : i32
    %dma_start3A_1720 = arith.constant 0 : i32
    %dma_start3A_1721 = tpu.memref_slice %arg9[%dma_start3A_1716, %dma_start3A_1719, %dma_start3A_1720] : memref<5x64x128xf32, #tpu.memory_space<vmem>> -> memref<1x64x128xf32, #tpu.memory_space<vmem>>
    %dma_start3A_1722 = tpu.memref_squeeze %dma_start3A_1721 : memref<1x64x128xf32, #tpu.memory_space<vmem>> -> memref<64x128xf32, #tpu.memory_space<vmem>>
    %dma_start3A_1723 = arith.constant 0 : i32
    %dma_start3A_1724 = tpu.memref_slice %arg8[%dma_start3A_1717, %dma_start3A_1723] : memref<10x64xi32, #tpu.memory_space<vmem>> -> memref<1x64xi32, #tpu.memory_space<vmem>>
    %dma_start3A_1725 = tpu.memref_squeeze %dma_start3A_1724 : memref<1x64xi32, #tpu.memory_space<vmem>> -> memref<64xi32, #tpu.memory_space<vmem>>
    %dma_start3A_1726 = arith.constant 0 : i32
    %dma_start3A_1727 = arith.constant 0 : i32
    %dma_start3A_1728 = tpu.memref_slice %arg6[%dma_start3A_1726, %dma_start3A_1727] : memref<10000x128xf32, #tpu.memory_space<vmem_shared>> -> memref<10000x128xf32, #tpu.memory_space<vmem_shared>>
    %dma_start3A_1729 = tpu.memref_slice %arg13[%dma_start3A_1718] : memref<24x!tpu.dma_semaphore, #tpu.memory_space<semaphore_mem>> -> memref<1x!tpu.dma_semaphore, #tpu.memory_space<semaphore_mem>>
    %dma_start3A_1730 = tpu.memref_squeeze %dma_start3A_1729 : memref<1x!tpu.dma_semaphore, #tpu.memory_space<semaphore_mem>> -> memref<!tpu.dma_semaphore, #tpu.memory_space<semaphore_mem>>
    tpu.enqueue_indirect_dma source(%dma_start3A_1722 : memref<64x128xf32, #tpu.memory_space<vmem>>) target(%dma_start3A_1728 : memref<10000x128xf32, #tpu.memory_space<vmem_shared>>) offsets(%dma_start3A_1725 : memref<64xi32, #tpu.memory_space<vmem>>) semaphore(%dma_start3A_1730 : memref<!tpu.dma_semaphore, #tpu.memory_space<semaphore_mem>>) {add = true}
    %dma_wait3A_1731 = arith.constant 0 : i32
    %dma_wait3A_1732 = arith.constant 3 : i32
    %dma_wait3A_1733 = arith.constant 3 : i32
    %dma_wait3A_1734 = arith.constant 0 : i32
    %dma_wait3A_1735 = arith.constant 0 : i32
    %dma_wait3A_1736 = tpu.memref_slice %arg9[%dma_wait3A_1732, %dma_wait3A_1734, %dma_wait3A_1735] : memref<5x64x128xf32, #tpu.memory_space<vmem>> -> memref<1x64x128xf32, #tpu.memory_space<vmem>>
    %dma_wait3A_1737 = tpu.memref_squeeze %dma_wait3A_1736 : memref<1x64x128xf32, #tpu.memory_space<vmem>> -> memref<64x128xf32, #tpu.memory_space<vmem>>
    %dma_wait3A_1738 = arith.constant 0 : i32
    %dma_wait3A_1739 = tpu.memref_slice %arg7[%dma_wait3A_1731, %dma_wait3A_1738] : memref<10x64xi32, #tpu.memory_space<vmem>> -> memref<1x64xi32, #tpu.memory_space<vmem>>
    %dma_wait3A_1740 = tpu.memref_squeeze %dma_wait3A_1739 : memref<1x64xi32, #tpu.memory_space<vmem>> -> memref<64xi32, #tpu.memory_space<vmem>>
    %dma_wait3A_1741 = arith.constant 0 : i32
    %dma_wait3A_1742 = arith.constant 0 : i32
    %dma_wait3A_1743 = tpu.memref_slice %arg3[%dma_wait3A_1741, %dma_wait3A_1742] : memref<10000x128xf32, #tpu.memory_space<hbm>> -> memref<10000x128xf32, #tpu.memory_space<hbm>>
    %dma_wait3A_1744 = tpu.memref_slice %arg13[%dma_wait3A_1733] : memref<24x!tpu.dma_semaphore, #tpu.memory_space<semaphore_mem>> -> memref<1x!tpu.dma_semaphore, #tpu.memory_space<semaphore_mem>>
    %dma_wait3A_1745 = tpu.memref_squeeze %dma_wait3A_1744 : memref<1x!tpu.dma_semaphore, #tpu.memory_space<semaphore_mem>> -> memref<!tpu.dma_semaphore, #tpu.memory_space<semaphore_mem>>
    tpu.wait_indirect_dma semaphore(%dma_wait3A_1745 : memref<!tpu.dma_semaphore, #tpu.memory_space<semaphore_mem>>) src(%dma_wait3A_1743 : memref<10000x128xf32, #tpu.memory_space<hbm>>) dst(%dma_wait3A_1737 : memref<64x128xf32, #tpu.memory_space<vmem>>)
    %dma_start3A_1746 = arith.constant 3 : i32
    %dma_start3A_1747 = arith.constant 3 : i32
    %dma_start3A_1748 = arith.constant 8 : i32
    %dma_start3A_1749 = arith.constant 0 : i32
    %dma_start3A_1750 = arith.constant 0 : i32
    %dma_start3A_1751 = tpu.memref_slice %arg9[%dma_start3A_1746, %dma_start3A_1749, %dma_start3A_1750] : memref<5x64x128xf32, #tpu.memory_space<vmem>> -> memref<1x64x128xf32, #tpu.memory_space<vmem>>
    %dma_start3A_1752 = tpu.memref_squeeze %dma_start3A_1751 : memref<1x64x128xf32, #tpu.memory_space<vmem>> -> memref<64x128xf32, #tpu.memory_space<vmem>>
    %dma_start3A_1753 = arith.constant 0 : i32
    %dma_start3A_1754 = tpu.memref_slice %arg8[%dma_start3A_1747, %dma_start3A_1753] : memref<10x64xi32, #tpu.memory_space<vmem>> -> memref<1x64xi32, #tpu.memory_space<vmem>>
    %dma_start3A_1755 = tpu.memref_squeeze %dma_start3A_1754 : memref<1x64xi32, #tpu.memory_space<vmem>> -> memref<64xi32, #tpu.memory_space<vmem>>
    %dma_start3A_1756 = arith.constant 0 : i32
    %dma_start3A_1757 = arith.constant 0 : i32
    %dma_start3A_1758 = tpu.memref_slice %arg6[%dma_start3A_1756, %dma_start3A_1757] : memref<10000x128xf32, #tpu.memory_space<vmem_shared>> -> memref<10000x128xf32, #tpu.memory_space<vmem_shared>>
    %dma_start3A_1759 = tpu.memref_slice %arg13[%dma_start3A_1748] : memref<24x!tpu.dma_semaphore, #tpu.memory_space<semaphore_mem>> -> memref<1x!tpu.dma_semaphore, #tpu.memory_space<semaphore_mem>>
    %dma_start3A_1760 = tpu.memref_squeeze %dma_start3A_1759 : memref<1x!tpu.dma_semaphore, #tpu.memory_space<semaphore_mem>> -> memref<!tpu.dma_semaphore, #tpu.memory_space<semaphore_mem>>
    tpu.enqueue_indirect_dma source(%dma_start3A_1752 : memref<64x128xf32, #tpu.memory_space<vmem>>) target(%dma_start3A_1758 : memref<10000x128xf32, #tpu.memory_space<vmem_shared>>) offsets(%dma_start3A_1755 : memref<64xi32, #tpu.memory_space<vmem>>) semaphore(%dma_start3A_1760 : memref<!tpu.dma_semaphore, #tpu.memory_space<semaphore_mem>>) {add = true}
    %dma_wait3A_1761 = arith.constant 0 : i32
    %dma_wait3A_1762 = arith.constant 4 : i32
    %dma_wait3A_1763 = arith.constant 4 : i32
    %dma_wait3A_1764 = arith.constant 0 : i32
    %dma_wait3A_1765 = arith.constant 0 : i32
    %dma_wait3A_1766 = tpu.memref_slice %arg9[%dma_wait3A_1762, %dma_wait3A_1764, %dma_wait3A_1765] : memref<5x64x128xf32, #tpu.memory_space<vmem>> -> memref<1x64x128xf32, #tpu.memory_space<vmem>>
    %dma_wait3A_1767 = tpu.memref_squeeze %dma_wait3A_1766 : memref<1x64x128xf32, #tpu.memory_space<vmem>> -> memref<64x128xf32, #tpu.memory_space<vmem>>
    %dma_wait3A_1768 = arith.constant 0 : i32
    %dma_wait3A_1769 = tpu.memref_slice %arg7[%dma_wait3A_1761, %dma_wait3A_1768] : memref<10x64xi32, #tpu.memory_space<vmem>> -> memref<1x64xi32, #tpu.memory_space<vmem>>
    %dma_wait3A_1770 = tpu.memref_squeeze %dma_wait3A_1769 : memref<1x64xi32, #tpu.memory_space<vmem>> -> memref<64xi32, #tpu.memory_space<vmem>>
    %dma_wait3A_1771 = arith.constant 0 : i32
    %dma_wait3A_1772 = arith.constant 0 : i32
    %dma_wait3A_1773 = tpu.memref_slice %arg3[%dma_wait3A_1771, %dma_wait3A_1772] : memref<10000x128xf32, #tpu.memory_space<hbm>> -> memref<10000x128xf32, #tpu.memory_space<hbm>>
    %dma_wait3A_1774 = tpu.memref_slice %arg13[%dma_wait3A_1763] : memref<24x!tpu.dma_semaphore, #tpu.memory_space<semaphore_mem>> -> memref<1x!tpu.dma_semaphore, #tpu.memory_space<semaphore_mem>>
    %dma_wait3A_1775 = tpu.memref_squeeze %dma_wait3A_1774 : memref<1x!tpu.dma_semaphore, #tpu.memory_space<semaphore_mem>> -> memref<!tpu.dma_semaphore, #tpu.memory_space<semaphore_mem>>
    tpu.wait_indirect_dma semaphore(%dma_wait3A_1775 : memref<!tpu.dma_semaphore, #tpu.memory_space<semaphore_mem>>) src(%dma_wait3A_1773 : memref<10000x128xf32, #tpu.memory_space<hbm>>) dst(%dma_wait3A_1767 : memref<64x128xf32, #tpu.memory_space<vmem>>)
    %dma_start3A_1776 = arith.constant 4 : i32
    %dma_start3A_1777 = arith.constant 4 : i32
    %dma_start3A_1778 = arith.constant 9 : i32
    %dma_start3A_1779 = arith.constant 0 : i32
    %dma_start3A_1780 = arith.constant 0 : i32
    %dma_start3A_1781 = tpu.memref_slice %arg9[%dma_start3A_1776, %dma_start3A_1779, %dma_start3A_1780] : memref<5x64x128xf32, #tpu.memory_space<vmem>> -> memref<1x64x128xf32, #tpu.memory_space<vmem>>
    %dma_start3A_1782 = tpu.memref_squeeze %dma_start3A_1781 : memref<1x64x128xf32, #tpu.memory_space<vmem>> -> memref<64x128xf32, #tpu.memory_space<vmem>>
    %dma_start3A_1783 = arith.constant 0 : i32
    %dma_start3A_1784 = tpu.memref_slice %arg8[%dma_start3A_1777, %dma_start3A_1783] : memref<10x64xi32, #tpu.memory_space<vmem>> -> memref<1x64xi32, #tpu.memory_space<vmem>>
    %dma_start3A_1785 = tpu.memref_squeeze %dma_start3A_1784 : memref<1x64xi32, #tpu.memory_space<vmem>> -> memref<64xi32, #tpu.memory_space<vmem>>
    %dma_start3A_1786 = arith.constant 0 : i32
    %dma_start3A_1787 = arith.constant 0 : i32
    %dma_start3A_1788 = tpu.memref_slice %arg6[%dma_start3A_1786, %dma_start3A_1787] : memref<10000x128xf32, #tpu.memory_space<vmem_shared>> -> memref<10000x128xf32, #tpu.memory_space<vmem_shared>>
    %dma_start3A_1789 = tpu.memref_slice %arg13[%dma_start3A_1778] : memref<24x!tpu.dma_semaphore, #tpu.memory_space<semaphore_mem>> -> memref<1x!tpu.dma_semaphore, #tpu.memory_space<semaphore_mem>>
    %dma_start3A_1790 = tpu.memref_squeeze %dma_start3A_1789 : memref<1x!tpu.dma_semaphore, #tpu.memory_space<semaphore_mem>> -> memref<!tpu.dma_semaphore, #tpu.memory_space<semaphore_mem>>
    tpu.enqueue_indirect_dma source(%dma_start3A_1782 : memref<64x128xf32, #tpu.memory_space<vmem>>) target(%dma_start3A_1788 : memref<10000x128xf32, #tpu.memory_space<vmem_shared>>) offsets(%dma_start3A_1785 : memref<64xi32, #tpu.memory_space<vmem>>) semaphore(%dma_start3A_1790 : memref<!tpu.dma_semaphore, #tpu.memory_space<semaphore_mem>>) {add = true}
    %dma_wait3A_1791 = arith.constant 0 : i32
    %dma_wait3A_1792 = arith.constant 0 : i32
    %dma_wait3A_1793 = arith.constant 5 : i32
    %dma_wait3A_1794 = arith.constant 0 : i32
    %dma_wait3A_1795 = arith.constant 0 : i32
    %dma_wait3A_1796 = tpu.memref_slice %arg9[%dma_wait3A_1791, %dma_wait3A_1794, %dma_wait3A_1795] : memref<5x64x128xf32, #tpu.memory_space<vmem>> -> memref<1x64x128xf32, #tpu.memory_space<vmem>>
    %dma_wait3A_1797 = tpu.memref_squeeze %dma_wait3A_1796 : memref<1x64x128xf32, #tpu.memory_space<vmem>> -> memref<64x128xf32, #tpu.memory_space<vmem>>
    %dma_wait3A_1798 = arith.constant 0 : i32
    %dma_wait3A_1799 = tpu.memref_slice %arg8[%dma_wait3A_1792, %dma_wait3A_1798] : memref<10x64xi32, #tpu.memory_space<vmem>> -> memref<1x64xi32, #tpu.memory_space<vmem>>
    %dma_wait3A_1800 = tpu.memref_squeeze %dma_wait3A_1799 : memref<1x64xi32, #tpu.memory_space<vmem>> -> memref<64xi32, #tpu.memory_space<vmem>>
    %dma_wait3A_1801 = arith.constant 0 : i32
    %dma_wait3A_1802 = arith.constant 0 : i32
    %dma_wait3A_1803 = tpu.memref_slice %arg6[%dma_wait3A_1801, %dma_wait3A_1802] : memref<10000x128xf32, #tpu.memory_space<vmem_shared>> -> memref<10000x128xf32, #tpu.memory_space<vmem_shared>>
    %dma_wait3A_1804 = tpu.memref_slice %arg13[%dma_wait3A_1793] : memref<24x!tpu.dma_semaphore, #tpu.memory_space<semaphore_mem>> -> memref<1x!tpu.dma_semaphore, #tpu.memory_space<semaphore_mem>>
    %dma_wait3A_1805 = tpu.memref_squeeze %dma_wait3A_1804 : memref<1x!tpu.dma_semaphore, #tpu.memory_space<semaphore_mem>> -> memref<!tpu.dma_semaphore, #tpu.memory_space<semaphore_mem>>
    tpu.wait_indirect_dma semaphore(%dma_wait3A_1805 : memref<!tpu.dma_semaphore, #tpu.memory_space<semaphore_mem>>) src(%dma_wait3A_1797 : memref<64x128xf32, #tpu.memory_space<vmem>>) dst(%dma_wait3A_1803 : memref<10000x128xf32, #tpu.memory_space<vmem_shared>>)
    %dma_wait3A_1806 = arith.constant 5 : i32
    %dma_wait3A_1807 = arith.constant 15 : i32
    %dma_wait3A_1808 = arith.constant 0 : i32
    %dma_wait3A_1809 = tpu.memref_slice %arg7[%dma_wait3A_1806, %dma_wait3A_1808] : memref<10x64xi32, #tpu.memory_space<vmem>> -> memref<1x64xi32, #tpu.memory_space<vmem>>
    %dma_wait3A_1810 = tpu.memref_squeeze %dma_wait3A_1809 : memref<1x64xi32, #tpu.memory_space<vmem>> -> memref<64xi32, #tpu.memory_space<vmem>>
    %dma_wait3A_1811 = arith.constant 0 : i32
    %dma_wait3A_1812 = tpu.memref_slice %arg2[%dma_wait3A_1811] : memref<640000xi32, #tpu.memory_space<hbm>> -> memref<64xi32, #tpu.memory_space<hbm>>
    %dma_wait3A_1813 = tpu.memref_slice %arg13[%dma_wait3A_1807] : memref<24x!tpu.dma_semaphore, #tpu.memory_space<semaphore_mem>> -> memref<1x!tpu.dma_semaphore, #tpu.memory_space<semaphore_mem>>
    %dma_wait3A_1814 = tpu.memref_squeeze %dma_wait3A_1813 : memref<1x!tpu.dma_semaphore, #tpu.memory_space<semaphore_mem>> -> memref<!tpu.dma_semaphore, #tpu.memory_space<semaphore_mem>>
    %dma_wait3A_1815 = arith.constant 0 : i32
    %dma_wait3A_1816 = tpu.memref_slice %arg7[%dma_wait3A_1806, %dma_wait3A_1815] : memref<10x64xi32, #tpu.memory_space<vmem>> -> memref<1x64xi32, #tpu.memory_space<vmem>>
    %dma_wait3A_1817 = tpu.memref_squeeze %dma_wait3A_1816 : memref<1x64xi32, #tpu.memory_space<vmem>> -> memref<64xi32, #tpu.memory_space<vmem>>
    %dma_wait3A_1818 = arith.constant 0 : i32
    %dma_wait3A_1819 = tpu.memref_slice %arg2[%dma_wait3A_1818] : memref<640000xi32, #tpu.memory_space<hbm>> -> memref<64xi32, #tpu.memory_space<hbm>>
    tpu.wait_dma2 semaphore(%dma_wait3A_1814 : memref<!tpu.dma_semaphore, #tpu.memory_space<semaphore_mem>>) src(%dma_wait3A_1819 : memref<64xi32, #tpu.memory_space<hbm>>) dst(%dma_wait3A_1817 : memref<64xi32, #tpu.memory_space<vmem>>)
    %dma_wait3A_1820 = arith.constant 5 : i32
    %dma_wait3A_1821 = arith.constant 15 : i32
    %dma_wait3A_1822 = arith.constant 0 : i32
    %dma_wait3A_1823 = tpu.memref_slice %arg8[%dma_wait3A_1820, %dma_wait3A_1822] : memref<10x64xi32, #tpu.memory_space<vmem>> -> memref<1x64xi32, #tpu.memory_space<vmem>>
    %dma_wait3A_1824 = tpu.memref_squeeze %dma_wait3A_1823 : memref<1x64xi32, #tpu.memory_space<vmem>> -> memref<64xi32, #tpu.memory_space<vmem>>
    %dma_wait3A_1825 = arith.constant 0 : i32
    %dma_wait3A_1826 = tpu.memref_slice %arg2[%dma_wait3A_1825] : memref<640000xi32, #tpu.memory_space<hbm>> -> memref<64xi32, #tpu.memory_space<hbm>>
    %dma_wait3A_1827 = tpu.memref_slice %arg13[%dma_wait3A_1821] : memref<24x!tpu.dma_semaphore, #tpu.memory_space<semaphore_mem>> -> memref<1x!tpu.dma_semaphore, #tpu.memory_space<semaphore_mem>>
    %dma_wait3A_1828 = tpu.memref_squeeze %dma_wait3A_1827 : memref<1x!tpu.dma_semaphore, #tpu.memory_space<semaphore_mem>> -> memref<!tpu.dma_semaphore, #tpu.memory_space<semaphore_mem>>
    %dma_wait3A_1829 = arith.constant 0 : i32
    %dma_wait3A_1830 = tpu.memref_slice %arg8[%dma_wait3A_1820, %dma_wait3A_1829] : memref<10x64xi32, #tpu.memory_space<vmem>> -> memref<1x64xi32, #tpu.memory_space<vmem>>
    %dma_wait3A_1831 = tpu.memref_squeeze %dma_wait3A_1830 : memref<1x64xi32, #tpu.memory_space<vmem>> -> memref<64xi32, #tpu.memory_space<vmem>>
    %dma_wait3A_1832 = arith.constant 0 : i32
    %dma_wait3A_1833 = tpu.memref_slice %arg2[%dma_wait3A_1832] : memref<640000xi32, #tpu.memory_space<hbm>> -> memref<64xi32, #tpu.memory_space<hbm>>
    tpu.wait_dma2 semaphore(%dma_wait3A_1828 : memref<!tpu.dma_semaphore, #tpu.memory_space<semaphore_mem>>) src(%dma_wait3A_1833 : memref<64xi32, #tpu.memory_space<hbm>>) dst(%dma_wait3A_1831 : memref<64xi32, #tpu.memory_space<vmem>>)
    %dma_start3A_1834 = arith.constant 5 : i32
    %dma_start3A_1835 = arith.constant 0 : i32
    %dma_start3A_1836 = arith.constant 0 : i32
    %dma_start3A_1837 = arith.constant 0 : i32
    %dma_start3A_1838 = arith.constant 0 : i32
    %dma_start3A_1839 = tpu.memref_slice %arg9[%dma_start3A_1835, %dma_start3A_1837, %dma_start3A_1838] : memref<5x64x128xf32, #tpu.memory_space<vmem>> -> memref<1x64x128xf32, #tpu.memory_space<vmem>>
    %dma_start3A_1840 = tpu.memref_squeeze %dma_start3A_1839 : memref<1x64x128xf32, #tpu.memory_space<vmem>> -> memref<64x128xf32, #tpu.memory_space<vmem>>
    %dma_start3A_1841 = arith.constant 0 : i32
    %dma_start3A_1842 = tpu.memref_slice %arg7[%dma_start3A_1834, %dma_start3A_1841] : memref<10x64xi32, #tpu.memory_space<vmem>> -> memref<1x64xi32, #tpu.memory_space<vmem>>
    %dma_start3A_1843 = tpu.memref_squeeze %dma_start3A_1842 : memref<1x64xi32, #tpu.memory_space<vmem>> -> memref<64xi32, #tpu.memory_space<vmem>>
    %dma_start3A_1844 = arith.constant 0 : i32
    %dma_start3A_1845 = arith.constant 0 : i32
    %dma_start3A_1846 = tpu.memref_slice %arg3[%dma_start3A_1844, %dma_start3A_1845] : memref<10000x128xf32, #tpu.memory_space<hbm>> -> memref<10000x128xf32, #tpu.memory_space<hbm>>
    %dma_start3A_1847 = tpu.memref_slice %arg13[%dma_start3A_1836] : memref<24x!tpu.dma_semaphore, #tpu.memory_space<semaphore_mem>> -> memref<1x!tpu.dma_semaphore, #tpu.memory_space<semaphore_mem>>
    %dma_start3A_1848 = tpu.memref_squeeze %dma_start3A_1847 : memref<1x!tpu.dma_semaphore, #tpu.memory_space<semaphore_mem>> -> memref<!tpu.dma_semaphore, #tpu.memory_space<semaphore_mem>>
    tpu.enqueue_indirect_dma source(%dma_start3A_1846 : memref<10000x128xf32, #tpu.memory_space<hbm>>) target(%dma_start3A_1840 : memref<64x128xf32, #tpu.memory_space<vmem>>) offsets(%dma_start3A_1843 : memref<64xi32, #tpu.memory_space<vmem>>) semaphore(%dma_start3A_1848 : memref<!tpu.dma_semaphore, #tpu.memory_space<semaphore_mem>>)
    %dma_wait3A_1849 = arith.constant 1 : i32
    %dma_wait3A_1850 = arith.constant 0 : i32
    %dma_wait3A_1851 = arith.constant 6 : i32
    %dma_wait3A_1852 = arith.constant 0 : i32
    %dma_wait3A_1853 = arith.constant 0 : i32
    %dma_wait3A_1854 = tpu.memref_slice %arg9[%dma_wait3A_1849, %dma_wait3A_1852, %dma_wait3A_1853] : memref<5x64x128xf32, #tpu.memory_space<vmem>> -> memref<1x64x128xf32, #tpu.memory_space<vmem>>
    %dma_wait3A_1855 = tpu.memref_squeeze %dma_wait3A_1854 : memref<1x64x128xf32, #tpu.memory_space<vmem>> -> memref<64x128xf32, #tpu.memory_space<vmem>>
    %dma_wait3A_1856 = arith.constant 0 : i32
    %dma_wait3A_1857 = tpu.memref_slice %arg8[%dma_wait3A_1850, %dma_wait3A_1856] : memref<10x64xi32, #tpu.memory_space<vmem>> -> memref<1x64xi32, #tpu.memory_space<vmem>>
    %dma_wait3A_1858 = tpu.memref_squeeze %dma_wait3A_1857 : memref<1x64xi32, #tpu.memory_space<vmem>> -> memref<64xi32, #tpu.memory_space<vmem>>
    %dma_wait3A_1859 = arith.constant 0 : i32
    %dma_wait3A_1860 = arith.constant 0 : i32
    %dma_wait3A_1861 = tpu.memref_slice %arg6[%dma_wait3A_1859, %dma_wait3A_1860] : memref<10000x128xf32, #tpu.memory_space<vmem_shared>> -> memref<10000x128xf32, #tpu.memory_space<vmem_shared>>
    %dma_wait3A_1862 = tpu.memref_slice %arg13[%dma_wait3A_1851] : memref<24x!tpu.dma_semaphore, #tpu.memory_space<semaphore_mem>> -> memref<1x!tpu.dma_semaphore, #tpu.memory_space<semaphore_mem>>
    %dma_wait3A_1863 = tpu.memref_squeeze %dma_wait3A_1862 : memref<1x!tpu.dma_semaphore, #tpu.memory_space<semaphore_mem>> -> memref<!tpu.dma_semaphore, #tpu.memory_space<semaphore_mem>>
    tpu.wait_indirect_dma semaphore(%dma_wait3A_1863 : memref<!tpu.dma_semaphore, #tpu.memory_space<semaphore_mem>>) src(%dma_wait3A_1855 : memref<64x128xf32, #tpu.memory_space<vmem>>) dst(%dma_wait3A_1861 : memref<10000x128xf32, #tpu.memory_space<vmem_shared>>)
    %dma_wait3A_1864 = arith.constant 2 : i32
    %dma_wait3A_1865 = arith.constant 0 : i32
    %dma_wait3A_1866 = arith.constant 7 : i32
    %dma_wait3A_1867 = arith.constant 0 : i32
    %dma_wait3A_1868 = arith.constant 0 : i32
    %dma_wait3A_1869 = tpu.memref_slice %arg9[%dma_wait3A_1864, %dma_wait3A_1867, %dma_wait3A_1868] : memref<5x64x128xf32, #tpu.memory_space<vmem>> -> memref<1x64x128xf32, #tpu.memory_space<vmem>>
    %dma_wait3A_1870 = tpu.memref_squeeze %dma_wait3A_1869 : memref<1x64x128xf32, #tpu.memory_space<vmem>> -> memref<64x128xf32, #tpu.memory_space<vmem>>
    %dma_wait3A_1871 = arith.constant 0 : i32
    %dma_wait3A_1872 = tpu.memref_slice %arg8[%dma_wait3A_1865, %dma_wait3A_1871] : memref<10x64xi32, #tpu.memory_space<vmem>> -> memref<1x64xi32, #tpu.memory_space<vmem>>
    %dma_wait3A_1873 = tpu.memref_squeeze %dma_wait3A_1872 : memref<1x64xi32, #tpu.memory_space<vmem>> -> memref<64xi32, #tpu.memory_space<vmem>>
    %dma_wait3A_1874 = arith.constant 0 : i32
    %dma_wait3A_1875 = arith.constant 0 : i32
    %dma_wait3A_1876 = tpu.memref_slice %arg6[%dma_wait3A_1874, %dma_wait3A_1875] : memref<10000x128xf32, #tpu.memory_space<vmem_shared>> -> memref<10000x128xf32, #tpu.memory_space<vmem_shared>>
    %dma_wait3A_1877 = tpu.memref_slice %arg13[%dma_wait3A_1866] : memref<24x!tpu.dma_semaphore, #tpu.memory_space<semaphore_mem>> -> memref<1x!tpu.dma_semaphore, #tpu.memory_space<semaphore_mem>>
    %dma_wait3A_1878 = tpu.memref_squeeze %dma_wait3A_1877 : memref<1x!tpu.dma_semaphore, #tpu.memory_space<semaphore_mem>> -> memref<!tpu.dma_semaphore, #tpu.memory_space<semaphore_mem>>
    tpu.wait_indirect_dma semaphore(%dma_wait3A_1878 : memref<!tpu.dma_semaphore, #tpu.memory_space<semaphore_mem>>) src(%dma_wait3A_1870 : memref<64x128xf32, #tpu.memory_space<vmem>>) dst(%dma_wait3A_1876 : memref<10000x128xf32, #tpu.memory_space<vmem_shared>>)
    %dma_wait3A_1879 = arith.constant 3 : i32
    %dma_wait3A_1880 = arith.constant 0 : i32
    %dma_wait3A_1881 = arith.constant 8 : i32
    %dma_wait3A_1882 = arith.constant 0 : i32
    %dma_wait3A_1883 = arith.constant 0 : i32
    %dma_wait3A_1884 = tpu.memref_slice %arg9[%dma_wait3A_1879, %dma_wait3A_1882, %dma_wait3A_1883] : memref<5x64x128xf32, #tpu.memory_space<vmem>> -> memref<1x64x128xf32, #tpu.memory_space<vmem>>
    %dma_wait3A_1885 = tpu.memref_squeeze %dma_wait3A_1884 : memref<1x64x128xf32, #tpu.memory_space<vmem>> -> memref<64x128xf32, #tpu.memory_space<vmem>>
    %dma_wait3A_1886 = arith.constant 0 : i32
    %dma_wait3A_1887 = tpu.memref_slice %arg8[%dma_wait3A_1880, %dma_wait3A_1886] : memref<10x64xi32, #tpu.memory_space<vmem>> -> memref<1x64xi32, #tpu.memory_space<vmem>>
    %dma_wait3A_1888 = tpu.memref_squeeze %dma_wait3A_1887 : memref<1x64xi32, #tpu.memory_space<vmem>> -> memref<64xi32, #tpu.memory_space<vmem>>
    %dma_wait3A_1889 = arith.constant 0 : i32
    %dma_wait3A_1890 = arith.constant 0 : i32
    %dma_wait3A_1891 = tpu.memref_slice %arg6[%dma_wait3A_1889, %dma_wait3A_1890] : memref<10000x128xf32, #tpu.memory_space<vmem_shared>> -> memref<10000x128xf32, #tpu.memory_space<vmem_shared>>
    %dma_wait3A_1892 = tpu.memref_slice %arg13[%dma_wait3A_1881] : memref<24x!tpu.dma_semaphore, #tpu.memory_space<semaphore_mem>> -> memref<1x!tpu.dma_semaphore, #tpu.memory_space<semaphore_mem>>
    %dma_wait3A_1893 = tpu.memref_squeeze %dma_wait3A_1892 : memref<1x!tpu.dma_semaphore, #tpu.memory_space<semaphore_mem>> -> memref<!tpu.dma_semaphore, #tpu.memory_space<semaphore_mem>>
    tpu.wait_indirect_dma semaphore(%dma_wait3A_1893 : memref<!tpu.dma_semaphore, #tpu.memory_space<semaphore_mem>>) src(%dma_wait3A_1885 : memref<64x128xf32, #tpu.memory_space<vmem>>) dst(%dma_wait3A_1891 : memref<10000x128xf32, #tpu.memory_space<vmem_shared>>)
    %dma_wait3A_1894 = arith.constant 4 : i32
    %dma_wait3A_1895 = arith.constant 0 : i32
    %dma_wait3A_1896 = arith.constant 9 : i32
    %dma_wait3A_1897 = arith.constant 0 : i32
    %dma_wait3A_1898 = arith.constant 0 : i32
    %dma_wait3A_1899 = tpu.memref_slice %arg9[%dma_wait3A_1894, %dma_wait3A_1897, %dma_wait3A_1898] : memref<5x64x128xf32, #tpu.memory_space<vmem>> -> memref<1x64x128xf32, #tpu.memory_space<vmem>>
    %dma_wait3A_1900 = tpu.memref_squeeze %dma_wait3A_1899 : memref<1x64x128xf32, #tpu.memory_space<vmem>> -> memref<64x128xf32, #tpu.memory_space<vmem>>
    %dma_wait3A_1901 = arith.constant 0 : i32
    %dma_wait3A_1902 = tpu.memref_slice %arg8[%dma_wait3A_1895, %dma_wait3A_1901] : memref<10x64xi32, #tpu.memory_space<vmem>> -> memref<1x64xi32, #tpu.memory_space<vmem>>
    %dma_wait3A_1903 = tpu.memref_squeeze %dma_wait3A_1902 : memref<1x64xi32, #tpu.memory_space<vmem>> -> memref<64xi32, #tpu.memory_space<vmem>>
    %dma_wait3A_1904 = arith.constant 0 : i32
    %dma_wait3A_1905 = arith.constant 0 : i32
    %dma_wait3A_1906 = tpu.memref_slice %arg6[%dma_wait3A_1904, %dma_wait3A_1905] : memref<10000x128xf32, #tpu.memory_space<vmem_shared>> -> memref<10000x128xf32, #tpu.memory_space<vmem_shared>>
    %dma_wait3A_1907 = tpu.memref_slice %arg13[%dma_wait3A_1896] : memref<24x!tpu.dma_semaphore, #tpu.memory_space<semaphore_mem>> -> memref<1x!tpu.dma_semaphore, #tpu.memory_space<semaphore_mem>>
    %dma_wait3A_1908 = tpu.memref_squeeze %dma_wait3A_1907 : memref<1x!tpu.dma_semaphore, #tpu.memory_space<semaphore_mem>> -> memref<!tpu.dma_semaphore, #tpu.memory_space<semaphore_mem>>
    tpu.wait_indirect_dma semaphore(%dma_wait3A_1908 : memref<!tpu.dma_semaphore, #tpu.memory_space<semaphore_mem>>) src(%dma_wait3A_1900 : memref<64x128xf32, #tpu.memory_space<vmem>>) dst(%dma_wait3A_1906 : memref<10000x128xf32, #tpu.memory_space<vmem_shared>>)
    %dma_wait3A_1909 = arith.constant 0 : i32
    %dma_wait3A_1910 = arith.constant 0 : i32
    %dma_wait3A_1911 = arith.constant 0 : i32
    %dma_wait3A_1912 = arith.constant 0 : i32
    %dma_wait3A_1913 = arith.constant 0 : i32
    %dma_wait3A_1914 = tpu.memref_slice %arg9[%dma_wait3A_1910, %dma_wait3A_1912, %dma_wait3A_1913] : memref<5x64x128xf32, #tpu.memory_space<vmem>> -> memref<1x64x128xf32, #tpu.memory_space<vmem>>
    %dma_wait3A_1915 = tpu.memref_squeeze %dma_wait3A_1914 : memref<1x64x128xf32, #tpu.memory_space<vmem>> -> memref<64x128xf32, #tpu.memory_space<vmem>>
    %dma_wait3A_1916 = arith.constant 0 : i32
    %dma_wait3A_1917 = tpu.memref_slice %arg7[%dma_wait3A_1909, %dma_wait3A_1916] : memref<10x64xi32, #tpu.memory_space<vmem>> -> memref<1x64xi32, #tpu.memory_space<vmem>>
    %dma_wait3A_1918 = tpu.memref_squeeze %dma_wait3A_1917 : memref<1x64xi32, #tpu.memory_space<vmem>> -> memref<64xi32, #tpu.memory_space<vmem>>
    %dma_wait3A_1919 = arith.constant 0 : i32
    %dma_wait3A_1920 = arith.constant 0 : i32
    %dma_wait3A_1921 = tpu.memref_slice %arg3[%dma_wait3A_1919, %dma_wait3A_1920] : memref<10000x128xf32, #tpu.memory_space<hbm>> -> memref<10000x128xf32, #tpu.memory_space<hbm>>
    %dma_wait3A_1922 = tpu.memref_slice %arg13[%dma_wait3A_1911] : memref<24x!tpu.dma_semaphore, #tpu.memory_space<semaphore_mem>> -> memref<1x!tpu.dma_semaphore, #tpu.memory_space<semaphore_mem>>
    %dma_wait3A_1923 = tpu.memref_squeeze %dma_wait3A_1922 : memref<1x!tpu.dma_semaphore, #tpu.memory_space<semaphore_mem>> -> memref<!tpu.dma_semaphore, #tpu.memory_space<semaphore_mem>>
    tpu.wait_indirect_dma semaphore(%dma_wait3A_1923 : memref<!tpu.dma_semaphore, #tpu.memory_space<semaphore_mem>>) src(%dma_wait3A_1921 : memref<10000x128xf32, #tpu.memory_space<hbm>>) dst(%dma_wait3A_1915 : memref<64x128xf32, #tpu.memory_space<vmem>>)
    %dma_start3A_1924 = arith.constant 0 : i32
    %dma_start3A_1925 = arith.constant 5 : i32
    %dma_start3A_1926 = arith.constant 5 : i32
    %dma_start3A_1927 = arith.constant 0 : i32
    %dma_start3A_1928 = arith.constant 0 : i32
    %dma_start3A_1929 = tpu.memref_slice %arg9[%dma_start3A_1924, %dma_start3A_1927, %dma_start3A_1928] : memref<5x64x128xf32, #tpu.memory_space<vmem>> -> memref<1x64x128xf32, #tpu.memory_space<vmem>>
    %dma_start3A_1930 = tpu.memref_squeeze %dma_start3A_1929 : memref<1x64x128xf32, #tpu.memory_space<vmem>> -> memref<64x128xf32, #tpu.memory_space<vmem>>
    %dma_start3A_1931 = arith.constant 0 : i32
    %dma_start3A_1932 = tpu.memref_slice %arg8[%dma_start3A_1925, %dma_start3A_1931] : memref<10x64xi32, #tpu.memory_space<vmem>> -> memref<1x64xi32, #tpu.memory_space<vmem>>
    %dma_start3A_1933 = tpu.memref_squeeze %dma_start3A_1932 : memref<1x64xi32, #tpu.memory_space<vmem>> -> memref<64xi32, #tpu.memory_space<vmem>>
    %dma_start3A_1934 = arith.constant 0 : i32
    %dma_start3A_1935 = arith.constant 0 : i32
    %dma_start3A_1936 = tpu.memref_slice %arg6[%dma_start3A_1934, %dma_start3A_1935] : memref<10000x128xf32, #tpu.memory_space<vmem_shared>> -> memref<10000x128xf32, #tpu.memory_space<vmem_shared>>
    %dma_start3A_1937 = tpu.memref_slice %arg13[%dma_start3A_1926] : memref<24x!tpu.dma_semaphore, #tpu.memory_space<semaphore_mem>> -> memref<1x!tpu.dma_semaphore, #tpu.memory_space<semaphore_mem>>
    %dma_start3A_1938 = tpu.memref_squeeze %dma_start3A_1937 : memref<1x!tpu.dma_semaphore, #tpu.memory_space<semaphore_mem>> -> memref<!tpu.dma_semaphore, #tpu.memory_space<semaphore_mem>>
    tpu.enqueue_indirect_dma source(%dma_start3A_1930 : memref<64x128xf32, #tpu.memory_space<vmem>>) target(%dma_start3A_1936 : memref<10000x128xf32, #tpu.memory_space<vmem_shared>>) offsets(%dma_start3A_1933 : memref<64xi32, #tpu.memory_space<vmem>>) semaphore(%dma_start3A_1938 : memref<!tpu.dma_semaphore, #tpu.memory_space<semaphore_mem>>) {add = true}
    %dma_wait3A_1939 = arith.constant 0 : i32
    %dma_wait3A_1940 = arith.constant 0 : i32
    %dma_wait3A_1941 = arith.constant 5 : i32
    %dma_wait3A_1942 = arith.constant 0 : i32
    %dma_wait3A_1943 = arith.constant 0 : i32
    %dma_wait3A_1944 = tpu.memref_slice %arg9[%dma_wait3A_1939, %dma_wait3A_1942, %dma_wait3A_1943] : memref<5x64x128xf32, #tpu.memory_space<vmem>> -> memref<1x64x128xf32, #tpu.memory_space<vmem>>
    %dma_wait3A_1945 = tpu.memref_squeeze %dma_wait3A_1944 : memref<1x64x128xf32, #tpu.memory_space<vmem>> -> memref<64x128xf32, #tpu.memory_space<vmem>>
    %dma_wait3A_1946 = arith.constant 0 : i32
    %dma_wait3A_1947 = tpu.memref_slice %arg8[%dma_wait3A_1940, %dma_wait3A_1946] : memref<10x64xi32, #tpu.memory_space<vmem>> -> memref<1x64xi32, #tpu.memory_space<vmem>>
    %dma_wait3A_1948 = tpu.memref_squeeze %dma_wait3A_1947 : memref<1x64xi32, #tpu.memory_space<vmem>> -> memref<64xi32, #tpu.memory_space<vmem>>
    %dma_wait3A_1949 = arith.constant 0 : i32
    %dma_wait3A_1950 = arith.constant 0 : i32
    %dma_wait3A_1951 = tpu.memref_slice %arg6[%dma_wait3A_1949, %dma_wait3A_1950] : memref<10000x128xf32, #tpu.memory_space<vmem_shared>> -> memref<10000x128xf32, #tpu.memory_space<vmem_shared>>
    %dma_wait3A_1952 = tpu.memref_slice %arg13[%dma_wait3A_1941] : memref<24x!tpu.dma_semaphore, #tpu.memory_space<semaphore_mem>> -> memref<1x!tpu.dma_semaphore, #tpu.memory_space<semaphore_mem>>
    %dma_wait3A_1953 = tpu.memref_squeeze %dma_wait3A_1952 : memref<1x!tpu.dma_semaphore, #tpu.memory_space<semaphore_mem>> -> memref<!tpu.dma_semaphore, #tpu.memory_space<semaphore_mem>>
    tpu.wait_indirect_dma semaphore(%dma_wait3A_1953 : memref<!tpu.dma_semaphore, #tpu.memory_space<semaphore_mem>>) src(%dma_wait3A_1945 : memref<64x128xf32, #tpu.memory_space<vmem>>) dst(%dma_wait3A_1951 : memref<10000x128xf32, #tpu.memory_space<vmem_shared>>)
    %add3A_1954 = arith.constant 9984 : i32
    %add3A_1955 = arith.addi %mul3A_2, %add3A_1954 : i32
    %multiple_of3A_1956 = tpu.assume_multiple %add3A_1955, 8 : i32
    %add3A_1957 = arith.constant 320000 : i32
    %add3A_1958 = arith.addi %add3A_1957, %mul3A_2 : i32
    %add3A_1959 = arith.constant 9984 : i32
    %add3A_1960 = arith.addi %add3A_1958, %add3A_1959 : i32
    %multiple_of3A_1961 = tpu.assume_multiple %add3A_1960, 8 : i32
    %dma_start3A_1962 = arith.constant 20 : i32
    %dma_start3A_1963 = tpu.memref_slice %arg2[%multiple_of3A_1956] : memref<640000xi32, #tpu.memory_space<hbm>> -> memref<16xi32, #tpu.memory_space<hbm>>
    %dma_start3A_1964 = tpu.memref_slice %arg13[%dma_start3A_1962] : memref<24x!tpu.dma_semaphore, #tpu.memory_space<semaphore_mem>> -> memref<1x!tpu.dma_semaphore, #tpu.memory_space<semaphore_mem>>
    %dma_start3A_1965 = tpu.memref_squeeze %dma_start3A_1964 : memref<1x!tpu.dma_semaphore, #tpu.memory_space<semaphore_mem>> -> memref<!tpu.dma_semaphore, #tpu.memory_space<semaphore_mem>>
    %dma_start3A_1966 = tpu.memref_slice %arg2[%multiple_of3A_1956] : memref<640000xi32, #tpu.memory_space<hbm>> -> memref<16xi32, #tpu.memory_space<hbm>>
    tpu.enqueue_dma source(%dma_start3A_1966 : memref<16xi32, #tpu.memory_space<hbm>>) target(%arg10 : memref<16xi32, #tpu.memory_space<vmem>>) target_semaphore(%dma_start3A_1965 : memref<!tpu.dma_semaphore, #tpu.memory_space<semaphore_mem>>)
    %dma_start3A_1967 = arith.constant 20 : i32
    %dma_start3A_1968 = tpu.memref_slice %arg2[%multiple_of3A_1961] : memref<640000xi32, #tpu.memory_space<hbm>> -> memref<16xi32, #tpu.memory_space<hbm>>
    %dma_start3A_1969 = tpu.memref_slice %arg13[%dma_start3A_1967] : memref<24x!tpu.dma_semaphore, #tpu.memory_space<semaphore_mem>> -> memref<1x!tpu.dma_semaphore, #tpu.memory_space<semaphore_mem>>
    %dma_start3A_1970 = tpu.memref_squeeze %dma_start3A_1969 : memref<1x!tpu.dma_semaphore, #tpu.memory_space<semaphore_mem>> -> memref<!tpu.dma_semaphore, #tpu.memory_space<semaphore_mem>>
    %dma_start3A_1971 = tpu.memref_slice %arg2[%multiple_of3A_1961] : memref<640000xi32, #tpu.memory_space<hbm>> -> memref<16xi32, #tpu.memory_space<hbm>>
    tpu.enqueue_dma source(%dma_start3A_1971 : memref<16xi32, #tpu.memory_space<hbm>>) target(%arg11 : memref<16xi32, #tpu.memory_space<vmem>>) target_semaphore(%dma_start3A_1970 : memref<!tpu.dma_semaphore, #tpu.memory_space<semaphore_mem>>)
    %dma_wait3A_1972 = arith.constant 20 : i32
    %dma_wait3A_1973 = arith.constant 0 : i32
    %dma_wait3A_1974 = tpu.memref_slice %arg2[%dma_wait3A_1973] : memref<640000xi32, #tpu.memory_space<hbm>> -> memref<16xi32, #tpu.memory_space<hbm>>
    %dma_wait3A_1975 = tpu.memref_slice %arg13[%dma_wait3A_1972] : memref<24x!tpu.dma_semaphore, #tpu.memory_space<semaphore_mem>> -> memref<1x!tpu.dma_semaphore, #tpu.memory_space<semaphore_mem>>
    %dma_wait3A_1976 = tpu.memref_squeeze %dma_wait3A_1975 : memref<1x!tpu.dma_semaphore, #tpu.memory_space<semaphore_mem>> -> memref<!tpu.dma_semaphore, #tpu.memory_space<semaphore_mem>>
    %dma_wait3A_1977 = arith.constant 0 : i32
    %dma_wait3A_1978 = tpu.memref_slice %arg2[%dma_wait3A_1977] : memref<640000xi32, #tpu.memory_space<hbm>> -> memref<16xi32, #tpu.memory_space<hbm>>
    tpu.wait_dma2 semaphore(%dma_wait3A_1976 : memref<!tpu.dma_semaphore, #tpu.memory_space<semaphore_mem>>) src(%dma_wait3A_1978 : memref<16xi32, #tpu.memory_space<hbm>>) dst(%arg10 : memref<16xi32, #tpu.memory_space<vmem>>)
    %dma_wait3A_1979 = arith.constant 20 : i32
    %dma_wait3A_1980 = arith.constant 0 : i32
    %dma_wait3A_1981 = tpu.memref_slice %arg2[%dma_wait3A_1980] : memref<640000xi32, #tpu.memory_space<hbm>> -> memref<16xi32, #tpu.memory_space<hbm>>
    %dma_wait3A_1982 = tpu.memref_slice %arg13[%dma_wait3A_1979] : memref<24x!tpu.dma_semaphore, #tpu.memory_space<semaphore_mem>> -> memref<1x!tpu.dma_semaphore, #tpu.memory_space<semaphore_mem>>
    %dma_wait3A_1983 = tpu.memref_squeeze %dma_wait3A_1982 : memref<1x!tpu.dma_semaphore, #tpu.memory_space<semaphore_mem>> -> memref<!tpu.dma_semaphore, #tpu.memory_space<semaphore_mem>>
    %dma_wait3A_1984 = arith.constant 0 : i32
    %dma_wait3A_1985 = tpu.memref_slice %arg2[%dma_wait3A_1984] : memref<640000xi32, #tpu.memory_space<hbm>> -> memref<16xi32, #tpu.memory_space<hbm>>
    tpu.wait_dma2 semaphore(%dma_wait3A_1983 : memref<!tpu.dma_semaphore, #tpu.memory_space<semaphore_mem>>) src(%dma_wait3A_1985 : memref<16xi32, #tpu.memory_space<hbm>>) dst(%arg11 : memref<16xi32, #tpu.memory_space<vmem>>)
    %dma_start3A_1986 = arith.constant 21 : i32
    %dma_start3A_1987 = arith.constant 0 : i32
    %dma_start3A_1988 = arith.constant 0 : i32
    %dma_start3A_1989 = tpu.memref_slice %arg3[%dma_start3A_1987, %dma_start3A_1988] : memref<10000x128xf32, #tpu.memory_space<hbm>> -> memref<10000x128xf32, #tpu.memory_space<hbm>>
    %dma_start3A_1990 = tpu.memref_slice %arg13[%dma_start3A_1986] : memref<24x!tpu.dma_semaphore, #tpu.memory_space<semaphore_mem>> -> memref<1x!tpu.dma_semaphore, #tpu.memory_space<semaphore_mem>>
    %dma_start3A_1991 = tpu.memref_squeeze %dma_start3A_1990 : memref<1x!tpu.dma_semaphore, #tpu.memory_space<semaphore_mem>> -> memref<!tpu.dma_semaphore, #tpu.memory_space<semaphore_mem>>
    tpu.enqueue_indirect_dma source(%dma_start3A_1989 : memref<10000x128xf32, #tpu.memory_space<hbm>>) target(%arg12 : memref<16x128xf32, #tpu.memory_space<vmem>>) offsets(%arg10 : memref<16xi32, #tpu.memory_space<vmem>>) semaphore(%dma_start3A_1991 : memref<!tpu.dma_semaphore, #tpu.memory_space<semaphore_mem>>)
    %dma_wait3A_1992 = arith.constant 21 : i32
    %dma_wait3A_1993 = arith.constant 0 : i32
    %dma_wait3A_1994 = arith.constant 0 : i32
    %dma_wait3A_1995 = tpu.memref_slice %arg3[%dma_wait3A_1993, %dma_wait3A_1994] : memref<10000x128xf32, #tpu.memory_space<hbm>> -> memref<10000x128xf32, #tpu.memory_space<hbm>>
    %dma_wait3A_1996 = tpu.memref_slice %arg13[%dma_wait3A_1992] : memref<24x!tpu.dma_semaphore, #tpu.memory_space<semaphore_mem>> -> memref<1x!tpu.dma_semaphore, #tpu.memory_space<semaphore_mem>>
    %dma_wait3A_1997 = tpu.memref_squeeze %dma_wait3A_1996 : memref<1x!tpu.dma_semaphore, #tpu.memory_space<semaphore_mem>> -> memref<!tpu.dma_semaphore, #tpu.memory_space<semaphore_mem>>
    tpu.wait_indirect_dma semaphore(%dma_wait3A_1997 : memref<!tpu.dma_semaphore, #tpu.memory_space<semaphore_mem>>) src(%dma_wait3A_1995 : memref<10000x128xf32, #tpu.memory_space<hbm>>) dst(%arg12 : memref<16x128xf32, #tpu.memory_space<vmem>>)
    %dma_start3A_1998 = arith.constant 22 : i32
    %dma_start3A_1999 = arith.constant 0 : i32
    %dma_start3A_2000 = arith.constant 0 : i32
    %dma_start3A_2001 = tpu.memref_slice %arg6[%dma_start3A_1999, %dma_start3A_2000] : memref<10000x128xf32, #tpu.memory_space<vmem_shared>> -> memref<10000x128xf32, #tpu.memory_space<vmem_shared>>
    %dma_start3A_2002 = tpu.memref_slice %arg13[%dma_start3A_1998] : memref<24x!tpu.dma_semaphore, #tpu.memory_space<semaphore_mem>> -> memref<1x!tpu.dma_semaphore, #tpu.memory_space<semaphore_mem>>
    %dma_start3A_2003 = tpu.memref_squeeze %dma_start3A_2002 : memref<1x!tpu.dma_semaphore, #tpu.memory_space<semaphore_mem>> -> memref<!tpu.dma_semaphore, #tpu.memory_space<semaphore_mem>>
    tpu.enqueue_indirect_dma source(%arg12 : memref<16x128xf32, #tpu.memory_space<vmem>>) target(%dma_start3A_2001 : memref<10000x128xf32, #tpu.memory_space<vmem_shared>>) offsets(%arg11 : memref<16xi32, #tpu.memory_space<vmem>>) semaphore(%dma_start3A_2003 : memref<!tpu.dma_semaphore, #tpu.memory_space<semaphore_mem>>) {add = true}
    %dma_wait3A_2004 = arith.constant 22 : i32
    %dma_wait3A_2005 = arith.constant 0 : i32
    %dma_wait3A_2006 = arith.constant 0 : i32
    %dma_wait3A_2007 = tpu.memref_slice %arg6[%dma_wait3A_2005, %dma_wait3A_2006] : memref<10000x128xf32, #tpu.memory_space<vmem_shared>> -> memref<10000x128xf32, #tpu.memory_space<vmem_shared>>
    %dma_wait3A_2008 = tpu.memref_slice %arg13[%dma_wait3A_2004] : memref<24x!tpu.dma_semaphore, #tpu.memory_space<semaphore_mem>> -> memref<1x!tpu.dma_semaphore, #tpu.memory_space<semaphore_mem>>
    %dma_wait3A_2009 = tpu.memref_squeeze %dma_wait3A_2008 : memref<1x!tpu.dma_semaphore, #tpu.memory_space<semaphore_mem>> -> memref<!tpu.dma_semaphore, #tpu.memory_space<semaphore_mem>>
    tpu.wait_indirect_dma semaphore(%dma_wait3A_2009 : memref<!tpu.dma_semaphore, #tpu.memory_space<semaphore_mem>>) src(%arg12 : memref<16x128xf32, #tpu.memory_space<vmem>>) dst(%dma_wait3A_2007 : memref<10000x128xf32, #tpu.memory_space<vmem_shared>>)
    %barrier3A_2010 = arith.constant 0 : index
    tpu.barrier barrier_id(%barrier3A_2010)
    %lt3A_2011 = arith.constant 10 : i32
    %lt3A_2012 = arith.cmpi slt, %arg1, %lt3A_2011 : i32
    %convert_element_type3A_2013 = arith.extui %lt3A_2012 : i1 to i32
    %cond3A_2014 = arith.constant 0 : i32
    %cond3A_2015 = arith.cmpi ne, %convert_element_type3A_2013, %cond3A_2014 : i32
    scf.if %cond3A_2015 {
      %mul3A_2016 = arith.constant 1000 : i32
      %mul3A_2017 = arith.muli %arg1, %mul3A_2016 : i32
      %mul3A_2018 = arith.constant 10000 : i32
      %mul3A_2019 = arith.muli %arg0, %mul3A_2018 : i32
      %add3A_2020 = arith.addi %mul3A_2019, %mul3A_2017 : i32
      %multiple_of3A_2021 = tpu.assume_multiple %add3A_2020, 8 : i32
      "tpu.region"() ({
        %run_scoped3A = tpu.sem_alloc : memref<!tpu.dma_semaphore, #tpu.memory_space<semaphore_mem>>
        %dma_start3A_2022 = arith.constant 0 : i32
        %dma_start3A_2023 = tpu.memref_slice %arg5[%multiple_of3A_2021, %dma_start3A_2022] : memref<20000x128xf32, #tpu.memory_space<hbm>> -> memref<1000x128xf32, #tpu.memory_space<hbm>>
        %dma_start3A_2024 = arith.constant 0 : i32
        %dma_start3A_2025 = tpu.memref_slice %arg6[%mul3A_2017, %dma_start3A_2024] : memref<10000x128xf32, #tpu.memory_space<vmem_shared>> -> memref<1000x128xf32, #tpu.memory_space<vmem_shared>>
        tpu.enqueue_dma source(%dma_start3A_2025 : memref<1000x128xf32, #tpu.memory_space<vmem_shared>>) target(%dma_start3A_2023 : memref<1000x128xf32, #tpu.memory_space<hbm>>) target_semaphore(%run_scoped3A : memref<!tpu.dma_semaphore, #tpu.memory_space<semaphore_mem>>)
        %dma_wait3A_2026 = arith.constant 0 : i32
        %dma_wait3A_2027 = tpu.memref_slice %arg5[%multiple_of3A_2021, %dma_wait3A_2026] : memref<20000x128xf32, #tpu.memory_space<hbm>> -> memref<1000x128xf32, #tpu.memory_space<hbm>>
        %dma_wait3A_2028 = arith.constant 0 : i32
        %dma_wait3A_2029 = tpu.memref_slice %arg6[%mul3A_2017, %dma_wait3A_2028] : memref<10000x128xf32, #tpu.memory_space<vmem_shared>> -> memref<1000x128xf32, #tpu.memory_space<vmem_shared>>
        tpu.wait_dma2 semaphore(%run_scoped3A : memref<!tpu.dma_semaphore, #tpu.memory_space<semaphore_mem>>) src(%dma_wait3A_2029 : memref<1000x128xf32, #tpu.memory_space<vmem_shared>>) dst(%dma_wait3A_2027 : memref<1000x128xf32, #tpu.memory_space<hbm>>)
        tpu.yield
      }) : () -> ()
    } else {
    }
    return
  }
}

module attributes {stable_mosaic.version = 14 : i64} {
  func.func @_tc_mlp(%arg0: i32, %arg1: memref<1xf32, #tpu.memory_space<smem>>, %arg2: memref<2000x128xf32, #tpu.memory_space<vmem>>, %arg3: memref<2x2000x128xf32, #tpu.memory_space<vmem>>, %arg4: memref<128x128xf32, #tpu.memory_space<vmem>>, %arg5: memref<1x128xf32, #tpu.memory_space<vmem>>, %arg6: memref<128x128xf32, #tpu.memory_space<vmem>>, %arg7: memref<1x128xf32, #tpu.memory_space<vmem>>, %arg8: memref<2000x128xf32, #tpu.memory_space<vmem>>) attributes {dimension_semantics = [#tpu.dimension_semantics<arbitrary>], iteration_bounds = array<i64: 5>, scalar_prefetch = 0 : i64, scratch_operands = 0 : i64, tpu.core_type = #tpu.core_type<tc>, window_params = [{transform_indices = @transform_0, window_bounds = array<i64: 1>}, {transform_indices = @transform_1, window_bounds = array<i64: 2000, 128>}, {transform_indices = @transform_2, window_bounds = array<i64: 2, 2000, 128>}, {pipeline_mode = #tpu.pipeline_mode<synchronous>, transform_indices = @transform_3, window_bounds = array<i64: 128, 128>}, {pipeline_mode = #tpu.pipeline_mode<synchronous>, transform_indices = @transform_4, window_bounds = array<i64: 1, 128>}, {pipeline_mode = #tpu.pipeline_mode<synchronous>, transform_indices = @transform_5, window_bounds = array<i64: 128, 128>}, {pipeline_mode = #tpu.pipeline_mode<synchronous>, transform_indices = @transform_6, window_bounds = array<i64: 1, 128>}, {transform_indices = @transform_7, window_bounds = array<i64: 2000, 128>}]} {
    %get3A = arith.constant 0 : index
    %get3A_0 = arith.constant 0 : index
    %get3A_1 = vector.load %arg2[%get3A, %get3A_0] : memref<2000x128xf32, #tpu.memory_space<vmem>>, vector<2000x128xf32>
    %get3A_2 = arith.constant 0 : index
    %get3A_3 = memref.load %arg1[%get3A_2] : memref<1xf32, #tpu.memory_space<smem>>
    %add3A = arith.constant 1.000000e+00 : f32
    %add3A_4 = arith.addf %add3A, %get3A_3 : f32
    %mul3A = vector.broadcast %add3A_4 : f32 to vector<2000x128xf32>
    %mul3A_5 = arith.mulf %get3A_1, %mul3A : vector<2000x128xf32>
    %get3A_6 = arith.constant 0 : index
    %get3A_7 = arith.constant 0 : index
    %get3A_8 = arith.constant 0 : index
    %get3A_9 = vector.load %arg3[%get3A_6, %get3A_7, %get3A_8] : memref<2x2000x128xf32, #tpu.memory_space<vmem>>, vector<1x2000x128xf32>
    %get3A_10 = vector.shape_cast %get3A_9 : vector<1x2000x128xf32> to vector<2000x128xf32>
    %add3A_11 = arith.addf %mul3A_5, %get3A_10 : vector<2000x128xf32>
    %get3A_12 = arith.constant 1 : index
    %get3A_13 = arith.constant 0 : index
    %get3A_14 = arith.constant 0 : index
    %get3A_15 = vector.load %arg3[%get3A_12, %get3A_13, %get3A_14] : memref<2x2000x128xf32, #tpu.memory_space<vmem>>, vector<1x2000x128xf32>
    %get3A_16 = vector.shape_cast %get3A_15 : vector<1x2000x128xf32> to vector<2000x128xf32>
    %add3A_17 = arith.addf %add3A_11, %get3A_16 : vector<2000x128xf32>
    %get3A_18 = arith.constant 0 : index
    %get3A_19 = arith.constant 0 : index
    %get3A_20 = vector.load %arg4[%get3A_18, %get3A_19] : memref<128x128xf32, #tpu.memory_space<vmem>>, vector<128x128xf32>
    %dot_general3A = arith.constant dense<0.000000e+00> : vector<2000x128xf32>
    %dot_general3A_21 = tpu.matmul %add3A_17, %get3A_20, %dot_general3A {dimension_numbers = #tpu.dot_dimension_numbers<[1], [0], [0], [1], [0, 0, 1, 1], [], []>, transpose_lhs_hint = false} : vector<2000x128xf32>, vector<128x128xf32>, vector<2000x128xf32> -> vector<2000x128xf32>
    %get3A_22 = arith.constant 0 : index
    %get3A_23 = arith.constant 0 : index
    %get3A_24 = vector.load %arg5[%get3A_22, %get3A_23] : memref<1x128xf32, #tpu.memory_space<vmem>>, vector<1x128xf32>
    %add3A_25 = vector.broadcast %get3A_24 : vector<1x128xf32> to vector<2000x128xf32>
    %add3A_26 = arith.addf %dot_general3A_21, %add3A_25 : vector<2000x128xf32>
    %max3A = arith.constant 0.000000e+00 : f32
    %max3A_27 = vector.broadcast %max3A : f32 to vector<2000x128xf32>
    %max3A_28 = arith.maximumf %add3A_26, %max3A_27 : vector<2000x128xf32>
    %get3A_29 = arith.constant 0 : index
    %get3A_30 = arith.constant 0 : index
    %get3A_31 = vector.load %arg6[%get3A_29, %get3A_30] : memref<128x128xf32, #tpu.memory_space<vmem>>, vector<128x128xf32>
    %dot_general3A_32 = arith.constant dense<0.000000e+00> : vector<2000x128xf32>
    %dot_general3A_33 = tpu.matmul %max3A_28, %get3A_31, %dot_general3A_32 {dimension_numbers = #tpu.dot_dimension_numbers<[1], [0], [0], [1], [0, 0, 1, 1], [], []>, transpose_lhs_hint = false} : vector<2000x128xf32>, vector<128x128xf32>, vector<2000x128xf32> -> vector<2000x128xf32>
    %get3A_34 = arith.constant 0 : index
    %get3A_35 = arith.constant 0 : index
    %get3A_36 = vector.load %arg7[%get3A_34, %get3A_35] : memref<1x128xf32, #tpu.memory_space<vmem>>, vector<1x128xf32>
    %add3A_37 = vector.broadcast %get3A_36 : vector<1x128xf32> to vector<2000x128xf32>
    %add3A_38 = arith.addf %dot_general3A_33, %add3A_37 : vector<2000x128xf32>
    %max3A_39 = arith.constant 0.000000e+00 : f32
    %max3A_40 = vector.broadcast %max3A_39 : f32 to vector<2000x128xf32>
    %max3A_41 = arith.maximumf %add3A_38, %max3A_40 : vector<2000x128xf32>
    %reduce_max3A = arith.constant dense<0xFF800000> : vector<2000xf32>
    %reduce_max3A_42 = vector.multi_reduction <maximumf>, %max3A_41, %reduce_max3A [1] : vector<2000x128xf32> to vector<2000xf32>
    %broadcast_in_dim3A = vector.shape_cast %reduce_max3A_42 : vector<2000xf32> to vector<2000x1xf32>
    %sub3A = vector.broadcast %broadcast_in_dim3A : vector<2000x1xf32> to vector<2000x128xf32>
    %sub3A_43 = arith.subf %max3A_41, %sub3A : vector<2000x128xf32>
    %exp3A = math.exp %sub3A_43 : vector<2000x128xf32>
    %reduce_sum3A = arith.constant dense<0.000000e+00> : vector<2000xf32>
    %reduce_sum3A_44 = vector.multi_reduction <add>, %exp3A, %reduce_sum3A [1] : vector<2000x128xf32> to vector<2000xf32>
    %broadcast_in_dim3A_45 = vector.shape_cast %reduce_sum3A_44 : vector<2000xf32> to vector<2000x1xf32>
    %log3A = math.log %broadcast_in_dim3A_45 : vector<2000x1xf32>
    %add3A_46 = arith.addf %log3A, %broadcast_in_dim3A : vector<2000x1xf32>
    %sub3A_47 = vector.broadcast %add3A_46 : vector<2000x1xf32> to vector<2000x128xf32>
    %sub3A_48 = arith.subf %max3A_41, %sub3A_47 : vector<2000x128xf32>
    %swap3A = arith.constant 0 : index
    %swap3A_49 = arith.constant 0 : index
    %swap3A_50 = vector.load %arg8[%swap3A, %swap3A_49] : memref<2000x128xf32, #tpu.memory_space<vmem>>, vector<2000x128xf32>
    tpu.vector_store %arg8[%swap3A, %swap3A_49], %sub3A_48 {strides = array<i32>} : memref<2000x128xf32, #tpu.memory_space<vmem>>, vector<2000x128xf32>,
    return
  }
  func.func @transform_0(%arg0: i32) -> i32 {
    %c0_i32 = arith.constant 0 : i32
    %c0_i32_0 = arith.constant 0 : i32
    return %c0_i32 : i32
  }
  func.func @transform_1(%arg0: i32) -> (i32, i32) {
    %c0_i32 = arith.constant 0 : i32
    %c0_i32_0 = arith.constant 0 : i32
    return %arg0, %c0_i32 : i32, i32
  }
  func.func @transform_2(%arg0: i32) -> (i32, i32, i32) {
    %c0_i32 = arith.constant 0 : i32
    %c0_i32_0 = arith.constant 0 : i32
    %c0_i32_1 = arith.constant 0 : i32
    return %c0_i32, %arg0, %c0_i32_0 : i32, i32, i32
  }
  func.func @transform_3(%arg0: i32) -> (i32, i32) {
    %c0_i32 = arith.constant 0 : i32
    %c0_i32_0 = arith.constant 0 : i32
    %c0_i32_1 = arith.constant 0 : i32
    return %c0_i32, %c0_i32_0 : i32, i32
  }
  func.func @transform_4(%arg0: i32) -> (i32, i32) {
    %c0_i32 = arith.constant 0 : i32
    %c0_i32_0 = arith.constant 0 : i32
    %c0_i32_1 = arith.constant 0 : i32
    return %c0_i32, %c0_i32_0 : i32, i32
  }
  func.func @transform_5(%arg0: i32) -> (i32, i32) {
    %c0_i32 = arith.constant 0 : i32
    %c0_i32_0 = arith.constant 0 : i32
    %c0_i32_1 = arith.constant 0 : i32
    return %c0_i32, %c0_i32_0 : i32, i32
  }
  func.func @transform_6(%arg0: i32) -> (i32, i32) {
    %c0_i32 = arith.constant 0 : i32
    %c0_i32_0 = arith.constant 0 : i32
    %c0_i32_1 = arith.constant 0 : i32
    return %c0_i32, %c0_i32_0 : i32, i32
  }
  func.func @transform_7(%arg0: i32) -> (i32, i32) {
    %c0_i32 = arith.constant 0 : i32
    %c0_i32_0 = arith.constant 0 : i32
    return %arg0, %c0_i32 : i32, i32
  }
}

</mosaic_0001>

<sc_bundles>
// kernel: kernel.4.cloned.1.call-start
scs
__scs_entry_jumppad:
0x0: {  	(pc) =	sbr.rel $0x88, $3  }
0x1: {  	(tag) =	ssettag $0x0;
	lr =	simm.s32 $0x1  }
0x2: {  	[smem:$0x3F9A] =	sst lr;
	_ =	strace $0xD0000000  }
0x3: {  	_ = 	snop  }
0x4: {  	_ = 	snop  }
0x5: {  	_ = 	snop  }
0x6: {  	_ = 	snop  }
0x7: {  	_ = 	snop  }
__scs_overlays_trampoline_lowered:
0x8: {  	[smem:$0x3FA9] =	sst s0  }
0x9: {  	[smem:$0x3FAA] =	sst s1  }
0xa: {  	[smem:$0x3FAB] =	sst s2  }
0xb: {  	[smem:$0x3FAC] =	sst s3  }
0xc: {  	[smem:$0x3FAD] =	sst s4  }
0xd: {  	[smem:$0x3FAE] =	sst s5  }
0xe: {  	[smem:$0x3FAF] =	sst s6  }
0xf: {  	[smem:$0x3FB0] =	sst s7  }
0x10: {  	[smem:$0x3FB1] =	sst s8  }
0x11: {  	[smem:$0x3FB2] =	sst s9;
	s0 =	simm.s32 @!p0 $0x0  }
0x12: {  	s1 =	sld [smem:$0x3F98];
	s0 =	simm.s32 @p0 $0x1  }
0x13: {  	[smem:$0x3FB3] =	sst s0;
	s0 =	simm.s32 @!p1 $0x0  }
0x14: {  	s2 =	sld [smem:$0x3F97];
	s0 =	simm.s32 @p1 $0x1  }
0x15: {  	[smem:$0x3FB4] =	sst s0;
	s0 =	simm.s32 @!p2 $0x0  }
0x16: {  	s3 =	sld [smem:$0x3FDB];
	s0 =	simm.s32 @p2 $0x1  }
0x17: {  	s4 =	simm.s32 $0x1BF5;
	[smem:$0x3FB6] =	sst s0  }
0x18: {  	s0 =	sld [smem:$0x3F99];
	_ =	swait.ge [sflag:s4], $0x0  }
0x19: {  	s7 =	sld [smem:$0x3F9A]  }
0x1a: {  	s8 =	sadd.s32 $0xFFFFE003, lr  }
0x1b: {  	s9 =	sadd.s32 $0xFFFFFEF7, lr;
	s5 =	simm.s32 $0xFFFFFFFF;
	p2 =	slt.u32 s8, $0xFFFFF086  }
0x1c: {  	p1 =	slt.u32 s9, $0xF7A;
	s5 =	simm.s32 @!p2 $0x0  }
0x1d: {  	s5 =	simm.s32 @p1 $0x1;
	p0 =	seq.s32 s7, s2  }
0x1e: {  	s7 =	smul.u32 @!p0 $0xF7A, s2;
	p2 =	seq.s32 @!p0 s5, $0x0  }
0x1f: {  	s9 =	smul.u32 $0xF7A, s1;
	s8 =	simm.s32 @!p0 $0x1BF5;
	p2 =	por !p2, p0  }
0x20: {  	[sflag:s8] =	ssyncset.s32 @!p0 $0xFFFFF086;
	s6 =	sadd.s32 @!p0 s3, s7;
	s7 =	simm.s32 @!p0 $0x108  }
0x21: {  	s3 =	sadd.s32 s3, s9;
	s6 =	sadd.s32 @!p0 $0x88, s6;
	s7 =	simm.s32 @p2 $0x1082  }
0x22: {  	[simem:s7], [sflag:s8] =	dma.local @!p0 [hbm:s6], $0xF7A  }
0x23: {  	s9 =	sor.u32 $0xD0000000, s2;
	s6 =	simm.s32 $0x108;
	_ =	swait.ge @!p0 [sflag:s8], $0x0  }
0x24: {  	s3 =	sadd.s32 $0x88, s3;
	s6 =	simm.s32 @!p1 $0x1082;
	[sflag:s4] =	ssyncset.s32 $0xFFFFF086  }
0x25: {  	[simem:s6], [sflag:s4] =	dma.local [hbm:s3], $0xF7A  }
0x26: {  	[smem:$0x3F9A] =	sst s1;
	(tag) =	ssettag s2;
	_ =	strace s9  }
0x27: {  	s1 =	sld [smem:$0x3FAA]  }
0x28: {  	s2 =	sld [smem:$0x3FAB]  }
0x29: {  	s4 =	sld [smem:$0x3FAD]  }
0x2a: {  	p0 =	seq.s32 s5, $0x0;
	s5 =	sld [smem:$0x3FAE]  }
0x2b: {  	s6 =	sld [smem:$0x3FAF]  }
0x2c: {  	s7 =	sld [smem:$0x3FB0]  }
0x2d: {  	s3 =	simm.s32 $0x108;
	s8 =	sld [smem:$0x3FB1]  }
0x2e: {  	s3 =	simm.s32 @!p0 $0x1082;
	s9 =	sld [smem:$0x3FB2]  }
0x2f: {  	lr =	sadd.s32 s0, s3;
	s0 =	sld [smem:$0x3FA9]  }
0x30: {  	s3 =	sld [smem:$0x3FAC]  }
0x31: {  	[smem:$0x3FB5] =	sst s10  }
0x32: {  	s10 =	sld [smem:$0x3FB3];
	_ =	sdelay $0x3  }
0x33: {  	p0 =	seq.s32 s10, $0x1;
	s10 =	sld [smem:$0x3FB5];
	_ =	sdelay $0x3  }
0x34: {  	[smem:$0x3FB5] =	sst s10  }
0x35: {  	s10 =	sld [smem:$0x3FB4];
	_ =	sdelay $0x3  }
0x36: {  	p1 =	seq.s32 s10, $0x1;
	s10 =	sld [smem:$0x3FB5];
	_ =	sdelay $0x3  }
0x37: {  	[smem:$0x3FB5] =	sst s10  }
0x38: {  	s10 =	sld [smem:$0x3FB6]  }
0x39: {  	_ = 	snop;
	(pc) =	sbr.ind lr, $3  }
0x3a: {  	_ = 	snop  }
0x3b: {  	_ = 	snop  }
0x3c: {  	p2 =	seq.s32 s10, $0x1;
	s10 =	sld [smem:$0x3FB5]  }
0x3d: {  	_ =	shalt  }
0x3e: {  	_ =	shalt  }
0x3f: {  	_ =	shalt  }
0x40: {  	_ =	shalt  }
0x41: {  	_ =	shalt  }
0x42: {  	_ =	shalt  }
0x43: {  	_ =	shalt  }
0x44: {  	_ =	shalt  }
0x45: {  	_ =	shalt  }
0x46: {  	_ =	shalt  }
0x47: {  	_ =	shalt  }
0x48: {  	_ =	shalt  }
0x49: {  	_ =	shalt  }
0x4a: {  	_ =	shalt  }
0x4b: {  	_ =	shalt  }
0x4c: {  	_ =	shalt  }
0x4d: {  	_ =	shalt  }
0x4e: {  	_ =	shalt  }
0x4f: {  	_ =	shalt  }
0x50: {  	_ =	shalt  }
0x51: {  	_ =	shalt  }
0x52: {  	_ =	shalt  }
0x53: {  	_ =	shalt  }
0x54: {  	_ =	shalt  }
0x55: {  	_ =	shalt  }
0x56: {  	_ =	shalt  }
0x57: {  	_ =	shalt  }
0x58: {  	_ =	shalt  }
0x59: {  	_ =	shalt  }
0x5a: {  	_ =	shalt  }
0x5b: {  	_ =	shalt  }
0x5c: {  	_ =	shalt  }
0x5d: {  	_ =	shalt  }
0x5e: {  	_ =	shalt  }
0x5f: {  	_ =	shalt  }
0x60: {  	_ =	shalt  }
0x61: {  	_ =	shalt  }
0x62: {  	_ =	shalt  }
0x63: {  	_ =	shalt  }
0x64: {  	_ =	shalt  }
0x65: {  	_ =	shalt  }
0x66: {  	_ =	shalt  }
0x67: {  	_ =	shalt  }
0x68: {  	_ =	shalt  }
0x69: {  	_ =	shalt  }
0x6a: {  	_ =	shalt  }
0x6b: {  	_ =	shalt  }
0x6c: {  	_ =	shalt  }
0x6d: {  	_ =	shalt  }
0x6e: {  	_ =	shalt  }
0x6f: {  	_ =	shalt  }
0x70: {  	_ =	shalt  }
0x71: {  	_ =	shalt  }
0x72: {  	_ =	shalt  }
0x73: {  	_ =	shalt  }
0x74: {  	_ =	shalt  }
0x75: {  	_ =	shalt  }
0x76: {  	_ =	shalt  }
0x77: {  	_ =	shalt  }
0x78: {  	_ =	shalt  }
0x79: {  	_ =	shalt  }
0x7a: {  	_ =	shalt  }
0x7b: {  	_ =	shalt  }
0x7c: {  	_ =	shalt  }
0x7d: {  	_ =	shalt  }
0x7e: {  	_ =	shalt  }
0x7f: {  	_ =	shalt  }
0x80: {  	_ =	shalt  }
0x81: {  	_ =	shalt  }
0x82: {  	_ =	shalt  }
0x83: {  	_ =	shalt  }
0x84: {  	_ =	shalt  }
0x85: {  	_ =	shalt  }
0x86: {  	_ =	shalt  }
0x87: {  	_ =	shalt  }
.Lfunc_end0:
.L_simem_size_0:
called_computation_lowered:
.L_overlay_start_0:
0x88: {  	s2 =	sld [smem:$0x3FD9]  }
0x89: {  	s3 =	sld [smem:$0x3FFE];
	_ =	sdelay $0x1  }
0x8a: {  	s1 =	srdreg.scid  }
0x8b: {  	s0 =	sand.u32 $0x1, s1  }
0x8c: {  	s17 =	sshll.u32 s0, $0xA;
	s2 =	sadd.s32 s3, s2  }
0x8d: {  	s2 =	sadd.s32 s2, s17  }
0x8e: {  	[smem:$0x3FC1] =	sst s2  }
0x8f: {  	_ = 	snop  }
0x90: {  	s2 =	sld [smem:$0x3FC9]  }
0x91: {  	s18 =	sld [smem:$0x3FD0];
	(tm) =	ssettm $0x1  }
0x92: {  	s4 =	sld [smem:$0x3FFB];
	_ =	sdelay $0x3  }
0x93: {  	_ =	strace s4  }
0x94: {  	s4 =	sld [smem:$0x3FFC];
	_ =	sdelay $0x3  }
0x95: {  	_ =	strace s4  }
0x96: {  	s4 =	sld [smem:$0x3FFD];
	_ =	sdelay $0x3  }
0x97: {  	_ =	strace s4  }
0x98: {  	_ =	strace $0x8FFFFFFF  }
0x99: {  	s19 =	sld [smem:$0x3FDB];
	_ =	sdelay $0x1  }
0x9a: {  	s5 =	simm.s32 $_scs_section_size  }
0x9b: {  	s6 =	simm.s32 $_size__tile_overlayer_lowered;
	s7 =	simm.s32 $_tile_overlayer_lowered  }
0x9c: {  	s22 =	simm.s32 $0x1BFF;
	s21 =	sshll.u32 s7, $0x1;
	s4 =	sadd.s32 s5, s19  }
0x9d: {  	s8 =	simm.s32 $0x0;
	s20 =	sshll.u32 s6, $0x1;
	s6 =	sadd.s32 s21, s4  }
0x9e: {  	[timem:s8], [sflag:s22] =	dma.local [hbm:s6], s20  }
0x9f: {  	_ =	swait.ge [sflag:s22], s20  }
0xa0: {  	s5 =	ssub.s32 $0x0, s20;
	[sflag:s22] =	ssyncset.done $0x0  }
0xa1: {  	[sflag:s22] =	ssyncadd.s32 s5;
	_ =	sdelay $0x1  }
0xa2: {  	s23 =	simm.s32 $0x1B8B  }
0xa3: {  	_ =	swait.ge [sflag:s23], $0x1  }
0xa4: {  	[sflag:s23] =	ssyncset.done $0x0  }
0xa5: {  	s25 =	simm.s32 $0x1B8E;
	s24 =	sld [smem:$0x3FFE];
	[sflag:s23] =	ssyncadd.s32 $0xFFFFFFFF  }
0xa6: {  	s26 =	simm.s32 $execute0_lowered;
	[smem:$0x3FD2] =	sst s25  }
0xa7: {  	s6 =	sshll.u32 s26, $0x1;
	_ =	strace $0x80000046;
	[dreg:$0x1] =	wrdreg $0xFFFFFFFF  }
0xa8: {  	s28 =	simm.s32 $_size_execute0_lowered;
	s4 =	sadd.s32 s4, s6;
	[dreg:$0x0] =	wrdreg $0x0  }
0xa9: {  	s6 =	sshll.u32 s28, $0x1;
	[dreg:$0x2] =	wrdreg s4  }
0xaa: {  	[dreg:$0x3] =	wrdreg s6  }
0xab: {  	[dreg:$0x4] =	wrdreg $0xC0  }
0xac: {  	_ =	task [dreg:s8], $0x5FFFF  }
0xad: {  	[dreg:$0x1] =	wrdreg $0xFFFFFFFF  }
0xae: {  	[dreg:$0x0] =	wrdreg $0x60  }
0xaf: {  	[dreg:$0x2] =	wrdreg s18  }
0xb0: {  	[dreg:$0x3] =	wrdreg s2  }
0xb1: {  	[dreg:$0x4] =	wrdreg s24  }
0xb2: {  	[dreg:$0x5] =	wrdreg $0x0  }
0xb3: {  	[dreg:$0x6] =	wrdreg $0x9  }
0xb4: {  	_ =	task.clear_ibuf [dreg:s8], $0x7FFFF;
	_ =	strace $0x90000046  }
0xb5: {  	s29 =	simm.s32 $0x9;
	_ =	strace $0x80000048  }
0xb6: {  	_ =	swait.ge [sflag:s29], $0x1  }
0xb7: {  	[sflag:s29] =	ssyncadd.s32 $0xFFFFFFFF  }
0xb8: {  	_ =	strace $0x90000048  }
0xb9: {  	_ =	sfence  }
0xba: {  	s30 =	sld [smem:$0x0];
	_ =	sdelay $0x2  }
0xbb: {  	s31 =	sshll.u32 s1, $0xD;
	s1 =	sshrl.u32 s1, $0x2  }
0xbc: {  	s3 =	sand.u32 $0x4000, s31;
	s1 =	sadd.s32 s1, s30  }
0xbd: {  	s0 =	sor.u32 s3, s0;
	s1 =	sshll.u32 s1, $0x11  }
0xbe: {  	s0 =	sor.u32 s1, s0  }
0xbf: {  	s0 =	sadd.s32 $0x8F2B, s0  }
0xc0: {  	[sflag:s0] =	ssyncadd.remote.s32 $0x1  }
0xc1: {  	_ =	sfence.sel $0xFFFF  }
0xc2: {  	[dreg:$0x0] =	wrdreg $0xFFFFFFFF;
	(pc) =	sbr.abs _section_cstart, $3  }
0xc3: {  	[dreg:$0x1] =	wrdreg $0xFFFFFFFF  }
0xc4: {  	_ =	task.clear_ibuf [dreg:s8], $0x2FFFF;
	_ =	strace $0x9FFFFFFF  }
0xc5: {  	(tm) =	ssettm $0x7FFFFFFF  }
tec
execute0_lowered:
.L_overlay_start_1:
0x0: {  	(tag) =	ssettag $0x1  }
0x1: {  	s5 =	rddreg [dreg:$0x0]  }
0x2: {  	s0 =	rddreg [dreg:$0x2]  }
0x3: {  	s2 =	rddreg [dreg:$0x3];
	s10 =	stileid.u32  }
0x4: {  	s1 =	srdreg.scid;
	s31 =	simm.s32 $0x0;
	s7 =	smul.u32 $0x3E80, s10  }
0x5: {  	s1 =	sand.u32 $0x1, s1;
	[smem:$0x7FF] =	sst s31;
	s16 =	smul.u32 $0x2710, s10  }
0x6: {  	s8 =	sadd.s32 $0x1600, s0;
	s3 =	smul.u32 $0x27100, s1;
	s6 =	sshll.u32 s1, $0x4  }
0x7: {  	_ =	strace $0x80000047;
	[dreg:$0x18] =	wrdreg s8;
	s6 =	sor.u32 s10, s6  }
0x8: {  	s6 =	smul.u32 $0x2710, s6;
	s7 =	sadd.s32 s7, s3;
	s3 =	sadd.s32 s16, s3  }
0x9: {  	s0 =	sadd.s32 s7, s0;
	s24 =	sadd.s32 $0x4E6C0, s3;
	s4 =	sadd.s32 $0x4E680, s3  }
0xa: {  	s9 =	sadd.s32 $0x480, s3;
	s28 =	sshrl.u32 s24, $0x3;
	s0 =	sadd.s32 $0x5600, s0  }
0xb: {  	s8 =	sshrl.u32 s4, $0x3;
	s7 =	sadd.s32 s28, s5;
	[smem:$0x7E8] =	sst s0  }
0xc: {  	s9 =	sshrl.u32 s9, $0x3;
	s8 =	sadd.s32 s8, s5;
	[dreg:$0x5] =	wrdreg s7  }
0xd: {  	s12 =	sadd.s32 s9, s5;
	[dreg:$0x7] =	wrdreg s8  }
0xe: {  	s6 =	sshrl.u32 s6, $0x3;
	s9 =	sadd.s32 $0x280, s3;
	[dreg:$0x8] =	wrdreg s12  }
0xf: {  	s11 =	sadd.s32 s5, s6;
	[smem:$0x7EA] =	sst s9  }
0x10: {  	p0 =	sgt.u32 s10, $0x9;
	s6 =	sadd.s32 $0x9C40, s11;
	[dreg:$0x19] =	wrdreg s11  }
0x11: {  	s1 =	ssub.s32 $0x2, s1;
	s15 =	sadd.s32 $0x8, s11;
	[dreg:$0x1a] =	wrdreg s6  }
0x12: {  	s14 =	sshrl.u32 s1, $0x1;
	s17 =	sadd.s32 $0x9C48, s11;
	[dreg:$0x1b] =	wrdreg s15  }
0x13: {  	s1 =	ssub.s32 s1, s14;
	s18 =	sadd.s32 $0x10, s11;
	[dreg:$0x1c] =	wrdreg s17  }
0x14: {  	s29 =	sadd.s32 $0x4C0, s3;
	s19 =	sadd.s32 $0x9C50, s11;
	[dreg:$0x1d] =	wrdreg s18  }
0x15: {  	s13 =	sadd.s32 $0x4E640, s3;
	s20 =	sadd.s32 $0x18, s11;
	[dreg:$0x1e] =	wrdreg s19  }
0x16: {  	s16 =	sadd.s32 $0x4E600, s3;
	s21 =	sadd.s32 $0x9C58, s11;
	[dreg:$0x1f] =	wrdreg s20  }
0x17: {  	s30 =	sshrl.u32 s29, $0x3;
	s22 =	sadd.s32 $0x20, s11;
	[smem:$0x7DF] =	sst s21  }
0x18: {  	s14 =	sshrl.u32 s13, $0x3;
	s23 =	sadd.s32 $0x9C60, s11;
	[smem:$0x7E0] =	sst s22  }
0x19: {  	s4 =	sadd.s32 $0x4E540, s3;
	s25 =	sadd.s32 $0x28, s11;
	[smem:$0x7E1] =	sst s23  }
0x1a: {  	s28 =	sadd.s32 $0x4E580, s3;
	s26 =	sadd.s32 $0x9C68, s11;
	[smem:$0x7E2] =	sst s25  }
0x1b: {  	s7 =	sadd.s32 s30, s5;
	s29 =	sshrl.u32 s28, $0x3;
	[smem:$0x7E3] =	sst s26  }
0x1c: {  	s12 =	sshrl.u32 s4, $0x3;
	s28 =	sadd.s32 $0x30, s11;
	[dreg:$0x6] =	wrdreg s7  }
0x1d: {  	s4 =	sadd.s32 $0x38, s11;
	s6 =	smul.u32 $0x7D000, s10;
	[smem:$0x7E4] =	sst s28  }
0x1e: {  	s15 =	sadd.s32 $0x440, s3;
	s7 =	sadd.s32 s14, s5;
	[smem:$0x7E6] =	sst s4  }
0x1f: {  	s18 =	sshrl.u32 s16, $0x3;
	s13 =	sadd.s32 s12, s5;
	[dreg:$0x9] =	wrdreg s7  }
0x20: {  	s20 =	sadd.s32 $0x400, s3;
	s10 =	sadd.s32 $0x9C78, s11;
	[dreg:$0x11] =	wrdreg s13  }
0x21: {  	s22 =	sadd.s32 $0x4E5C0, s3;
	s12 =	sadd.s32 $0x40, s11;
	[smem:$0x7EB] =	sst s10  }
0x22: {  	s23 =	sadd.s32 $0x3C0, s3;
	s28 =	sadd.s32 $0xA118, s11;
	[smem:$0x7EC] =	sst s12  }
0x23: {  	s14 =	sadd.s32 $0x340, s3;
	s19 =	sadd.s32 s18, s5;
	[smem:$0x7FB] =	sst s28  }
0x24: {  	s8 =	sshrl.u32 s15, $0x3;
	s13 =	sadd.s32 $0x9C80, s11;
	[dreg:$0xb] =	wrdreg s19  }
0x25: {  	s15 =	sshrl.u32 s14, $0x3;
	s14 =	sadd.s32 $0x48, s11;
	[smem:$0x7ED] =	sst s13  }
0x26: {  	s21 =	sshrl.u32 s20, $0x3;
	s17 =	sadd.s32 s8, s5;
	[smem:$0x7EE] =	sst s14  }
0x27: {  	s25 =	sshrl.u32 s23, $0x3;
	s7 =	sadd.s32 s21, s5;
	[dreg:$0xa] =	wrdreg s17  }
0x28: {  	s8 =	sshrl.u32 s22, $0x3;
	s26 =	sadd.s32 s25, s5;
	[dreg:$0xc] =	wrdreg s7  }
0x29: {  	s30 =	sadd.s32 $0x380, s3;
	s24 =	sadd.s32 s8, s5;
	[dreg:$0xe] =	wrdreg s26  }
0x2a: {  	s6 =	sshrl.u32 s6, $0x2;
	s7 =	sadd.s32 s29, s5;
	[dreg:$0xd] =	wrdreg s24  }
0x2b: {  	s8 =	sshrl.u32 s30, $0x3;
	s30 =	sadd.s32 $0x9C70, s11;
	[dreg:$0xf] =	wrdreg s7  }
0x2c: {  	s21 =	sadd.s32 $0x4E4C0, s3;
	s6 =	sadd.s32 s6, s2;
	[smem:$0x7E5] =	sst s30  }
0x2d: {  	s22 =	sshrl.u32 s21, $0x3;
	s21 =	sadd.s32 $0xA100, s11;
	[smem:$0x7E7] =	sst s6  }
0x2e: {  	s8 =	sadd.s32 s8, s5;
	[smem:$0x7F5] =	sst s21  }
0x2f: {  	s7 =	sadd.s32 s15, s5;
	[dreg:$0x10] =	wrdreg s8  }
0x30: {  	s17 =	sadd.s32 $0x300, s3;
	s15 =	sadd.s32 $0x9C88, s11;
	[dreg:$0x12] =	wrdreg s7  }
0x31: {  	s19 =	sshrl.u32 s17, $0x3;
	s17 =	sadd.s32 $0xA0F0, s11;
	[smem:$0x7EF] =	sst s15  }
0x32: {  	s30 =	sadd.s32 $0xA120, s11;
	[smem:$0x7F1] =	sst s17  }
0x33: {  	s20 =	sadd.s32 s19, s5;
	[smem:$0x7FD] =	sst s30  }
0x34: {  	s16 =	sadd.s32 $0x4E500, s3;
	s7 =	sadd.s32 s22, s5;
	[dreg:$0x14] =	wrdreg s20  }
0x35: {  	s8 =	sshrl.u32 s16, $0x3;
	s16 =	sadd.s32 $0x4B0, s11;
	[dreg:$0x15] =	wrdreg s7  }
0x36: {  	s19 =	sadd.s32 $0xA0F8, s11;
	[smem:$0x7F0] =	sst s16  }
0x37: {  	s24 =	sadd.s32 $0x4E480, s3;
	s22 =	sadd.s32 $0x4C8, s11;
	[smem:$0x7F3] =	sst s19  }
0x38: {  	s26 =	sshrl.u32 s24, $0x3;
	s24 =	sadd.s32 $0x4D0, s11;
	[smem:$0x7F6] =	sst s22  }
0x39: {  	s18 =	sadd.s32 s8, s5;
	[smem:$0x7F8] =	sst s24  }
0x3a: {  	s29 =	sadd.s32 s26, s5;
	[dreg:$0x13] =	wrdreg s18  }
0x3b: {  	s23 =	sadd.s32 $0x2C0, s3;
	s20 =	sadd.s32 $0x4C0, s11;
	[dreg:$0x17] =	wrdreg s29  }
0x3c: {  	s8 =	sshrl.u32 s23, $0x3;
	s23 =	sadd.s32 $0xA108, s11;
	[smem:$0x7F4] =	sst s20  }
0x3d: {  	s26 =	sadd.s32 $0x4D8, s11;
	[smem:$0x7F7] =	sst s23  }
0x3e: {  	s25 =	sadd.s32 s8, s5;
	[smem:$0x7FA] =	sst s26  }
0x3f: {  	s8 =	smax.u32 s1, $0x1;
	[dreg:$0x16] =	wrdreg s25  }
0x40: {  	s18 =	sadd.s32 $0x4B8, s11;
	[smem:$0x7E9] =	sst s8  }
0x41: {  	s29 =	sadd.s32 $0x4E0, s11;
	[smem:$0x7F2] =	sst s18  }
0x42: {  	s25 =	sadd.s32 $0xA110, s11;
	[smem:$0x7FC] =	sst s29  }
0x43: {  	s0 =	simm.s32 $0x0;
	s15 =	simm.s32 $0x40;
	[smem:$0x7F9] =	sst s25  }
.LBB2_1:
0x44: {  	[smem:$0x7DC] =	sst s0  }
0x45: {  	s12 =	rddreg [dreg:$0x19]  }
0x46: {  	s13 =	simm.s32 $0x13880;
	s14 =	rddreg [dreg:$0x1a]  }
0x47: {  	[tilespmem:s13], [sflag:$0xB] =	stream.linear.gather [hbm4b:s12+s31], $0x40, $0x38;
	[tilespmem:$0x1F180] =	vst v63  }
0x48: {  	s25 =	simm.s32 $0x14080;
	s16 =	rddreg [dreg:$0x1b]  }
0x49: {  	[tilespmem:s25], [sflag:$0xB] =	stream.linear.gather [hbm4b:s14+s31], $0x40, $0x38;
	[tilespmem:$0x1F180] =	vst v63  }
0x4a: {  	s17 =	simm.s32 $0x13900;
	s18 =	rddreg [dreg:$0x1c]  }
0x4b: {  	[tilespmem:s17], [sflag:$0xC] =	stream.linear.gather [hbm4b:s16+s31], $0x40, $0x38;
	[tilespmem:$0x1F180] =	vst v63  }
0x4c: {  	s19 =	rddreg [dreg:$0x1d];
	s16 =	simm.s32 $0x14100  }
0x4d: {  	[tilespmem:s16], [sflag:$0xC] =	stream.linear.gather [hbm4b:s18+s31], $0x40, $0x38;
	[tilespmem:$0x1F180] =	vst v63  }
0x4e: {  	s20 =	simm.s32 $0x13980;
	s21 =	rddreg [dreg:$0x1e]  }
0x4f: {  	[tilespmem:s20], [sflag:$0xD] =	stream.linear.gather [hbm4b:s19+s31], $0x40, $0x38;
	[tilespmem:$0x1F180] =	vst v63  }
0x50: {  	s22 =	rddreg [dreg:$0x1f];
	s14 =	simm.s32 $0x14180  }
0x51: {  	[tilespmem:s14], [sflag:$0xD] =	stream.linear.gather [hbm4b:s21+s31], $0x40, $0x38;
	[tilespmem:$0x1F180] =	vst v63  }
0x52: {  	s23 =	simm.s32 $0x13A00;
	s24 =	sld [smem:$0x7DF]  }
0x53: {  	[tilespmem:s23], [sflag:$0xE] =	stream.linear.gather [hbm4b:s22+s31], $0x40, $0x38;
	[tilespmem:$0x1F180] =	vst v63  }
0x54: {  	s7 =	simm.s32 $0x14200;
	s26 =	sld [smem:$0x7E0]  }
0x55: {  	[tilespmem:s7], [sflag:$0xE] =	stream.linear.gather [hbm4b:s24+s31], $0x40, $0x38;
	[tilespmem:$0x1F180] =	vst v63  }
0x56: {  	s28 =	sld [smem:$0x7E1];
	s19 =	simm.s32 $0x13A80  }
0x57: {  	[tilespmem:s19], [sflag:$0xF] =	stream.linear.gather [hbm4b:s26+s31], $0x40, $0x38;
	[tilespmem:$0x1F180] =	vst v63  }
0x58: {  	s29 =	sld [smem:$0x7E2];
	s22 =	simm.s32 $0x14280  }
0x59: {  	[tilespmem:s22], [sflag:$0xF] =	stream.linear.gather [hbm4b:s28+s31], $0x40, $0x38;
	[tilespmem:$0x1F180] =	vst v63  }
0x5a: {  	s30 =	simm.s32 $0x13B00;
	s4 =	sld [smem:$0x7E3]  }
0x5b: {  	[tilespmem:s30], [sflag:$0x10] =	stream.linear.gather [hbm4b:s29+s31], $0x40, $0x38;
	[tilespmem:$0x1F180] =	vst v63  }
0x5c: {  	s6 =	simm.s32 $0x14300;
	s9 =	sld [smem:$0x7E4]  }
0x5d: {  	[tilespmem:s6], [sflag:$0x10] =	stream.linear.gather [hbm4b:s4+s31], $0x40, $0x38;
	[tilespmem:$0x1F180] =	vst v63  }
0x5e: {  	s10 =	simm.s32 $0x13B80;
	s11 =	sld [smem:$0x7E5]  }
0x5f: {  	[tilespmem:s10], [sflag:$0x11] =	stream.linear.gather [hbm4b:s9+s31], $0x40, $0x38;
	[tilespmem:$0x1F180] =	vst v63  }
0x60: {  	s13 =	simm.s32 $0x14380;
	s17 =	sld [smem:$0x7E6]  }
0x61: {  	[tilespmem:s13], [sflag:$0x11] =	stream.linear.gather [hbm4b:s11+s31], $0x40, $0x38;
	[tilespmem:$0x1F180] =	vst v63  }
0x62: {  	s18 =	simm.s32 $0x13C00;
	s20 =	sld [smem:$0x7EB]  }
0x63: {  	[tilespmem:s18], [sflag:$0x12] =	stream.linear.gather [hbm4b:s17+s31], $0x40, $0x38;
	[tilespmem:$0x1F180] =	vst v63  }
0x64: {  	s21 =	simm.s32 $0x14400;
	s23 =	sld [smem:$0x7EC]  }
0x65: {  	[tilespmem:s21], [sflag:$0x12] =	stream.linear.gather [hbm4b:s20+s31], $0x40, $0x38;
	[tilespmem:$0x1F180] =	vst v63  }
0x66: {  	s24 =	simm.s32 $0x13C80;
	s26 =	sld [smem:$0x7ED]  }
0x67: {  	[tilespmem:s24], [sflag:$0x13] =	stream.linear.gather [hbm4b:s23+s31], $0x40, $0x38;
	[tilespmem:$0x1F180] =	vst v63  }
0x68: {  	s28 =	simm.s32 $0x14480;
	s29 =	sld [smem:$0x7EE]  }
0x69: {  	[tilespmem:s28], [sflag:$0x13] =	stream.linear.gather [hbm4b:s26+s31], $0x40, $0x38;
	[tilespmem:$0x1F180] =	vst v63  }
0x6a: {  	s0 =	sld [smem:$0x7EF];
	s30 =	simm.s32 $0x13D00  }
0x6b: {  	[tilespmem:s30], [sflag:$0x14] =	stream.linear.gather [hbm4b:s29+s31], $0x40, $0x38;
	[tilespmem:$0x1F180] =	vst v63  }
0x6c: {  	s12 =	stileid.u32;
	s4 =	simm.s32 $0x14500;
	s13 =	sld [smem:$0x7E7]  }
0x6d: {  	[tilespmem:s4], [sflag:$0x14] =	stream.linear.gather [hbm4b:s0+s31], $0x40, $0x38;
	[tilespmem:$0x1F180] =	vst v63  }
0x6e: {  	s0 =	sshll.u32 @!p0 s12, $0x6  }
0x6f: {  	[smem:$0x7DD] =	sst s0  }
0x70: {  	s12 =	sor.u32 @!p0 $0x1C18, s0;
	s0 =	sshrl.u32 @!p0 s13, $0x3;
	s13 =	rddreg [dreg:$0x18]  }
0x71: {  	s30 =	simm.s32 $0xB;
	[smem:$0x7DE] =	sst s0  }
0x72: {  	[spmem:s0], [sflag:s12] =	dma.local @!p0 [hbm:s13], $0x3E80  }
0x73: {  	_ =	swait.ge [sflag:s30], $0x40  }
0x74: {  	[sflag:s30] =	ssyncset.done $0x0  }
0x75: {  	[sflag:s30] =	ssyncadd.s32 $0xFFFFFFC0  }
0x76: {  	_ =	swait.ge [sflag:s30], $0x40  }
0x77: {  	[sflag:s30] =	ssyncset.done $0x0  }
0x78: {  	[sflag:s30] =	ssyncadd.s32 $0xFFFFFFC0  }
0x79: {  	s1 =	simm.s32 $0x13880;
	s20 =	simm.s32 $0x14880;
	s4 =	rddreg [dreg:$0x1]  }
0x7a: {  	[tilespmem:s20], [sflag:$0x1] =	stream.indirect.gather [hbm4b:s4+s15], $0x80, s1, s15, $0xb8;
	[tilespmem:$0x1F180] =	vst v63  }
0x7b: {  	s1 =	simm.s32 $0xC  }
0x7c: {  	_ =	swait.ge [sflag:s1], $0x40  }
0x7d: {  	[sflag:s1] =	ssyncset.done $0x0  }
0x7e: {  	[sflag:s1] =	ssyncadd.s32 $0xFFFFFFC0  }
0x7f: {  	_ =	swait.ge [sflag:s1], $0x40  }
0x80: {  	s3 =	simm.s32 $0x13900;
	[sflag:s1] =	ssyncset.done $0x0  }
0x81: {  	s6 =	simm.s32 $0x16880;
	s21 =	simm.s32 $0xD;
	[sflag:s1] =	ssyncadd.s32 $0xFFFFFFC0  }
0x82: {  	[tilespmem:s6], [sflag:$0x2] =	stream.indirect.gather [hbm4b:s4+s15], $0x80, s3, s15, $0xb8;
	[tilespmem:$0x1F180] =	vst v63  }
0x83: {  	_ =	swait.ge [sflag:s21], $0x40  }
0x84: {  	[sflag:s21] =	ssyncset.done $0x0  }
0x85: {  	[sflag:s21] =	ssyncadd.s32 $0xFFFFFFC0  }
0x86: {  	_ =	swait.ge [sflag:s21], $0x40  }
0x87: {  	s2 =	simm.s32 $0x13980;
	[sflag:s21] =	ssyncset.done $0x0  }
0x88: {  	s29 =	simm.s32 $0xE;
	s3 =	simm.s32 $0x18880;
	[sflag:s21] =	ssyncadd.s32 $0xFFFFFFC0  }
0x89: {  	[tilespmem:s3], [sflag:$0x3] =	stream.indirect.gather [hbm4b:s4+s15], $0x80, s2, s15, $0xb8;
	[tilespmem:$0x1F180] =	vst v63  }
0x8a: {  	_ =	swait.ge [sflag:s29], $0x40  }
0x8b: {  	[sflag:s29] =	ssyncset.done $0x0  }
0x8c: {  	[sflag:s29] =	ssyncadd.s32 $0xFFFFFFC0  }
0x8d: {  	_ =	swait.ge [sflag:s29], $0x40  }
0x8e: {  	s8 =	simm.s32 $0x13A00;
	[sflag:s29] =	ssyncset.done $0x0  }
0x8f: {  	s17 =	simm.s32 $0x1A880;
	s28 =	simm.s32 $0xF;
	[sflag:s29] =	ssyncadd.s32 $0xFFFFFFC0  }
0x90: {  	[tilespmem:s17], [sflag:$0x4] =	stream.indirect.gather [hbm4b:s4+s15], $0x80, s8, s15, $0xb8;
	[tilespmem:$0x1F180] =	vst v63  }
0x91: {  	_ =	swait.ge [sflag:s28], $0x40  }
0x92: {  	[sflag:s28] =	ssyncset.done $0x0  }
0x93: {  	[sflag:s28] =	ssyncadd.s32 $0xFFFFFFC0  }
0x94: {  	_ =	swait.ge [sflag:s28], $0x40  }
0x95: {  	[sflag:s28] =	ssyncset.done $0x0  }
0x96: {  	s12 =	simm.s32 @!p0 $0x18;
	s8 =	simm.s32 $0x1C880;
	[sflag:s28] =	ssyncadd.s32 $0xFFFFFFC0  }
0x97: {  	[tilespmem:s8], [sflag:$0x5] =	stream.indirect.gather [hbm4b:s4+s15], $0x80, s19, s15, $0xb8;
	[tilespmem:$0x1F180] =	vst v63  }
0x98: {  	_ =	swait.ge @!p0 [sflag:s12], $0x3E80  }
0x99: {  	[sflag:s12] =	ssyncset.done @!p0 $0x0  }
0x9a: {  	[sflag:s12] =	ssyncadd.s32 @!p0 $0xFFFFC180  }
0x9b: {  	s24 =	simm.s32 $0x1;
	[bflag:$0x0] =	sbarrier.arrive $0xFFFF  }
0x9c: {  	_ =	swait.ge [sflag:s24], $0x2000  }
0x9d: {  	[sflag:s24] =	ssyncset.done $0x0  }
0x9e: {  	[sflag:s24] =	ssyncadd.s32 $0xFFFFE000  }
0x9f: {  	s26 =	simm.s32 $0x2;
	s23 =	rddreg [dreg:$0x3]  }
0xa0: {  	[spmem:s23] =	stream.indirect.scatter.add.f32 [tilespmem:s20], [sflag:$0x6], $0x80, s25, s15, $0xb8;
	[tilespmem:$0x1F180] =	vst v63  }
0xa1: {  	_ =	swait.ge [sflag:s26], $0x2000  }
0xa2: {  	[sflag:s26] =	ssyncset.done $0x0  }
0xa3: {  	s9 =	simm.s32 $0x3;
	[sflag:s26] =	ssyncadd.s32 $0xFFFFE000  }
0xa4: {  	[spmem:s23] =	stream.indirect.scatter.add.f32 [tilespmem:s6], [sflag:$0x7], $0x80, s16, s15, $0xb8;
	[tilespmem:$0x1F180] =	vst v63  }
0xa5: {  	_ =	swait.ge [sflag:s9], $0x2000  }
0xa6: {  	[sflag:s9] =	ssyncset.done $0x0  }
0xa7: {  	s10 =	simm.s32 $0x4;
	[sflag:s9] =	ssyncadd.s32 $0xFFFFE000  }
0xa8: {  	[spmem:s23] =	stream.indirect.scatter.add.f32 [tilespmem:s3], [sflag:$0x8], $0x80, s14, s15, $0xb8;
	[tilespmem:$0x1F180] =	vst v63  }
0xa9: {  	_ =	swait.ge [sflag:s10], $0x2000  }
0xaa: {  	[sflag:s10] =	ssyncset.done $0x0  }
0xab: {  	s11 =	simm.s32 $0x5;
	[sflag:s10] =	ssyncadd.s32 $0xFFFFE000  }
0xac: {  	[spmem:s23] =	stream.indirect.scatter.add.f32 [tilespmem:s17], [sflag:$0x9], $0x80, s7, s15, $0xb8;
	[tilespmem:$0x1F180] =	vst v63  }
0xad: {  	_ =	swait.ge [sflag:s11], $0x2000  }
0xae: {  	[sflag:s11] =	ssyncset.done $0x0  }
0xaf: {  	s2 =	simm.s32 $0x6;
	[sflag:s11] =	ssyncadd.s32 $0xFFFFE000  }
0xb0: {  	[spmem:s23] =	stream.indirect.scatter.add.f32 [tilespmem:s8], [sflag:$0xA], $0x80, s22, s15, $0xb8;
	[tilespmem:$0x1F180] =	vst v63  }
0xb1: {  	_ =	swait.ge [sflag:s2], $0x2000  }
0xb2: {  	s18 =	sld [smem:$0x7EA];
	_ =	sdelay $0x2  }
0xb3: {  	s0 =	simm.s32 $0x13880;
	[sflag:s2] =	ssyncset.done $0x0;
	s12 =	sshrl.u32 s18, $0x3  }
0xb4: {  	s13 =	rddreg [dreg:$0x17];
	[sflag:s2] =	ssyncadd.s32 $0xFFFFE000;
	s12 =	sadd.s32 s5, s12  }
0xb5: {  	[tilespmem:s0], [sflag:$0xB] =	stream.linear.gather [hbm4b:s12+s31], $0x40, $0x38;
	[tilespmem:$0x1F180] =	vst v63  }
0xb6: {  	s5 =	sadd.s32 $0x0, s13;
	s13 =	simm.s32 $0x10  }
0xb7: {  	[tilespmem:s25], [sflag:$0xB] =	stream.linear.gather [hbm4b:s5+s31], $0x40, $0x38;
	[tilespmem:$0x1F180] =	vst v63  }
0xb8: {  	_ =	swait.ge [sflag:s13], $0x40  }
0xb9: {  	[sflag:s13] =	ssyncset.done $0x0  }
0xba: {  	[sflag:s13] =	ssyncadd.s32 $0xFFFFFFC0  }
0xbb: {  	_ =	swait.ge [sflag:s13], $0x40  }
0xbc: {  	[sflag:s13] =	ssyncset.done $0x0  }
0xbd: {  	s25 =	simm.s32 $0x13B00;
	[sflag:s13] =	ssyncadd.s32 $0xFFFFFFC0  }
0xbe: {  	[tilespmem:s20], [sflag:$0x1] =	stream.indirect.gather [hbm4b:s4+s15], $0x80, s25, s15, $0xb8;
	[tilespmem:$0x1F180] =	vst v63  }
0xbf: {  	s25 =	simm.s32 $0x7  }
0xc0: {  	_ =	swait.ge [sflag:s25], $0x2000  }
0xc1: {  	s5 =	simm.s32 $0x13900;
	s0 =	rddreg [dreg:$0x16];
	[sflag:s25] =	ssyncset.done $0x0  }
0xc2: {  	s13 =	rddreg [dreg:$0x15];
	[sflag:s25] =	ssyncadd.s32 $0xFFFFE000;
	s12 =	sadd.s32 $0x0, s0  }
0xc3: {  	[tilespmem:s5], [sflag:$0xC] =	stream.linear.gather [hbm4b:s12+s31], $0x40, $0x38;
	[tilespmem:$0x1F180] =	vst v63  }
0xc4: {  	s5 =	sadd.s32 $0x0, s13;
	s13 =	simm.s32 $0x11  }
0xc5: {  	[tilespmem:s16], [sflag:$0xC] =	stream.linear.gather [hbm4b:s5+s31], $0x40, $0x38;
	[tilespmem:$0x1F180] =	vst v63  }
0xc6: {  	_ =	swait.ge [sflag:s13], $0x40  }
0xc7: {  	[sflag:s13] =	ssyncset.done $0x0  }
0xc8: {  	[sflag:s13] =	ssyncadd.s32 $0xFFFFFFC0  }
0xc9: {  	_ =	swait.ge [sflag:s13], $0x40  }
0xca: {  	[sflag:s13] =	ssyncset.done $0x0  }
0xcb: {  	s16 =	simm.s32 $0x13B80;
	s5 =	simm.s32 $0x8;
	[sflag:s13] =	ssyncadd.s32 $0xFFFFFFC0  }
0xcc: {  	[tilespmem:s6], [sflag:$0x2] =	stream.indirect.gather [hbm4b:s4+s15], $0x80, s16, s15, $0xb8;
	[tilespmem:$0x1F180] =	vst v63  }
0xcd: {  	_ =	swait.ge [sflag:s5], $0x2000  }
0xce: {  	s16 =	simm.s32 $0x13980;
	s0 =	rddreg [dreg:$0x14];
	[sflag:s5] =	ssyncset.done $0x0  }
0xcf: {  	s13 =	rddreg [dreg:$0x13];
	[sflag:s5] =	ssyncadd.s32 $0xFFFFE000;
	s12 =	sadd.s32 $0x0, s0  }
0xd0: {  	[tilespmem:s16], [sflag:$0xD] =	stream.linear.gather [hbm4b:s12+s31], $0x40, $0x38;
	[tilespmem:$0x1F180] =	vst v63  }
0xd1: {  	s0 =	sadd.s32 $0x0, s13;
	s13 =	simm.s32 $0x12  }
0xd2: {  	[tilespmem:s14], [sflag:$0xD] =	stream.linear.gather [hbm4b:s0+s31], $0x40, $0x38;
	[tilespmem:$0x1F180] =	vst v63  }
0xd3: {  	_ =	swait.ge [sflag:s13], $0x40  }
0xd4: {  	[sflag:s13] =	ssyncset.done $0x0  }
0xd5: {  	[sflag:s13] =	ssyncadd.s32 $0xFFFFFFC0  }
0xd6: {  	_ =	swait.ge [sflag:s13], $0x40  }
0xd7: {  	[sflag:s13] =	ssyncset.done $0x0  }
0xd8: {  	s14 =	simm.s32 $0x13C00;
	[sflag:s13] =	ssyncadd.s32 $0xFFFFFFC0  }
0xd9: {  	[tilespmem:s3], [sflag:$0x3] =	stream.indirect.gather [hbm4b:s4+s15], $0x80, s14, s15, $0xb8;
	[tilespmem:$0x1F180] =	vst v63  }
0xda: {  	s14 =	simm.s32 $0x9  }
0xdb: {  	_ =	swait.ge [sflag:s14], $0x2000  }
0xdc: {  	s0 =	simm.s32 $0x13A00;
	s16 =	rddreg [dreg:$0x12];
	[sflag:s14] =	ssyncset.done $0x0  }
0xdd: {  	s13 =	rddreg [dreg:$0x11];
	[sflag:s14] =	ssyncadd.s32 $0xFFFFE000;
	s12 =	sadd.s32 $0x0, s16  }
0xde: {  	[tilespmem:s0], [sflag:$0xE] =	stream.linear.gather [hbm4b:s12+s31], $0x40, $0x38;
	[tilespmem:$0x1F180] =	vst v63  }
0xdf: {  	s0 =	sadd.s32 $0x0, s13;
	s13 =	simm.s32 $0x13  }
0xe0: {  	[tilespmem:s7], [sflag:$0xE] =	stream.linear.gather [hbm4b:s0+s31], $0x40, $0x38;
	[tilespmem:$0x1F180] =	vst v63  }
0xe1: {  	_ =	swait.ge [sflag:s13], $0x40  }
0xe2: {  	[sflag:s13] =	ssyncset.done $0x0  }
0xe3: {  	[sflag:s13] =	ssyncadd.s32 $0xFFFFFFC0  }
0xe4: {  	_ =	swait.ge [sflag:s13], $0x40  }
0xe5: {  	[sflag:s13] =	ssyncset.done $0x0  }
0xe6: {  	s16 =	simm.s32 $0x13C80;
	[sflag:s13] =	ssyncadd.s32 $0xFFFFFFC0  }
0xe7: {  	[tilespmem:s17], [sflag:$0x4] =	stream.indirect.gather [hbm4b:s4+s15], $0x80, s16, s15, $0xb8;
	[tilespmem:$0x1F180] =	vst v63  }
0xe8: {  	s16 =	simm.s32 $0xA  }
0xe9: {  	_ =	swait.ge [sflag:s16], $0x2000  }
0xea: {  	s0 =	rddreg [dreg:$0x10];
	[sflag:s16] =	ssyncset.done $0x0  }
0xeb: {  	s7 =	rddreg [dreg:$0xf];
	[sflag:s16] =	ssyncadd.s32 $0xFFFFE000;
	s12 =	sadd.s32 $0x0, s0  }
0xec: {  	[tilespmem:s19], [sflag:$0xF] =	stream.linear.gather [hbm4b:s12+s31], $0x40, $0x38;
	[tilespmem:$0x1F180] =	vst v63  }
0xed: {  	s19 =	sadd.s32 $0x0, s7  }
0xee: {  	[tilespmem:s22], [sflag:$0xF] =	stream.linear.gather [hbm4b:s19+s31], $0x40, $0x38;
	[tilespmem:$0x1F180] =	vst v63  }
0xef: {  	s22 =	simm.s32 $0x14  }
0xf0: {  	_ =	swait.ge [sflag:s22], $0x40  }
0xf1: {  	[sflag:s22] =	ssyncset.done $0x0  }
0xf2: {  	[sflag:s22] =	ssyncadd.s32 $0xFFFFFFC0  }
0xf3: {  	_ =	swait.ge [sflag:s22], $0x40  }
0xf4: {  	[sflag:s22] =	ssyncset.done $0x0  }
0xf5: {  	[sflag:s22] =	ssyncadd.s32 $0xFFFFFFC0;
	s22 =	simm.s32 $0x13D00  }
0xf6: {  	[tilespmem:s8], [sflag:$0x5] =	stream.indirect.gather [hbm4b:s4+s15], $0x80, s22, s15, $0xb8;
	[tilespmem:$0x1F180] =	vst v63  }
0xf7: {  	_ =	swait.ge [sflag:s24], $0x2000  }
0xf8: {  	[sflag:s24] =	ssyncset.done $0x0  }
0xf9: {  	s0 =	simm.s32 $0x14300;
	[sflag:s24] =	ssyncadd.s32 $0xFFFFE000  }
0xfa: {  	[spmem:s23] =	stream.indirect.scatter.add.f32 [tilespmem:s20], [sflag:$0x6], $0x80, s0, s15, $0xb8;
	[tilespmem:$0x1F180] =	vst v63  }
0xfb: {  	_ =	swait.ge [sflag:s26], $0x2000  }
0xfc: {  	[sflag:s26] =	ssyncset.done $0x0  }
0xfd: {  	s24 =	simm.s32 $0x14380;
	[sflag:s26] =	ssyncadd.s32 $0xFFFFE000  }
0xfe: {  	[spmem:s23] =	stream.indirect.scatter.add.f32 [tilespmem:s6], [sflag:$0x7], $0x80, s24, s15, $0xb8;
	[tilespmem:$0x1F180] =	vst v63  }
0xff: {  	_ =	swait.ge [sflag:s9], $0x2000  }
0x100: {  	[sflag:s9] =	ssyncset.done $0x0  }
0x101: {  	s19 =	simm.s32 $0x14400;
	[sflag:s9] =	ssyncadd.s32 $0xFFFFE000  }
0x102: {  	[spmem:s23] =	stream.indirect.scatter.add.f32 [tilespmem:s3], [sflag:$0x8], $0x80, s19, s15, $0xb8;
	[tilespmem:$0x1F180] =	vst v63  }
0x103: {  	_ =	swait.ge [sflag:s10], $0x2000  }
0x104: {  	[sflag:s10] =	ssyncset.done $0x0  }
0x105: {  	s9 =	simm.s32 $0x14480;
	[sflag:s10] =	ssyncadd.s32 $0xFFFFE000  }
0x106: {  	[spmem:s23] =	stream.indirect.scatter.add.f32 [tilespmem:s17], [sflag:$0x9], $0x80, s9, s15, $0xb8;
	[tilespmem:$0x1F180] =	vst v63  }
0x107: {  	_ =	swait.ge [sflag:s11], $0x2000  }
0x108: {  	[sflag:s11] =	ssyncset.done $0x0  }
0x109: {  	s7 =	simm.s32 $0x14500;
	[sflag:s11] =	ssyncadd.s32 $0xFFFFE000  }
0x10a: {  	[spmem:s23] =	stream.indirect.scatter.add.f32 [tilespmem:s8], [sflag:$0xA], $0x80, s7, s15, $0xb8;
	[tilespmem:$0x1F180] =	vst v63  }
0x10b: {  	_ =	swait.ge [sflag:s2], $0x2000  }
0x10c: {  	s10 =	simm.s32 $0x13B00;
	s26 =	rddreg [dreg:$0xe];
	[sflag:s2] =	ssyncset.done $0x0  }
0x10d: {  	s8 =	rddreg [dreg:$0xd];
	[sflag:s2] =	ssyncadd.s32 $0xFFFFE000;
	s12 =	sadd.s32 $0x0, s26  }
0x10e: {  	[tilespmem:s10], [sflag:$0x10] =	stream.linear.gather [hbm4b:s12+s31], $0x40, $0x38;
	[tilespmem:$0x1F180] =	vst v63  }
0x10f: {  	s11 =	sadd.s32 $0x0, s8  }
0x110: {  	[tilespmem:s0], [sflag:$0x10] =	stream.linear.gather [hbm4b:s11+s31], $0x40, $0x38;
	[tilespmem:$0x1F180] =	vst v63  }
0x111: {  	_ =	swait.ge [sflag:s30], $0x40  }
0x112: {  	[sflag:s30] =	ssyncset.done $0x0  }
0x113: {  	[sflag:s30] =	ssyncadd.s32 $0xFFFFFFC0  }
0x114: {  	_ =	swait.ge [sflag:s30], $0x40  }
0x115: {  	[sflag:s30] =	ssyncset.done $0x0  }
0x116: {  	s13 =	simm.s32 $0x13880;
	[sflag:s30] =	ssyncadd.s32 $0xFFFFFFC0  }
0x117: {  	[tilespmem:s20], [sflag:$0x1] =	stream.indirect.gather [hbm4b:s4+s15], $0x80, s13, s15, $0xb8;
	[tilespmem:$0x1F180] =	vst v63  }
0x118: {  	_ =	swait.ge [sflag:s25], $0x2000  }
0x119: {  	s30 =	simm.s32 $0x13B80;
	s23 =	rddreg [dreg:$0xc];
	[sflag:s25] =	ssyncset.done $0x0  }
0x11a: {  	s26 =	rddreg [dreg:$0xb];
	[sflag:s25] =	ssyncadd.s32 $0xFFFFE000;
	s12 =	sadd.s32 $0x0, s23  }
0x11b: {  	[tilespmem:s30], [sflag:$0x11] =	stream.linear.gather [hbm4b:s12+s31], $0x40, $0x38;
	[tilespmem:$0x1F180] =	vst v63  }
0x11c: {  	s0 =	sadd.s32 $0x0, s26  }
0x11d: {  	[tilespmem:s24], [sflag:$0x11] =	stream.linear.gather [hbm4b:s0+s31], $0x40, $0x38;
	[tilespmem:$0x1F180] =	vst v63  }
0x11e: {  	_ =	swait.ge [sflag:s1], $0x40  }
0x11f: {  	[sflag:s1] =	ssyncset.done $0x0  }
0x120: {  	[sflag:s1] =	ssyncadd.s32 $0xFFFFFFC0  }
0x121: {  	_ =	swait.ge [sflag:s1], $0x40  }
0x122: {  	[sflag:s1] =	ssyncset.done $0x0  }
0x123: {  	s2 =	simm.s32 $0x13900;
	[sflag:s1] =	ssyncadd.s32 $0xFFFFFFC0  }
0x124: {  	[tilespmem:s6], [sflag:$0x2] =	stream.indirect.gather [hbm4b:s4+s15], $0x80, s2, s15, $0xb8;
	[tilespmem:$0x1F180] =	vst v63  }
0x125: {  	_ =	swait.ge [sflag:s5], $0x2000  }
0x126: {  	s11 =	simm.s32 $0x13C00;
	s8 =	rddreg [dreg:$0xa];
	[sflag:s5] =	ssyncset.done $0x0  }
0x127: {  	s10 =	rddreg [dreg:$0x9];
	[sflag:s5] =	ssyncadd.s32 $0xFFFFE000;
	s12 =	sadd.s32 $0x0, s8  }
0x128: {  	[tilespmem:s11], [sflag:$0x12] =	stream.linear.gather [hbm4b:s12+s31], $0x40, $0x38;
	[tilespmem:$0x1F180] =	vst v63  }
0x129: {  	s13 =	sadd.s32 $0x0, s10  }
0x12a: {  	[tilespmem:s19], [sflag:$0x12] =	stream.linear.gather [hbm4b:s13+s31], $0x40, $0x38;
	[tilespmem:$0x1F180] =	vst v63  }
0x12b: {  	_ =	swait.ge [sflag:s21], $0x40  }
0x12c: {  	[sflag:s21] =	ssyncset.done $0x0  }
0x12d: {  	[sflag:s21] =	ssyncadd.s32 $0xFFFFFFC0  }
0x12e: {  	_ =	swait.ge [sflag:s21], $0x40  }
0x12f: {  	[sflag:s21] =	ssyncset.done $0x0  }
0x130: {  	s19 =	simm.s32 $0x13980;
	[sflag:s21] =	ssyncadd.s32 $0xFFFFFFC0  }
0x131: {  	[tilespmem:s3], [sflag:$0x3] =	stream.indirect.gather [hbm4b:s4+s15], $0x80, s19, s15, $0xb8;
	[tilespmem:$0x1F180] =	vst v63  }
0x132: {  	_ =	swait.ge [sflag:s14], $0x2000  }
0x133: {  	s23 =	simm.s32 $0x13C80;
	s20 =	rddreg [dreg:$0x8];
	[sflag:s14] =	ssyncset.done $0x0  }
0x134: {  	s21 =	rddreg [dreg:$0x7];
	[sflag:s14] =	ssyncadd.s32 $0xFFFFE000;
	s12 =	sadd.s32 $0x0, s20  }
0x135: {  	[tilespmem:s23], [sflag:$0x13] =	stream.linear.gather [hbm4b:s12+s31], $0x40, $0x38;
	[tilespmem:$0x1F180] =	vst v63  }
0x136: {  	s24 =	sadd.s32 $0x0, s21  }
0x137: {  	[tilespmem:s9], [sflag:$0x13] =	stream.linear.gather [hbm4b:s24+s31], $0x40, $0x38;
	[tilespmem:$0x1F180] =	vst v63  }
0x138: {  	_ =	swait.ge [sflag:s29], $0x40  }
0x139: {  	[sflag:s29] =	ssyncset.done $0x0  }
0x13a: {  	[sflag:s29] =	ssyncadd.s32 $0xFFFFFFC0  }
0x13b: {  	_ =	swait.ge [sflag:s29], $0x40  }
0x13c: {  	[sflag:s29] =	ssyncset.done $0x0  }
0x13d: {  	s25 =	simm.s32 $0x13A00;
	[sflag:s29] =	ssyncadd.s32 $0xFFFFFFC0  }
0x13e: {  	[tilespmem:s17], [sflag:$0x4] =	stream.indirect.gather [hbm4b:s4+s15], $0x80, s25, s15, $0xb8;
	[tilespmem:$0x1F180] =	vst v63  }
0x13f: {  	_ =	swait.ge [sflag:s16], $0x2000  }
0x140: {  	s26 =	rddreg [dreg:$0x6];
	[sflag:s16] =	ssyncset.done $0x0  }
0x141: {  	s29 =	rddreg [dreg:$0x5];
	[sflag:s16] =	ssyncadd.s32 $0xFFFFE000;
	s12 =	sadd.s32 $0x0, s26  }
0x142: {  	[tilespmem:s22], [sflag:$0x14] =	stream.linear.gather [hbm4b:s12+s31], $0x40, $0x38;
	[tilespmem:$0x1F180] =	vst v63  }
0x143: {  	s30 =	sadd.s32 $0x0, s29  }
0x144: {  	[tilespmem:s7], [sflag:$0x14] =	stream.linear.gather [hbm4b:s30+s31], $0x40, $0x38;
	[tilespmem:$0x1F180] =	vst v63  }
0x145: {  	_ =	swait.ge [sflag:s28], $0x40  }
0x146: {  	[sflag:s28] =	ssyncset.done $0x0  }
0x147: {  	[sflag:s28] =	ssyncadd.s32 $0xFFFFFFC0  }
0x148: {  	_ =	swait.ge [sflag:s28], $0x40  }
0x149: {  	[sflag:s28] =	ssyncset.done $0x0  }
0x14a: {  	s13 =	sadd.s32 $0x280, s18;
	s12 =	simm.s32 $0x50;
	[sflag:s28] =	ssyncadd.s32 $0xFFFFFFC0  }
.LBB2_2:
0x14b: {  	s1 =	simm.s32 $0x13A80  }
0x14c: {  	s8 =	simm.s32 $0x1C880;
	s4 =	rddreg [dreg:$0x1];
	s28 =	simm.s32 $0x1  }
0x14d: {  	[tilespmem:s8], [sflag:$0x5] =	stream.indirect.gather [hbm4b:s4+s15], $0x80, s1, s15, $0xb8;
	[tilespmem:$0x1F180] =	vst v63  }
0x14e: {  	_ =	swait.ge [sflag:s28], $0x2000  }
0x14f: {  	[sflag:s28] =	ssyncset.done $0x0  }
0x150: {  	s21 =	simm.s32 $0x14080;
	[sflag:s28] =	ssyncadd.s32 $0xFFFFE000  }
0x151: {  	s6 =	simm.s32 $0x14880;
	s30 =	simm.s32 $0x2;
	s0 =	rddreg [dreg:$0x3]  }
0x152: {  	[spmem:s0] =	stream.indirect.scatter.add.f32 [tilespmem:s6], [sflag:$0x6], $0x80, s21, s15, $0xb8;
	[tilespmem:$0x1F180] =	vst v63  }
0x153: {  	_ =	swait.ge [sflag:s30], $0x2000  }
0x154: {  	s14 =	simm.s32 $0x14100;
	[sflag:s30] =	ssyncset.done $0x0  }
0x155: {  	s19 =	simm.s32 $0x16880;
	s9 =	simm.s32 $0x3;
	[sflag:s30] =	ssyncadd.s32 $0xFFFFE000  }
0x156: {  	[spmem:s0] =	stream.indirect.scatter.add.f32 [tilespmem:s19], [sflag:$0x7], $0x80, s14, s15, $0xb8;
	[tilespmem:$0x1F180] =	vst v63  }
0x157: {  	_ =	swait.ge [sflag:s9], $0x2000  }
0x158: {  	s17 =	simm.s32 $0x14180;
	[sflag:s9] =	ssyncset.done $0x0  }
0x159: {  	s23 =	simm.s32 $0x18880;
	s10 =	simm.s32 $0x4;
	[sflag:s9] =	ssyncadd.s32 $0xFFFFE000  }
0x15a: {  	[spmem:s0] =	stream.indirect.scatter.add.f32 [tilespmem:s23], [sflag:$0x8], $0x80, s17, s15, $0xb8;
	[tilespmem:$0x1F180] =	vst v63  }
0x15b: {  	_ =	swait.ge [sflag:s10], $0x2000  }
0x15c: {  	s7 =	simm.s32 $0x14200;
	[sflag:s10] =	ssyncset.done $0x0  }
0x15d: {  	s2 =	simm.s32 $0x1A880;
	s11 =	simm.s32 $0x5;
	[sflag:s10] =	ssyncadd.s32 $0xFFFFE000  }
0x15e: {  	[spmem:s0] =	stream.indirect.scatter.add.f32 [tilespmem:s2], [sflag:$0x9], $0x80, s7, s15, $0xb8;
	[tilespmem:$0x1F180] =	vst v63  }
0x15f: {  	_ =	swait.ge [sflag:s11], $0x2000  }
0x160: {  	[sflag:s11] =	ssyncset.done $0x0  }
0x161: {  	s20 =	simm.s32 $0x14280;
	s2 =	simm.s32 $0x6;
	[sflag:s11] =	ssyncadd.s32 $0xFFFFE000  }
0x162: {  	[spmem:s0] =	stream.indirect.scatter.add.f32 [tilespmem:s8], [sflag:$0xA], $0x80, s20, s15, $0xb8;
	[tilespmem:$0x1F180] =	vst v63  }
0x163: {  	_ =	swait.ge [sflag:s2], $0x2000  }
0x164: {  	[sflag:s2] =	ssyncset.done $0x0  }
0x165: {  	[sflag:s2] =	ssyncadd.s32 $0xFFFFE000  }
0x166: {  	s16 =	smov.u32 s12;
	s18 =	sshrl.u32 s13, $0x3;
	s3 =	rddreg [dreg:$0x0]  }
0x167: {  	s24 =	simm.s32 $0x13880;
	s25 =	rddreg [dreg:$0x17];
	s18 =	sadd.s32 s3, s18  }
0x168: {  	[tilespmem:s24], [sflag:$0xB] =	stream.linear.gather [hbm4b:s18+s31], $0x40, $0x38;
	[tilespmem:$0x1F180] =	vst v63  }
0x169: {  	s26 =	sadd.s32 s16, s25;
	s3 =	simm.s32 $0x10  }
0x16a: {  	[tilespmem:s21], [sflag:$0xB] =	stream.linear.gather [hbm4b:s26+s31], $0x40, $0x38;
	[tilespmem:$0x1F180] =	vst v63  }
0x16b: {  	_ =	swait.ge [sflag:s3], $0x40  }
0x16c: {  	[sflag:s3] =	ssyncset.done $0x0  }
0x16d: {  	[sflag:s3] =	ssyncadd.s32 $0xFFFFFFC0  }
0x16e: {  	_ =	swait.ge [sflag:s3], $0x40  }
0x16f: {  	[sflag:s3] =	ssyncset.done $0x0  }
0x170: {  	s21 =	simm.s32 $0x13B00;
	[sflag:s3] =	ssyncadd.s32 $0xFFFFFFC0;
	s3 =	simm.s32 $0x7  }
0x171: {  	[tilespmem:s6], [sflag:$0x1] =	stream.indirect.gather [hbm4b:s4+s15], $0x80, s21, s15, $0xb8;
	[tilespmem:$0x1F180] =	vst v63  }
0x172: {  	_ =	swait.ge [sflag:s3], $0x2000  }
0x173: {  	s5 =	rddreg [dreg:$0x16]  }
0x174: {  	[sflag:s3] =	ssyncset.done $0x0;
	s22 =	rddreg [dreg:$0x15]  }
0x175: {  	[sflag:s3] =	ssyncadd.s32 $0xFFFFE000;
	s18 =	sadd.s32 s16, s5;
	s5 =	simm.s32 $0x13900  }
0x176: {  	[tilespmem:s5], [sflag:$0xC] =	stream.linear.gather [hbm4b:s18+s31], $0x40, $0x38;
	[tilespmem:$0x1F180] =	vst v63  }
0x177: {  	s25 =	simm.s32 $0x11;
	s24 =	sadd.s32 s16, s22  }
0x178: {  	[tilespmem:s14], [sflag:$0xC] =	stream.linear.gather [hbm4b:s24+s31], $0x40, $0x38;
	[tilespmem:$0x1F180] =	vst v63  }
0x179: {  	_ =	swait.ge [sflag:s25], $0x40  }
0x17a: {  	[sflag:s25] =	ssyncset.done $0x0  }
0x17b: {  	[sflag:s25] =	ssyncadd.s32 $0xFFFFFFC0  }
0x17c: {  	_ =	swait.ge [sflag:s25], $0x40  }
0x17d: {  	[sflag:s25] =	ssyncset.done $0x0  }
0x17e: {  	s26 =	simm.s32 $0x13B80;
	s5 =	simm.s32 $0x8;
	[sflag:s25] =	ssyncadd.s32 $0xFFFFFFC0  }
0x17f: {  	[tilespmem:s19], [sflag:$0x2] =	stream.indirect.gather [hbm4b:s4+s15], $0x80, s26, s15, $0xb8;
	[tilespmem:$0x1F180] =	vst v63  }
0x180: {  	_ =	swait.ge [sflag:s5], $0x2000  }
0x181: {  	s24 =	simm.s32 $0x13980;
	s14 =	rddreg [dreg:$0x14];
	[sflag:s5] =	ssyncset.done $0x0  }
0x182: {  	s22 =	rddreg [dreg:$0x13];
	[sflag:s5] =	ssyncadd.s32 $0xFFFFE000;
	s18 =	sadd.s32 s16, s14  }
0x183: {  	[tilespmem:s24], [sflag:$0xD] =	stream.linear.gather [hbm4b:s18+s31], $0x40, $0x38;
	[tilespmem:$0x1F180] =	vst v63  }
0x184: {  	s26 =	simm.s32 $0x12;
	s25 =	sadd.s32 s16, s22  }
0x185: {  	[tilespmem:s17], [sflag:$0xD] =	stream.linear.gather [hbm4b:s25+s31], $0x40, $0x38;
	[tilespmem:$0x1F180] =	vst v63  }
0x186: {  	_ =	swait.ge [sflag:s26], $0x40  }
0x187: {  	[sflag:s26] =	ssyncset.done $0x0  }
0x188: {  	[sflag:s26] =	ssyncadd.s32 $0xFFFFFFC0  }
0x189: {  	_ =	swait.ge [sflag:s26], $0x40  }
0x18a: {  	[sflag:s26] =	ssyncset.done $0x0  }
0x18b: {  	s14 =	simm.s32 $0x13C00;
	s24 =	simm.s32 $0x9;
	[sflag:s26] =	ssyncadd.s32 $0xFFFFFFC0  }
0x18c: {  	[tilespmem:s23], [sflag:$0x3] =	stream.indirect.gather [hbm4b:s4+s15], $0x80, s14, s15, $0xb8;
	[tilespmem:$0x1F180] =	vst v63  }
0x18d: {  	_ =	swait.ge [sflag:s24], $0x2000  }
0x18e: {  	s26 =	simm.s32 $0x13A00;
	s17 =	rddreg [dreg:$0x12];
	[sflag:s24] =	ssyncset.done $0x0  }
0x18f: {  	s22 =	rddreg [dreg:$0x11];
	[sflag:s24] =	ssyncadd.s32 $0xFFFFE000;
	s18 =	sadd.s32 s16, s17  }
0x190: {  	[tilespmem:s26], [sflag:$0xE] =	stream.linear.gather [hbm4b:s18+s31], $0x40, $0x38;
	[tilespmem:$0x1F180] =	vst v63  }
0x191: {  	s17 =	sadd.s32 s16, s22;
	s22 =	simm.s32 $0x13  }
0x192: {  	[tilespmem:s7], [sflag:$0xE] =	stream.linear.gather [hbm4b:s17+s31], $0x40, $0x38;
	[tilespmem:$0x1F180] =	vst v63  }
0x193: {  	_ =	swait.ge [sflag:s22], $0x40  }
0x194: {  	[sflag:s22] =	ssyncset.done $0x0  }
0x195: {  	[sflag:s22] =	ssyncadd.s32 $0xFFFFFFC0  }
0x196: {  	_ =	swait.ge [sflag:s22], $0x40  }
0x197: {  	s26 =	simm.s32 $0xA;
	[sflag:s22] =	ssyncset.done $0x0  }
0x198: {  	s17 =	simm.s32 $0x13C80;
	[sflag:s22] =	ssyncadd.s32 $0xFFFFFFC0;
	s22 =	simm.s32 $0x1A880  }
0x199: {  	[tilespmem:s22], [sflag:$0x4] =	stream.indirect.gather [hbm4b:s4+s15], $0x80, s17, s15, $0xb8;
	[tilespmem:$0x1F180] =	vst v63  }
0x19a: {  	_ =	swait.ge [sflag:s26], $0x2000  }
0x19b: {  	s25 =	rddreg [dreg:$0x10];
	[sflag:s26] =	ssyncset.done $0x0  }
0x19c: {  	s7 =	rddreg [dreg:$0xf];
	[sflag:s26] =	ssyncadd.s32 $0xFFFFE000;
	s18 =	sadd.s32 s16, s25  }
0x19d: {  	[tilespmem:s1], [sflag:$0xF] =	stream.linear.gather [hbm4b:s18+s31], $0x40, $0x38;
	[tilespmem:$0x1F180] =	vst v63  }
0x19e: {  	s7 =	sadd.s32 s16, s7  }
0x19f: {  	[tilespmem:s20], [sflag:$0xF] =	stream.linear.gather [hbm4b:s7+s31], $0x40, $0x38;
	[tilespmem:$0x1F180] =	vst v63  }
0x1a0: {  	s20 =	simm.s32 $0x14  }
0x1a1: {  	_ =	swait.ge [sflag:s20], $0x40  }
0x1a2: {  	[sflag:s20] =	ssyncset.done $0x0  }
0x1a3: {  	[sflag:s20] =	ssyncadd.s32 $0xFFFFFFC0  }
0x1a4: {  	_ =	swait.ge [sflag:s20], $0x40  }
0x1a5: {  	[sflag:s20] =	ssyncset.done $0x0  }
0x1a6: {  	s29 =	simm.s32 $0x13D00;
	[sflag:s20] =	ssyncadd.s32 $0xFFFFFFC0  }
0x1a7: {  	[tilespmem:s8], [sflag:$0x5] =	stream.indirect.gather [hbm4b:s4+s15], $0x80, s29, s15, $0xb8;
	[tilespmem:$0x1F180] =	vst v63  }
0x1a8: {  	_ =	swait.ge [sflag:s28], $0x2000  }
0x1a9: {  	[sflag:s28] =	ssyncset.done $0x0  }
0x1aa: {  	s1 =	simm.s32 $0x14300;
	[sflag:s28] =	ssyncadd.s32 $0xFFFFE000  }
0x1ab: {  	[spmem:s0] =	stream.indirect.scatter.add.f32 [tilespmem:s6], [sflag:$0x6], $0x80, s1, s15, $0xb8;
	[tilespmem:$0x1F180] =	vst v63  }
0x1ac: {  	_ =	swait.ge [sflag:s30], $0x2000  }
0x1ad: {  	[sflag:s30] =	ssyncset.done $0x0  }
0x1ae: {  	s7 =	simm.s32 $0x14380;
	[sflag:s30] =	ssyncadd.s32 $0xFFFFE000  }
0x1af: {  	[spmem:s0] =	stream.indirect.scatter.add.f32 [tilespmem:s19], [sflag:$0x7], $0x80, s7, s15, $0xb8;
	[tilespmem:$0x1F180] =	vst v63  }
0x1b0: {  	_ =	swait.ge [sflag:s9], $0x2000  }
0x1b1: {  	[sflag:s9] =	ssyncset.done $0x0  }
0x1b2: {  	s20 =	simm.s32 $0x14400;
	[sflag:s9] =	ssyncadd.s32 $0xFFFFE000  }
0x1b3: {  	[spmem:s0] =	stream.indirect.scatter.add.f32 [tilespmem:s23], [sflag:$0x8], $0x80, s20, s15, $0xb8;
	[tilespmem:$0x1F180] =	vst v63  }
0x1b4: {  	_ =	swait.ge [sflag:s10], $0x2000  }
0x1b5: {  	[sflag:s10] =	ssyncset.done $0x0  }
0x1b6: {  	s28 =	simm.s32 $0x14480;
	[sflag:s10] =	ssyncadd.s32 $0xFFFFE000  }
0x1b7: {  	[spmem:s0] =	stream.indirect.scatter.add.f32 [tilespmem:s22], [sflag:$0x9], $0x80, s28, s15, $0xb8;
	[tilespmem:$0x1F180] =	vst v63  }
0x1b8: {  	_ =	swait.ge [sflag:s11], $0x2000  }
0x1b9: {  	[sflag:s11] =	ssyncset.done $0x0  }
0x1ba: {  	s30 =	simm.s32 $0x14500;
	[sflag:s11] =	ssyncadd.s32 $0xFFFFE000  }
0x1bb: {  	[spmem:s0] =	stream.indirect.scatter.add.f32 [tilespmem:s8], [sflag:$0xA], $0x80, s30, s15, $0xb8;
	[tilespmem:$0x1F180] =	vst v63  }
0x1bc: {  	_ =	swait.ge [sflag:s2], $0x2000  }
0x1bd: {  	s25 =	rddreg [dreg:$0xe];
	[sflag:s2] =	ssyncset.done $0x0  }
0x1be: {  	s0 =	rddreg [dreg:$0xd];
	[sflag:s2] =	ssyncadd.s32 $0xFFFFE000;
	s18 =	sadd.s32 s16, s25  }
0x1bf: {  	[tilespmem:s21], [sflag:$0x10] =	stream.linear.gather [hbm4b:s18+s31], $0x40, $0x38;
	[tilespmem:$0x1F180] =	vst v63  }
0x1c0: {  	s8 =	simm.s32 $0xB;
	s2 =	sadd.s32 s16, s0  }
0x1c1: {  	[tilespmem:s1], [sflag:$0x10] =	stream.linear.gather [hbm4b:s2+s31], $0x40, $0x38;
	[tilespmem:$0x1F180] =	vst v63  }
0x1c2: {  	_ =	swait.ge [sflag:s8], $0x40  }
0x1c3: {  	[sflag:s8] =	ssyncset.done $0x0  }
0x1c4: {  	[sflag:s8] =	ssyncadd.s32 $0xFFFFFFC0  }
0x1c5: {  	_ =	swait.ge [sflag:s8], $0x40  }
0x1c6: {  	[sflag:s8] =	ssyncset.done $0x0  }
0x1c7: {  	s10 =	simm.s32 $0x13880;
	[sflag:s8] =	ssyncadd.s32 $0xFFFFFFC0  }
0x1c8: {  	[tilespmem:s6], [sflag:$0x1] =	stream.indirect.gather [hbm4b:s4+s15], $0x80, s10, s15, $0xb8;
	[tilespmem:$0x1F180] =	vst v63  }
0x1c9: {  	_ =	swait.ge [sflag:s3], $0x2000  }
0x1ca: {  	s22 =	simm.s32 $0x13B80;
	s11 =	rddreg [dreg:$0xc];
	[sflag:s3] =	ssyncset.done $0x0  }
0x1cb: {  	s21 =	rddreg [dreg:$0xb];
	[sflag:s3] =	ssyncadd.s32 $0xFFFFE000;
	s18 =	sadd.s32 s16, s11  }
0x1cc: {  	[tilespmem:s22], [sflag:$0x11] =	stream.linear.gather [hbm4b:s18+s31], $0x40, $0x38;
	[tilespmem:$0x1F180] =	vst v63  }
0x1cd: {  	s0 =	simm.s32 $0xC;
	s25 =	sadd.s32 s16, s21  }
0x1ce: {  	[tilespmem:s7], [sflag:$0x11] =	stream.linear.gather [hbm4b:s25+s31], $0x40, $0x38;
	[tilespmem:$0x1F180] =	vst v63  }
0x1cf: {  	_ =	swait.ge [sflag:s0], $0x40  }
0x1d0: {  	[sflag:s0] =	ssyncset.done $0x0  }
0x1d1: {  	[sflag:s0] =	ssyncadd.s32 $0xFFFFFFC0  }
0x1d2: {  	_ =	swait.ge [sflag:s0], $0x40  }
0x1d3: {  	[sflag:s0] =	ssyncset.done $0x0  }
0x1d4: {  	s1 =	simm.s32 $0x13900;
	[sflag:s0] =	ssyncadd.s32 $0xFFFFFFC0  }
0x1d5: {  	[tilespmem:s19], [sflag:$0x2] =	stream.indirect.gather [hbm4b:s4+s15], $0x80, s1, s15, $0xb8;
	[tilespmem:$0x1F180] =	vst v63  }
0x1d6: {  	_ =	swait.ge [sflag:s5], $0x2000  }
0x1d7: {  	s2 =	rddreg [dreg:$0xa];
	[sflag:s5] =	ssyncset.done $0x0  }
0x1d8: {  	s3 =	rddreg [dreg:$0x9];
	[sflag:s5] =	ssyncadd.s32 $0xFFFFE000;
	s18 =	sadd.s32 s16, s2  }
0x1d9: {  	[tilespmem:s14], [sflag:$0x12] =	stream.linear.gather [hbm4b:s18+s31], $0x40, $0x38;
	[tilespmem:$0x1F180] =	vst v63  }
0x1da: {  	s6 =	simm.s32 $0xD;
	s5 =	sadd.s32 s16, s3  }
0x1db: {  	[tilespmem:s20], [sflag:$0x12] =	stream.linear.gather [hbm4b:s5+s31], $0x40, $0x38;
	[tilespmem:$0x1F180] =	vst v63  }
0x1dc: {  	_ =	swait.ge [sflag:s6], $0x40  }
0x1dd: {  	[sflag:s6] =	ssyncset.done $0x0  }
0x1de: {  	[sflag:s6] =	ssyncadd.s32 $0xFFFFFFC0  }
0x1df: {  	_ =	swait.ge [sflag:s6], $0x40  }
0x1e0: {  	[sflag:s6] =	ssyncset.done $0x0  }
0x1e1: {  	s10 =	simm.s32 $0x13980;
	[sflag:s6] =	ssyncadd.s32 $0xFFFFFFC0  }
0x1e2: {  	[tilespmem:s23], [sflag:$0x3] =	stream.indirect.gather [hbm4b:s4+s15], $0x80, s10, s15, $0xb8;
	[tilespmem:$0x1F180] =	vst v63  }
0x1e3: {  	_ =	swait.ge [sflag:s24], $0x2000  }
0x1e4: {  	s11 =	rddreg [dreg:$0x8];
	[sflag:s24] =	ssyncset.done $0x0  }
0x1e5: {  	s14 =	rddreg [dreg:$0x7];
	[sflag:s24] =	ssyncadd.s32 $0xFFFFE000;
	s18 =	sadd.s32 s16, s11  }
0x1e6: {  	[tilespmem:s17], [sflag:$0x13] =	stream.linear.gather [hbm4b:s18+s31], $0x40, $0x38;
	[tilespmem:$0x1F180] =	vst v63  }
0x1e7: {  	s17 =	sadd.s32 s16, s14;
	s18 =	simm.s32 $0xE  }
0x1e8: {  	[tilespmem:s28], [sflag:$0x13] =	stream.linear.gather [hbm4b:s17+s31], $0x40, $0x38;
	[tilespmem:$0x1F180] =	vst v63  }
0x1e9: {  	_ =	swait.ge [sflag:s18], $0x40  }
0x1ea: {  	[sflag:s18] =	ssyncset.done $0x0  }
0x1eb: {  	[sflag:s18] =	ssyncadd.s32 $0xFFFFFFC0  }
0x1ec: {  	_ =	swait.ge [sflag:s18], $0x40  }
0x1ed: {  	[sflag:s18] =	ssyncset.done $0x0  }
0x1ee: {  	s9 =	simm.s32 $0x1A880;
	s20 =	simm.s32 $0x13A00;
	[sflag:s18] =	ssyncadd.s32 $0xFFFFFFC0  }
0x1ef: {  	[tilespmem:s9], [sflag:$0x4] =	stream.indirect.gather [hbm4b:s4+s15], $0x80, s20, s15, $0xb8;
	[tilespmem:$0x1F180] =	vst v63  }
0x1f0: {  	_ =	swait.ge [sflag:s26], $0x2000  }
0x1f1: {  	s23 =	rddreg [dreg:$0x6];
	[sflag:s26] =	ssyncset.done $0x0  }
0x1f2: {  	s24 =	rddreg [dreg:$0x5];
	[sflag:s26] =	ssyncadd.s32 $0xFFFFE000;
	s18 =	sadd.s32 s16, s23  }
0x1f3: {  	[tilespmem:s29], [sflag:$0x14] =	stream.linear.gather [hbm4b:s18+s31], $0x40, $0x38;
	[tilespmem:$0x1F180] =	vst v63  }
0x1f4: {  	s16 =	sadd.s32 s16, s24  }
0x1f5: {  	[tilespmem:s30], [sflag:$0x14] =	stream.linear.gather [hbm4b:s16+s31], $0x40, $0x38;
	[tilespmem:$0x1F180] =	vst v63  }
0x1f6: {  	s30 =	simm.s32 $0xF  }
0x1f7: {  	p1 =	sne.s32 s12, $0x410;
	s12 =	sadd.s32 $0x50, s12;
	_ =	swait.ge [sflag:s30], $0x40  }
.Ltmp0:
0x1f8: {  	s13 =	sadd.s32 $0x280, s13;
	[sflag:s30] =	ssyncset.done $0x0;
	(pc) =	sbr.rel @p1 .LBB2_2-.Ltmp0, $4  }
0x1f9: {  	s8 =	simm.s32 $0x13B80;
	s21 =	simm.s32 $0x14480;
	[sflag:s30] =	ssyncadd.s32 $0xFFFFFFC0  }
0x1fa: {  	s22 =	simm.s32 $0x14380;
	s7 =	simm.s32 $0x14400;
	_ =	swait.ge [sflag:s30], $0x40  }
0x1fb: {  	s1 =	simm.s32 $0x13C00;
	s19 =	simm.s32 $0x13C80;
	[sflag:s30] =	ssyncset.done $0x0  }
0x1fc: {  	s28 =	simm.s32 $0x13D00;
	s29 =	simm.s32 $0x14500;
	[sflag:s30] =	ssyncadd.s32 $0xFFFFFFC0  }
0x1fd: {  	s0 =	simm.s32 $0x13A80  }
0x1fe: {  	s13 =	simm.s32 $0x1C880;
	s4 =	rddreg [dreg:$0x1];
	s23 =	simm.s32 $0x1  }
0x1ff: {  	[tilespmem:s13], [sflag:$0x5] =	stream.indirect.gather [hbm4b:s4+s15], $0x80, s0, s15, $0xb8;
	[tilespmem:$0x1F180] =	vst v63  }
0x200: {  	_ =	swait.ge [sflag:s23], $0x2000  }
0x201: {  	[sflag:s23] =	ssyncset.done $0x0  }
0x202: {  	s2 =	simm.s32 $0x14080;
	[sflag:s23] =	ssyncadd.s32 $0xFFFFE000  }
0x203: {  	s30 =	simm.s32 $0x14880;
	s26 =	simm.s32 $0x2;
	s0 =	rddreg [dreg:$0x3]  }
0x204: {  	[spmem:s0] =	stream.indirect.scatter.add.f32 [tilespmem:s30], [sflag:$0x6], $0x80, s2, s15, $0xb8;
	[tilespmem:$0x1F180] =	vst v63  }
0x205: {  	_ =	swait.ge [sflag:s26], $0x2000  }
0x206: {  	s16 =	simm.s32 $0x14100;
	[sflag:s26] =	ssyncset.done $0x0  }
0x207: {  	s17 =	simm.s32 $0x16880;
	s9 =	simm.s32 $0x3;
	[sflag:s26] =	ssyncadd.s32 $0xFFFFE000  }
0x208: {  	[spmem:s0] =	stream.indirect.scatter.add.f32 [tilespmem:s17], [sflag:$0x7], $0x80, s16, s15, $0xb8;
	[tilespmem:$0x1F180] =	vst v63  }
0x209: {  	_ =	swait.ge [sflag:s9], $0x2000  }
0x20a: {  	s18 =	simm.s32 $0x14180;
	[sflag:s9] =	ssyncset.done $0x0  }
0x20b: {  	s14 =	simm.s32 $0x18880;
	s10 =	simm.s32 $0x4;
	[sflag:s9] =	ssyncadd.s32 $0xFFFFE000  }
0x20c: {  	[spmem:s0] =	stream.indirect.scatter.add.f32 [tilespmem:s14], [sflag:$0x8], $0x80, s18, s15, $0xb8;
	[tilespmem:$0x1F180] =	vst v63  }
0x20d: {  	_ =	swait.ge [sflag:s10], $0x2000  }
0x20e: {  	s20 =	simm.s32 $0x14200;
	[sflag:s10] =	ssyncset.done $0x0  }
0x20f: {  	s11 =	simm.s32 $0x5;
	s16 =	simm.s32 $0x1A880;
	[sflag:s10] =	ssyncadd.s32 $0xFFFFE000  }
0x210: {  	[spmem:s0] =	stream.indirect.scatter.add.f32 [tilespmem:s16], [sflag:$0x9], $0x80, s20, s15, $0xb8;
	[tilespmem:$0x1F180] =	vst v63  }
0x211: {  	_ =	swait.ge [sflag:s11], $0x2000  }
0x212: {  	[sflag:s11] =	ssyncset.done $0x0  }
0x213: {  	s24 =	simm.s32 $0x14280;
	s3 =	simm.s32 $0x6;
	[sflag:s11] =	ssyncadd.s32 $0xFFFFE000  }
0x214: {  	[spmem:s0] =	stream.indirect.scatter.add.f32 [tilespmem:s13], [sflag:$0xA], $0x80, s24, s15, $0xb8;
	[tilespmem:$0x1F180] =	vst v63  }
0x215: {  	_ =	swait.ge [sflag:s3], $0x2000  }
0x216: {  	s12 =	sld [smem:$0x7F0]  }
0x217: {  	[sflag:s3] =	ssyncset.done $0x0  }
0x218: {  	s25 =	simm.s32 $0x13880;
	s2 =	sld [smem:$0x7F1];
	[sflag:s3] =	ssyncadd.s32 $0xFFFFE000  }
0x219: {  	[tilespmem:s25], [sflag:$0xB] =	stream.linear.gather [hbm4b:s12+s31], $0x40, $0x38;
	[tilespmem:$0x1F180] =	vst v63  }
0x21a: {  	s6 =	simm.s32 $0x14080  }
0x21b: {  	[tilespmem:s6], [sflag:$0xB] =	stream.linear.gather [hbm4b:s2+s31], $0x40, $0x38;
	[tilespmem:$0x1F180] =	vst v63  }
0x21c: {  	s2 =	simm.s32 $0x10  }
0x21d: {  	_ =	swait.ge [sflag:s2], $0x40  }
0x21e: {  	[sflag:s2] =	ssyncset.done $0x0  }
0x21f: {  	[sflag:s2] =	ssyncadd.s32 $0xFFFFFFC0  }
0x220: {  	_ =	swait.ge [sflag:s2], $0x40  }
0x221: {  	[sflag:s2] =	ssyncset.done $0x0  }
0x222: {  	s24 =	simm.s32 $0x13B00;
	s6 =	simm.s32 $0x7;
	[sflag:s2] =	ssyncadd.s32 $0xFFFFFFC0  }
0x223: {  	[tilespmem:s30], [sflag:$0x1] =	stream.indirect.gather [hbm4b:s4+s15], $0x80, s24, s15, $0xb8;
	[tilespmem:$0x1F180] =	vst v63  }
0x224: {  	_ =	swait.ge [sflag:s6], $0x2000  }
0x225: {  	s25 =	sld [smem:$0x7F2]  }
0x226: {  	[sflag:s6] =	ssyncset.done $0x0  }
0x227: {  	s24 =	simm.s32 $0x13900;
	[sflag:s6] =	ssyncadd.s32 $0xFFFFE000  }
0x228: {  	[tilespmem:s24], [sflag:$0xC] =	stream.linear.gather [hbm4b:s25+s31], $0x40, $0x38;
	[tilespmem:$0x1F180] =	vst v63  }
0x229: {  	s25 =	sld [smem:$0x7F3];
	_ =	sdelay $0x1  }
0x22a: {  	s5 =	simm.s32 $0x14100  }
0x22b: {  	[tilespmem:s5], [sflag:$0xC] =	stream.linear.gather [hbm4b:s25+s31], $0x40, $0x38;
	[tilespmem:$0x1F180] =	vst v63  }
0x22c: {  	s5 =	simm.s32 $0x11  }
0x22d: {  	_ =	swait.ge [sflag:s5], $0x40  }
0x22e: {  	[sflag:s5] =	ssyncset.done $0x0  }
0x22f: {  	[sflag:s5] =	ssyncadd.s32 $0xFFFFFFC0  }
0x230: {  	_ =	swait.ge [sflag:s5], $0x40  }
0x231: {  	[sflag:s5] =	ssyncset.done $0x0  }
0x232: {  	[sflag:s5] =	ssyncadd.s32 $0xFFFFFFC0;
	s5 =	simm.s32 $0x8  }
0x233: {  	[tilespmem:s17], [sflag:$0x2] =	stream.indirect.gather [hbm4b:s4+s15], $0x80, s8, s15, $0xb8;
	[tilespmem:$0x1F180] =	vst v63  }
0x234: {  	_ =	swait.ge [sflag:s5], $0x2000  }
0x235: {  	s24 =	sld [smem:$0x7F4]  }
0x236: {  	[sflag:s5] =	ssyncset.done $0x0  }
0x237: {  	s25 =	simm.s32 $0x13980;
	s8 =	sld [smem:$0x7F5];
	[sflag:s5] =	ssyncadd.s32 $0xFFFFE000  }
0x238: {  	[tilespmem:s25], [sflag:$0xD] =	stream.linear.gather [hbm4b:s24+s31], $0x40, $0x38;
	[tilespmem:$0x1F180] =	vst v63  }
0x239: {  	s18 =	simm.s32 $0x14180;
	s24 =	simm.s32 $0x12  }
0x23a: {  	[tilespmem:s18], [sflag:$0xD] =	stream.linear.gather [hbm4b:s8+s31], $0x40, $0x38;
	[tilespmem:$0x1F180] =	vst v63  }
0x23b: {  	_ =	swait.ge [sflag:s24], $0x40  }
0x23c: {  	[sflag:s24] =	ssyncset.done $0x0  }
0x23d: {  	[sflag:s24] =	ssyncadd.s32 $0xFFFFFFC0  }
0x23e: {  	_ =	swait.ge [sflag:s24], $0x40  }
0x23f: {  	[sflag:s24] =	ssyncset.done $0x0  }
0x240: {  	[sflag:s24] =	ssyncadd.s32 $0xFFFFFFC0;
	s24 =	simm.s32 $0x9  }
0x241: {  	[tilespmem:s14], [sflag:$0x3] =	stream.indirect.gather [hbm4b:s4+s15], $0x80, s1, s15, $0xb8;
	[tilespmem:$0x1F180] =	vst v63  }
0x242: {  	_ =	swait.ge [sflag:s24], $0x2000  }
0x243: {  	s1 =	sld [smem:$0x7F6]  }
0x244: {  	[sflag:s24] =	ssyncset.done $0x0  }
0x245: {  	s18 =	simm.s32 $0x13A00;
	s8 =	sld [smem:$0x7F7];
	[sflag:s24] =	ssyncadd.s32 $0xFFFFE000  }
0x246: {  	[tilespmem:s18], [sflag:$0xE] =	stream.linear.gather [hbm4b:s1+s31], $0x40, $0x38;
	[tilespmem:$0x1F180] =	vst v63  }
0x247: {  	s20 =	simm.s32 $0x14200;
	s12 =	simm.s32 $0x13  }
0x248: {  	[tilespmem:s20], [sflag:$0xE] =	stream.linear.gather [hbm4b:s8+s31], $0x40, $0x38;
	[tilespmem:$0x1F180] =	vst v63  }
0x249: {  	_ =	swait.ge [sflag:s12], $0x40  }
0x24a: {  	[sflag:s12] =	ssyncset.done $0x0  }
0x24b: {  	[sflag:s12] =	ssyncadd.s32 $0xFFFFFFC0  }
0x24c: {  	_ =	swait.ge [sflag:s12], $0x40  }
0x24d: {  	[sflag:s12] =	ssyncset.done $0x0  }
0x24e: {  	s8 =	simm.s32 $0xA;
	[sflag:s12] =	ssyncadd.s32 $0xFFFFFFC0  }
0x24f: {  	[tilespmem:s16], [sflag:$0x4] =	stream.indirect.gather [hbm4b:s4+s15], $0x80, s19, s15, $0xb8;
	[tilespmem:$0x1F180] =	vst v63  }
0x250: {  	_ =	swait.ge [sflag:s8], $0x2000  }
0x251: {  	s19 =	sld [smem:$0x7F8]  }
0x252: {  	[sflag:s8] =	ssyncset.done $0x0  }
0x253: {  	s20 =	simm.s32 $0x13A80;
	s1 =	sld [smem:$0x7F9];
	[sflag:s8] =	ssyncadd.s32 $0xFFFFE000  }
0x254: {  	[tilespmem:s20], [sflag:$0xF] =	stream.linear.gather [hbm4b:s19+s31], $0x40, $0x38;
	[tilespmem:$0x1F180] =	vst v63  }
0x255: {  	s19 =	simm.s32 $0x14280  }
0x256: {  	[tilespmem:s19], [sflag:$0xF] =	stream.linear.gather [hbm4b:s1+s31], $0x40, $0x38;
	[tilespmem:$0x1F180] =	vst v63  }
0x257: {  	s19 =	simm.s32 $0x14  }
0x258: {  	_ =	swait.ge [sflag:s19], $0x40  }
0x259: {  	[sflag:s19] =	ssyncset.done $0x0  }
0x25a: {  	[sflag:s19] =	ssyncadd.s32 $0xFFFFFFC0  }
0x25b: {  	_ =	swait.ge [sflag:s19], $0x40  }
0x25c: {  	[sflag:s19] =	ssyncset.done $0x0  }
0x25d: {  	[sflag:s19] =	ssyncadd.s32 $0xFFFFFFC0  }
0x25e: {  	[tilespmem:s13], [sflag:$0x5] =	stream.indirect.gather [hbm4b:s4+s15], $0x80, s28, s15, $0xb8;
	[tilespmem:$0x1F180] =	vst v63  }
0x25f: {  	_ =	swait.ge [sflag:s23], $0x2000  }
0x260: {  	[sflag:s23] =	ssyncset.done $0x0  }
0x261: {  	s19 =	simm.s32 $0x14300;
	[sflag:s23] =	ssyncadd.s32 $0xFFFFE000  }
0x262: {  	[spmem:s0] =	stream.indirect.scatter.add.f32 [tilespmem:s30], [sflag:$0x6], $0x80, s19, s15, $0xb8;
	[tilespmem:$0x1F180] =	vst v63  }
0x263: {  	_ =	swait.ge [sflag:s26], $0x2000  }
0x264: {  	[sflag:s26] =	ssyncset.done $0x0  }
0x265: {  	[sflag:s26] =	ssyncadd.s32 $0xFFFFE000  }
0x266: {  	[spmem:s0] =	stream.indirect.scatter.add.f32 [tilespmem:s17], [sflag:$0x7], $0x80, s22, s15, $0xb8;
	[tilespmem:$0x1F180] =	vst v63  }
0x267: {  	_ =	swait.ge [sflag:s9], $0x2000  }
0x268: {  	[sflag:s9] =	ssyncset.done $0x0  }
0x269: {  	[sflag:s9] =	ssyncadd.s32 $0xFFFFE000  }
0x26a: {  	[spmem:s0] =	stream.indirect.scatter.add.f32 [tilespmem:s14], [sflag:$0x8], $0x80, s7, s15, $0xb8;
	[tilespmem:$0x1F180] =	vst v63  }
0x26b: {  	_ =	swait.ge [sflag:s10], $0x2000  }
0x26c: {  	[sflag:s10] =	ssyncset.done $0x0  }
0x26d: {  	[sflag:s10] =	ssyncadd.s32 $0xFFFFE000  }
0x26e: {  	[spmem:s0] =	stream.indirect.scatter.add.f32 [tilespmem:s16], [sflag:$0x9], $0x80, s21, s15, $0xb8;
	[tilespmem:$0x1F180] =	vst v63  }
0x26f: {  	_ =	swait.ge [sflag:s11], $0x2000  }
0x270: {  	[sflag:s11] =	ssyncset.done $0x0  }
0x271: {  	[sflag:s11] =	ssyncadd.s32 $0xFFFFE000  }
0x272: {  	[spmem:s0] =	stream.indirect.scatter.add.f32 [tilespmem:s13], [sflag:$0xA], $0x80, s29, s15, $0xb8;
	[tilespmem:$0x1F180] =	vst v63  }
0x273: {  	_ =	swait.ge [sflag:s3], $0x2000  }
0x274: {  	s1 =	sld [smem:$0x7FA]  }
0x275: {  	[sflag:s3] =	ssyncset.done $0x0  }
0x276: {  	s7 =	simm.s32 $0x13B00;
	s21 =	sld [smem:$0x7FB];
	[sflag:s3] =	ssyncadd.s32 $0xFFFFE000  }
0x277: {  	[tilespmem:s7], [sflag:$0x10] =	stream.linear.gather [hbm4b:s1+s31], $0x40, $0x38;
	[tilespmem:$0x1F180] =	vst v63  }
0x278: {  	s22 =	simm.s32 $0xB  }
0x279: {  	[tilespmem:s19], [sflag:$0x10] =	stream.linear.gather [hbm4b:s21+s31], $0x40, $0x38;
	[tilespmem:$0x1F180] =	vst v63  }
0x27a: {  	_ =	swait.ge [sflag:s22], $0x40  }
0x27b: {  	[sflag:s22] =	ssyncset.done $0x0  }
0x27c: {  	[sflag:s22] =	ssyncadd.s32 $0xFFFFFFC0  }
0x27d: {  	_ =	swait.ge [sflag:s22], $0x40  }
0x27e: {  	[sflag:s22] =	ssyncset.done $0x0  }
0x27f: {  	s28 =	simm.s32 $0x13880;
	[sflag:s22] =	ssyncadd.s32 $0xFFFFFFC0  }
0x280: {  	[tilespmem:s30], [sflag:$0x1] =	stream.indirect.gather [hbm4b:s4+s15], $0x80, s28, s15, $0xb8;
	[tilespmem:$0x1F180] =	vst v63  }
0x281: {  	_ =	swait.ge [sflag:s6], $0x2000  }
0x282: {  	[sflag:s6] =	ssyncset.done $0x0  }
0x283: {  	s29 =	simm.s32 $0xC;
	[sflag:s6] =	ssyncadd.s32 $0xFFFFE000  }
0x284: {  	_ =	swait.ge [sflag:s29], $0x40  }
0x285: {  	[sflag:s29] =	ssyncset.done $0x0  }
0x286: {  	[sflag:s29] =	ssyncadd.s32 $0xFFFFFFC0  }
0x287: {  	_ =	swait.ge [sflag:s29], $0x40  }
0x288: {  	[sflag:s29] =	ssyncset.done $0x0  }
0x289: {  	s12 =	simm.s32 $0x13900;
	[sflag:s29] =	ssyncadd.s32 $0xFFFFFFC0  }
0x28a: {  	[tilespmem:s17], [sflag:$0x2] =	stream.indirect.gather [hbm4b:s4+s15], $0x80, s12, s15, $0xb8;
	[tilespmem:$0x1F180] =	vst v63  }
0x28b: {  	_ =	swait.ge [sflag:s5], $0x2000  }
0x28c: {  	[sflag:s5] =	ssyncset.done $0x0  }
0x28d: {  	s21 =	simm.s32 $0xD;
	[sflag:s5] =	ssyncadd.s32 $0xFFFFE000  }
0x28e: {  	_ =	swait.ge [sflag:s21], $0x40  }
0x28f: {  	[sflag:s21] =	ssyncset.done $0x0  }
0x290: {  	[sflag:s21] =	ssyncadd.s32 $0xFFFFFFC0  }
0x291: {  	_ =	swait.ge [sflag:s21], $0x40  }
0x292: {  	[sflag:s21] =	ssyncset.done $0x0  }
0x293: {  	[sflag:s21] =	ssyncadd.s32 $0xFFFFFFC0  }
0x294: {  	[tilespmem:s14], [sflag:$0x3] =	stream.indirect.gather [hbm4b:s4+s15], $0x80, s25, s15, $0xb8;
	[tilespmem:$0x1F180] =	vst v63  }
0x295: {  	_ =	swait.ge [sflag:s24], $0x2000  }
0x296: {  	[sflag:s24] =	ssyncset.done $0x0  }
0x297: {  	s22 =	simm.s32 $0xE;
	[sflag:s24] =	ssyncadd.s32 $0xFFFFE000  }
0x298: {  	_ =	swait.ge [sflag:s22], $0x40  }
0x299: {  	[sflag:s22] =	ssyncset.done $0x0  }
0x29a: {  	[sflag:s22] =	ssyncadd.s32 $0xFFFFFFC0  }
0x29b: {  	_ =	swait.ge [sflag:s22], $0x40  }
0x29c: {  	[sflag:s22] =	ssyncset.done $0x0  }
0x29d: {  	[sflag:s22] =	ssyncadd.s32 $0xFFFFFFC0  }
0x29e: {  	[tilespmem:s16], [sflag:$0x4] =	stream.indirect.gather [hbm4b:s4+s15], $0x80, s18, s15, $0xb8;
	[tilespmem:$0x1F180] =	vst v63  }
0x29f: {  	_ =	swait.ge [sflag:s8], $0x2000  }
0x2a0: {  	[sflag:s8] =	ssyncset.done $0x0  }
0x2a1: {  	s25 =	simm.s32 $0xF;
	[sflag:s8] =	ssyncadd.s32 $0xFFFFE000  }
0x2a2: {  	_ =	swait.ge [sflag:s25], $0x40  }
0x2a3: {  	[sflag:s25] =	ssyncset.done $0x0  }
0x2a4: {  	[sflag:s25] =	ssyncadd.s32 $0xFFFFFFC0  }
0x2a5: {  	_ =	swait.ge [sflag:s25], $0x40  }
0x2a6: {  	[sflag:s25] =	ssyncset.done $0x0  }
0x2a7: {  	s20 =	simm.s32 $0x13A80;
	[sflag:s25] =	ssyncadd.s32 $0xFFFFFFC0  }
0x2a8: {  	[tilespmem:s13], [sflag:$0x5] =	stream.indirect.gather [hbm4b:s4+s15], $0x80, s20, s15, $0xb8;
	[tilespmem:$0x1F180] =	vst v63  }
0x2a9: {  	_ =	swait.ge [sflag:s23], $0x2000  }
0x2aa: {  	[sflag:s23] =	ssyncset.done $0x0  }
0x2ab: {  	s28 =	simm.s32 $0x14080;
	[sflag:s23] =	ssyncadd.s32 $0xFFFFE000  }
0x2ac: {  	[spmem:s0] =	stream.indirect.scatter.add.f32 [tilespmem:s30], [sflag:$0x6], $0x80, s28, s15, $0xb8;
	[tilespmem:$0x1F180] =	vst v63  }
0x2ad: {  	_ =	swait.ge [sflag:s26], $0x2000  }
0x2ae: {  	[sflag:s26] =	ssyncset.done $0x0  }
0x2af: {  	s29 =	simm.s32 $0x14100;
	[sflag:s26] =	ssyncadd.s32 $0xFFFFE000  }
0x2b0: {  	[spmem:s0] =	stream.indirect.scatter.add.f32 [tilespmem:s17], [sflag:$0x7], $0x80, s29, s15, $0xb8;
	[tilespmem:$0x1F180] =	vst v63  }
0x2b1: {  	_ =	swait.ge [sflag:s9], $0x2000  }
0x2b2: {  	[sflag:s9] =	ssyncset.done $0x0  }
0x2b3: {  	s12 =	simm.s32 $0x14180;
	[sflag:s9] =	ssyncadd.s32 $0xFFFFE000  }
0x2b4: {  	[spmem:s0] =	stream.indirect.scatter.add.f32 [tilespmem:s14], [sflag:$0x8], $0x80, s12, s15, $0xb8;
	[tilespmem:$0x1F180] =	vst v63  }
0x2b5: {  	_ =	swait.ge [sflag:s10], $0x2000  }
0x2b6: {  	[sflag:s10] =	ssyncset.done $0x0  }
0x2b7: {  	s17 =	simm.s32 $0x14200;
	[sflag:s10] =	ssyncadd.s32 $0xFFFFE000  }
0x2b8: {  	[spmem:s0] =	stream.indirect.scatter.add.f32 [tilespmem:s16], [sflag:$0x9], $0x80, s17, s15, $0xb8;
	[tilespmem:$0x1F180] =	vst v63  }
0x2b9: {  	_ =	swait.ge [sflag:s11], $0x2000  }
0x2ba: {  	[sflag:s11] =	ssyncset.done $0x0  }
0x2bb: {  	s18 =	simm.s32 $0x14280;
	[sflag:s11] =	ssyncadd.s32 $0xFFFFE000  }
0x2bc: {  	[spmem:s0] =	stream.indirect.scatter.add.f32 [tilespmem:s13], [sflag:$0xA], $0x80, s18, s15, $0xb8;
	[tilespmem:$0x1F180] =	vst v63  }
0x2bd: {  	_ =	swait.ge [sflag:s3], $0x2000  }
0x2be: {  	[sflag:s3] =	ssyncset.done $0x0  }
0x2bf: {  	[sflag:s3] =	ssyncadd.s32 $0xFFFFE000  }
0x2c0: {  	_ =	swait.ge [sflag:s2], $0x40  }
0x2c1: {  	[sflag:s2] =	ssyncset.done $0x0  }
0x2c2: {  	[sflag:s2] =	ssyncadd.s32 $0xFFFFFFC0  }
0x2c3: {  	_ =	swait.ge [sflag:s2], $0x40  }
0x2c4: {  	[sflag:s2] =	ssyncset.done $0x0  }
0x2c5: {  	[sflag:s2] =	ssyncadd.s32 $0xFFFFFFC0  }
0x2c6: {  	[tilespmem:s30], [sflag:$0x1] =	stream.indirect.gather [hbm4b:s4+s15], $0x80, s7, s15, $0xb8;
	[tilespmem:$0x1F180] =	vst v63  }
0x2c7: {  	_ =	swait.ge [sflag:s6], $0x2000  }
0x2c8: {  	[sflag:s6] =	ssyncset.done $0x0  }
0x2c9: {  	[sflag:s6] =	ssyncadd.s32 $0xFFFFE000  }
0x2ca: {  	_ =	swait.ge [sflag:s5], $0x2000  }
0x2cb: {  	[sflag:s5] =	ssyncset.done $0x0  }
0x2cc: {  	[sflag:s5] =	ssyncadd.s32 $0xFFFFE000  }
0x2cd: {  	_ =	swait.ge [sflag:s24], $0x2000  }
0x2ce: {  	[sflag:s24] =	ssyncset.done $0x0  }
0x2cf: {  	[sflag:s24] =	ssyncadd.s32 $0xFFFFE000  }
0x2d0: {  	_ =	swait.ge [sflag:s8], $0x2000  }
0x2d1: {  	[sflag:s8] =	ssyncset.done $0x0  }
0x2d2: {  	[sflag:s8] =	ssyncadd.s32 $0xFFFFE000  }
0x2d3: {  	_ =	swait.ge [sflag:s23], $0x2000  }
0x2d4: {  	[sflag:s23] =	ssyncset.done $0x0  }
0x2d5: {  	[sflag:s23] =	ssyncadd.s32 $0xFFFFE000  }
0x2d6: {  	[spmem:s0] =	stream.indirect.scatter.add.f32 [tilespmem:s30], [sflag:$0x6], $0x80, s19, s15, $0xb8;
	[tilespmem:$0x1F180] =	vst v63  }
0x2d7: {  	_ =	swait.ge [sflag:s3], $0x2000  }
0x2d8: {  	s20 =	sld [smem:$0x7FC]  }
0x2d9: {  	[sflag:s3] =	ssyncset.done $0x0  }
0x2da: {  	s21 =	simm.s32 $0x1E880;
	s22 =	sld [smem:$0x7FD];
	[sflag:s3] =	ssyncadd.s32 $0xFFFFE000  }
0x2db: {  	[tilespmem:s21], [sflag:$0x15] =	stream.linear.gather [hbm4b:s20+s31], $0x10, $0x38;
	[tilespmem:$0x1F180] =	vst v63  }
0x2dc: {  	s24 =	simm.s32 $0x15;
	s23 =	simm.s32 $0x1E900  }
0x2dd: {  	[tilespmem:s23], [sflag:$0x15] =	stream.linear.gather [hbm4b:s22+s31], $0x10, $0x38;
	[tilespmem:$0x1F180] =	vst v63  }
0x2de: {  	_ =	swait.ge [sflag:s24], $0x10  }
0x2df: {  	[sflag:s24] =	ssyncset.done $0x0  }
0x2e0: {  	[sflag:s24] =	ssyncadd.s32 $0xFFFFFFF0  }
0x2e1: {  	_ =	swait.ge [sflag:s24], $0x10  }
0x2e2: {  	[sflag:s24] =	ssyncset.done $0x0  }
0x2e3: {  	s25 =	simm.s32 $0x1E980;
	s26 =	simm.s32 $0x16;
	[sflag:s24] =	ssyncadd.s32 $0xFFFFFFF0  }
0x2e4: {  	[tilespmem:s25], [sflag:$0x16] =	stream.indirect.gather [hbm4b:s4+s2], $0x80, s21, s2, $0xb8;
	[tilespmem:$0x1F180] =	vst v63  }
0x2e5: {  	_ =	swait.ge [sflag:s26], $0x800  }
0x2e6: {  	[sflag:s26] =	ssyncset.done $0x0  }
0x2e7: {  	s28 =	simm.s32 $0x17;
	[sflag:s26] =	ssyncadd.s32 $0xFFFFF800  }
0x2e8: {  	[spmem:s0] =	stream.indirect.scatter.add.f32 [tilespmem:s25], [sflag:$0x17], $0x80, s23, s2, $0xb8;
	[tilespmem:$0x1F180] =	vst v63  }
0x2e9: {  	_ =	swait.ge [sflag:s28], $0x800  }
0x2ea: {  	[sflag:s28] =	ssyncset.done $0x0  }
0x2eb: {  	[sflag:s28] =	ssyncadd.s32 $0xFFFFF800  }
0x2ec: {  	[bflag:$0x0] =	sbarrier.arrive $0xFFFF  }
0x2ed: {  	s0 =	sld [smem:$0x7DD];
	_ =	sdelay $0x1  }
0x2ee: {  	s13 =	sld [smem:$0x7E8]  }
0x2ef: {  	s12 =	sor.u32 @!p0 $0x1C19, s0;
	s0 =	sld [smem:$0x7DE];
	_ =	sdelay $0x2  }
0x2f0: {  	[hbm:s13], [sflag:s12] =	dma.local @!p0 [spmem:s0], $0x3E80  }
0x2f1: {  	s12 =	simm.s32 @!p0 $0x19  }
0x2f2: {  	_ =	swait.ge @!p0 [sflag:s12], $0x3E80  }
0x2f3: {  	s29 =	sld [smem:$0x7DC]  }
0x2f4: {  	s30 =	sld [smem:$0x7E9];
	_ =	sdelay $0x1  }
0x2f5: {  	s0 =	sadd.s32 $0x1, s29  }
0x2f6: {  	p1 =	sne.s32 s0, s30  }
.Ltmp1:
0x2f7: {  	_ = 	snop;
	(pc) =	sbr.rel @p1 .LBB2_1-.Ltmp1, $4  }
0x2f8: {  	_ = 	snop  }
0x2f9: {  	[sflag:s12] =	ssyncset.done @!p0 $0x0  }
0x2fa: {  	[sflag:s12] =	ssyncadd.s32 @!p0 $0xFFFFC180  }
0x2fb: {  	s5 =	rddreg [dreg:$0x0]  }
0x2fc: {  	_ =	sfence.sel $0x180000  }
0x2fd: {  	[bflag:$0x0] =	sbarrier.arrive $0xFFFF  }
0x2fe: {  	_ =	strace $0x90000047  }
0x2ff: {  	s0 =	stileid.u32;
	[bflag:$0x2] =	sbarrier.arrive $0xFFFF  }
0x300: {  	p0 =	sne.s32 s0, $0x0;
	s0 =	rddreg [dreg:$0x4]  }
0x301: {  	s0 =	sadd.s32 @!p0 $0x100000, s0  }
0x302: {  	[sflag:s0] =	ssyncadd.tile.s32 @!p0 $0x1;
	_ =	shalt  }
.Lfunc_end2:
_tile_overlayer_lowered:
.L_overlay_start_2:
0x303: {  	(tag) =	ssettag $0x2  }
0x304: {  	s0 =	rddreg [dreg:$0x0];
	s2 =	stileid.u32  }
0x305: {  	s1 =	rddreg [dreg:$0x1];
	p0 =	sne.s32 s2, $0x0  }
0x306: {  	s3 =	rddreg [dreg:$0x2];
	[bflag:$0x3] =	sbarrier.arrive $0xFFFF;
	s2 =	simm.s32 @!p0 $0x1C19  }
0x307: {  	[timem:s3], [sflag:s2] =	dma.local @!p0 [hbm:s0], s1  }
0x308: {  	s0 =	simm.s32 @!p0 $0x19  }
0x309: {  	_ =	swait.ge @!p0 [sflag:s0], s1  }
0x30a: {  	s1 =	ssub.s32 @!p0 $0x0, s1;
	[sflag:s0] =	ssyncset.done @!p0 $0x0  }
0x30b: {  	[sflag:s0] =	ssyncadd.s32 @!p0 s1  }
0x30c: {  	[bflag:$0x3] =	sbarrier.arrive $0xFFFF  }
0x30d: {  	_ =	shalt  }

</sc_bundles>
